<compile_context>
chip_gen: v7x
topology: tpu7x:2x2x1
jax: 0.10.2.dev20260603
libtpu: 0.0.44.dev20260713+nightly
codegen_flags: <defaults>
</compile_context>

<pallas_src>
import functools

import jax
import jax.numpy as jnp
from jax import lax
from jax.experimental import pallas as pl
from jax.experimental.pallas import tpu as pltpu
from jax.experimental.pallas import tpu_sc as plsc

VOCAB = 1000000
DIM = 64
N = 4096 * 200
NC, NS = 2, 16
NW = NC * NS
BPW = N // NW
C = 128
NCHUNK = BPW // C
NB = 4


def _make_merged_gather():
    mesh = plsc.VectorSubcoreMesh(core_axis_name="c", subcore_axis_name="s")

    @functools.partial(
        pl.kernel,
        out_type=jax.ShapeDtypeStruct((N // 2, 2 * DIM), jnp.float32),
        mesh=mesh,
        scratch_types=[
            pltpu.VMEM((BPW,), jnp.int32),
        ]
        + [pltpu.VMEM((C, 2 * DIM), jnp.float32)] * NB
        + [
            pltpu.VMEM((2, 16), jnp.float32),
        ]
        + [pltpu.SemaphoreType.DMA] * (2 * NB),
    )
    def merged_gather(idx_hbm, pair_hbm, coef_hbm, out_hbm, idx_v, *scratch):
        lrows = scratch[:NB]
        cvec = scratch[NB]
        gsem = scratch[NB + 1:NB + 1 + NB]
        osem = scratch[NB + 1 + NB:]
        wid = lax.axis_index("s") * NC + lax.axis_index("c")
        row0 = wid * BPW
        pltpu.sync_copy(coef_hbm, cvec)
        pltpu.sync_copy(idx_hbm.at[pl.ds(row0, BPW)], idx_v)
        c0 = cvec[0, :]
        c1 = cvec[1, :]

        def start_gather(g, b):
            idx_slice = idx_v.at[pl.ds(g * C, C)]
            pltpu.async_copy(pair_hbm.at[idx_slice], lrows[b], gsem[b])

        def wait_gather(g, b):
            idx_slice = idx_v.at[pl.ds(g * C, C)]
            pltpu.make_async_copy(pair_hbm.at[idx_slice], lrows[b], gsem[b]).wait()

        def out_slice(g):
            off = pl.multiple_of((row0 + g * C) // 2, C // 2)
            return out_hbm.at[pl.ds(off, C // 2)]

        for b in range(NB):
            start_gather(b, b)

        def outer(w, carry):
            for b in range(NB):
                g = w * NB + b
                wait_gather(g, b)

                def row_body(r, rc):
                    for j in range(DIM // 16):
                        s = pl.ds(j * 16, 16)
                        sm = pl.ds(DIM + j * 16, 16)
                        m0 = c0 * lrows[b][2 * r, s] + c1 * lrows[b][2 * r, sm]
                        m1 = c0 * lrows[b][2 * r + 1, s] + c1 * lrows[b][2 * r + 1, sm]
                        lrows[b][r, s] = m0
                        lrows[b][r, sm] = m1
                    return rc

                lax.fori_loop(0, C // 2, row_body, 0, unroll=4)

                merged = lrows[b].at[pl.ds(0, C // 2)]
                pltpu.async_copy(merged, out_slice(g), osem[b])

                @pl.when(g + NB < NCHUNK)
                def _():
                    pltpu.make_async_copy(merged, out_slice(g), osem[b]).wait()
                    start_gather(g + NB, b)
            return carry

        lax.fori_loop(0, NCHUNK // NB, outer, 0)

        for b in range(NB):
            g = NCHUNK - NB + b
            merged = lrows[b].at[pl.ds(0, C // 2)]
            pltpu.make_async_copy(merged, out_slice(g), osem[b]).wait()

    return merged_gather


_merged_gather = _make_merged_gather()


def kernel(input, base_weight, mod_weight_0, mod_weight_1, merging_coefficients):
    del mod_weight_1
    idx = input.reshape(-1).astype(jnp.int32)
    pair = jnp.concatenate([base_weight, mod_weight_0], axis=1)
    coefs = jnp.broadcast_to(
        merging_coefficients.astype(jnp.float32)[:, None], (2, 16)
    )
    out = _merged_gather(idx, pair, coefs)
    return out.reshape(input.shape + (DIM,))

# --- scband reference (transcript-rebuilt; emitter-appended) ---
"""Pipeline reference for scband-damembedding-layer-70231305225025 (READ-ONLY COPY).

The authoritative reference and input builder live on the scoring server;
editing this copy changes nothing except your own understanding.
"""

import jax, jax.numpy as jnp
import numpy as np

VOCAB = 1000000
DIM = 64
BATCH = 4096
HIST = 200


def setup_inputs(seed: int = 0) -> dict:
    key = jax.random.key(seed)
    k1, k2, k3, k4 = jax.random.split(key, 4)
    inp = {
        "input": jax.random.randint(k1, (BATCH, HIST), 0, VOCAB),
        "base_weight": jax.random.normal(k2, (VOCAB, DIM), dtype=jnp.float32) * 0.02,
        "mod_weight_0": jax.random.normal(k3, (VOCAB, DIM), dtype=jnp.float32) * 0.02,
        "mod_weight_1": jax.random.normal(k4, (VOCAB, DIM), dtype=jnp.float32) * 0.02,
        "merging_coefficients": jnp.array([0.5, 0.5], dtype=jnp.float32),
    }
    return inp


def reference(input, base_weight, mod_weight_0, mod_weight_1, merging_coefficients):
    # Faithful to DAMEmbeddingLayer.get_merged_weight():
    #   merged = coef[0] * base_weight
    #   for coef, module in zip(coefs[1:], embedding_modules): merged += coef * module.weight
    # NOTE: with len(coefs) == len(embedding_modules) == 2, zip(coefs[1:], modules)
    # pairs coef[1] with modules[0] only; modules[1] (mod_weight_1) is never merged.
    # This mirrors the original code exactly.
    merged = merging_coefficients[0] * base_weight
    merged = merged + merging_coefficients[1] * mod_weight_0
    # F.embedding with padding_idx=None, max_norm=None, sparse=False -> plain gather
    return jnp.take(merged, input, axis=0)

if __name__ == "__main__":
    import jax
    _d = setup_inputs()
    print(jax.jit(kernel)(*tuple(_d.values())))

</pallas_src>

<mosaic_0001>
#map = affine_map<(d0, d1) -> (0)>
#map1 = affine_map<(d0, d1) -> (0, 0)>
module attributes {stable_mosaic.version = 14 : i64} {
  func.func @merged_gather(%arg0: i32, %arg1: i32, %arg2: memref<819200xi32, #tpu.memory_space<hbm>>, %arg3: memref<1000000x128xf32, #tpu.memory_space<hbm>>, %arg4: memref<2x16xf32, #tpu.memory_space<hbm>>, %arg5: memref<409600x128xf32, #tpu.memory_space<hbm>>, %arg6: memref<25600xi32, #tpu.memory_space<vmem>>, %arg7: memref<128x128xf32, #tpu.memory_space<vmem>>, %arg8: memref<128x128xf32, #tpu.memory_space<vmem>>, %arg9: memref<128x128xf32, #tpu.memory_space<vmem>>, %arg10: memref<128x128xf32, #tpu.memory_space<vmem>>, %arg11: memref<2x16xf32, #tpu.memory_space<vmem>>, %arg12: memref<!tpu.dma_semaphore, #tpu.memory_space<semaphore_mem>>, %arg13: memref<!tpu.dma_semaphore, #tpu.memory_space<semaphore_mem>>, %arg14: memref<!tpu.dma_semaphore, #tpu.memory_space<semaphore_mem>>, %arg15: memref<!tpu.dma_semaphore, #tpu.memory_space<semaphore_mem>>, %arg16: memref<!tpu.dma_semaphore, #tpu.memory_space<semaphore_mem>>, %arg17: memref<!tpu.dma_semaphore, #tpu.memory_space<semaphore_mem>>, %arg18: memref<!tpu.dma_semaphore, #tpu.memory_space<semaphore_mem>>, %arg19: memref<!tpu.dma_semaphore, #tpu.memory_space<semaphore_mem>>) attributes {dimension_semantics = [#tpu.dimension_semantics<core_parallel>, #tpu.dimension_semantics<subcore_parallel>], iteration_bounds = array<i64: 2, 16>, scalar_prefetch = 0 : i64, scratch_operands = 14 : i64, tpu.core_type = #tpu.core_type<sc_vector_subcore>, window_params = [{transform_indices = #map}, {transform_indices = #map1}, {transform_indices = #map1}, {transform_indices = #map1}]} {
    %mul3A = arith.constant 2 : i32
    %mul3A_0 = arith.muli %arg1, %mul3A : i32
    %add3A = arith.addi %mul3A_0, %arg0 : i32
    %mul3A_1 = arith.constant 25600 : i32
    %mul3A_2 = arith.muli %add3A, %mul3A_1 : i32
    "tpu.region"() ({
      %run_scoped3A = tpu.sem_alloc : memref<!tpu.dma_semaphore, #tpu.memory_space<semaphore_mem>>
      tpu.enqueue_dma source(%arg4 : memref<2x16xf32, #tpu.memory_space<hbm>>) target(%arg11 : memref<2x16xf32, #tpu.memory_space<vmem>>) target_semaphore(%run_scoped3A : memref<!tpu.dma_semaphore, #tpu.memory_space<semaphore_mem>>)
      tpu.wait_dma2 semaphore(%run_scoped3A : memref<!tpu.dma_semaphore, #tpu.memory_space<semaphore_mem>>) src(%arg4 : memref<2x16xf32, #tpu.memory_space<hbm>>) dst(%arg11 : memref<2x16xf32, #tpu.memory_space<vmem>>)
      tpu.yield
    }) : () -> ()
    "tpu.region"() ({
      %run_scoped3A = tpu.sem_alloc : memref<!tpu.dma_semaphore, #tpu.memory_space<semaphore_mem>>
      %dma_start3A_174 = tpu.memref_slice %arg2[%mul3A_2] : memref<819200xi32, #tpu.memory_space<hbm>> -> memref<25600xi32, #tpu.memory_space<hbm>>
      %dma_start3A_175 = tpu.memref_slice %arg2[%mul3A_2] : memref<819200xi32, #tpu.memory_space<hbm>> -> memref<25600xi32, #tpu.memory_space<hbm>>
      tpu.enqueue_dma source(%dma_start3A_175 : memref<25600xi32, #tpu.memory_space<hbm>>) target(%arg6 : memref<25600xi32, #tpu.memory_space<vmem>>) target_semaphore(%run_scoped3A : memref<!tpu.dma_semaphore, #tpu.memory_space<semaphore_mem>>)
      %dma_wait3A_176 = tpu.memref_slice %arg2[%mul3A_2] : memref<819200xi32, #tpu.memory_space<hbm>> -> memref<25600xi32, #tpu.memory_space<hbm>>
      %dma_wait3A_177 = tpu.memref_slice %arg2[%mul3A_2] : memref<819200xi32, #tpu.memory_space<hbm>> -> memref<25600xi32, #tpu.memory_space<hbm>>
      tpu.wait_dma2 semaphore(%run_scoped3A : memref<!tpu.dma_semaphore, #tpu.memory_space<semaphore_mem>>) src(%dma_wait3A_177 : memref<25600xi32, #tpu.memory_space<hbm>>) dst(%arg6 : memref<25600xi32, #tpu.memory_space<vmem>>)
      tpu.yield
    }) : () -> ()
    %get3A = arith.constant 0 : i32
    %get3A_3 = arith.index_cast %get3A : i32 to index
    %get3A_4 = arith.constant 0 : index
    %get3A_5 = tpu.vector_load %arg11[%get3A_3, %get3A_4] {strides = array<i32>} : memref<2x16xf32, #tpu.memory_space<vmem>>, vector<1x16xf32>,
    %get3A_6 = vector.shape_cast %get3A_5 : vector<1x16xf32> to vector<16xf32>
    %get3A_7 = arith.constant 1 : i32
    %get3A_8 = arith.index_cast %get3A_7 : i32 to index
    %get3A_9 = arith.constant 0 : index
    %get3A_10 = tpu.vector_load %arg11[%get3A_8, %get3A_9] {strides = array<i32>} : memref<2x16xf32, #tpu.memory_space<vmem>>, vector<1x16xf32>,
    %get3A_11 = vector.shape_cast %get3A_10 : vector<1x16xf32> to vector<16xf32>
    %dma_start3A = arith.constant 0 : i32
    %dma_start3A_12 = tpu.memref_slice %arg6[%dma_start3A] : memref<25600xi32, #tpu.memory_space<vmem>> -> memref<128xi32, #tpu.memory_space<vmem>>
    %dma_start3A_13 = arith.constant 0 : i32
    %dma_start3A_14 = arith.constant 0 : i32
    %dma_start3A_15 = tpu.memref_slice %arg3[%dma_start3A_13, %dma_start3A_14] : memref<1000000x128xf32, #tpu.memory_space<hbm>> -> memref<1000000x128xf32, #tpu.memory_space<hbm>>
    tpu.enqueue_indirect_dma source(%dma_start3A_15 : memref<1000000x128xf32, #tpu.memory_space<hbm>>) target(%arg7 : memref<128x128xf32, #tpu.memory_space<vmem>>) offsets(%dma_start3A_12 : memref<128xi32, #tpu.memory_space<vmem>>) semaphore(%arg12 : memref<!tpu.dma_semaphore, #tpu.memory_space<semaphore_mem>>)
    %dma_start3A_16 = arith.constant 128 : i32
    %dma_start3A_17 = tpu.memref_slice %arg6[%dma_start3A_16] : memref<25600xi32, #tpu.memory_space<vmem>> -> memref<128xi32, #tpu.memory_space<vmem>>
    %dma_start3A_18 = arith.constant 0 : i32
    %dma_start3A_19 = arith.constant 0 : i32
    %dma_start3A_20 = tpu.memref_slice %arg3[%dma_start3A_18, %dma_start3A_19] : memref<1000000x128xf32, #tpu.memory_space<hbm>> -> memref<1000000x128xf32, #tpu.memory_space<hbm>>
    tpu.enqueue_indirect_dma source(%dma_start3A_20 : memref<1000000x128xf32, #tpu.memory_space<hbm>>) target(%arg8 : memref<128x128xf32, #tpu.memory_space<vmem>>) offsets(%dma_start3A_17 : memref<128xi32, #tpu.memory_space<vmem>>) semaphore(%arg13 : memref<!tpu.dma_semaphore, #tpu.memory_space<semaphore_mem>>)
    %dma_start3A_21 = arith.constant 256 : i32
    %dma_start3A_22 = tpu.memref_slice %arg6[%dma_start3A_21] : memref<25600xi32, #tpu.memory_space<vmem>> -> memref<128xi32, #tpu.memory_space<vmem>>
    %dma_start3A_23 = arith.constant 0 : i32
    %dma_start3A_24 = arith.constant 0 : i32
    %dma_start3A_25 = tpu.memref_slice %arg3[%dma_start3A_23, %dma_start3A_24] : memref<1000000x128xf32, #tpu.memory_space<hbm>> -> memref<1000000x128xf32, #tpu.memory_space<hbm>>
    tpu.enqueue_indirect_dma source(%dma_start3A_25 : memref<1000000x128xf32, #tpu.memory_space<hbm>>) target(%arg9 : memref<128x128xf32, #tpu.memory_space<vmem>>) offsets(%dma_start3A_22 : memref<128xi32, #tpu.memory_space<vmem>>) semaphore(%arg14 : memref<!tpu.dma_semaphore, #tpu.memory_space<semaphore_mem>>)
    %dma_start3A_26 = arith.constant 384 : i32
    %dma_start3A_27 = tpu.memref_slice %arg6[%dma_start3A_26] : memref<25600xi32, #tpu.memory_space<vmem>> -> memref<128xi32, #tpu.memory_space<vmem>>
    %dma_start3A_28 = arith.constant 0 : i32
    %dma_start3A_29 = arith.constant 0 : i32
    %dma_start3A_30 = tpu.memref_slice %arg3[%dma_start3A_28, %dma_start3A_29] : memref<1000000x128xf32, #tpu.memory_space<hbm>> -> memref<1000000x128xf32, #tpu.memory_space<hbm>>
    tpu.enqueue_indirect_dma source(%dma_start3A_30 : memref<1000000x128xf32, #tpu.memory_space<hbm>>) target(%arg10 : memref<128x128xf32, #tpu.memory_space<vmem>>) offsets(%dma_start3A_27 : memref<128xi32, #tpu.memory_space<vmem>>) semaphore(%arg15 : memref<!tpu.dma_semaphore, #tpu.memory_space<semaphore_mem>>)
    %scan3A = arith.constant 0 : i32
    %scan3A_31 = arith.constant 0 : i32
    %scan3A_32 = arith.constant 50 : i32
    %scan3A_33 = arith.addi %scan3A_31, %scan3A_32 : i32
    %scan3A_34 = arith.constant 1 : i32
    scf.for %scan3A_174 = %scan3A_31 to %scan3A_33 step %scan3A_34  : i32 {
      %mul3A_175 = arith.constant 4 : i32
      %mul3A_176 = arith.muli %scan3A_174, %mul3A_175 : i32
      %add3A_177 = arith.constant 0 : i32
      %add3A_178 = arith.addi %mul3A_176, %add3A_177 : i32
      %mul3A_179 = arith.constant 128 : i32
      %mul3A_180 = arith.muli %add3A_178, %mul3A_179 : i32
      %dma_wait3A_181 = tpu.memref_slice %arg6[%mul3A_180] : memref<25600xi32, #tpu.memory_space<vmem>> -> memref<128xi32, #tpu.memory_space<vmem>>
      %dma_wait3A_182 = arith.constant 0 : i32
      %dma_wait3A_183 = arith.constant 0 : i32
      %dma_wait3A_184 = tpu.memref_slice %arg3[%dma_wait3A_182, %dma_wait3A_183] : memref<1000000x128xf32, #tpu.memory_space<hbm>> -> memref<1000000x128xf32, #tpu.memory_space<hbm>>
      tpu.wait_indirect_dma semaphore(%arg12 : memref<!tpu.dma_semaphore, #tpu.memory_space<semaphore_mem>>) src(%dma_wait3A_184 : memref<1000000x128xf32, #tpu.memory_space<hbm>>) dst(%arg7 : memref<128x128xf32, #tpu.memory_space<vmem>>)
      %scan3A_185 = arith.constant 0 : i32
      %scan3A_186 = arith.constant 0 : i32
      %scan3A_187 = arith.constant 64 : i32
      %scan3A_188 = arith.addi %scan3A_186, %scan3A_187 : i32
      %scan3A_189 = arith.constant 4 : i32
      scf.for %scan3A_416 = %scan3A_186 to %scan3A_188 step %scan3A_189  : i32 {
        %mul3A_417 = arith.constant 2 : i32
        %mul3A_418 = arith.muli %mul3A_417, %scan3A_416 : i32
        %get3A_419 = arith.index_cast %mul3A_418 : i32 to index
        %get3A_420 = arith.constant 0 : index
        %get3A_421 = tpu.vector_load %arg7[%get3A_419, %get3A_420] {strides = array<i32>} : memref<128x128xf32, #tpu.memory_space<vmem>>, vector<1x16xf32>,
        %get3A_422 = vector.shape_cast %get3A_421 : vector<1x16xf32> to vector<16xf32>
        %mul3A_423 = arith.mulf %get3A_6, %get3A_422 : vector<16xf32>
        %mul3A_424 = arith.constant 2 : i32
        %mul3A_425 = arith.muli %mul3A_424, %scan3A_416 : i32
        %get3A_426 = arith.index_cast %mul3A_425 : i32 to index
        %get3A_427 = arith.constant 64 : index
        %get3A_428 = tpu.vector_load %arg7[%get3A_426, %get3A_427] {strides = array<i32>} : memref<128x128xf32, #tpu.memory_space<vmem>>, vector<1x16xf32>,
        %get3A_429 = vector.shape_cast %get3A_428 : vector<1x16xf32> to vector<16xf32>
        %mul3A_430 = arith.mulf %get3A_11, %get3A_429 : vector<16xf32>
        %add3A_431 = arith.addf %mul3A_423, %mul3A_430 : vector<16xf32>
        %mul3A_432 = arith.constant 2 : i32
        %mul3A_433 = arith.muli %mul3A_432, %scan3A_416 : i32
        %add3A_434 = arith.constant 1 : i32
        %add3A_435 = arith.addi %mul3A_433, %add3A_434 : i32
        %get3A_436 = arith.index_cast %add3A_435 : i32 to index
        %get3A_437 = arith.constant 0 : index
        %get3A_438 = tpu.vector_load %arg7[%get3A_436, %get3A_437] {strides = array<i32>} : memref<128x128xf32, #tpu.memory_space<vmem>>, vector<1x16xf32>,
        %get3A_439 = vector.shape_cast %get3A_438 : vector<1x16xf32> to vector<16xf32>
        %mul3A_440 = arith.mulf %get3A_6, %get3A_439 : vector<16xf32>
        %mul3A_441 = arith.constant 2 : i32
        %mul3A_442 = arith.muli %mul3A_441, %scan3A_416 : i32
        %add3A_443 = arith.constant 1 : i32
        %add3A_444 = arith.addi %mul3A_442, %add3A_443 : i32
        %get3A_445 = arith.index_cast %add3A_444 : i32 to index
        %get3A_446 = arith.constant 64 : index
        %get3A_447 = tpu.vector_load %arg7[%get3A_445, %get3A_446] {strides = array<i32>} : memref<128x128xf32, #tpu.memory_space<vmem>>, vector<1x16xf32>,
        %get3A_448 = vector.shape_cast %get3A_447 : vector<1x16xf32> to vector<16xf32>
        %mul3A_449 = arith.mulf %get3A_11, %get3A_448 : vector<16xf32>
        %add3A_450 = arith.addf %mul3A_440, %mul3A_449 : vector<16xf32>
        %swap3A = arith.index_cast %scan3A_416 : i32 to index
        %swap3A_451 = arith.constant 0 : index
        %swap3A_452 = tpu.vector_load %arg7[%swap3A, %swap3A_451] {strides = array<i32>} : memref<128x128xf32, #tpu.memory_space<vmem>>, vector<1x16xf32>,
        %swap3A_453 = vector.shape_cast %swap3A_452 : vector<1x16xf32> to vector<16xf32>
        %swap3A_454 = vector.shape_cast %add3A_431 : vector<16xf32> to vector<1x16xf32>
        tpu.vector_store %arg7[%swap3A, %swap3A_451], %swap3A_454 {strides = array<i32>} : memref<128x128xf32, #tpu.memory_space<vmem>>, vector<1x16xf32>,
        %swap3A_455 = arith.index_cast %scan3A_416 : i32 to index
        %swap3A_456 = arith.constant 64 : index
        %swap3A_457 = tpu.vector_load %arg7[%swap3A_455, %swap3A_456] {strides = array<i32>} : memref<128x128xf32, #tpu.memory_space<vmem>>, vector<1x16xf32>,
        %swap3A_458 = vector.shape_cast %swap3A_457 : vector<1x16xf32> to vector<16xf32>
        %swap3A_459 = vector.shape_cast %add3A_450 : vector<16xf32> to vector<1x16xf32>
        tpu.vector_store %arg7[%swap3A_455, %swap3A_456], %swap3A_459 {strides = array<i32>} : memref<128x128xf32, #tpu.memory_space<vmem>>, vector<1x16xf32>,
        %mul3A_460 = arith.constant 2 : i32
        %mul3A_461 = arith.muli %mul3A_460, %scan3A_416 : i32
        %get3A_462 = arith.index_cast %mul3A_461 : i32 to index
        %get3A_463 = arith.constant 16 : index
        %get3A_464 = tpu.vector_load %arg7[%get3A_462, %get3A_463] {strides = array<i32>} : memref<128x128xf32, #tpu.memory_space<vmem>>, vector<1x16xf32>,
        %get3A_465 = vector.shape_cast %get3A_464 : vector<1x16xf32> to vector<16xf32>
        %mul3A_466 = arith.mulf %get3A_6, %get3A_465 : vector<16xf32>
        %mul3A_467 = arith.constant 2 : i32
        %mul3A_468 = arith.muli %mul3A_467, %scan3A_416 : i32
        %get3A_469 = arith.index_cast %mul3A_468 : i32 to index
        %get3A_470 = arith.constant 80 : index
        %get3A_471 = tpu.vector_load %arg7[%get3A_469, %get3A_470] {strides = array<i32>} : memref<128x128xf32, #tpu.memory_space<vmem>>, vector<1x16xf32>,
        %get3A_472 = vector.shape_cast %get3A_471 : vector<1x16xf32> to vector<16xf32>
        %mul3A_473 = arith.mulf %get3A_11, %get3A_472 : vector<16xf32>
        %add3A_474 = arith.addf %mul3A_466, %mul3A_473 : vector<16xf32>
        %mul3A_475 = arith.constant 2 : i32
        %mul3A_476 = arith.muli %mul3A_475, %scan3A_416 : i32
        %add3A_477 = arith.constant 1 : i32
        %add3A_478 = arith.addi %mul3A_476, %add3A_477 : i32
        %get3A_479 = arith.index_cast %add3A_478 : i32 to index
        %get3A_480 = arith.constant 16 : index
        %get3A_481 = tpu.vector_load %arg7[%get3A_479, %get3A_480] {strides = array<i32>} : memref<128x128xf32, #tpu.memory_space<vmem>>, vector<1x16xf32>,
        %get3A_482 = vector.shape_cast %get3A_481 : vector<1x16xf32> to vector<16xf32>
        %mul3A_483 = arith.mulf %get3A_6, %get3A_482 : vector<16xf32>
        %mul3A_484 = arith.constant 2 : i32
        %mul3A_485 = arith.muli %mul3A_484, %scan3A_416 : i32
        %add3A_486 = arith.constant 1 : i32
        %add3A_487 = arith.addi %mul3A_485, %add3A_486 : i32
        %get3A_488 = arith.index_cast %add3A_487 : i32 to index
        %get3A_489 = arith.constant 80 : index
        %get3A_490 = tpu.vector_load %arg7[%get3A_488, %get3A_489] {strides = array<i32>} : memref<128x128xf32, #tpu.memory_space<vmem>>, vector<1x16xf32>,
        %get3A_491 = vector.shape_cast %get3A_490 : vector<1x16xf32> to vector<16xf32>
        %mul3A_492 = arith.mulf %get3A_11, %get3A_491 : vector<16xf32>
        %add3A_493 = arith.addf %mul3A_483, %mul3A_492 : vector<16xf32>
        %swap3A_494 = arith.index_cast %scan3A_416 : i32 to index
        %swap3A_495 = arith.constant 16 : index
        %swap3A_496 = tpu.vector_load %arg7[%swap3A_494, %swap3A_495] {strides = array<i32>} : memref<128x128xf32, #tpu.memory_space<vmem>>, vector<1x16xf32>,
        %swap3A_497 = vector.shape_cast %swap3A_496 : vector<1x16xf32> to vector<16xf32>
        %swap3A_498 = vector.shape_cast %add3A_474 : vector<16xf32> to vector<1x16xf32>
        tpu.vector_store %arg7[%swap3A_494, %swap3A_495], %swap3A_498 {strides = array<i32>} : memref<128x128xf32, #tpu.memory_space<vmem>>, vector<1x16xf32>,
        %swap3A_499 = arith.index_cast %scan3A_416 : i32 to index
        %swap3A_500 = arith.constant 80 : index
        %swap3A_501 = tpu.vector_load %arg7[%swap3A_499, %swap3A_500] {strides = array<i32>} : memref<128x128xf32, #tpu.memory_space<vmem>>, vector<1x16xf32>,
        %swap3A_502 = vector.shape_cast %swap3A_501 : vector<1x16xf32> to vector<16xf32>
        %swap3A_503 = vector.shape_cast %add3A_493 : vector<16xf32> to vector<1x16xf32>
        tpu.vector_store %arg7[%swap3A_499, %swap3A_500], %swap3A_503 {strides = array<i32>} : memref<128x128xf32, #tpu.memory_space<vmem>>, vector<1x16xf32>,
        %mul3A_504 = arith.constant 2 : i32
        %mul3A_505 = arith.muli %mul3A_504, %scan3A_416 : i32
        %get3A_506 = arith.index_cast %mul3A_505 : i32 to index
        %get3A_507 = arith.constant 32 : index
        %get3A_508 = tpu.vector_load %arg7[%get3A_506, %get3A_507] {strides = array<i32>} : memref<128x128xf32, #tpu.memory_space<vmem>>, vector<1x16xf32>,
        %get3A_509 = vector.shape_cast %get3A_508 : vector<1x16xf32> to vector<16xf32>
        %mul3A_510 = arith.mulf %get3A_6, %get3A_509 : vector<16xf32>
        %mul3A_511 = arith.constant 2 : i32
        %mul3A_512 = arith.muli %mul3A_511, %scan3A_416 : i32
        %get3A_513 = arith.index_cast %mul3A_512 : i32 to index
        %get3A_514 = arith.constant 96 : index
        %get3A_515 = tpu.vector_load %arg7[%get3A_513, %get3A_514] {strides = array<i32>} : memref<128x128xf32, #tpu.memory_space<vmem>>, vector<1x16xf32>,
        %get3A_516 = vector.shape_cast %get3A_515 : vector<1x16xf32> to vector<16xf32>
        %mul3A_517 = arith.mulf %get3A_11, %get3A_516 : vector<16xf32>
        %add3A_518 = arith.addf %mul3A_510, %mul3A_517 : vector<16xf32>
        %mul3A_519 = arith.constant 2 : i32
        %mul3A_520 = arith.muli %mul3A_519, %scan3A_416 : i32
        %add3A_521 = arith.constant 1 : i32
        %add3A_522 = arith.addi %mul3A_520, %add3A_521 : i32
        %get3A_523 = arith.index_cast %add3A_522 : i32 to index
        %get3A_524 = arith.constant 32 : index
        %get3A_525 = tpu.vector_load %arg7[%get3A_523, %get3A_524] {strides = array<i32>} : memref<128x128xf32, #tpu.memory_space<vmem>>, vector<1x16xf32>,
        %get3A_526 = vector.shape_cast %get3A_525 : vector<1x16xf32> to vector<16xf32>
        %mul3A_527 = arith.mulf %get3A_6, %get3A_526 : vector<16xf32>
        %mul3A_528 = arith.constant 2 : i32
        %mul3A_529 = arith.muli %mul3A_528, %scan3A_416 : i32
        %add3A_530 = arith.constant 1 : i32
        %add3A_531 = arith.addi %mul3A_529, %add3A_530 : i32
        %get3A_532 = arith.index_cast %add3A_531 : i32 to index
        %get3A_533 = arith.constant 96 : index
        %get3A_534 = tpu.vector_load %arg7[%get3A_532, %get3A_533] {strides = array<i32>} : memref<128x128xf32, #tpu.memory_space<vmem>>, vector<1x16xf32>,
        %get3A_535 = vector.shape_cast %get3A_534 : vector<1x16xf32> to vector<16xf32>
        %mul3A_536 = arith.mulf %get3A_11, %get3A_535 : vector<16xf32>
        %add3A_537 = arith.addf %mul3A_527, %mul3A_536 : vector<16xf32>
        %swap3A_538 = arith.index_cast %scan3A_416 : i32 to index
        %swap3A_539 = arith.constant 32 : index
        %swap3A_540 = tpu.vector_load %arg7[%swap3A_538, %swap3A_539] {strides = array<i32>} : memref<128x128xf32, #tpu.memory_space<vmem>>, vector<1x16xf32>,
        %swap3A_541 = vector.shape_cast %swap3A_540 : vector<1x16xf32> to vector<16xf32>
        %swap3A_542 = vector.shape_cast %add3A_518 : vector<16xf32> to vector<1x16xf32>
        tpu.vector_store %arg7[%swap3A_538, %swap3A_539], %swap3A_542 {strides = array<i32>} : memref<128x128xf32, #tpu.memory_space<vmem>>, vector<1x16xf32>,
        %swap3A_543 = arith.index_cast %scan3A_416 : i32 to index
        %swap3A_544 = arith.constant 96 : index
        %swap3A_545 = tpu.vector_load %arg7[%swap3A_543, %swap3A_544] {strides = array<i32>} : memref<128x128xf32, #tpu.memory_space<vmem>>, vector<1x16xf32>,
        %swap3A_546 = vector.shape_cast %swap3A_545 : vector<1x16xf32> to vector<16xf32>
        %swap3A_547 = vector.shape_cast %add3A_537 : vector<16xf32> to vector<1x16xf32>
        tpu.vector_store %arg7[%swap3A_543, %swap3A_544], %swap3A_547 {strides = array<i32>} : memref<128x128xf32, #tpu.memory_space<vmem>>, vector<1x16xf32>,
        %mul3A_548 = arith.constant 2 : i32
        %mul3A_549 = arith.muli %mul3A_548, %scan3A_416 : i32
        %get3A_550 = arith.index_cast %mul3A_549 : i32 to index
        %get3A_551 = arith.constant 48 : index
        %get3A_552 = tpu.vector_load %arg7[%get3A_550, %get3A_551] {strides = array<i32>} : memref<128x128xf32, #tpu.memory_space<vmem>>, vector<1x16xf32>,
        %get3A_553 = vector.shape_cast %get3A_552 : vector<1x16xf32> to vector<16xf32>
        %mul3A_554 = arith.mulf %get3A_6, %get3A_553 : vector<16xf32>
        %mul3A_555 = arith.constant 2 : i32
        %mul3A_556 = arith.muli %mul3A_555, %scan3A_416 : i32
        %get3A_557 = arith.index_cast %mul3A_556 : i32 to index
        %get3A_558 = arith.constant 112 : index
        %get3A_559 = tpu.vector_load %arg7[%get3A_557, %get3A_558] {strides = array<i32>} : memref<128x128xf32, #tpu.memory_space<vmem>>, vector<1x16xf32>,
        %get3A_560 = vector.shape_cast %get3A_559 : vector<1x16xf32> to vector<16xf32>
        %mul3A_561 = arith.mulf %get3A_11, %get3A_560 : vector<16xf32>
        %add3A_562 = arith.addf %mul3A_554, %mul3A_561 : vector<16xf32>
        %mul3A_563 = arith.constant 2 : i32
        %mul3A_564 = arith.muli %mul3A_563, %scan3A_416 : i32
        %add3A_565 = arith.constant 1 : i32
        %add3A_566 = arith.addi %mul3A_564, %add3A_565 : i32
        %get3A_567 = arith.index_cast %add3A_566 : i32 to index
        %get3A_568 = arith.constant 48 : index
        %get3A_569 = tpu.vector_load %arg7[%get3A_567, %get3A_568] {strides = array<i32>} : memref<128x128xf32, #tpu.memory_space<vmem>>, vector<1x16xf32>,
        %get3A_570 = vector.shape_cast %get3A_569 : vector<1x16xf32> to vector<16xf32>
        %mul3A_571 = arith.mulf %get3A_6, %get3A_570 : vector<16xf32>
        %mul3A_572 = arith.constant 2 : i32
        %mul3A_573 = arith.muli %mul3A_572, %scan3A_416 : i32
        %add3A_574 = arith.constant 1 : i32
        %add3A_575 = arith.addi %mul3A_573, %add3A_574 : i32
        %get3A_576 = arith.index_cast %add3A_575 : i32 to index
        %get3A_577 = arith.constant 112 : index
        %get3A_578 = tpu.vector_load %arg7[%get3A_576, %get3A_577] {strides = array<i32>} : memref<128x128xf32, #tpu.memory_space<vmem>>, vector<1x16xf32>,
        %get3A_579 = vector.shape_cast %get3A_578 : vector<1x16xf32> to vector<16xf32>
        %mul3A_580 = arith.mulf %get3A_11, %get3A_579 : vector<16xf32>
        %add3A_581 = arith.addf %mul3A_571, %mul3A_580 : vector<16xf32>
        %swap3A_582 = arith.index_cast %scan3A_416 : i32 to index
        %swap3A_583 = arith.constant 48 : index
        %swap3A_584 = tpu.vector_load %arg7[%swap3A_582, %swap3A_583] {strides = array<i32>} : memref<128x128xf32, #tpu.memory_space<vmem>>, vector<1x16xf32>,
        %swap3A_585 = vector.shape_cast %swap3A_584 : vector<1x16xf32> to vector<16xf32>
        %swap3A_586 = vector.shape_cast %add3A_562 : vector<16xf32> to vector<1x16xf32>
        tpu.vector_store %arg7[%swap3A_582, %swap3A_583], %swap3A_586 {strides = array<i32>} : memref<128x128xf32, #tpu.memory_space<vmem>>, vector<1x16xf32>,
        %swap3A_587 = arith.index_cast %scan3A_416 : i32 to index
        %swap3A_588 = arith.constant 112 : index
        %swap3A_589 = tpu.vector_load %arg7[%swap3A_587, %swap3A_588] {strides = array<i32>} : memref<128x128xf32, #tpu.memory_space<vmem>>, vector<1x16xf32>,
        %swap3A_590 = vector.shape_cast %swap3A_589 : vector<1x16xf32> to vector<16xf32>
        %swap3A_591 = vector.shape_cast %add3A_581 : vector<16xf32> to vector<1x16xf32>
        tpu.vector_store %arg7[%swap3A_587, %swap3A_588], %swap3A_591 {strides = array<i32>} : memref<128x128xf32, #tpu.memory_space<vmem>>, vector<1x16xf32>,
        %scan3A_592 = arith.constant 1 : i32
        %scan3A_593 = arith.addi %scan3A_416, %scan3A_592 : i32
        %mul3A_594 = arith.constant 2 : i32
        %mul3A_595 = arith.muli %mul3A_594, %scan3A_593 : i32
        %get3A_596 = arith.index_cast %mul3A_595 : i32 to index
        %get3A_597 = arith.constant 0 : index
        %get3A_598 = tpu.vector_load %arg7[%get3A_596, %get3A_597] {strides = array<i32>} : memref<128x128xf32, #tpu.memory_space<vmem>>, vector<1x16xf32>,
        %get3A_599 = vector.shape_cast %get3A_598 : vector<1x16xf32> to vector<16xf32>
        %mul3A_600 = arith.mulf %get3A_6, %get3A_599 : vector<16xf32>
        %mul3A_601 = arith.constant 2 : i32
        %mul3A_602 = arith.muli %mul3A_601, %scan3A_593 : i32
        %get3A_603 = arith.index_cast %mul3A_602 : i32 to index
        %get3A_604 = arith.constant 64 : index
        %get3A_605 = tpu.vector_load %arg7[%get3A_603, %get3A_604] {strides = array<i32>} : memref<128x128xf32, #tpu.memory_space<vmem>>, vector<1x16xf32>,
        %get3A_606 = vector.shape_cast %get3A_605 : vector<1x16xf32> to vector<16xf32>
        %mul3A_607 = arith.mulf %get3A_11, %get3A_606 : vector<16xf32>
        %add3A_608 = arith.addf %mul3A_600, %mul3A_607 : vector<16xf32>
        %mul3A_609 = arith.constant 2 : i32
        %mul3A_610 = arith.muli %mul3A_609, %scan3A_593 : i32
        %add3A_611 = arith.constant 1 : i32
        %add3A_612 = arith.addi %mul3A_610, %add3A_611 : i32
        %get3A_613 = arith.index_cast %add3A_612 : i32 to index
        %get3A_614 = arith.constant 0 : index
        %get3A_615 = tpu.vector_load %arg7[%get3A_613, %get3A_614] {strides = array<i32>} : memref<128x128xf32, #tpu.memory_space<vmem>>, vector<1x16xf32>,
        %get3A_616 = vector.shape_cast %get3A_615 : vector<1x16xf32> to vector<16xf32>
        %mul3A_617 = arith.mulf %get3A_6, %get3A_616 : vector<16xf32>
        %mul3A_618 = arith.constant 2 : i32
        %mul3A_619 = arith.muli %mul3A_618, %scan3A_593 : i32
        %add3A_620 = arith.constant 1 : i32
        %add3A_621 = arith.addi %mul3A_619, %add3A_620 : i32
        %get3A_622 = arith.index_cast %add3A_621 : i32 to index
        %get3A_623 = arith.constant 64 : index
        %get3A_624 = tpu.vector_load %arg7[%get3A_622, %get3A_623] {strides = array<i32>} : memref<128x128xf32, #tpu.memory_space<vmem>>, vector<1x16xf32>,
        %get3A_625 = vector.shape_cast %get3A_624 : vector<1x16xf32> to vector<16xf32>
        %mul3A_626 = arith.mulf %get3A_11, %get3A_625 : vector<16xf32>
        %add3A_627 = arith.addf %mul3A_617, %mul3A_626 : vector<16xf32>
        %swap3A_628 = arith.index_cast %scan3A_593 : i32 to index
        %swap3A_629 = arith.constant 0 : index
        %swap3A_630 = tpu.vector_load %arg7[%swap3A_628, %swap3A_629] {strides = array<i32>} : memref<128x128xf32, #tpu.memory_space<vmem>>, vector<1x16xf32>,
        %swap3A_631 = vector.shape_cast %swap3A_630 : vector<1x16xf32> to vector<16xf32>
        %swap3A_632 = vector.shape_cast %add3A_608 : vector<16xf32> to vector<1x16xf32>
        tpu.vector_store %arg7[%swap3A_628, %swap3A_629], %swap3A_632 {strides = array<i32>} : memref<128x128xf32, #tpu.memory_space<vmem>>, vector<1x16xf32>,
        %swap3A_633 = arith.index_cast %scan3A_593 : i32 to index
        %swap3A_634 = arith.constant 64 : index
        %swap3A_635 = tpu.vector_load %arg7[%swap3A_633, %swap3A_634] {strides = array<i32>} : memref<128x128xf32, #tpu.memory_space<vmem>>, vector<1x16xf32>,
        %swap3A_636 = vector.shape_cast %swap3A_635 : vector<1x16xf32> to vector<16xf32>
        %swap3A_637 = vector.shape_cast %add3A_627 : vector<16xf32> to vector<1x16xf32>
        tpu.vector_store %arg7[%swap3A_633, %swap3A_634], %swap3A_637 {strides = array<i32>} : memref<128x128xf32, #tpu.memory_space<vmem>>, vector<1x16xf32>,
        %mul3A_638 = arith.constant 2 : i32
        %mul3A_639 = arith.muli %mul3A_638, %scan3A_593 : i32
        %get3A_640 = arith.index_cast %mul3A_639 : i32 to index
        %get3A_641 = arith.constant 16 : index
        %get3A_642 = tpu.vector_load %arg7[%get3A_640, %get3A_641] {strides = array<i32>} : memref<128x128xf32, #tpu.memory_space<vmem>>, vector<1x16xf32>,
        %get3A_643 = vector.shape_cast %get3A_642 : vector<1x16xf32> to vector<16xf32>
        %mul3A_644 = arith.mulf %get3A_6, %get3A_643 : vector<16xf32>
        %mul3A_645 = arith.constant 2 : i32
        %mul3A_646 = arith.muli %mul3A_645, %scan3A_593 : i32
        %get3A_647 = arith.index_cast %mul3A_646 : i32 to index
        %get3A_648 = arith.constant 80 : index
        %get3A_649 = tpu.vector_load %arg7[%get3A_647, %get3A_648] {strides = array<i32>} : memref<128x128xf32, #tpu.memory_space<vmem>>, vector<1x16xf32>,
        %get3A_650 = vector.shape_cast %get3A_649 : vector<1x16xf32> to vector<16xf32>
        %mul3A_651 = arith.mulf %get3A_11, %get3A_650 : vector<16xf32>
        %add3A_652 = arith.addf %mul3A_644, %mul3A_651 : vector<16xf32>
        %mul3A_653 = arith.constant 2 : i32
        %mul3A_654 = arith.muli %mul3A_653, %scan3A_593 : i32
        %add3A_655 = arith.constant 1 : i32
        %add3A_656 = arith.addi %mul3A_654, %add3A_655 : i32
        %get3A_657 = arith.index_cast %add3A_656 : i32 to index
        %get3A_658 = arith.constant 16 : index
        %get3A_659 = tpu.vector_load %arg7[%get3A_657, %get3A_658] {strides = array<i32>} : memref<128x128xf32, #tpu.memory_space<vmem>>, vector<1x16xf32>,
        %get3A_660 = vector.shape_cast %get3A_659 : vector<1x16xf32> to vector<16xf32>
        %mul3A_661 = arith.mulf %get3A_6, %get3A_660 : vector<16xf32>
        %mul3A_662 = arith.constant 2 : i32
        %mul3A_663 = arith.muli %mul3A_662, %scan3A_593 : i32
        %add3A_664 = arith.constant 1 : i32
        %add3A_665 = arith.addi %mul3A_663, %add3A_664 : i32
        %get3A_666 = arith.index_cast %add3A_665 : i32 to index
        %get3A_667 = arith.constant 80 : index
        %get3A_668 = tpu.vector_load %arg7[%get3A_666, %get3A_667] {strides = array<i32>} : memref<128x128xf32, #tpu.memory_space<vmem>>, vector<1x16xf32>,
        %get3A_669 = vector.shape_cast %get3A_668 : vector<1x16xf32> to vector<16xf32>
        %mul3A_670 = arith.mulf %get3A_11, %get3A_669 : vector<16xf32>
        %add3A_671 = arith.addf %mul3A_661, %mul3A_670 : vector<16xf32>
        %swap3A_672 = arith.index_cast %scan3A_593 : i32 to index
        %swap3A_673 = arith.constant 16 : index
        %swap3A_674 = tpu.vector_load %arg7[%swap3A_672, %swap3A_673] {strides = array<i32>} : memref<128x128xf32, #tpu.memory_space<vmem>>, vector<1x16xf32>,
        %swap3A_675 = vector.shape_cast %swap3A_674 : vector<1x16xf32> to vector<16xf32>
        %swap3A_676 = vector.shape_cast %add3A_652 : vector<16xf32> to vector<1x16xf32>
        tpu.vector_store %arg7[%swap3A_672, %swap3A_673], %swap3A_676 {strides = array<i32>} : memref<128x128xf32, #tpu.memory_space<vmem>>, vector<1x16xf32>,
        %swap3A_677 = arith.index_cast %scan3A_593 : i32 to index
        %swap3A_678 = arith.constant 80 : index
        %swap3A_679 = tpu.vector_load %arg7[%swap3A_677, %swap3A_678] {strides = array<i32>} : memref<128x128xf32, #tpu.memory_space<vmem>>, vector<1x16xf32>,
        %swap3A_680 = vector.shape_cast %swap3A_679 : vector<1x16xf32> to vector<16xf32>
        %swap3A_681 = vector.shape_cast %add3A_671 : vector<16xf32> to vector<1x16xf32>
        tpu.vector_store %arg7[%swap3A_677, %swap3A_678], %swap3A_681 {strides = array<i32>} : memref<128x128xf32, #tpu.memory_space<vmem>>, vector<1x16xf32>,
        %mul3A_682 = arith.constant 2 : i32
        %mul3A_683 = arith.muli %mul3A_682, %scan3A_593 : i32
        %get3A_684 = arith.index_cast %mul3A_683 : i32 to index
        %get3A_685 = arith.constant 32 : index
        %get3A_686 = tpu.vector_load %arg7[%get3A_684, %get3A_685] {strides = array<i32>} : memref<128x128xf32, #tpu.memory_space<vmem>>, vector<1x16xf32>,
        %get3A_687 = vector.shape_cast %get3A_686 : vector<1x16xf32> to vector<16xf32>
        %mul3A_688 = arith.mulf %get3A_6, %get3A_687 : vector<16xf32>
        %mul3A_689 = arith.constant 2 : i32
        %mul3A_690 = arith.muli %mul3A_689, %scan3A_593 : i32
        %get3A_691 = arith.index_cast %mul3A_690 : i32 to index
        %get3A_692 = arith.constant 96 : index
        %get3A_693 = tpu.vector_load %arg7[%get3A_691, %get3A_692] {strides = array<i32>} : memref<128x128xf32, #tpu.memory_space<vmem>>, vector<1x16xf32>,
        %get3A_694 = vector.shape_cast %get3A_693 : vector<1x16xf32> to vector<16xf32>
        %mul3A_695 = arith.mulf %get3A_11, %get3A_694 : vector<16xf32>
        %add3A_696 = arith.addf %mul3A_688, %mul3A_695 : vector<16xf32>
        %mul3A_697 = arith.constant 2 : i32
        %mul3A_698 = arith.muli %mul3A_697, %scan3A_593 : i32
        %add3A_699 = arith.constant 1 : i32
        %add3A_700 = arith.addi %mul3A_698, %add3A_699 : i32
        %get3A_701 = arith.index_cast %add3A_700 : i32 to index
        %get3A_702 = arith.constant 32 : index
        %get3A_703 = tpu.vector_load %arg7[%get3A_701, %get3A_702] {strides = array<i32>} : memref<128x128xf32, #tpu.memory_space<vmem>>, vector<1x16xf32>,
        %get3A_704 = vector.shape_cast %get3A_703 : vector<1x16xf32> to vector<16xf32>
        %mul3A_705 = arith.mulf %get3A_6, %get3A_704 : vector<16xf32>
        %mul3A_706 = arith.constant 2 : i32
        %mul3A_707 = arith.muli %mul3A_706, %scan3A_593 : i32
        %add3A_708 = arith.constant 1 : i32
        %add3A_709 = arith.addi %mul3A_707, %add3A_708 : i32
        %get3A_710 = arith.index_cast %add3A_709 : i32 to index
        %get3A_711 = arith.constant 96 : index
        %get3A_712 = tpu.vector_load %arg7[%get3A_710, %get3A_711] {strides = array<i32>} : memref<128x128xf32, #tpu.memory_space<vmem>>, vector<1x16xf32>,
        %get3A_713 = vector.shape_cast %get3A_712 : vector<1x16xf32> to vector<16xf32>
        %mul3A_714 = arith.mulf %get3A_11, %get3A_713 : vector<16xf32>
        %add3A_715 = arith.addf %mul3A_705, %mul3A_714 : vector<16xf32>
        %swap3A_716 = arith.index_cast %scan3A_593 : i32 to index
        %swap3A_717 = arith.constant 32 : index
        %swap3A_718 = tpu.vector_load %arg7[%swap3A_716, %swap3A_717] {strides = array<i32>} : memref<128x128xf32, #tpu.memory_space<vmem>>, vector<1x16xf32>,
        %swap3A_719 = vector.shape_cast %swap3A_718 : vector<1x16xf32> to vector<16xf32>
        %swap3A_720 = vector.shape_cast %add3A_696 : vector<16xf32> to vector<1x16xf32>
        tpu.vector_store %arg7[%swap3A_716, %swap3A_717], %swap3A_720 {strides = array<i32>} : memref<128x128xf32, #tpu.memory_space<vmem>>, vector<1x16xf32>,
        %swap3A_721 = arith.index_cast %scan3A_593 : i32 to index
        %swap3A_722 = arith.constant 96 : index
        %swap3A_723 = tpu.vector_load %arg7[%swap3A_721, %swap3A_722] {strides = array<i32>} : memref<128x128xf32, #tpu.memory_space<vmem>>, vector<1x16xf32>,
        %swap3A_724 = vector.shape_cast %swap3A_723 : vector<1x16xf32> to vector<16xf32>
        %swap3A_725 = vector.shape_cast %add3A_715 : vector<16xf32> to vector<1x16xf32>
        tpu.vector_store %arg7[%swap3A_721, %swap3A_722], %swap3A_725 {strides = array<i32>} : memref<128x128xf32, #tpu.memory_space<vmem>>, vector<1x16xf32>,
        %mul3A_726 = arith.constant 2 : i32
        %mul3A_727 = arith.muli %mul3A_726, %scan3A_593 : i32
        %get3A_728 = arith.index_cast %mul3A_727 : i32 to index
        %get3A_729 = arith.constant 48 : index
        %get3A_730 = tpu.vector_load %arg7[%get3A_728, %get3A_729] {strides = array<i32>} : memref<128x128xf32, #tpu.memory_space<vmem>>, vector<1x16xf32>,
        %get3A_731 = vector.shape_cast %get3A_730 : vector<1x16xf32> to vector<16xf32>
        %mul3A_732 = arith.mulf %get3A_6, %get3A_731 : vector<16xf32>
        %mul3A_733 = arith.constant 2 : i32
        %mul3A_734 = arith.muli %mul3A_733, %scan3A_593 : i32
        %get3A_735 = arith.index_cast %mul3A_734 : i32 to index
        %get3A_736 = arith.constant 112 : index
        %get3A_737 = tpu.vector_load %arg7[%get3A_735, %get3A_736] {strides = array<i32>} : memref<128x128xf32, #tpu.memory_space<vmem>>, vector<1x16xf32>,
        %get3A_738 = vector.shape_cast %get3A_737 : vector<1x16xf32> to vector<16xf32>
        %mul3A_739 = arith.mulf %get3A_11, %get3A_738 : vector<16xf32>
        %add3A_740 = arith.addf %mul3A_732, %mul3A_739 : vector<16xf32>
        %mul3A_741 = arith.constant 2 : i32
        %mul3A_742 = arith.muli %mul3A_741, %scan3A_593 : i32
        %add3A_743 = arith.constant 1 : i32
        %add3A_744 = arith.addi %mul3A_742, %add3A_743 : i32
        %get3A_745 = arith.index_cast %add3A_744 : i32 to index
        %get3A_746 = arith.constant 48 : index
        %get3A_747 = tpu.vector_load %arg7[%get3A_745, %get3A_746] {strides = array<i32>} : memref<128x128xf32, #tpu.memory_space<vmem>>, vector<1x16xf32>,
        %get3A_748 = vector.shape_cast %get3A_747 : vector<1x16xf32> to vector<16xf32>
        %mul3A_749 = arith.mulf %get3A_6, %get3A_748 : vector<16xf32>
        %mul3A_750 = arith.constant 2 : i32
        %mul3A_751 = arith.muli %mul3A_750, %scan3A_593 : i32
        %add3A_752 = arith.constant 1 : i32
        %add3A_753 = arith.addi %mul3A_751, %add3A_752 : i32
        %get3A_754 = arith.index_cast %add3A_753 : i32 to index
        %get3A_755 = arith.constant 112 : index
        %get3A_756 = tpu.vector_load %arg7[%get3A_754, %get3A_755] {strides = array<i32>} : memref<128x128xf32, #tpu.memory_space<vmem>>, vector<1x16xf32>,
        %get3A_757 = vector.shape_cast %get3A_756 : vector<1x16xf32> to vector<16xf32>
        %mul3A_758 = arith.mulf %get3A_11, %get3A_757 : vector<16xf32>
        %add3A_759 = arith.addf %mul3A_749, %mul3A_758 : vector<16xf32>
        %swap3A_760 = arith.index_cast %scan3A_593 : i32 to index
        %swap3A_761 = arith.constant 48 : index
        %swap3A_762 = tpu.vector_load %arg7[%swap3A_760, %swap3A_761] {strides = array<i32>} : memref<128x128xf32, #tpu.memory_space<vmem>>, vector<1x16xf32>,
        %swap3A_763 = vector.shape_cast %swap3A_762 : vector<1x16xf32> to vector<16xf32>
        %swap3A_764 = vector.shape_cast %add3A_740 : vector<16xf32> to vector<1x16xf32>
        tpu.vector_store %arg7[%swap3A_760, %swap3A_761], %swap3A_764 {strides = array<i32>} : memref<128x128xf32, #tpu.memory_space<vmem>>, vector<1x16xf32>,
        %swap3A_765 = arith.index_cast %scan3A_593 : i32 to index
        %swap3A_766 = arith.constant 112 : index
        %swap3A_767 = tpu.vector_load %arg7[%swap3A_765, %swap3A_766] {strides = array<i32>} : memref<128x128xf32, #tpu.memory_space<vmem>>, vector<1x16xf32>,
        %swap3A_768 = vector.shape_cast %swap3A_767 : vector<1x16xf32> to vector<16xf32>
        %swap3A_769 = vector.shape_cast %add3A_759 : vector<16xf32> to vector<1x16xf32>
        tpu.vector_store %arg7[%swap3A_765, %swap3A_766], %swap3A_769 {strides = array<i32>} : memref<128x128xf32, #tpu.memory_space<vmem>>, vector<1x16xf32>,
        %scan3A_770 = arith.constant 2 : i32
        %scan3A_771 = arith.addi %scan3A_416, %scan3A_770 : i32
        %mul3A_772 = arith.constant 2 : i32
        %mul3A_773 = arith.muli %mul3A_772, %scan3A_771 : i32
        %get3A_774 = arith.index_cast %mul3A_773 : i32 to index
        %get3A_775 = arith.constant 0 : index
        %get3A_776 = tpu.vector_load %arg7[%get3A_774, %get3A_775] {strides = array<i32>} : memref<128x128xf32, #tpu.memory_space<vmem>>, vector<1x16xf32>,
        %get3A_777 = vector.shape_cast %get3A_776 : vector<1x16xf32> to vector<16xf32>
        %mul3A_778 = arith.mulf %get3A_6, %get3A_777 : vector<16xf32>
        %mul3A_779 = arith.constant 2 : i32
        %mul3A_780 = arith.muli %mul3A_779, %scan3A_771 : i32
        %get3A_781 = arith.index_cast %mul3A_780 : i32 to index
        %get3A_782 = arith.constant 64 : index
        %get3A_783 = tpu.vector_load %arg7[%get3A_781, %get3A_782] {strides = array<i32>} : memref<128x128xf32, #tpu.memory_space<vmem>>, vector<1x16xf32>,
        %get3A_784 = vector.shape_cast %get3A_783 : vector<1x16xf32> to vector<16xf32>
        %mul3A_785 = arith.mulf %get3A_11, %get3A_784 : vector<16xf32>
        %add3A_786 = arith.addf %mul3A_778, %mul3A_785 : vector<16xf32>
        %mul3A_787 = arith.constant 2 : i32
        %mul3A_788 = arith.muli %mul3A_787, %scan3A_771 : i32
        %add3A_789 = arith.constant 1 : i32
        %add3A_790 = arith.addi %mul3A_788, %add3A_789 : i32
        %get3A_791 = arith.index_cast %add3A_790 : i32 to index
        %get3A_792 = arith.constant 0 : index
        %get3A_793 = tpu.vector_load %arg7[%get3A_791, %get3A_792] {strides = array<i32>} : memref<128x128xf32, #tpu.memory_space<vmem>>, vector<1x16xf32>,
        %get3A_794 = vector.shape_cast %get3A_793 : vector<1x16xf32> to vector<16xf32>
        %mul3A_795 = arith.mulf %get3A_6, %get3A_794 : vector<16xf32>
        %mul3A_796 = arith.constant 2 : i32
        %mul3A_797 = arith.muli %mul3A_796, %scan3A_771 : i32
        %add3A_798 = arith.constant 1 : i32
        %add3A_799 = arith.addi %mul3A_797, %add3A_798 : i32
        %get3A_800 = arith.index_cast %add3A_799 : i32 to index
        %get3A_801 = arith.constant 64 : index
        %get3A_802 = tpu.vector_load %arg7[%get3A_800, %get3A_801] {strides = array<i32>} : memref<128x128xf32, #tpu.memory_space<vmem>>, vector<1x16xf32>,
        %get3A_803 = vector.shape_cast %get3A_802 : vector<1x16xf32> to vector<16xf32>
        %mul3A_804 = arith.mulf %get3A_11, %get3A_803 : vector<16xf32>
        %add3A_805 = arith.addf %mul3A_795, %mul3A_804 : vector<16xf32>
        %swap3A_806 = arith.index_cast %scan3A_771 : i32 to index
        %swap3A_807 = arith.constant 0 : index
        %swap3A_808 = tpu.vector_load %arg7[%swap3A_806, %swap3A_807] {strides = array<i32>} : memref<128x128xf32, #tpu.memory_space<vmem>>, vector<1x16xf32>,
        %swap3A_809 = vector.shape_cast %swap3A_808 : vector<1x16xf32> to vector<16xf32>
        %swap3A_810 = vector.shape_cast %add3A_786 : vector<16xf32> to vector<1x16xf32>
        tpu.vector_store %arg7[%swap3A_806, %swap3A_807], %swap3A_810 {strides = array<i32>} : memref<128x128xf32, #tpu.memory_space<vmem>>, vector<1x16xf32>,
        %swap3A_811 = arith.index_cast %scan3A_771 : i32 to index
        %swap3A_812 = arith.constant 64 : index
        %swap3A_813 = tpu.vector_load %arg7[%swap3A_811, %swap3A_812] {strides = array<i32>} : memref<128x128xf32, #tpu.memory_space<vmem>>, vector<1x16xf32>,
        %swap3A_814 = vector.shape_cast %swap3A_813 : vector<1x16xf32> to vector<16xf32>
        %swap3A_815 = vector.shape_cast %add3A_805 : vector<16xf32> to vector<1x16xf32>
        tpu.vector_store %arg7[%swap3A_811, %swap3A_812], %swap3A_815 {strides = array<i32>} : memref<128x128xf32, #tpu.memory_space<vmem>>, vector<1x16xf32>,
        %mul3A_816 = arith.constant 2 : i32
        %mul3A_817 = arith.muli %mul3A_816, %scan3A_771 : i32
        %get3A_818 = arith.index_cast %mul3A_817 : i32 to index
        %get3A_819 = arith.constant 16 : index
        %get3A_820 = tpu.vector_load %arg7[%get3A_818, %get3A_819] {strides = array<i32>} : memref<128x128xf32, #tpu.memory_space<vmem>>, vector<1x16xf32>,
        %get3A_821 = vector.shape_cast %get3A_820 : vector<1x16xf32> to vector<16xf32>
        %mul3A_822 = arith.mulf %get3A_6, %get3A_821 : vector<16xf32>
        %mul3A_823 = arith.constant 2 : i32
        %mul3A_824 = arith.muli %mul3A_823, %scan3A_771 : i32
        %get3A_825 = arith.index_cast %mul3A_824 : i32 to index
        %get3A_826 = arith.constant 80 : index
        %get3A_827 = tpu.vector_load %arg7[%get3A_825, %get3A_826] {strides = array<i32>} : memref<128x128xf32, #tpu.memory_space<vmem>>, vector<1x16xf32>,
        %get3A_828 = vector.shape_cast %get3A_827 : vector<1x16xf32> to vector<16xf32>
        %mul3A_829 = arith.mulf %get3A_11, %get3A_828 : vector<16xf32>
        %add3A_830 = arith.addf %mul3A_822, %mul3A_829 : vector<16xf32>
        %mul3A_831 = arith.constant 2 : i32
        %mul3A_832 = arith.muli %mul3A_831, %scan3A_771 : i32
        %add3A_833 = arith.constant 1 : i32
        %add3A_834 = arith.addi %mul3A_832, %add3A_833 : i32
        %get3A_835 = arith.index_cast %add3A_834 : i32 to index
        %get3A_836 = arith.constant 16 : index
        %get3A_837 = tpu.vector_load %arg7[%get3A_835, %get3A_836] {strides = array<i32>} : memref<128x128xf32, #tpu.memory_space<vmem>>, vector<1x16xf32>,
        %get3A_838 = vector.shape_cast %get3A_837 : vector<1x16xf32> to vector<16xf32>
        %mul3A_839 = arith.mulf %get3A_6, %get3A_838 : vector<16xf32>
        %mul3A_840 = arith.constant 2 : i32
        %mul3A_841 = arith.muli %mul3A_840, %scan3A_771 : i32
        %add3A_842 = arith.constant 1 : i32
        %add3A_843 = arith.addi %mul3A_841, %add3A_842 : i32
        %get3A_844 = arith.index_cast %add3A_843 : i32 to index
        %get3A_845 = arith.constant 80 : index
        %get3A_846 = tpu.vector_load %arg7[%get3A_844, %get3A_845] {strides = array<i32>} : memref<128x128xf32, #tpu.memory_space<vmem>>, vector<1x16xf32>,
        %get3A_847 = vector.shape_cast %get3A_846 : vector<1x16xf32> to vector<16xf32>
        %mul3A_848 = arith.mulf %get3A_11, %get3A_847 : vector<16xf32>
        %add3A_849 = arith.addf %mul3A_839, %mul3A_848 : vector<16xf32>
        %swap3A_850 = arith.index_cast %scan3A_771 : i32 to index
        %swap3A_851 = arith.constant 16 : index
        %swap3A_852 = tpu.vector_load %arg7[%swap3A_850, %swap3A_851] {strides = array<i32>} : memref<128x128xf32, #tpu.memory_space<vmem>>, vector<1x16xf32>,
        %swap3A_853 = vector.shape_cast %swap3A_852 : vector<1x16xf32> to vector<16xf32>
        %swap3A_854 = vector.shape_cast %add3A_830 : vector<16xf32> to vector<1x16xf32>
        tpu.vector_store %arg7[%swap3A_850, %swap3A_851], %swap3A_854 {strides = array<i32>} : memref<128x128xf32, #tpu.memory_space<vmem>>, vector<1x16xf32>,
        %swap3A_855 = arith.index_cast %scan3A_771 : i32 to index
        %swap3A_856 = arith.constant 80 : index
        %swap3A_857 = tpu.vector_load %arg7[%swap3A_855, %swap3A_856] {strides = array<i32>} : memref<128x128xf32, #tpu.memory_space<vmem>>, vector<1x16xf32>,
        %swap3A_858 = vector.shape_cast %swap3A_857 : vector<1x16xf32> to vector<16xf32>
        %swap3A_859 = vector.shape_cast %add3A_849 : vector<16xf32> to vector<1x16xf32>
        tpu.vector_store %arg7[%swap3A_855, %swap3A_856], %swap3A_859 {strides = array<i32>} : memref<128x128xf32, #tpu.memory_space<vmem>>, vector<1x16xf32>,
        %mul3A_860 = arith.constant 2 : i32
        %mul3A_861 = arith.muli %mul3A_860, %scan3A_771 : i32
        %get3A_862 = arith.index_cast %mul3A_861 : i32 to index
        %get3A_863 = arith.constant 32 : index
        %get3A_864 = tpu.vector_load %arg7[%get3A_862, %get3A_863] {strides = array<i32>} : memref<128x128xf32, #tpu.memory_space<vmem>>, vector<1x16xf32>,
        %get3A_865 = vector.shape_cast %get3A_864 : vector<1x16xf32> to vector<16xf32>
        %mul3A_866 = arith.mulf %get3A_6, %get3A_865 : vector<16xf32>
        %mul3A_867 = arith.constant 2 : i32
        %mul3A_868 = arith.muli %mul3A_867, %scan3A_771 : i32
        %get3A_869 = arith.index_cast %mul3A_868 : i32 to index
        %get3A_870 = arith.constant 96 : index
        %get3A_871 = tpu.vector_load %arg7[%get3A_869, %get3A_870] {strides = array<i32>} : memref<128x128xf32, #tpu.memory_space<vmem>>, vector<1x16xf32>,
        %get3A_872 = vector.shape_cast %get3A_871 : vector<1x16xf32> to vector<16xf32>
        %mul3A_873 = arith.mulf %get3A_11, %get3A_872 : vector<16xf32>
        %add3A_874 = arith.addf %mul3A_866, %mul3A_873 : vector<16xf32>
        %mul3A_875 = arith.constant 2 : i32
        %mul3A_876 = arith.muli %mul3A_875, %scan3A_771 : i32
        %add3A_877 = arith.constant 1 : i32
        %add3A_878 = arith.addi %mul3A_876, %add3A_877 : i32
        %get3A_879 = arith.index_cast %add3A_878 : i32 to index
        %get3A_880 = arith.constant 32 : index
        %get3A_881 = tpu.vector_load %arg7[%get3A_879, %get3A_880] {strides = array<i32>} : memref<128x128xf32, #tpu.memory_space<vmem>>, vector<1x16xf32>,
        %get3A_882 = vector.shape_cast %get3A_881 : vector<1x16xf32> to vector<16xf32>
        %mul3A_883 = arith.mulf %get3A_6, %get3A_882 : vector<16xf32>
        %mul3A_884 = arith.constant 2 : i32
        %mul3A_885 = arith.muli %mul3A_884, %scan3A_771 : i32
        %add3A_886 = arith.constant 1 : i32
        %add3A_887 = arith.addi %mul3A_885, %add3A_886 : i32
        %get3A_888 = arith.index_cast %add3A_887 : i32 to index
        %get3A_889 = arith.constant 96 : index
        %get3A_890 = tpu.vector_load %arg7[%get3A_888, %get3A_889] {strides = array<i32>} : memref<128x128xf32, #tpu.memory_space<vmem>>, vector<1x16xf32>,
        %get3A_891 = vector.shape_cast %get3A_890 : vector<1x16xf32> to vector<16xf32>
        %mul3A_892 = arith.mulf %get3A_11, %get3A_891 : vector<16xf32>
        %add3A_893 = arith.addf %mul3A_883, %mul3A_892 : vector<16xf32>
        %swap3A_894 = arith.index_cast %scan3A_771 : i32 to index
        %swap3A_895 = arith.constant 32 : index
        %swap3A_896 = tpu.vector_load %arg7[%swap3A_894, %swap3A_895] {strides = array<i32>} : memref<128x128xf32, #tpu.memory_space<vmem>>, vector<1x16xf32>,
        %swap3A_897 = vector.shape_cast %swap3A_896 : vector<1x16xf32> to vector<16xf32>
        %swap3A_898 = vector.shape_cast %add3A_874 : vector<16xf32> to vector<1x16xf32>
        tpu.vector_store %arg7[%swap3A_894, %swap3A_895], %swap3A_898 {strides = array<i32>} : memref<128x128xf32, #tpu.memory_space<vmem>>, vector<1x16xf32>,
        %swap3A_899 = arith.index_cast %scan3A_771 : i32 to index
        %swap3A_900 = arith.constant 96 : index
        %swap3A_901 = tpu.vector_load %arg7[%swap3A_899, %swap3A_900] {strides = array<i32>} : memref<128x128xf32, #tpu.memory_space<vmem>>, vector<1x16xf32>,
        %swap3A_902 = vector.shape_cast %swap3A_901 : vector<1x16xf32> to vector<16xf32>
        %swap3A_903 = vector.shape_cast %add3A_893 : vector<16xf32> to vector<1x16xf32>
        tpu.vector_store %arg7[%swap3A_899, %swap3A_900], %swap3A_903 {strides = array<i32>} : memref<128x128xf32, #tpu.memory_space<vmem>>, vector<1x16xf32>,
        %mul3A_904 = arith.constant 2 : i32
        %mul3A_905 = arith.muli %mul3A_904, %scan3A_771 : i32
        %get3A_906 = arith.index_cast %mul3A_905 : i32 to index
        %get3A_907 = arith.constant 48 : index
        %get3A_908 = tpu.vector_load %arg7[%get3A_906, %get3A_907] {strides = array<i32>} : memref<128x128xf32, #tpu.memory_space<vmem>>, vector<1x16xf32>,
        %get3A_909 = vector.shape_cast %get3A_908 : vector<1x16xf32> to vector<16xf32>
        %mul3A_910 = arith.mulf %get3A_6, %get3A_909 : vector<16xf32>
        %mul3A_911 = arith.constant 2 : i32
        %mul3A_912 = arith.muli %mul3A_911, %scan3A_771 : i32
        %get3A_913 = arith.index_cast %mul3A_912 : i32 to index
        %get3A_914 = arith.constant 112 : index
        %get3A_915 = tpu.vector_load %arg7[%get3A_913, %get3A_914] {strides = array<i32>} : memref<128x128xf32, #tpu.memory_space<vmem>>, vector<1x16xf32>,
        %get3A_916 = vector.shape_cast %get3A_915 : vector<1x16xf32> to vector<16xf32>
        %mul3A_917 = arith.mulf %get3A_11, %get3A_916 : vector<16xf32>
        %add3A_918 = arith.addf %mul3A_910, %mul3A_917 : vector<16xf32>
        %mul3A_919 = arith.constant 2 : i32
        %mul3A_920 = arith.muli %mul3A_919, %scan3A_771 : i32
        %add3A_921 = arith.constant 1 : i32
        %add3A_922 = arith.addi %mul3A_920, %add3A_921 : i32
        %get3A_923 = arith.index_cast %add3A_922 : i32 to index
        %get3A_924 = arith.constant 48 : index
        %get3A_925 = tpu.vector_load %arg7[%get3A_923, %get3A_924] {strides = array<i32>} : memref<128x128xf32, #tpu.memory_space<vmem>>, vector<1x16xf32>,
        %get3A_926 = vector.shape_cast %get3A_925 : vector<1x16xf32> to vector<16xf32>
        %mul3A_927 = arith.mulf %get3A_6, %get3A_926 : vector<16xf32>
        %mul3A_928 = arith.constant 2 : i32
        %mul3A_929 = arith.muli %mul3A_928, %scan3A_771 : i32
        %add3A_930 = arith.constant 1 : i32
        %add3A_931 = arith.addi %mul3A_929, %add3A_930 : i32
        %get3A_932 = arith.index_cast %add3A_931 : i32 to index
        %get3A_933 = arith.constant 112 : index
        %get3A_934 = tpu.vector_load %arg7[%get3A_932, %get3A_933] {strides = array<i32>} : memref<128x128xf32, #tpu.memory_space<vmem>>, vector<1x16xf32>,
        %get3A_935 = vector.shape_cast %get3A_934 : vector<1x16xf32> to vector<16xf32>
        %mul3A_936 = arith.mulf %get3A_11, %get3A_935 : vector<16xf32>
        %add3A_937 = arith.addf %mul3A_927, %mul3A_936 : vector<16xf32>
        %swap3A_938 = arith.index_cast %scan3A_771 : i32 to index
        %swap3A_939 = arith.constant 48 : index
        %swap3A_940 = tpu.vector_load %arg7[%swap3A_938, %swap3A_939] {strides = array<i32>} : memref<128x128xf32, #tpu.memory_space<vmem>>, vector<1x16xf32>,
        %swap3A_941 = vector.shape_cast %swap3A_940 : vector<1x16xf32> to vector<16xf32>
        %swap3A_942 = vector.shape_cast %add3A_918 : vector<16xf32> to vector<1x16xf32>
        tpu.vector_store %arg7[%swap3A_938, %swap3A_939], %swap3A_942 {strides = array<i32>} : memref<128x128xf32, #tpu.memory_space<vmem>>, vector<1x16xf32>,
        %swap3A_943 = arith.index_cast %scan3A_771 : i32 to index
        %swap3A_944 = arith.constant 112 : index
        %swap3A_945 = tpu.vector_load %arg7[%swap3A_943, %swap3A_944] {strides = array<i32>} : memref<128x128xf32, #tpu.memory_space<vmem>>, vector<1x16xf32>,
        %swap3A_946 = vector.shape_cast %swap3A_945 : vector<1x16xf32> to vector<16xf32>
        %swap3A_947 = vector.shape_cast %add3A_937 : vector<16xf32> to vector<1x16xf32>
        tpu.vector_store %arg7[%swap3A_943, %swap3A_944], %swap3A_947 {strides = array<i32>} : memref<128x128xf32, #tpu.memory_space<vmem>>, vector<1x16xf32>,
        %scan3A_948 = arith.constant 3 : i32
        %scan3A_949 = arith.addi %scan3A_416, %scan3A_948 : i32
        %mul3A_950 = arith.constant 2 : i32
        %mul3A_951 = arith.muli %mul3A_950, %scan3A_949 : i32
        %get3A_952 = arith.index_cast %mul3A_951 : i32 to index
        %get3A_953 = arith.constant 0 : index
        %get3A_954 = tpu.vector_load %arg7[%get3A_952, %get3A_953] {strides = array<i32>} : memref<128x128xf32, #tpu.memory_space<vmem>>, vector<1x16xf32>,
        %get3A_955 = vector.shape_cast %get3A_954 : vector<1x16xf32> to vector<16xf32>
        %mul3A_956 = arith.mulf %get3A_6, %get3A_955 : vector<16xf32>
        %mul3A_957 = arith.constant 2 : i32
        %mul3A_958 = arith.muli %mul3A_957, %scan3A_949 : i32
        %get3A_959 = arith.index_cast %mul3A_958 : i32 to index
        %get3A_960 = arith.constant 64 : index
        %get3A_961 = tpu.vector_load %arg7[%get3A_959, %get3A_960] {strides = array<i32>} : memref<128x128xf32, #tpu.memory_space<vmem>>, vector<1x16xf32>,
        %get3A_962 = vector.shape_cast %get3A_961 : vector<1x16xf32> to vector<16xf32>
        %mul3A_963 = arith.mulf %get3A_11, %get3A_962 : vector<16xf32>
        %add3A_964 = arith.addf %mul3A_956, %mul3A_963 : vector<16xf32>
        %mul3A_965 = arith.constant 2 : i32
        %mul3A_966 = arith.muli %mul3A_965, %scan3A_949 : i32
        %add3A_967 = arith.constant 1 : i32
        %add3A_968 = arith.addi %mul3A_966, %add3A_967 : i32
        %get3A_969 = arith.index_cast %add3A_968 : i32 to index
        %get3A_970 = arith.constant 0 : index
        %get3A_971 = tpu.vector_load %arg7[%get3A_969, %get3A_970] {strides = array<i32>} : memref<128x128xf32, #tpu.memory_space<vmem>>, vector<1x16xf32>,
        %get3A_972 = vector.shape_cast %get3A_971 : vector<1x16xf32> to vector<16xf32>
        %mul3A_973 = arith.mulf %get3A_6, %get3A_972 : vector<16xf32>
        %mul3A_974 = arith.constant 2 : i32
        %mul3A_975 = arith.muli %mul3A_974, %scan3A_949 : i32
        %add3A_976 = arith.constant 1 : i32
        %add3A_977 = arith.addi %mul3A_975, %add3A_976 : i32
        %get3A_978 = arith.index_cast %add3A_977 : i32 to index
        %get3A_979 = arith.constant 64 : index
        %get3A_980 = tpu.vector_load %arg7[%get3A_978, %get3A_979] {strides = array<i32>} : memref<128x128xf32, #tpu.memory_space<vmem>>, vector<1x16xf32>,
        %get3A_981 = vector.shape_cast %get3A_980 : vector<1x16xf32> to vector<16xf32>
        %mul3A_982 = arith.mulf %get3A_11, %get3A_981 : vector<16xf32>
        %add3A_983 = arith.addf %mul3A_973, %mul3A_982 : vector<16xf32>
        %swap3A_984 = arith.index_cast %scan3A_949 : i32 to index
        %swap3A_985 = arith.constant 0 : index
        %swap3A_986 = tpu.vector_load %arg7[%swap3A_984, %swap3A_985] {strides = array<i32>} : memref<128x128xf32, #tpu.memory_space<vmem>>, vector<1x16xf32>,
        %swap3A_987 = vector.shape_cast %swap3A_986 : vector<1x16xf32> to vector<16xf32>
        %swap3A_988 = vector.shape_cast %add3A_964 : vector<16xf32> to vector<1x16xf32>
        tpu.vector_store %arg7[%swap3A_984, %swap3A_985], %swap3A_988 {strides = array<i32>} : memref<128x128xf32, #tpu.memory_space<vmem>>, vector<1x16xf32>,
        %swap3A_989 = arith.index_cast %scan3A_949 : i32 to index
        %swap3A_990 = arith.constant 64 : index
        %swap3A_991 = tpu.vector_load %arg7[%swap3A_989, %swap3A_990] {strides = array<i32>} : memref<128x128xf32, #tpu.memory_space<vmem>>, vector<1x16xf32>,
        %swap3A_992 = vector.shape_cast %swap3A_991 : vector<1x16xf32> to vector<16xf32>
        %swap3A_993 = vector.shape_cast %add3A_983 : vector<16xf32> to vector<1x16xf32>
        tpu.vector_store %arg7[%swap3A_989, %swap3A_990], %swap3A_993 {strides = array<i32>} : memref<128x128xf32, #tpu.memory_space<vmem>>, vector<1x16xf32>,
        %mul3A_994 = arith.constant 2 : i32
        %mul3A_995 = arith.muli %mul3A_994, %scan3A_949 : i32
        %get3A_996 = arith.index_cast %mul3A_995 : i32 to index
        %get3A_997 = arith.constant 16 : index
        %get3A_998 = tpu.vector_load %arg7[%get3A_996, %get3A_997] {strides = array<i32>} : memref<128x128xf32, #tpu.memory_space<vmem>>, vector<1x16xf32>,
        %get3A_999 = vector.shape_cast %get3A_998 : vector<1x16xf32> to vector<16xf32>
        %mul3A_1000 = arith.mulf %get3A_6, %get3A_999 : vector<16xf32>
        %mul3A_1001 = arith.constant 2 : i32
        %mul3A_1002 = arith.muli %mul3A_1001, %scan3A_949 : i32
        %get3A_1003 = arith.index_cast %mul3A_1002 : i32 to index
        %get3A_1004 = arith.constant 80 : index
        %get3A_1005 = tpu.vector_load %arg7[%get3A_1003, %get3A_1004] {strides = array<i32>} : memref<128x128xf32, #tpu.memory_space<vmem>>, vector<1x16xf32>,
        %get3A_1006 = vector.shape_cast %get3A_1005 : vector<1x16xf32> to vector<16xf32>
        %mul3A_1007 = arith.mulf %get3A_11, %get3A_1006 : vector<16xf32>
        %add3A_1008 = arith.addf %mul3A_1000, %mul3A_1007 : vector<16xf32>
        %mul3A_1009 = arith.constant 2 : i32
        %mul3A_1010 = arith.muli %mul3A_1009, %scan3A_949 : i32
        %add3A_1011 = arith.constant 1 : i32
        %add3A_1012 = arith.addi %mul3A_1010, %add3A_1011 : i32
        %get3A_1013 = arith.index_cast %add3A_1012 : i32 to index
        %get3A_1014 = arith.constant 16 : index
        %get3A_1015 = tpu.vector_load %arg7[%get3A_1013, %get3A_1014] {strides = array<i32>} : memref<128x128xf32, #tpu.memory_space<vmem>>, vector<1x16xf32>,
        %get3A_1016 = vector.shape_cast %get3A_1015 : vector<1x16xf32> to vector<16xf32>
        %mul3A_1017 = arith.mulf %get3A_6, %get3A_1016 : vector<16xf32>
        %mul3A_1018 = arith.constant 2 : i32
        %mul3A_1019 = arith.muli %mul3A_1018, %scan3A_949 : i32
        %add3A_1020 = arith.constant 1 : i32
        %add3A_1021 = arith.addi %mul3A_1019, %add3A_1020 : i32
        %get3A_1022 = arith.index_cast %add3A_1021 : i32 to index
        %get3A_1023 = arith.constant 80 : index
        %get3A_1024 = tpu.vector_load %arg7[%get3A_1022, %get3A_1023] {strides = array<i32>} : memref<128x128xf32, #tpu.memory_space<vmem>>, vector<1x16xf32>,
        %get3A_1025 = vector.shape_cast %get3A_1024 : vector<1x16xf32> to vector<16xf32>
        %mul3A_1026 = arith.mulf %get3A_11, %get3A_1025 : vector<16xf32>
        %add3A_1027 = arith.addf %mul3A_1017, %mul3A_1026 : vector<16xf32>
        %swap3A_1028 = arith.index_cast %scan3A_949 : i32 to index
        %swap3A_1029 = arith.constant 16 : index
        %swap3A_1030 = tpu.vector_load %arg7[%swap3A_1028, %swap3A_1029] {strides = array<i32>} : memref<128x128xf32, #tpu.memory_space<vmem>>, vector<1x16xf32>,
        %swap3A_1031 = vector.shape_cast %swap3A_1030 : vector<1x16xf32> to vector<16xf32>
        %swap3A_1032 = vector.shape_cast %add3A_1008 : vector<16xf32> to vector<1x16xf32>
        tpu.vector_store %arg7[%swap3A_1028, %swap3A_1029], %swap3A_1032 {strides = array<i32>} : memref<128x128xf32, #tpu.memory_space<vmem>>, vector<1x16xf32>,
        %swap3A_1033 = arith.index_cast %scan3A_949 : i32 to index
        %swap3A_1034 = arith.constant 80 : index
        %swap3A_1035 = tpu.vector_load %arg7[%swap3A_1033, %swap3A_1034] {strides = array<i32>} : memref<128x128xf32, #tpu.memory_space<vmem>>, vector<1x16xf32>,
        %swap3A_1036 = vector.shape_cast %swap3A_1035 : vector<1x16xf32> to vector<16xf32>
        %swap3A_1037 = vector.shape_cast %add3A_1027 : vector<16xf32> to vector<1x16xf32>
        tpu.vector_store %arg7[%swap3A_1033, %swap3A_1034], %swap3A_1037 {strides = array<i32>} : memref<128x128xf32, #tpu.memory_space<vmem>>, vector<1x16xf32>,
        %mul3A_1038 = arith.constant 2 : i32
        %mul3A_1039 = arith.muli %mul3A_1038, %scan3A_949 : i32
        %get3A_1040 = arith.index_cast %mul3A_1039 : i32 to index
        %get3A_1041 = arith.constant 32 : index
        %get3A_1042 = tpu.vector_load %arg7[%get3A_1040, %get3A_1041] {strides = array<i32>} : memref<128x128xf32, #tpu.memory_space<vmem>>, vector<1x16xf32>,
        %get3A_1043 = vector.shape_cast %get3A_1042 : vector<1x16xf32> to vector<16xf32>
        %mul3A_1044 = arith.mulf %get3A_6, %get3A_1043 : vector<16xf32>
        %mul3A_1045 = arith.constant 2 : i32
        %mul3A_1046 = arith.muli %mul3A_1045, %scan3A_949 : i32
        %get3A_1047 = arith.index_cast %mul3A_1046 : i32 to index
        %get3A_1048 = arith.constant 96 : index
        %get3A_1049 = tpu.vector_load %arg7[%get3A_1047, %get3A_1048] {strides = array<i32>} : memref<128x128xf32, #tpu.memory_space<vmem>>, vector<1x16xf32>,
        %get3A_1050 = vector.shape_cast %get3A_1049 : vector<1x16xf32> to vector<16xf32>
        %mul3A_1051 = arith.mulf %get3A_11, %get3A_1050 : vector<16xf32>
        %add3A_1052 = arith.addf %mul3A_1044, %mul3A_1051 : vector<16xf32>
        %mul3A_1053 = arith.constant 2 : i32
        %mul3A_1054 = arith.muli %mul3A_1053, %scan3A_949 : i32
        %add3A_1055 = arith.constant 1 : i32
        %add3A_1056 = arith.addi %mul3A_1054, %add3A_1055 : i32
        %get3A_1057 = arith.index_cast %add3A_1056 : i32 to index
        %get3A_1058 = arith.constant 32 : index
        %get3A_1059 = tpu.vector_load %arg7[%get3A_1057, %get3A_1058] {strides = array<i32>} : memref<128x128xf32, #tpu.memory_space<vmem>>, vector<1x16xf32>,
        %get3A_1060 = vector.shape_cast %get3A_1059 : vector<1x16xf32> to vector<16xf32>
        %mul3A_1061 = arith.mulf %get3A_6, %get3A_1060 : vector<16xf32>
        %mul3A_1062 = arith.constant 2 : i32
        %mul3A_1063 = arith.muli %mul3A_1062, %scan3A_949 : i32
        %add3A_1064 = arith.constant 1 : i32
        %add3A_1065 = arith.addi %mul3A_1063, %add3A_1064 : i32
        %get3A_1066 = arith.index_cast %add3A_1065 : i32 to index
        %get3A_1067 = arith.constant 96 : index
        %get3A_1068 = tpu.vector_load %arg7[%get3A_1066, %get3A_1067] {strides = array<i32>} : memref<128x128xf32, #tpu.memory_space<vmem>>, vector<1x16xf32>,
        %get3A_1069 = vector.shape_cast %get3A_1068 : vector<1x16xf32> to vector<16xf32>
        %mul3A_1070 = arith.mulf %get3A_11, %get3A_1069 : vector<16xf32>
        %add3A_1071 = arith.addf %mul3A_1061, %mul3A_1070 : vector<16xf32>
        %swap3A_1072 = arith.index_cast %scan3A_949 : i32 to index
        %swap3A_1073 = arith.constant 32 : index
        %swap3A_1074 = tpu.vector_load %arg7[%swap3A_1072, %swap3A_1073] {strides = array<i32>} : memref<128x128xf32, #tpu.memory_space<vmem>>, vector<1x16xf32>,
        %swap3A_1075 = vector.shape_cast %swap3A_1074 : vector<1x16xf32> to vector<16xf32>
        %swap3A_1076 = vector.shape_cast %add3A_1052 : vector<16xf32> to vector<1x16xf32>
        tpu.vector_store %arg7[%swap3A_1072, %swap3A_1073], %swap3A_1076 {strides = array<i32>} : memref<128x128xf32, #tpu.memory_space<vmem>>, vector<1x16xf32>,
        %swap3A_1077 = arith.index_cast %scan3A_949 : i32 to index
        %swap3A_1078 = arith.constant 96 : index
        %swap3A_1079 = tpu.vector_load %arg7[%swap3A_1077, %swap3A_1078] {strides = array<i32>} : memref<128x128xf32, #tpu.memory_space<vmem>>, vector<1x16xf32>,
        %swap3A_1080 = vector.shape_cast %swap3A_1079 : vector<1x16xf32> to vector<16xf32>
        %swap3A_1081 = vector.shape_cast %add3A_1071 : vector<16xf32> to vector<1x16xf32>
        tpu.vector_store %arg7[%swap3A_1077, %swap3A_1078], %swap3A_1081 {strides = array<i32>} : memref<128x128xf32, #tpu.memory_space<vmem>>, vector<1x16xf32>,
        %mul3A_1082 = arith.constant 2 : i32
        %mul3A_1083 = arith.muli %mul3A_1082, %scan3A_949 : i32
        %get3A_1084 = arith.index_cast %mul3A_1083 : i32 to index
        %get3A_1085 = arith.constant 48 : index
        %get3A_1086 = tpu.vector_load %arg7[%get3A_1084, %get3A_1085] {strides = array<i32>} : memref<128x128xf32, #tpu.memory_space<vmem>>, vector<1x16xf32>,
        %get3A_1087 = vector.shape_cast %get3A_1086 : vector<1x16xf32> to vector<16xf32>
        %mul3A_1088 = arith.mulf %get3A_6, %get3A_1087 : vector<16xf32>
        %mul3A_1089 = arith.constant 2 : i32
        %mul3A_1090 = arith.muli %mul3A_1089, %scan3A_949 : i32
        %get3A_1091 = arith.index_cast %mul3A_1090 : i32 to index
        %get3A_1092 = arith.constant 112 : index
        %get3A_1093 = tpu.vector_load %arg7[%get3A_1091, %get3A_1092] {strides = array<i32>} : memref<128x128xf32, #tpu.memory_space<vmem>>, vector<1x16xf32>,
        %get3A_1094 = vector.shape_cast %get3A_1093 : vector<1x16xf32> to vector<16xf32>
        %mul3A_1095 = arith.mulf %get3A_11, %get3A_1094 : vector<16xf32>
        %add3A_1096 = arith.addf %mul3A_1088, %mul3A_1095 : vector<16xf32>
        %mul3A_1097 = arith.constant 2 : i32
        %mul3A_1098 = arith.muli %mul3A_1097, %scan3A_949 : i32
        %add3A_1099 = arith.constant 1 : i32
        %add3A_1100 = arith.addi %mul3A_1098, %add3A_1099 : i32
        %get3A_1101 = arith.index_cast %add3A_1100 : i32 to index
        %get3A_1102 = arith.constant 48 : index
        %get3A_1103 = tpu.vector_load %arg7[%get3A_1101, %get3A_1102] {strides = array<i32>} : memref<128x128xf32, #tpu.memory_space<vmem>>, vector<1x16xf32>,
        %get3A_1104 = vector.shape_cast %get3A_1103 : vector<1x16xf32> to vector<16xf32>
        %mul3A_1105 = arith.mulf %get3A_6, %get3A_1104 : vector<16xf32>
        %mul3A_1106 = arith.constant 2 : i32
        %mul3A_1107 = arith.muli %mul3A_1106, %scan3A_949 : i32
        %add3A_1108 = arith.constant 1 : i32
        %add3A_1109 = arith.addi %mul3A_1107, %add3A_1108 : i32
        %get3A_1110 = arith.index_cast %add3A_1109 : i32 to index
        %get3A_1111 = arith.constant 112 : index
        %get3A_1112 = tpu.vector_load %arg7[%get3A_1110, %get3A_1111] {strides = array<i32>} : memref<128x128xf32, #tpu.memory_space<vmem>>, vector<1x16xf32>,
        %get3A_1113 = vector.shape_cast %get3A_1112 : vector<1x16xf32> to vector<16xf32>
        %mul3A_1114 = arith.mulf %get3A_11, %get3A_1113 : vector<16xf32>
        %add3A_1115 = arith.addf %mul3A_1105, %mul3A_1114 : vector<16xf32>
        %swap3A_1116 = arith.index_cast %scan3A_949 : i32 to index
        %swap3A_1117 = arith.constant 48 : index
        %swap3A_1118 = tpu.vector_load %arg7[%swap3A_1116, %swap3A_1117] {strides = array<i32>} : memref<128x128xf32, #tpu.memory_space<vmem>>, vector<1x16xf32>,
        %swap3A_1119 = vector.shape_cast %swap3A_1118 : vector<1x16xf32> to vector<16xf32>
        %swap3A_1120 = vector.shape_cast %add3A_1096 : vector<16xf32> to vector<1x16xf32>
        tpu.vector_store %arg7[%swap3A_1116, %swap3A_1117], %swap3A_1120 {strides = array<i32>} : memref<128x128xf32, #tpu.memory_space<vmem>>, vector<1x16xf32>,
        %swap3A_1121 = arith.index_cast %scan3A_949 : i32 to index
        %swap3A_1122 = arith.constant 112 : index
        %swap3A_1123 = tpu.vector_load %arg7[%swap3A_1121, %swap3A_1122] {strides = array<i32>} : memref<128x128xf32, #tpu.memory_space<vmem>>, vector<1x16xf32>,
        %swap3A_1124 = vector.shape_cast %swap3A_1123 : vector<1x16xf32> to vector<16xf32>
        %swap3A_1125 = vector.shape_cast %add3A_1115 : vector<16xf32> to vector<1x16xf32>
        tpu.vector_store %arg7[%swap3A_1121, %swap3A_1122], %swap3A_1125 {strides = array<i32>} : memref<128x128xf32, #tpu.memory_space<vmem>>, vector<1x16xf32>,
      }
      %scan3A_190 = arith.constant 64 : i32
      %mul3A_191 = arith.constant 128 : i32
      %mul3A_192 = arith.muli %add3A_178, %mul3A_191 : i32
      %add3A_193 = arith.addi %mul3A_2, %mul3A_192 : i32
      %jit3A_194 = arith.constant 2 : i32
      %div3A_195 = arith.divsi %add3A_193, %jit3A_194 : i32
      %sign3A_196 = arith.constant 0 : i32
      %sign3A_197 = arith.cmpi sgt, %add3A_193, %sign3A_196 : i32
      %sign3A_198 = arith.extui %sign3A_197 : i1 to i32
      %sign3A_199 = arith.constant 0 : i32
      %sign3A_200 = arith.cmpi slt, %add3A_193, %sign3A_199 : i32
      %sign3A_201 = arith.extui %sign3A_200 : i1 to i32
      %sign3A_202 = arith.subi %sign3A_198, %sign3A_201 : i32
      %sign3A_203 = arith.constant 0 : i32
      %sign3A_204 = arith.cmpi sgt, %jit3A_194, %sign3A_203 : i32
      %sign3A_205 = arith.extui %sign3A_204 : i1 to i32
      %sign3A_206 = arith.constant 0 : i32
      %sign3A_207 = arith.cmpi slt, %jit3A_194, %sign3A_206 : i32
      %sign3A_208 = arith.extui %sign3A_207 : i1 to i32
      %sign3A_209 = arith.subi %sign3A_205, %sign3A_208 : i32
      %ne3A_210 = arith.cmpi ne, %sign3A_202, %sign3A_209 : i32
      %rem3A_211 = arith.remsi %add3A_193, %jit3A_194 : i32
      %ne3A_212 = arith.constant 0 : i32
      %ne3A_213 = arith.cmpi ne, %rem3A_211, %ne3A_212 : i32
      %and3A_214 = arith.andi %ne3A_210, %ne3A_213 : i1
      %sub3A_215 = arith.constant 1 : i32
      %sub3A_216 = arith.subi %div3A_195, %sub3A_215 : i32
      %select_n3A_217 = arith.select %and3A_214, %sub3A_216, %div3A_195 : i32
      %multiple_of3A_218 = tpu.assume_multiple %select_n3A_217, 64 : i32
      %dma_start3A_219 = arith.constant 0 : i32
      %dma_start3A_220 = arith.constant 0 : i32
      %dma_start3A_221 = tpu.memref_slice %arg7[%dma_start3A_219, %dma_start3A_220] : memref<128x128xf32, #tpu.memory_space<vmem>> -> memref<64x128xf32, #tpu.memory_space<vmem>>
      %dma_start3A_222 = arith.constant 0 : i32
      %dma_start3A_223 = tpu.memref_slice %arg5[%multiple_of3A_218, %dma_start3A_222] : memref<409600x128xf32, #tpu.memory_space<hbm>> -> memref<64x128xf32, #tpu.memory_space<hbm>>
      %dma_start3A_224 = arith.constant 0 : i32
      %dma_start3A_225 = tpu.memref_slice %arg5[%multiple_of3A_218, %dma_start3A_224] : memref<409600x128xf32, #tpu.memory_space<hbm>> -> memref<64x128xf32, #tpu.memory_space<hbm>>
      %dma_start3A_226 = arith.constant 0 : i32
      %dma_start3A_227 = arith.constant 0 : i32
      %dma_start3A_228 = tpu.memref_slice %arg7[%dma_start3A_226, %dma_start3A_227] : memref<128x128xf32, #tpu.memory_space<vmem>> -> memref<64x128xf32, #tpu.memory_space<vmem>>
      tpu.enqueue_dma source(%dma_start3A_228 : memref<64x128xf32, #tpu.memory_space<vmem>>) target(%dma_start3A_225 : memref<64x128xf32, #tpu.memory_space<hbm>>) target_semaphore(%arg16 : memref<!tpu.dma_semaphore, #tpu.memory_space<semaphore_mem>>)
      %add3A_229 = arith.constant 4 : i32
      %add3A_230 = arith.addi %add3A_178, %add3A_229 : i32
      %lt3A = arith.constant 200 : i32
      %lt3A_231 = arith.cmpi slt, %add3A_230, %lt3A : i32
      %convert_element_type3A = arith.extui %lt3A_231 : i1 to i32
      %cond3A = arith.constant 0 : i32
      %cond3A_232 = arith.cmpi ne, %convert_element_type3A, %cond3A : i32
      scf.if %cond3A_232 {
        %mul3A_416 = arith.constant 128 : i32
        %mul3A_417 = arith.muli %add3A_178, %mul3A_416 : i32
        %add3A_418 = arith.addi %mul3A_2, %mul3A_417 : i32
        %jit3A_419 = arith.constant 2 : i32
        %div3A_420 = arith.divsi %add3A_418, %jit3A_419 : i32
        %sign3A_421 = arith.constant 0 : i32
        %sign3A_422 = arith.cmpi sgt, %add3A_418, %sign3A_421 : i32
        %sign3A_423 = arith.extui %sign3A_422 : i1 to i32
        %sign3A_424 = arith.constant 0 : i32
        %sign3A_425 = arith.cmpi slt, %add3A_418, %sign3A_424 : i32
        %sign3A_426 = arith.extui %sign3A_425 : i1 to i32
        %sign3A_427 = arith.subi %sign3A_423, %sign3A_426 : i32
        %sign3A_428 = arith.constant 0 : i32
        %sign3A_429 = arith.cmpi sgt, %jit3A_419, %sign3A_428 : i32
        %sign3A_430 = arith.extui %sign3A_429 : i1 to i32
        %sign3A_431 = arith.constant 0 : i32
        %sign3A_432 = arith.cmpi slt, %jit3A_419, %sign3A_431 : i32
        %sign3A_433 = arith.extui %sign3A_432 : i1 to i32
        %sign3A_434 = arith.subi %sign3A_430, %sign3A_433 : i32
        %ne3A_435 = arith.cmpi ne, %sign3A_427, %sign3A_434 : i32
        %rem3A_436 = arith.remsi %add3A_418, %jit3A_419 : i32
        %ne3A_437 = arith.constant 0 : i32
        %ne3A_438 = arith.cmpi ne, %rem3A_436, %ne3A_437 : i32
        %and3A_439 = arith.andi %ne3A_435, %ne3A_438 : i1
        %sub3A_440 = arith.constant 1 : i32
        %sub3A_441 = arith.subi %div3A_420, %sub3A_440 : i32
        %select_n3A_442 = arith.select %and3A_439, %sub3A_441, %div3A_420 : i32
        %multiple_of3A_443 = tpu.assume_multiple %select_n3A_442, 64 : i32
        %dma_wait3A_444 = arith.constant 0 : i32
        %dma_wait3A_445 = arith.constant 0 : i32
        %dma_wait3A_446 = tpu.memref_slice %arg7[%dma_wait3A_444, %dma_wait3A_445] : memref<128x128xf32, #tpu.memory_space<vmem>> -> memref<64x128xf32, #tpu.memory_space<vmem>>
        %dma_wait3A_447 = arith.constant 0 : i32
        %dma_wait3A_448 = tpu.memref_slice %arg5[%multiple_of3A_443, %dma_wait3A_447] : memref<409600x128xf32, #tpu.memory_space<hbm>> -> memref<64x128xf32, #tpu.memory_space<hbm>>
        %dma_wait3A_449 = arith.constant 0 : i32
        %dma_wait3A_450 = tpu.memref_slice %arg5[%multiple_of3A_443, %dma_wait3A_449] : memref<409600x128xf32, #tpu.memory_space<hbm>> -> memref<64x128xf32, #tpu.memory_space<hbm>>
        %dma_wait3A_451 = arith.constant 0 : i32
        %dma_wait3A_452 = arith.constant 0 : i32
        %dma_wait3A_453 = tpu.memref_slice %arg7[%dma_wait3A_451, %dma_wait3A_452] : memref<128x128xf32, #tpu.memory_space<vmem>> -> memref<64x128xf32, #tpu.memory_space<vmem>>
        tpu.wait_dma2 semaphore(%arg16 : memref<!tpu.dma_semaphore, #tpu.memory_space<semaphore_mem>>) src(%dma_wait3A_453 : memref<64x128xf32, #tpu.memory_space<vmem>>) dst(%dma_wait3A_450 : memref<64x128xf32, #tpu.memory_space<hbm>>)
        %add3A_454 = arith.constant 4 : i32
        %add3A_455 = arith.addi %add3A_178, %add3A_454 : i32
        %mul3A_456 = arith.constant 128 : i32
        %mul3A_457 = arith.muli %add3A_455, %mul3A_456 : i32
        %dma_start3A_458 = tpu.memref_slice %arg6[%mul3A_457] : memref<25600xi32, #tpu.memory_space<vmem>> -> memref<128xi32, #tpu.memory_space<vmem>>
        %dma_start3A_459 = arith.constant 0 : i32
        %dma_start3A_460 = arith.constant 0 : i32
        %dma_start3A_461 = tpu.memref_slice %arg3[%dma_start3A_459, %dma_start3A_460] : memref<1000000x128xf32, #tpu.memory_space<hbm>> -> memref<1000000x128xf32, #tpu.memory_space<hbm>>
        tpu.enqueue_indirect_dma source(%dma_start3A_461 : memref<1000000x128xf32, #tpu.memory_space<hbm>>) target(%arg7 : memref<128x128xf32, #tpu.memory_space<vmem>>) offsets(%dma_start3A_458 : memref<128xi32, #tpu.memory_space<vmem>>) semaphore(%arg12 : memref<!tpu.dma_semaphore, #tpu.memory_space<semaphore_mem>>)
      } else {
      }
      %mul3A_233 = arith.constant 4 : i32
      %mul3A_234 = arith.muli %scan3A_174, %mul3A_233 : i32
      %add3A_235 = arith.constant 1 : i32
      %add3A_236 = arith.addi %mul3A_234, %add3A_235 : i32
      %mul3A_237 = arith.constant 128 : i32
      %mul3A_238 = arith.muli %add3A_236, %mul3A_237 : i32
      %dma_wait3A_239 = tpu.memref_slice %arg6[%mul3A_238] : memref<25600xi32, #tpu.memory_space<vmem>> -> memref<128xi32, #tpu.memory_space<vmem>>
      %dma_wait3A_240 = arith.constant 0 : i32
      %dma_wait3A_241 = arith.constant 0 : i32
      %dma_wait3A_242 = tpu.memref_slice %arg3[%dma_wait3A_240, %dma_wait3A_241] : memref<1000000x128xf32, #tpu.memory_space<hbm>> -> memref<1000000x128xf32, #tpu.memory_space<hbm>>
      tpu.wait_indirect_dma semaphore(%arg13 : memref<!tpu.dma_semaphore, #tpu.memory_space<semaphore_mem>>) src(%dma_wait3A_242 : memref<1000000x128xf32, #tpu.memory_space<hbm>>) dst(%arg8 : memref<128x128xf32, #tpu.memory_space<vmem>>)
      %scan3A_243 = arith.constant 0 : i32
      %scan3A_244 = arith.constant 0 : i32
      %scan3A_245 = arith.constant 64 : i32
      %scan3A_246 = arith.addi %scan3A_244, %scan3A_245 : i32
      %scan3A_247 = arith.constant 4 : i32
      scf.for %scan3A_416 = %scan3A_244 to %scan3A_246 step %scan3A_247  : i32 {
        %mul3A_417 = arith.constant 2 : i32
        %mul3A_418 = arith.muli %mul3A_417, %scan3A_416 : i32
        %get3A_419 = arith.index_cast %mul3A_418 : i32 to index
        %get3A_420 = arith.constant 0 : index
        %get3A_421 = tpu.vector_load %arg8[%get3A_419, %get3A_420] {strides = array<i32>} : memref<128x128xf32, #tpu.memory_space<vmem>>, vector<1x16xf32>,
        %get3A_422 = vector.shape_cast %get3A_421 : vector<1x16xf32> to vector<16xf32>
        %mul3A_423 = arith.mulf %get3A_6, %get3A_422 : vector<16xf32>
        %mul3A_424 = arith.constant 2 : i32
        %mul3A_425 = arith.muli %mul3A_424, %scan3A_416 : i32
        %get3A_426 = arith.index_cast %mul3A_425 : i32 to index
        %get3A_427 = arith.constant 64 : index
        %get3A_428 = tpu.vector_load %arg8[%get3A_426, %get3A_427] {strides = array<i32>} : memref<128x128xf32, #tpu.memory_space<vmem>>, vector<1x16xf32>,
        %get3A_429 = vector.shape_cast %get3A_428 : vector<1x16xf32> to vector<16xf32>
        %mul3A_430 = arith.mulf %get3A_11, %get3A_429 : vector<16xf32>
        %add3A_431 = arith.addf %mul3A_423, %mul3A_430 : vector<16xf32>
        %mul3A_432 = arith.constant 2 : i32
        %mul3A_433 = arith.muli %mul3A_432, %scan3A_416 : i32
        %add3A_434 = arith.constant 1 : i32
        %add3A_435 = arith.addi %mul3A_433, %add3A_434 : i32
        %get3A_436 = arith.index_cast %add3A_435 : i32 to index
        %get3A_437 = arith.constant 0 : index
        %get3A_438 = tpu.vector_load %arg8[%get3A_436, %get3A_437] {strides = array<i32>} : memref<128x128xf32, #tpu.memory_space<vmem>>, vector<1x16xf32>,
        %get3A_439 = vector.shape_cast %get3A_438 : vector<1x16xf32> to vector<16xf32>
        %mul3A_440 = arith.mulf %get3A_6, %get3A_439 : vector<16xf32>
        %mul3A_441 = arith.constant 2 : i32
        %mul3A_442 = arith.muli %mul3A_441, %scan3A_416 : i32
        %add3A_443 = arith.constant 1 : i32
        %add3A_444 = arith.addi %mul3A_442, %add3A_443 : i32
        %get3A_445 = arith.index_cast %add3A_444 : i32 to index
        %get3A_446 = arith.constant 64 : index
        %get3A_447 = tpu.vector_load %arg8[%get3A_445, %get3A_446] {strides = array<i32>} : memref<128x128xf32, #tpu.memory_space<vmem>>, vector<1x16xf32>,
        %get3A_448 = vector.shape_cast %get3A_447 : vector<1x16xf32> to vector<16xf32>
        %mul3A_449 = arith.mulf %get3A_11, %get3A_448 : vector<16xf32>
        %add3A_450 = arith.addf %mul3A_440, %mul3A_449 : vector<16xf32>
        %swap3A = arith.index_cast %scan3A_416 : i32 to index
        %swap3A_451 = arith.constant 0 : index
        %swap3A_452 = tpu.vector_load %arg8[%swap3A, %swap3A_451] {strides = array<i32>} : memref<128x128xf32, #tpu.memory_space<vmem>>, vector<1x16xf32>,
        %swap3A_453 = vector.shape_cast %swap3A_452 : vector<1x16xf32> to vector<16xf32>
        %swap3A_454 = vector.shape_cast %add3A_431 : vector<16xf32> to vector<1x16xf32>
        tpu.vector_store %arg8[%swap3A, %swap3A_451], %swap3A_454 {strides = array<i32>} : memref<128x128xf32, #tpu.memory_space<vmem>>, vector<1x16xf32>,
        %swap3A_455 = arith.index_cast %scan3A_416 : i32 to index
        %swap3A_456 = arith.constant 64 : index
        %swap3A_457 = tpu.vector_load %arg8[%swap3A_455, %swap3A_456] {strides = array<i32>} : memref<128x128xf32, #tpu.memory_space<vmem>>, vector<1x16xf32>,
        %swap3A_458 = vector.shape_cast %swap3A_457 : vector<1x16xf32> to vector<16xf32>
        %swap3A_459 = vector.shape_cast %add3A_450 : vector<16xf32> to vector<1x16xf32>
        tpu.vector_store %arg8[%swap3A_455, %swap3A_456], %swap3A_459 {strides = array<i32>} : memref<128x128xf32, #tpu.memory_space<vmem>>, vector<1x16xf32>,
        %mul3A_460 = arith.constant 2 : i32
        %mul3A_461 = arith.muli %mul3A_460, %scan3A_416 : i32
        %get3A_462 = arith.index_cast %mul3A_461 : i32 to index
        %get3A_463 = arith.constant 16 : index
        %get3A_464 = tpu.vector_load %arg8[%get3A_462, %get3A_463] {strides = array<i32>} : memref<128x128xf32, #tpu.memory_space<vmem>>, vector<1x16xf32>,
        %get3A_465 = vector.shape_cast %get3A_464 : vector<1x16xf32> to vector<16xf32>
        %mul3A_466 = arith.mulf %get3A_6, %get3A_465 : vector<16xf32>
        %mul3A_467 = arith.constant 2 : i32
        %mul3A_468 = arith.muli %mul3A_467, %scan3A_416 : i32
        %get3A_469 = arith.index_cast %mul3A_468 : i32 to index
        %get3A_470 = arith.constant 80 : index
        %get3A_471 = tpu.vector_load %arg8[%get3A_469, %get3A_470] {strides = array<i32>} : memref<128x128xf32, #tpu.memory_space<vmem>>, vector<1x16xf32>,
        %get3A_472 = vector.shape_cast %get3A_471 : vector<1x16xf32> to vector<16xf32>
        %mul3A_473 = arith.mulf %get3A_11, %get3A_472 : vector<16xf32>
        %add3A_474 = arith.addf %mul3A_466, %mul3A_473 : vector<16xf32>
        %mul3A_475 = arith.constant 2 : i32
        %mul3A_476 = arith.muli %mul3A_475, %scan3A_416 : i32
        %add3A_477 = arith.constant 1 : i32
        %add3A_478 = arith.addi %mul3A_476, %add3A_477 : i32
        %get3A_479 = arith.index_cast %add3A_478 : i32 to index
        %get3A_480 = arith.constant 16 : index
        %get3A_481 = tpu.vector_load %arg8[%get3A_479, %get3A_480] {strides = array<i32>} : memref<128x128xf32, #tpu.memory_space<vmem>>, vector<1x16xf32>,
        %get3A_482 = vector.shape_cast %get3A_481 : vector<1x16xf32> to vector<16xf32>
        %mul3A_483 = arith.mulf %get3A_6, %get3A_482 : vector<16xf32>
        %mul3A_484 = arith.constant 2 : i32
        %mul3A_485 = arith.muli %mul3A_484, %scan3A_416 : i32
        %add3A_486 = arith.constant 1 : i32
        %add3A_487 = arith.addi %mul3A_485, %add3A_486 : i32
        %get3A_488 = arith.index_cast %add3A_487 : i32 to index
        %get3A_489 = arith.constant 80 : index
        %get3A_490 = tpu.vector_load %arg8[%get3A_488, %get3A_489] {strides = array<i32>} : memref<128x128xf32, #tpu.memory_space<vmem>>, vector<1x16xf32>,
        %get3A_491 = vector.shape_cast %get3A_490 : vector<1x16xf32> to vector<16xf32>
        %mul3A_492 = arith.mulf %get3A_11, %get3A_491 : vector<16xf32>
        %add3A_493 = arith.addf %mul3A_483, %mul3A_492 : vector<16xf32>
        %swap3A_494 = arith.index_cast %scan3A_416 : i32 to index
        %swap3A_495 = arith.constant 16 : index
        %swap3A_496 = tpu.vector_load %arg8[%swap3A_494, %swap3A_495] {strides = array<i32>} : memref<128x128xf32, #tpu.memory_space<vmem>>, vector<1x16xf32>,
        %swap3A_497 = vector.shape_cast %swap3A_496 : vector<1x16xf32> to vector<16xf32>
        %swap3A_498 = vector.shape_cast %add3A_474 : vector<16xf32> to vector<1x16xf32>
        tpu.vector_store %arg8[%swap3A_494, %swap3A_495], %swap3A_498 {strides = array<i32>} : memref<128x128xf32, #tpu.memory_space<vmem>>, vector<1x16xf32>,
        %swap3A_499 = arith.index_cast %scan3A_416 : i32 to index
        %swap3A_500 = arith.constant 80 : index
        %swap3A_501 = tpu.vector_load %arg8[%swap3A_499, %swap3A_500] {strides = array<i32>} : memref<128x128xf32, #tpu.memory_space<vmem>>, vector<1x16xf32>,
        %swap3A_502 = vector.shape_cast %swap3A_501 : vector<1x16xf32> to vector<16xf32>
        %swap3A_503 = vector.shape_cast %add3A_493 : vector<16xf32> to vector<1x16xf32>
        tpu.vector_store %arg8[%swap3A_499, %swap3A_500], %swap3A_503 {strides = array<i32>} : memref<128x128xf32, #tpu.memory_space<vmem>>, vector<1x16xf32>,
        %mul3A_504 = arith.constant 2 : i32
        %mul3A_505 = arith.muli %mul3A_504, %scan3A_416 : i32
        %get3A_506 = arith.index_cast %mul3A_505 : i32 to index
        %get3A_507 = arith.constant 32 : index
        %get3A_508 = tpu.vector_load %arg8[%get3A_506, %get3A_507] {strides = array<i32>} : memref<128x128xf32, #tpu.memory_space<vmem>>, vector<1x16xf32>,
        %get3A_509 = vector.shape_cast %get3A_508 : vector<1x16xf32> to vector<16xf32>
        %mul3A_510 = arith.mulf %get3A_6, %get3A_509 : vector<16xf32>
        %mul3A_511 = arith.constant 2 : i32
        %mul3A_512 = arith.muli %mul3A_511, %scan3A_416 : i32
        %get3A_513 = arith.index_cast %mul3A_512 : i32 to index
        %get3A_514 = arith.constant 96 : index
        %get3A_515 = tpu.vector_load %arg8[%get3A_513, %get3A_514] {strides = array<i32>} : memref<128x128xf32, #tpu.memory_space<vmem>>, vector<1x16xf32>,
        %get3A_516 = vector.shape_cast %get3A_515 : vector<1x16xf32> to vector<16xf32>
        %mul3A_517 = arith.mulf %get3A_11, %get3A_516 : vector<16xf32>
        %add3A_518 = arith.addf %mul3A_510, %mul3A_517 : vector<16xf32>
        %mul3A_519 = arith.constant 2 : i32
        %mul3A_520 = arith.muli %mul3A_519, %scan3A_416 : i32
        %add3A_521 = arith.constant 1 : i32
        %add3A_522 = arith.addi %mul3A_520, %add3A_521 : i32
        %get3A_523 = arith.index_cast %add3A_522 : i32 to index
        %get3A_524 = arith.constant 32 : index
        %get3A_525 = tpu.vector_load %arg8[%get3A_523, %get3A_524] {strides = array<i32>} : memref<128x128xf32, #tpu.memory_space<vmem>>, vector<1x16xf32>,
        %get3A_526 = vector.shape_cast %get3A_525 : vector<1x16xf32> to vector<16xf32>
        %mul3A_527 = arith.mulf %get3A_6, %get3A_526 : vector<16xf32>
        %mul3A_528 = arith.constant 2 : i32
        %mul3A_529 = arith.muli %mul3A_528, %scan3A_416 : i32
        %add3A_530 = arith.constant 1 : i32
        %add3A_531 = arith.addi %mul3A_529, %add3A_530 : i32
        %get3A_532 = arith.index_cast %add3A_531 : i32 to index
        %get3A_533 = arith.constant 96 : index
        %get3A_534 = tpu.vector_load %arg8[%get3A_532, %get3A_533] {strides = array<i32>} : memref<128x128xf32, #tpu.memory_space<vmem>>, vector<1x16xf32>,
        %get3A_535 = vector.shape_cast %get3A_534 : vector<1x16xf32> to vector<16xf32>
        %mul3A_536 = arith.mulf %get3A_11, %get3A_535 : vector<16xf32>
        %add3A_537 = arith.addf %mul3A_527, %mul3A_536 : vector<16xf32>
        %swap3A_538 = arith.index_cast %scan3A_416 : i32 to index
        %swap3A_539 = arith.constant 32 : index
        %swap3A_540 = tpu.vector_load %arg8[%swap3A_538, %swap3A_539] {strides = array<i32>} : memref<128x128xf32, #tpu.memory_space<vmem>>, vector<1x16xf32>,
        %swap3A_541 = vector.shape_cast %swap3A_540 : vector<1x16xf32> to vector<16xf32>
        %swap3A_542 = vector.shape_cast %add3A_518 : vector<16xf32> to vector<1x16xf32>
        tpu.vector_store %arg8[%swap3A_538, %swap3A_539], %swap3A_542 {strides = array<i32>} : memref<128x128xf32, #tpu.memory_space<vmem>>, vector<1x16xf32>,
        %swap3A_543 = arith.index_cast %scan3A_416 : i32 to index
        %swap3A_544 = arith.constant 96 : index
        %swap3A_545 = tpu.vector_load %arg8[%swap3A_543, %swap3A_544] {strides = array<i32>} : memref<128x128xf32, #tpu.memory_space<vmem>>, vector<1x16xf32>,
        %swap3A_546 = vector.shape_cast %swap3A_545 : vector<1x16xf32> to vector<16xf32>
        %swap3A_547 = vector.shape_cast %add3A_537 : vector<16xf32> to vector<1x16xf32>
        tpu.vector_store %arg8[%swap3A_543, %swap3A_544], %swap3A_547 {strides = array<i32>} : memref<128x128xf32, #tpu.memory_space<vmem>>, vector<1x16xf32>,
        %mul3A_548 = arith.constant 2 : i32
        %mul3A_549 = arith.muli %mul3A_548, %scan3A_416 : i32
        %get3A_550 = arith.index_cast %mul3A_549 : i32 to index
        %get3A_551 = arith.constant 48 : index
        %get3A_552 = tpu.vector_load %arg8[%get3A_550, %get3A_551] {strides = array<i32>} : memref<128x128xf32, #tpu.memory_space<vmem>>, vector<1x16xf32>,
        %get3A_553 = vector.shape_cast %get3A_552 : vector<1x16xf32> to vector<16xf32>
        %mul3A_554 = arith.mulf %get3A_6, %get3A_553 : vector<16xf32>
        %mul3A_555 = arith.constant 2 : i32
        %mul3A_556 = arith.muli %mul3A_555, %scan3A_416 : i32
        %get3A_557 = arith.index_cast %mul3A_556 : i32 to index
        %get3A_558 = arith.constant 112 : index
        %get3A_559 = tpu.vector_load %arg8[%get3A_557, %get3A_558] {strides = array<i32>} : memref<128x128xf32, #tpu.memory_space<vmem>>, vector<1x16xf32>,
        %get3A_560 = vector.shape_cast %get3A_559 : vector<1x16xf32> to vector<16xf32>
        %mul3A_561 = arith.mulf %get3A_11, %get3A_560 : vector<16xf32>
        %add3A_562 = arith.addf %mul3A_554, %mul3A_561 : vector<16xf32>
        %mul3A_563 = arith.constant 2 : i32
        %mul3A_564 = arith.muli %mul3A_563, %scan3A_416 : i32
        %add3A_565 = arith.constant 1 : i32
        %add3A_566 = arith.addi %mul3A_564, %add3A_565 : i32
        %get3A_567 = arith.index_cast %add3A_566 : i32 to index
        %get3A_568 = arith.constant 48 : index
        %get3A_569 = tpu.vector_load %arg8[%get3A_567, %get3A_568] {strides = array<i32>} : memref<128x128xf32, #tpu.memory_space<vmem>>, vector<1x16xf32>,
        %get3A_570 = vector.shape_cast %get3A_569 : vector<1x16xf32> to vector<16xf32>
        %mul3A_571 = arith.mulf %get3A_6, %get3A_570 : vector<16xf32>
        %mul3A_572 = arith.constant 2 : i32
        %mul3A_573 = arith.muli %mul3A_572, %scan3A_416 : i32
        %add3A_574 = arith.constant 1 : i32
        %add3A_575 = arith.addi %mul3A_573, %add3A_574 : i32
        %get3A_576 = arith.index_cast %add3A_575 : i32 to index
        %get3A_577 = arith.constant 112 : index
        %get3A_578 = tpu.vector_load %arg8[%get3A_576, %get3A_577] {strides = array<i32>} : memref<128x128xf32, #tpu.memory_space<vmem>>, vector<1x16xf32>,
        %get3A_579 = vector.shape_cast %get3A_578 : vector<1x16xf32> to vector<16xf32>
        %mul3A_580 = arith.mulf %get3A_11, %get3A_579 : vector<16xf32>
        %add3A_581 = arith.addf %mul3A_571, %mul3A_580 : vector<16xf32>
        %swap3A_582 = arith.index_cast %scan3A_416 : i32 to index
        %swap3A_583 = arith.constant 48 : index
        %swap3A_584 = tpu.vector_load %arg8[%swap3A_582, %swap3A_583] {strides = array<i32>} : memref<128x128xf32, #tpu.memory_space<vmem>>, vector<1x16xf32>,
        %swap3A_585 = vector.shape_cast %swap3A_584 : vector<1x16xf32> to vector<16xf32>
        %swap3A_586 = vector.shape_cast %add3A_562 : vector<16xf32> to vector<1x16xf32>
        tpu.vector_store %arg8[%swap3A_582, %swap3A_583], %swap3A_586 {strides = array<i32>} : memref<128x128xf32, #tpu.memory_space<vmem>>, vector<1x16xf32>,
        %swap3A_587 = arith.index_cast %scan3A_416 : i32 to index
        %swap3A_588 = arith.constant 112 : index
        %swap3A_589 = tpu.vector_load %arg8[%swap3A_587, %swap3A_588] {strides = array<i32>} : memref<128x128xf32, #tpu.memory_space<vmem>>, vector<1x16xf32>,
        %swap3A_590 = vector.shape_cast %swap3A_589 : vector<1x16xf32> to vector<16xf32>
        %swap3A_591 = vector.shape_cast %add3A_581 : vector<16xf32> to vector<1x16xf32>
        tpu.vector_store %arg8[%swap3A_587, %swap3A_588], %swap3A_591 {strides = array<i32>} : memref<128x128xf32, #tpu.memory_space<vmem>>, vector<1x16xf32>,
        %scan3A_592 = arith.constant 1 : i32
        %scan3A_593 = arith.addi %scan3A_416, %scan3A_592 : i32
        %mul3A_594 = arith.constant 2 : i32
        %mul3A_595 = arith.muli %mul3A_594, %scan3A_593 : i32
        %get3A_596 = arith.index_cast %mul3A_595 : i32 to index
        %get3A_597 = arith.constant 0 : index
        %get3A_598 = tpu.vector_load %arg8[%get3A_596, %get3A_597] {strides = array<i32>} : memref<128x128xf32, #tpu.memory_space<vmem>>, vector<1x16xf32>,
        %get3A_599 = vector.shape_cast %get3A_598 : vector<1x16xf32> to vector<16xf32>
        %mul3A_600 = arith.mulf %get3A_6, %get3A_599 : vector<16xf32>
        %mul3A_601 = arith.constant 2 : i32
        %mul3A_602 = arith.muli %mul3A_601, %scan3A_593 : i32
        %get3A_603 = arith.index_cast %mul3A_602 : i32 to index
        %get3A_604 = arith.constant 64 : index
        %get3A_605 = tpu.vector_load %arg8[%get3A_603, %get3A_604] {strides = array<i32>} : memref<128x128xf32, #tpu.memory_space<vmem>>, vector<1x16xf32>,
        %get3A_606 = vector.shape_cast %get3A_605 : vector<1x16xf32> to vector<16xf32>
        %mul3A_607 = arith.mulf %get3A_11, %get3A_606 : vector<16xf32>
        %add3A_608 = arith.addf %mul3A_600, %mul3A_607 : vector<16xf32>
        %mul3A_609 = arith.constant 2 : i32
        %mul3A_610 = arith.muli %mul3A_609, %scan3A_593 : i32
        %add3A_611 = arith.constant 1 : i32
        %add3A_612 = arith.addi %mul3A_610, %add3A_611 : i32
        %get3A_613 = arith.index_cast %add3A_612 : i32 to index
        %get3A_614 = arith.constant 0 : index
        %get3A_615 = tpu.vector_load %arg8[%get3A_613, %get3A_614] {strides = array<i32>} : memref<128x128xf32, #tpu.memory_space<vmem>>, vector<1x16xf32>,
        %get3A_616 = vector.shape_cast %get3A_615 : vector<1x16xf32> to vector<16xf32>
        %mul3A_617 = arith.mulf %get3A_6, %get3A_616 : vector<16xf32>
        %mul3A_618 = arith.constant 2 : i32
        %mul3A_619 = arith.muli %mul3A_618, %scan3A_593 : i32
        %add3A_620 = arith.constant 1 : i32
        %add3A_621 = arith.addi %mul3A_619, %add3A_620 : i32
        %get3A_622 = arith.index_cast %add3A_621 : i32 to index
        %get3A_623 = arith.constant 64 : index
        %get3A_624 = tpu.vector_load %arg8[%get3A_622, %get3A_623] {strides = array<i32>} : memref<128x128xf32, #tpu.memory_space<vmem>>, vector<1x16xf32>,
        %get3A_625 = vector.shape_cast %get3A_624 : vector<1x16xf32> to vector<16xf32>
        %mul3A_626 = arith.mulf %get3A_11, %get3A_625 : vector<16xf32>
        %add3A_627 = arith.addf %mul3A_617, %mul3A_626 : vector<16xf32>
        %swap3A_628 = arith.index_cast %scan3A_593 : i32 to index
        %swap3A_629 = arith.constant 0 : index
        %swap3A_630 = tpu.vector_load %arg8[%swap3A_628, %swap3A_629] {strides = array<i32>} : memref<128x128xf32, #tpu.memory_space<vmem>>, vector<1x16xf32>,
        %swap3A_631 = vector.shape_cast %swap3A_630 : vector<1x16xf32> to vector<16xf32>
        %swap3A_632 = vector.shape_cast %add3A_608 : vector<16xf32> to vector<1x16xf32>
        tpu.vector_store %arg8[%swap3A_628, %swap3A_629], %swap3A_632 {strides = array<i32>} : memref<128x128xf32, #tpu.memory_space<vmem>>, vector<1x16xf32>,
        %swap3A_633 = arith.index_cast %scan3A_593 : i32 to index
        %swap3A_634 = arith.constant 64 : index
        %swap3A_635 = tpu.vector_load %arg8[%swap3A_633, %swap3A_634] {strides = array<i32>} : memref<128x128xf32, #tpu.memory_space<vmem>>, vector<1x16xf32>,
        %swap3A_636 = vector.shape_cast %swap3A_635 : vector<1x16xf32> to vector<16xf32>
        %swap3A_637 = vector.shape_cast %add3A_627 : vector<16xf32> to vector<1x16xf32>
        tpu.vector_store %arg8[%swap3A_633, %swap3A_634], %swap3A_637 {strides = array<i32>} : memref<128x128xf32, #tpu.memory_space<vmem>>, vector<1x16xf32>,
        %mul3A_638 = arith.constant 2 : i32
        %mul3A_639 = arith.muli %mul3A_638, %scan3A_593 : i32
        %get3A_640 = arith.index_cast %mul3A_639 : i32 to index
        %get3A_641 = arith.constant 16 : index
        %get3A_642 = tpu.vector_load %arg8[%get3A_640, %get3A_641] {strides = array<i32>} : memref<128x128xf32, #tpu.memory_space<vmem>>, vector<1x16xf32>,
        %get3A_643 = vector.shape_cast %get3A_642 : vector<1x16xf32> to vector<16xf32>
        %mul3A_644 = arith.mulf %get3A_6, %get3A_643 : vector<16xf32>
        %mul3A_645 = arith.constant 2 : i32
        %mul3A_646 = arith.muli %mul3A_645, %scan3A_593 : i32
        %get3A_647 = arith.index_cast %mul3A_646 : i32 to index
        %get3A_648 = arith.constant 80 : index
        %get3A_649 = tpu.vector_load %arg8[%get3A_647, %get3A_648] {strides = array<i32>} : memref<128x128xf32, #tpu.memory_space<vmem>>, vector<1x16xf32>,
        %get3A_650 = vector.shape_cast %get3A_649 : vector<1x16xf32> to vector<16xf32>
        %mul3A_651 = arith.mulf %get3A_11, %get3A_650 : vector<16xf32>
        %add3A_652 = arith.addf %mul3A_644, %mul3A_651 : vector<16xf32>
        %mul3A_653 = arith.constant 2 : i32
        %mul3A_654 = arith.muli %mul3A_653, %scan3A_593 : i32
        %add3A_655 = arith.constant 1 : i32
        %add3A_656 = arith.addi %mul3A_654, %add3A_655 : i32
        %get3A_657 = arith.index_cast %add3A_656 : i32 to index
        %get3A_658 = arith.constant 16 : index
        %get3A_659 = tpu.vector_load %arg8[%get3A_657, %get3A_658] {strides = array<i32>} : memref<128x128xf32, #tpu.memory_space<vmem>>, vector<1x16xf32>,
        %get3A_660 = vector.shape_cast %get3A_659 : vector<1x16xf32> to vector<16xf32>
        %mul3A_661 = arith.mulf %get3A_6, %get3A_660 : vector<16xf32>
        %mul3A_662 = arith.constant 2 : i32
        %mul3A_663 = arith.muli %mul3A_662, %scan3A_593 : i32
        %add3A_664 = arith.constant 1 : i32
        %add3A_665 = arith.addi %mul3A_663, %add3A_664 : i32
        %get3A_666 = arith.index_cast %add3A_665 : i32 to index
        %get3A_667 = arith.constant 80 : index
        %get3A_668 = tpu.vector_load %arg8[%get3A_666, %get3A_667] {strides = array<i32>} : memref<128x128xf32, #tpu.memory_space<vmem>>, vector<1x16xf32>,
        %get3A_669 = vector.shape_cast %get3A_668 : vector<1x16xf32> to vector<16xf32>
        %mul3A_670 = arith.mulf %get3A_11, %get3A_669 : vector<16xf32>
        %add3A_671 = arith.addf %mul3A_661, %mul3A_670 : vector<16xf32>
        %swap3A_672 = arith.index_cast %scan3A_593 : i32 to index
        %swap3A_673 = arith.constant 16 : index
        %swap3A_674 = tpu.vector_load %arg8[%swap3A_672, %swap3A_673] {strides = array<i32>} : memref<128x128xf32, #tpu.memory_space<vmem>>, vector<1x16xf32>,
        %swap3A_675 = vector.shape_cast %swap3A_674 : vector<1x16xf32> to vector<16xf32>
        %swap3A_676 = vector.shape_cast %add3A_652 : vector<16xf32> to vector<1x16xf32>
        tpu.vector_store %arg8[%swap3A_672, %swap3A_673], %swap3A_676 {strides = array<i32>} : memref<128x128xf32, #tpu.memory_space<vmem>>, vector<1x16xf32>,
        %swap3A_677 = arith.index_cast %scan3A_593 : i32 to index
        %swap3A_678 = arith.constant 80 : index
        %swap3A_679 = tpu.vector_load %arg8[%swap3A_677, %swap3A_678] {strides = array<i32>} : memref<128x128xf32, #tpu.memory_space<vmem>>, vector<1x16xf32>,
        %swap3A_680 = vector.shape_cast %swap3A_679 : vector<1x16xf32> to vector<16xf32>
        %swap3A_681 = vector.shape_cast %add3A_671 : vector<16xf32> to vector<1x16xf32>
        tpu.vector_store %arg8[%swap3A_677, %swap3A_678], %swap3A_681 {strides = array<i32>} : memref<128x128xf32, #tpu.memory_space<vmem>>, vector<1x16xf32>,
        %mul3A_682 = arith.constant 2 : i32
        %mul3A_683 = arith.muli %mul3A_682, %scan3A_593 : i32
        %get3A_684 = arith.index_cast %mul3A_683 : i32 to index
        %get3A_685 = arith.constant 32 : index
        %get3A_686 = tpu.vector_load %arg8[%get3A_684, %get3A_685] {strides = array<i32>} : memref<128x128xf32, #tpu.memory_space<vmem>>, vector<1x16xf32>,
        %get3A_687 = vector.shape_cast %get3A_686 : vector<1x16xf32> to vector<16xf32>
        %mul3A_688 = arith.mulf %get3A_6, %get3A_687 : vector<16xf32>
        %mul3A_689 = arith.constant 2 : i32
        %mul3A_690 = arith.muli %mul3A_689, %scan3A_593 : i32
        %get3A_691 = arith.index_cast %mul3A_690 : i32 to index
        %get3A_692 = arith.constant 96 : index
        %get3A_693 = tpu.vector_load %arg8[%get3A_691, %get3A_692] {strides = array<i32>} : memref<128x128xf32, #tpu.memory_space<vmem>>, vector<1x16xf32>,
        %get3A_694 = vector.shape_cast %get3A_693 : vector<1x16xf32> to vector<16xf32>
        %mul3A_695 = arith.mulf %get3A_11, %get3A_694 : vector<16xf32>
        %add3A_696 = arith.addf %mul3A_688, %mul3A_695 : vector<16xf32>
        %mul3A_697 = arith.constant 2 : i32
        %mul3A_698 = arith.muli %mul3A_697, %scan3A_593 : i32
        %add3A_699 = arith.constant 1 : i32
        %add3A_700 = arith.addi %mul3A_698, %add3A_699 : i32
        %get3A_701 = arith.index_cast %add3A_700 : i32 to index
        %get3A_702 = arith.constant 32 : index
        %get3A_703 = tpu.vector_load %arg8[%get3A_701, %get3A_702] {strides = array<i32>} : memref<128x128xf32, #tpu.memory_space<vmem>>, vector<1x16xf32>,
        %get3A_704 = vector.shape_cast %get3A_703 : vector<1x16xf32> to vector<16xf32>
        %mul3A_705 = arith.mulf %get3A_6, %get3A_704 : vector<16xf32>
        %mul3A_706 = arith.constant 2 : i32
        %mul3A_707 = arith.muli %mul3A_706, %scan3A_593 : i32
        %add3A_708 = arith.constant 1 : i32
        %add3A_709 = arith.addi %mul3A_707, %add3A_708 : i32
        %get3A_710 = arith.index_cast %add3A_709 : i32 to index
        %get3A_711 = arith.constant 96 : index
        %get3A_712 = tpu.vector_load %arg8[%get3A_710, %get3A_711] {strides = array<i32>} : memref<128x128xf32, #tpu.memory_space<vmem>>, vector<1x16xf32>,
        %get3A_713 = vector.shape_cast %get3A_712 : vector<1x16xf32> to vector<16xf32>
        %mul3A_714 = arith.mulf %get3A_11, %get3A_713 : vector<16xf32>
        %add3A_715 = arith.addf %mul3A_705, %mul3A_714 : vector<16xf32>
        %swap3A_716 = arith.index_cast %scan3A_593 : i32 to index
        %swap3A_717 = arith.constant 32 : index
        %swap3A_718 = tpu.vector_load %arg8[%swap3A_716, %swap3A_717] {strides = array<i32>} : memref<128x128xf32, #tpu.memory_space<vmem>>, vector<1x16xf32>,
        %swap3A_719 = vector.shape_cast %swap3A_718 : vector<1x16xf32> to vector<16xf32>
        %swap3A_720 = vector.shape_cast %add3A_696 : vector<16xf32> to vector<1x16xf32>
        tpu.vector_store %arg8[%swap3A_716, %swap3A_717], %swap3A_720 {strides = array<i32>} : memref<128x128xf32, #tpu.memory_space<vmem>>, vector<1x16xf32>,
        %swap3A_721 = arith.index_cast %scan3A_593 : i32 to index
        %swap3A_722 = arith.constant 96 : index
        %swap3A_723 = tpu.vector_load %arg8[%swap3A_721, %swap3A_722] {strides = array<i32>} : memref<128x128xf32, #tpu.memory_space<vmem>>, vector<1x16xf32>,
        %swap3A_724 = vector.shape_cast %swap3A_723 : vector<1x16xf32> to vector<16xf32>
        %swap3A_725 = vector.shape_cast %add3A_715 : vector<16xf32> to vector<1x16xf32>
        tpu.vector_store %arg8[%swap3A_721, %swap3A_722], %swap3A_725 {strides = array<i32>} : memref<128x128xf32, #tpu.memory_space<vmem>>, vector<1x16xf32>,
        %mul3A_726 = arith.constant 2 : i32
        %mul3A_727 = arith.muli %mul3A_726, %scan3A_593 : i32
        %get3A_728 = arith.index_cast %mul3A_727 : i32 to index
        %get3A_729 = arith.constant 48 : index
        %get3A_730 = tpu.vector_load %arg8[%get3A_728, %get3A_729] {strides = array<i32>} : memref<128x128xf32, #tpu.memory_space<vmem>>, vector<1x16xf32>,
        %get3A_731 = vector.shape_cast %get3A_730 : vector<1x16xf32> to vector<16xf32>
        %mul3A_732 = arith.mulf %get3A_6, %get3A_731 : vector<16xf32>
        %mul3A_733 = arith.constant 2 : i32
        %mul3A_734 = arith.muli %mul3A_733, %scan3A_593 : i32
        %get3A_735 = arith.index_cast %mul3A_734 : i32 to index
        %get3A_736 = arith.constant 112 : index
        %get3A_737 = tpu.vector_load %arg8[%get3A_735, %get3A_736] {strides = array<i32>} : memref<128x128xf32, #tpu.memory_space<vmem>>, vector<1x16xf32>,
        %get3A_738 = vector.shape_cast %get3A_737 : vector<1x16xf32> to vector<16xf32>
        %mul3A_739 = arith.mulf %get3A_11, %get3A_738 : vector<16xf32>
        %add3A_740 = arith.addf %mul3A_732, %mul3A_739 : vector<16xf32>
        %mul3A_741 = arith.constant 2 : i32
        %mul3A_742 = arith.muli %mul3A_741, %scan3A_593 : i32
        %add3A_743 = arith.constant 1 : i32
        %add3A_744 = arith.addi %mul3A_742, %add3A_743 : i32
        %get3A_745 = arith.index_cast %add3A_744 : i32 to index
        %get3A_746 = arith.constant 48 : index
        %get3A_747 = tpu.vector_load %arg8[%get3A_745, %get3A_746] {strides = array<i32>} : memref<128x128xf32, #tpu.memory_space<vmem>>, vector<1x16xf32>,
        %get3A_748 = vector.shape_cast %get3A_747 : vector<1x16xf32> to vector<16xf32>
        %mul3A_749 = arith.mulf %get3A_6, %get3A_748 : vector<16xf32>
        %mul3A_750 = arith.constant 2 : i32
        %mul3A_751 = arith.muli %mul3A_750, %scan3A_593 : i32
        %add3A_752 = arith.constant 1 : i32
        %add3A_753 = arith.addi %mul3A_751, %add3A_752 : i32
        %get3A_754 = arith.index_cast %add3A_753 : i32 to index
        %get3A_755 = arith.constant 112 : index
        %get3A_756 = tpu.vector_load %arg8[%get3A_754, %get3A_755] {strides = array<i32>} : memref<128x128xf32, #tpu.memory_space<vmem>>, vector<1x16xf32>,
        %get3A_757 = vector.shape_cast %get3A_756 : vector<1x16xf32> to vector<16xf32>
        %mul3A_758 = arith.mulf %get3A_11, %get3A_757 : vector<16xf32>
        %add3A_759 = arith.addf %mul3A_749, %mul3A_758 : vector<16xf32>
        %swap3A_760 = arith.index_cast %scan3A_593 : i32 to index
        %swap3A_761 = arith.constant 48 : index
        %swap3A_762 = tpu.vector_load %arg8[%swap3A_760, %swap3A_761] {strides = array<i32>} : memref<128x128xf32, #tpu.memory_space<vmem>>, vector<1x16xf32>,
        %swap3A_763 = vector.shape_cast %swap3A_762 : vector<1x16xf32> to vector<16xf32>
        %swap3A_764 = vector.shape_cast %add3A_740 : vector<16xf32> to vector<1x16xf32>
        tpu.vector_store %arg8[%swap3A_760, %swap3A_761], %swap3A_764 {strides = array<i32>} : memref<128x128xf32, #tpu.memory_space<vmem>>, vector<1x16xf32>,
        %swap3A_765 = arith.index_cast %scan3A_593 : i32 to index
        %swap3A_766 = arith.constant 112 : index
        %swap3A_767 = tpu.vector_load %arg8[%swap3A_765, %swap3A_766] {strides = array<i32>} : memref<128x128xf32, #tpu.memory_space<vmem>>, vector<1x16xf32>,
        %swap3A_768 = vector.shape_cast %swap3A_767 : vector<1x16xf32> to vector<16xf32>
        %swap3A_769 = vector.shape_cast %add3A_759 : vector<16xf32> to vector<1x16xf32>
        tpu.vector_store %arg8[%swap3A_765, %swap3A_766], %swap3A_769 {strides = array<i32>} : memref<128x128xf32, #tpu.memory_space<vmem>>, vector<1x16xf32>,
        %scan3A_770 = arith.constant 2 : i32
        %scan3A_771 = arith.addi %scan3A_416, %scan3A_770 : i32
        %mul3A_772 = arith.constant 2 : i32
        %mul3A_773 = arith.muli %mul3A_772, %scan3A_771 : i32
        %get3A_774 = arith.index_cast %mul3A_773 : i32 to index
        %get3A_775 = arith.constant 0 : index
        %get3A_776 = tpu.vector_load %arg8[%get3A_774, %get3A_775] {strides = array<i32>} : memref<128x128xf32, #tpu.memory_space<vmem>>, vector<1x16xf32>,
        %get3A_777 = vector.shape_cast %get3A_776 : vector<1x16xf32> to vector<16xf32>
        %mul3A_778 = arith.mulf %get3A_6, %get3A_777 : vector<16xf32>
        %mul3A_779 = arith.constant 2 : i32
        %mul3A_780 = arith.muli %mul3A_779, %scan3A_771 : i32
        %get3A_781 = arith.index_cast %mul3A_780 : i32 to index
        %get3A_782 = arith.constant 64 : index
        %get3A_783 = tpu.vector_load %arg8[%get3A_781, %get3A_782] {strides = array<i32>} : memref<128x128xf32, #tpu.memory_space<vmem>>, vector<1x16xf32>,
        %get3A_784 = vector.shape_cast %get3A_783 : vector<1x16xf32> to vector<16xf32>
        %mul3A_785 = arith.mulf %get3A_11, %get3A_784 : vector<16xf32>
        %add3A_786 = arith.addf %mul3A_778, %mul3A_785 : vector<16xf32>
        %mul3A_787 = arith.constant 2 : i32
        %mul3A_788 = arith.muli %mul3A_787, %scan3A_771 : i32
        %add3A_789 = arith.constant 1 : i32
        %add3A_790 = arith.addi %mul3A_788, %add3A_789 : i32
        %get3A_791 = arith.index_cast %add3A_790 : i32 to index
        %get3A_792 = arith.constant 0 : index
        %get3A_793 = tpu.vector_load %arg8[%get3A_791, %get3A_792] {strides = array<i32>} : memref<128x128xf32, #tpu.memory_space<vmem>>, vector<1x16xf32>,
        %get3A_794 = vector.shape_cast %get3A_793 : vector<1x16xf32> to vector<16xf32>
        %mul3A_795 = arith.mulf %get3A_6, %get3A_794 : vector<16xf32>
        %mul3A_796 = arith.constant 2 : i32
        %mul3A_797 = arith.muli %mul3A_796, %scan3A_771 : i32
        %add3A_798 = arith.constant 1 : i32
        %add3A_799 = arith.addi %mul3A_797, %add3A_798 : i32
        %get3A_800 = arith.index_cast %add3A_799 : i32 to index
        %get3A_801 = arith.constant 64 : index
        %get3A_802 = tpu.vector_load %arg8[%get3A_800, %get3A_801] {strides = array<i32>} : memref<128x128xf32, #tpu.memory_space<vmem>>, vector<1x16xf32>,
        %get3A_803 = vector.shape_cast %get3A_802 : vector<1x16xf32> to vector<16xf32>
        %mul3A_804 = arith.mulf %get3A_11, %get3A_803 : vector<16xf32>
        %add3A_805 = arith.addf %mul3A_795, %mul3A_804 : vector<16xf32>
        %swap3A_806 = arith.index_cast %scan3A_771 : i32 to index
        %swap3A_807 = arith.constant 0 : index
        %swap3A_808 = tpu.vector_load %arg8[%swap3A_806, %swap3A_807] {strides = array<i32>} : memref<128x128xf32, #tpu.memory_space<vmem>>, vector<1x16xf32>,
        %swap3A_809 = vector.shape_cast %swap3A_808 : vector<1x16xf32> to vector<16xf32>
        %swap3A_810 = vector.shape_cast %add3A_786 : vector<16xf32> to vector<1x16xf32>
        tpu.vector_store %arg8[%swap3A_806, %swap3A_807], %swap3A_810 {strides = array<i32>} : memref<128x128xf32, #tpu.memory_space<vmem>>, vector<1x16xf32>,
        %swap3A_811 = arith.index_cast %scan3A_771 : i32 to index
        %swap3A_812 = arith.constant 64 : index
        %swap3A_813 = tpu.vector_load %arg8[%swap3A_811, %swap3A_812] {strides = array<i32>} : memref<128x128xf32, #tpu.memory_space<vmem>>, vector<1x16xf32>,
        %swap3A_814 = vector.shape_cast %swap3A_813 : vector<1x16xf32> to vector<16xf32>
        %swap3A_815 = vector.shape_cast %add3A_805 : vector<16xf32> to vector<1x16xf32>
        tpu.vector_store %arg8[%swap3A_811, %swap3A_812], %swap3A_815 {strides = array<i32>} : memref<128x128xf32, #tpu.memory_space<vmem>>, vector<1x16xf32>,
        %mul3A_816 = arith.constant 2 : i32
        %mul3A_817 = arith.muli %mul3A_816, %scan3A_771 : i32
        %get3A_818 = arith.index_cast %mul3A_817 : i32 to index
        %get3A_819 = arith.constant 16 : index
        %get3A_820 = tpu.vector_load %arg8[%get3A_818, %get3A_819] {strides = array<i32>} : memref<128x128xf32, #tpu.memory_space<vmem>>, vector<1x16xf32>,
        %get3A_821 = vector.shape_cast %get3A_820 : vector<1x16xf32> to vector<16xf32>
        %mul3A_822 = arith.mulf %get3A_6, %get3A_821 : vector<16xf32>
        %mul3A_823 = arith.constant 2 : i32
        %mul3A_824 = arith.muli %mul3A_823, %scan3A_771 : i32
        %get3A_825 = arith.index_cast %mul3A_824 : i32 to index
        %get3A_826 = arith.constant 80 : index
        %get3A_827 = tpu.vector_load %arg8[%get3A_825, %get3A_826] {strides = array<i32>} : memref<128x128xf32, #tpu.memory_space<vmem>>, vector<1x16xf32>,
        %get3A_828 = vector.shape_cast %get3A_827 : vector<1x16xf32> to vector<16xf32>
        %mul3A_829 = arith.mulf %get3A_11, %get3A_828 : vector<16xf32>
        %add3A_830 = arith.addf %mul3A_822, %mul3A_829 : vector<16xf32>
        %mul3A_831 = arith.constant 2 : i32
        %mul3A_832 = arith.muli %mul3A_831, %scan3A_771 : i32
        %add3A_833 = arith.constant 1 : i32
        %add3A_834 = arith.addi %mul3A_832, %add3A_833 : i32
        %get3A_835 = arith.index_cast %add3A_834 : i32 to index
        %get3A_836 = arith.constant 16 : index
        %get3A_837 = tpu.vector_load %arg8[%get3A_835, %get3A_836] {strides = array<i32>} : memref<128x128xf32, #tpu.memory_space<vmem>>, vector<1x16xf32>,
        %get3A_838 = vector.shape_cast %get3A_837 : vector<1x16xf32> to vector<16xf32>
        %mul3A_839 = arith.mulf %get3A_6, %get3A_838 : vector<16xf32>
        %mul3A_840 = arith.constant 2 : i32
        %mul3A_841 = arith.muli %mul3A_840, %scan3A_771 : i32
        %add3A_842 = arith.constant 1 : i32
        %add3A_843 = arith.addi %mul3A_841, %add3A_842 : i32
        %get3A_844 = arith.index_cast %add3A_843 : i32 to index
        %get3A_845 = arith.constant 80 : index
        %get3A_846 = tpu.vector_load %arg8[%get3A_844, %get3A_845] {strides = array<i32>} : memref<128x128xf32, #tpu.memory_space<vmem>>, vector<1x16xf32>,
        %get3A_847 = vector.shape_cast %get3A_846 : vector<1x16xf32> to vector<16xf32>
        %mul3A_848 = arith.mulf %get3A_11, %get3A_847 : vector<16xf32>
        %add3A_849 = arith.addf %mul3A_839, %mul3A_848 : vector<16xf32>
        %swap3A_850 = arith.index_cast %scan3A_771 : i32 to index
        %swap3A_851 = arith.constant 16 : index
        %swap3A_852 = tpu.vector_load %arg8[%swap3A_850, %swap3A_851] {strides = array<i32>} : memref<128x128xf32, #tpu.memory_space<vmem>>, vector<1x16xf32>,
        %swap3A_853 = vector.shape_cast %swap3A_852 : vector<1x16xf32> to vector<16xf32>
        %swap3A_854 = vector.shape_cast %add3A_830 : vector<16xf32> to vector<1x16xf32>
        tpu.vector_store %arg8[%swap3A_850, %swap3A_851], %swap3A_854 {strides = array<i32>} : memref<128x128xf32, #tpu.memory_space<vmem>>, vector<1x16xf32>,
        %swap3A_855 = arith.index_cast %scan3A_771 : i32 to index
        %swap3A_856 = arith.constant 80 : index
        %swap3A_857 = tpu.vector_load %arg8[%swap3A_855, %swap3A_856] {strides = array<i32>} : memref<128x128xf32, #tpu.memory_space<vmem>>, vector<1x16xf32>,
        %swap3A_858 = vector.shape_cast %swap3A_857 : vector<1x16xf32> to vector<16xf32>
        %swap3A_859 = vector.shape_cast %add3A_849 : vector<16xf32> to vector<1x16xf32>
        tpu.vector_store %arg8[%swap3A_855, %swap3A_856], %swap3A_859 {strides = array<i32>} : memref<128x128xf32, #tpu.memory_space<vmem>>, vector<1x16xf32>,
        %mul3A_860 = arith.constant 2 : i32
        %mul3A_861 = arith.muli %mul3A_860, %scan3A_771 : i32
        %get3A_862 = arith.index_cast %mul3A_861 : i32 to index
        %get3A_863 = arith.constant 32 : index
        %get3A_864 = tpu.vector_load %arg8[%get3A_862, %get3A_863] {strides = array<i32>} : memref<128x128xf32, #tpu.memory_space<vmem>>, vector<1x16xf32>,
        %get3A_865 = vector.shape_cast %get3A_864 : vector<1x16xf32> to vector<16xf32>
        %mul3A_866 = arith.mulf %get3A_6, %get3A_865 : vector<16xf32>
        %mul3A_867 = arith.constant 2 : i32
        %mul3A_868 = arith.muli %mul3A_867, %scan3A_771 : i32
        %get3A_869 = arith.index_cast %mul3A_868 : i32 to index
        %get3A_870 = arith.constant 96 : index
        %get3A_871 = tpu.vector_load %arg8[%get3A_869, %get3A_870] {strides = array<i32>} : memref<128x128xf32, #tpu.memory_space<vmem>>, vector<1x16xf32>,
        %get3A_872 = vector.shape_cast %get3A_871 : vector<1x16xf32> to vector<16xf32>
        %mul3A_873 = arith.mulf %get3A_11, %get3A_872 : vector<16xf32>
        %add3A_874 = arith.addf %mul3A_866, %mul3A_873 : vector<16xf32>
        %mul3A_875 = arith.constant 2 : i32
        %mul3A_876 = arith.muli %mul3A_875, %scan3A_771 : i32
        %add3A_877 = arith.constant 1 : i32
        %add3A_878 = arith.addi %mul3A_876, %add3A_877 : i32
        %get3A_879 = arith.index_cast %add3A_878 : i32 to index
        %get3A_880 = arith.constant 32 : index
        %get3A_881 = tpu.vector_load %arg8[%get3A_879, %get3A_880] {strides = array<i32>} : memref<128x128xf32, #tpu.memory_space<vmem>>, vector<1x16xf32>,
        %get3A_882 = vector.shape_cast %get3A_881 : vector<1x16xf32> to vector<16xf32>
        %mul3A_883 = arith.mulf %get3A_6, %get3A_882 : vector<16xf32>
        %mul3A_884 = arith.constant 2 : i32
        %mul3A_885 = arith.muli %mul3A_884, %scan3A_771 : i32
        %add3A_886 = arith.constant 1 : i32
        %add3A_887 = arith.addi %mul3A_885, %add3A_886 : i32
        %get3A_888 = arith.index_cast %add3A_887 : i32 to index
        %get3A_889 = arith.constant 96 : index
        %get3A_890 = tpu.vector_load %arg8[%get3A_888, %get3A_889] {strides = array<i32>} : memref<128x128xf32, #tpu.memory_space<vmem>>, vector<1x16xf32>,
        %get3A_891 = vector.shape_cast %get3A_890 : vector<1x16xf32> to vector<16xf32>
        %mul3A_892 = arith.mulf %get3A_11, %get3A_891 : vector<16xf32>
        %add3A_893 = arith.addf %mul3A_883, %mul3A_892 : vector<16xf32>
        %swap3A_894 = arith.index_cast %scan3A_771 : i32 to index
        %swap3A_895 = arith.constant 32 : index
        %swap3A_896 = tpu.vector_load %arg8[%swap3A_894, %swap3A_895] {strides = array<i32>} : memref<128x128xf32, #tpu.memory_space<vmem>>, vector<1x16xf32>,
        %swap3A_897 = vector.shape_cast %swap3A_896 : vector<1x16xf32> to vector<16xf32>
        %swap3A_898 = vector.shape_cast %add3A_874 : vector<16xf32> to vector<1x16xf32>
        tpu.vector_store %arg8[%swap3A_894, %swap3A_895], %swap3A_898 {strides = array<i32>} : memref<128x128xf32, #tpu.memory_space<vmem>>, vector<1x16xf32>,
        %swap3A_899 = arith.index_cast %scan3A_771 : i32 to index
        %swap3A_900 = arith.constant 96 : index
        %swap3A_901 = tpu.vector_load %arg8[%swap3A_899, %swap3A_900] {strides = array<i32>} : memref<128x128xf32, #tpu.memory_space<vmem>>, vector<1x16xf32>,
        %swap3A_902 = vector.shape_cast %swap3A_901 : vector<1x16xf32> to vector<16xf32>
        %swap3A_903 = vector.shape_cast %add3A_893 : vector<16xf32> to vector<1x16xf32>
        tpu.vector_store %arg8[%swap3A_899, %swap3A_900], %swap3A_903 {strides = array<i32>} : memref<128x128xf32, #tpu.memory_space<vmem>>, vector<1x16xf32>,
        %mul3A_904 = arith.constant 2 : i32
        %mul3A_905 = arith.muli %mul3A_904, %scan3A_771 : i32
        %get3A_906 = arith.index_cast %mul3A_905 : i32 to index
        %get3A_907 = arith.constant 48 : index
        %get3A_908 = tpu.vector_load %arg8[%get3A_906, %get3A_907] {strides = array<i32>} : memref<128x128xf32, #tpu.memory_space<vmem>>, vector<1x16xf32>,
        %get3A_909 = vector.shape_cast %get3A_908 : vector<1x16xf32> to vector<16xf32>
        %mul3A_910 = arith.mulf %get3A_6, %get3A_909 : vector<16xf32>
        %mul3A_911 = arith.constant 2 : i32
        %mul3A_912 = arith.muli %mul3A_911, %scan3A_771 : i32
        %get3A_913 = arith.index_cast %mul3A_912 : i32 to index
        %get3A_914 = arith.constant 112 : index
        %get3A_915 = tpu.vector_load %arg8[%get3A_913, %get3A_914] {strides = array<i32>} : memref<128x128xf32, #tpu.memory_space<vmem>>, vector<1x16xf32>,
        %get3A_916 = vector.shape_cast %get3A_915 : vector<1x16xf32> to vector<16xf32>
        %mul3A_917 = arith.mulf %get3A_11, %get3A_916 : vector<16xf32>
        %add3A_918 = arith.addf %mul3A_910, %mul3A_917 : vector<16xf32>
        %mul3A_919 = arith.constant 2 : i32
        %mul3A_920 = arith.muli %mul3A_919, %scan3A_771 : i32
        %add3A_921 = arith.constant 1 : i32
        %add3A_922 = arith.addi %mul3A_920, %add3A_921 : i32
        %get3A_923 = arith.index_cast %add3A_922 : i32 to index
        %get3A_924 = arith.constant 48 : index
        %get3A_925 = tpu.vector_load %arg8[%get3A_923, %get3A_924] {strides = array<i32>} : memref<128x128xf32, #tpu.memory_space<vmem>>, vector<1x16xf32>,
        %get3A_926 = vector.shape_cast %get3A_925 : vector<1x16xf32> to vector<16xf32>
        %mul3A_927 = arith.mulf %get3A_6, %get3A_926 : vector<16xf32>
        %mul3A_928 = arith.constant 2 : i32
        %mul3A_929 = arith.muli %mul3A_928, %scan3A_771 : i32
        %add3A_930 = arith.constant 1 : i32
        %add3A_931 = arith.addi %mul3A_929, %add3A_930 : i32
        %get3A_932 = arith.index_cast %add3A_931 : i32 to index
        %get3A_933 = arith.constant 112 : index
        %get3A_934 = tpu.vector_load %arg8[%get3A_932, %get3A_933] {strides = array<i32>} : memref<128x128xf32, #tpu.memory_space<vmem>>, vector<1x16xf32>,
        %get3A_935 = vector.shape_cast %get3A_934 : vector<1x16xf32> to vector<16xf32>
        %mul3A_936 = arith.mulf %get3A_11, %get3A_935 : vector<16xf32>
        %add3A_937 = arith.addf %mul3A_927, %mul3A_936 : vector<16xf32>
        %swap3A_938 = arith.index_cast %scan3A_771 : i32 to index
        %swap3A_939 = arith.constant 48 : index
        %swap3A_940 = tpu.vector_load %arg8[%swap3A_938, %swap3A_939] {strides = array<i32>} : memref<128x128xf32, #tpu.memory_space<vmem>>, vector<1x16xf32>,
        %swap3A_941 = vector.shape_cast %swap3A_940 : vector<1x16xf32> to vector<16xf32>
        %swap3A_942 = vector.shape_cast %add3A_918 : vector<16xf32> to vector<1x16xf32>
        tpu.vector_store %arg8[%swap3A_938, %swap3A_939], %swap3A_942 {strides = array<i32>} : memref<128x128xf32, #tpu.memory_space<vmem>>, vector<1x16xf32>,
        %swap3A_943 = arith.index_cast %scan3A_771 : i32 to index
        %swap3A_944 = arith.constant 112 : index
        %swap3A_945 = tpu.vector_load %arg8[%swap3A_943, %swap3A_944] {strides = array<i32>} : memref<128x128xf32, #tpu.memory_space<vmem>>, vector<1x16xf32>,
        %swap3A_946 = vector.shape_cast %swap3A_945 : vector<1x16xf32> to vector<16xf32>
        %swap3A_947 = vector.shape_cast %add3A_937 : vector<16xf32> to vector<1x16xf32>
        tpu.vector_store %arg8[%swap3A_943, %swap3A_944], %swap3A_947 {strides = array<i32>} : memref<128x128xf32, #tpu.memory_space<vmem>>, vector<1x16xf32>,
        %scan3A_948 = arith.constant 3 : i32
        %scan3A_949 = arith.addi %scan3A_416, %scan3A_948 : i32
        %mul3A_950 = arith.constant 2 : i32
        %mul3A_951 = arith.muli %mul3A_950, %scan3A_949 : i32
        %get3A_952 = arith.index_cast %mul3A_951 : i32 to index
        %get3A_953 = arith.constant 0 : index
        %get3A_954 = tpu.vector_load %arg8[%get3A_952, %get3A_953] {strides = array<i32>} : memref<128x128xf32, #tpu.memory_space<vmem>>, vector<1x16xf32>,
        %get3A_955 = vector.shape_cast %get3A_954 : vector<1x16xf32> to vector<16xf32>
        %mul3A_956 = arith.mulf %get3A_6, %get3A_955 : vector<16xf32>
        %mul3A_957 = arith.constant 2 : i32
        %mul3A_958 = arith.muli %mul3A_957, %scan3A_949 : i32
        %get3A_959 = arith.index_cast %mul3A_958 : i32 to index
        %get3A_960 = arith.constant 64 : index
        %get3A_961 = tpu.vector_load %arg8[%get3A_959, %get3A_960] {strides = array<i32>} : memref<128x128xf32, #tpu.memory_space<vmem>>, vector<1x16xf32>,
        %get3A_962 = vector.shape_cast %get3A_961 : vector<1x16xf32> to vector<16xf32>
        %mul3A_963 = arith.mulf %get3A_11, %get3A_962 : vector<16xf32>
        %add3A_964 = arith.addf %mul3A_956, %mul3A_963 : vector<16xf32>
        %mul3A_965 = arith.constant 2 : i32
        %mul3A_966 = arith.muli %mul3A_965, %scan3A_949 : i32
        %add3A_967 = arith.constant 1 : i32
        %add3A_968 = arith.addi %mul3A_966, %add3A_967 : i32
        %get3A_969 = arith.index_cast %add3A_968 : i32 to index
        %get3A_970 = arith.constant 0 : index
        %get3A_971 = tpu.vector_load %arg8[%get3A_969, %get3A_970] {strides = array<i32>} : memref<128x128xf32, #tpu.memory_space<vmem>>, vector<1x16xf32>,
        %get3A_972 = vector.shape_cast %get3A_971 : vector<1x16xf32> to vector<16xf32>
        %mul3A_973 = arith.mulf %get3A_6, %get3A_972 : vector<16xf32>
        %mul3A_974 = arith.constant 2 : i32
        %mul3A_975 = arith.muli %mul3A_974, %scan3A_949 : i32
        %add3A_976 = arith.constant 1 : i32
        %add3A_977 = arith.addi %mul3A_975, %add3A_976 : i32
        %get3A_978 = arith.index_cast %add3A_977 : i32 to index
        %get3A_979 = arith.constant 64 : index
        %get3A_980 = tpu.vector_load %arg8[%get3A_978, %get3A_979] {strides = array<i32>} : memref<128x128xf32, #tpu.memory_space<vmem>>, vector<1x16xf32>,
        %get3A_981 = vector.shape_cast %get3A_980 : vector<1x16xf32> to vector<16xf32>
        %mul3A_982 = arith.mulf %get3A_11, %get3A_981 : vector<16xf32>
        %add3A_983 = arith.addf %mul3A_973, %mul3A_982 : vector<16xf32>
        %swap3A_984 = arith.index_cast %scan3A_949 : i32 to index
        %swap3A_985 = arith.constant 0 : index
        %swap3A_986 = tpu.vector_load %arg8[%swap3A_984, %swap3A_985] {strides = array<i32>} : memref<128x128xf32, #tpu.memory_space<vmem>>, vector<1x16xf32>,
        %swap3A_987 = vector.shape_cast %swap3A_986 : vector<1x16xf32> to vector<16xf32>
        %swap3A_988 = vector.shape_cast %add3A_964 : vector<16xf32> to vector<1x16xf32>
        tpu.vector_store %arg8[%swap3A_984, %swap3A_985], %swap3A_988 {strides = array<i32>} : memref<128x128xf32, #tpu.memory_space<vmem>>, vector<1x16xf32>,
        %swap3A_989 = arith.index_cast %scan3A_949 : i32 to index
        %swap3A_990 = arith.constant 64 : index
        %swap3A_991 = tpu.vector_load %arg8[%swap3A_989, %swap3A_990] {strides = array<i32>} : memref<128x128xf32, #tpu.memory_space<vmem>>, vector<1x16xf32>,
        %swap3A_992 = vector.shape_cast %swap3A_991 : vector<1x16xf32> to vector<16xf32>
        %swap3A_993 = vector.shape_cast %add3A_983 : vector<16xf32> to vector<1x16xf32>
        tpu.vector_store %arg8[%swap3A_989, %swap3A_990], %swap3A_993 {strides = array<i32>} : memref<128x128xf32, #tpu.memory_space<vmem>>, vector<1x16xf32>,
        %mul3A_994 = arith.constant 2 : i32
        %mul3A_995 = arith.muli %mul3A_994, %scan3A_949 : i32
        %get3A_996 = arith.index_cast %mul3A_995 : i32 to index
        %get3A_997 = arith.constant 16 : index
        %get3A_998 = tpu.vector_load %arg8[%get3A_996, %get3A_997] {strides = array<i32>} : memref<128x128xf32, #tpu.memory_space<vmem>>, vector<1x16xf32>,
        %get3A_999 = vector.shape_cast %get3A_998 : vector<1x16xf32> to vector<16xf32>
        %mul3A_1000 = arith.mulf %get3A_6, %get3A_999 : vector<16xf32>
        %mul3A_1001 = arith.constant 2 : i32
        %mul3A_1002 = arith.muli %mul3A_1001, %scan3A_949 : i32
        %get3A_1003 = arith.index_cast %mul3A_1002 : i32 to index
        %get3A_1004 = arith.constant 80 : index
        %get3A_1005 = tpu.vector_load %arg8[%get3A_1003, %get3A_1004] {strides = array<i32>} : memref<128x128xf32, #tpu.memory_space<vmem>>, vector<1x16xf32>,
        %get3A_1006 = vector.shape_cast %get3A_1005 : vector<1x16xf32> to vector<16xf32>
        %mul3A_1007 = arith.mulf %get3A_11, %get3A_1006 : vector<16xf32>
        %add3A_1008 = arith.addf %mul3A_1000, %mul3A_1007 : vector<16xf32>
        %mul3A_1009 = arith.constant 2 : i32
        %mul3A_1010 = arith.muli %mul3A_1009, %scan3A_949 : i32
        %add3A_1011 = arith.constant 1 : i32
        %add3A_1012 = arith.addi %mul3A_1010, %add3A_1011 : i32
        %get3A_1013 = arith.index_cast %add3A_1012 : i32 to index
        %get3A_1014 = arith.constant 16 : index
        %get3A_1015 = tpu.vector_load %arg8[%get3A_1013, %get3A_1014] {strides = array<i32>} : memref<128x128xf32, #tpu.memory_space<vmem>>, vector<1x16xf32>,
        %get3A_1016 = vector.shape_cast %get3A_1015 : vector<1x16xf32> to vector<16xf32>
        %mul3A_1017 = arith.mulf %get3A_6, %get3A_1016 : vector<16xf32>
        %mul3A_1018 = arith.constant 2 : i32
        %mul3A_1019 = arith.muli %mul3A_1018, %scan3A_949 : i32
        %add3A_1020 = arith.constant 1 : i32
        %add3A_1021 = arith.addi %mul3A_1019, %add3A_1020 : i32
        %get3A_1022 = arith.index_cast %add3A_1021 : i32 to index
        %get3A_1023 = arith.constant 80 : index
        %get3A_1024 = tpu.vector_load %arg8[%get3A_1022, %get3A_1023] {strides = array<i32>} : memref<128x128xf32, #tpu.memory_space<vmem>>, vector<1x16xf32>,
        %get3A_1025 = vector.shape_cast %get3A_1024 : vector<1x16xf32> to vector<16xf32>
        %mul3A_1026 = arith.mulf %get3A_11, %get3A_1025 : vector<16xf32>
        %add3A_1027 = arith.addf %mul3A_1017, %mul3A_1026 : vector<16xf32>
        %swap3A_1028 = arith.index_cast %scan3A_949 : i32 to index
        %swap3A_1029 = arith.constant 16 : index
        %swap3A_1030 = tpu.vector_load %arg8[%swap3A_1028, %swap3A_1029] {strides = array<i32>} : memref<128x128xf32, #tpu.memory_space<vmem>>, vector<1x16xf32>,
        %swap3A_1031 = vector.shape_cast %swap3A_1030 : vector<1x16xf32> to vector<16xf32>
        %swap3A_1032 = vector.shape_cast %add3A_1008 : vector<16xf32> to vector<1x16xf32>
        tpu.vector_store %arg8[%swap3A_1028, %swap3A_1029], %swap3A_1032 {strides = array<i32>} : memref<128x128xf32, #tpu.memory_space<vmem>>, vector<1x16xf32>,
        %swap3A_1033 = arith.index_cast %scan3A_949 : i32 to index
        %swap3A_1034 = arith.constant 80 : index
        %swap3A_1035 = tpu.vector_load %arg8[%swap3A_1033, %swap3A_1034] {strides = array<i32>} : memref<128x128xf32, #tpu.memory_space<vmem>>, vector<1x16xf32>,
        %swap3A_1036 = vector.shape_cast %swap3A_1035 : vector<1x16xf32> to vector<16xf32>
        %swap3A_1037 = vector.shape_cast %add3A_1027 : vector<16xf32> to vector<1x16xf32>
        tpu.vector_store %arg8[%swap3A_1033, %swap3A_1034], %swap3A_1037 {strides = array<i32>} : memref<128x128xf32, #tpu.memory_space<vmem>>, vector<1x16xf32>,
        %mul3A_1038 = arith.constant 2 : i32
        %mul3A_1039 = arith.muli %mul3A_1038, %scan3A_949 : i32
        %get3A_1040 = arith.index_cast %mul3A_1039 : i32 to index
        %get3A_1041 = arith.constant 32 : index
        %get3A_1042 = tpu.vector_load %arg8[%get3A_1040, %get3A_1041] {strides = array<i32>} : memref<128x128xf32, #tpu.memory_space<vmem>>, vector<1x16xf32>,
        %get3A_1043 = vector.shape_cast %get3A_1042 : vector<1x16xf32> to vector<16xf32>
        %mul3A_1044 = arith.mulf %get3A_6, %get3A_1043 : vector<16xf32>
        %mul3A_1045 = arith.constant 2 : i32
        %mul3A_1046 = arith.muli %mul3A_1045, %scan3A_949 : i32
        %get3A_1047 = arith.index_cast %mul3A_1046 : i32 to index
        %get3A_1048 = arith.constant 96 : index
        %get3A_1049 = tpu.vector_load %arg8[%get3A_1047, %get3A_1048] {strides = array<i32>} : memref<128x128xf32, #tpu.memory_space<vmem>>, vector<1x16xf32>,
        %get3A_1050 = vector.shape_cast %get3A_1049 : vector<1x16xf32> to vector<16xf32>
        %mul3A_1051 = arith.mulf %get3A_11, %get3A_1050 : vector<16xf32>
        %add3A_1052 = arith.addf %mul3A_1044, %mul3A_1051 : vector<16xf32>
        %mul3A_1053 = arith.constant 2 : i32
        %mul3A_1054 = arith.muli %mul3A_1053, %scan3A_949 : i32
        %add3A_1055 = arith.constant 1 : i32
        %add3A_1056 = arith.addi %mul3A_1054, %add3A_1055 : i32
        %get3A_1057 = arith.index_cast %add3A_1056 : i32 to index
        %get3A_1058 = arith.constant 32 : index
        %get3A_1059 = tpu.vector_load %arg8[%get3A_1057, %get3A_1058] {strides = array<i32>} : memref<128x128xf32, #tpu.memory_space<vmem>>, vector<1x16xf32>,
        %get3A_1060 = vector.shape_cast %get3A_1059 : vector<1x16xf32> to vector<16xf32>
        %mul3A_1061 = arith.mulf %get3A_6, %get3A_1060 : vector<16xf32>
        %mul3A_1062 = arith.constant 2 : i32
        %mul3A_1063 = arith.muli %mul3A_1062, %scan3A_949 : i32
        %add3A_1064 = arith.constant 1 : i32
        %add3A_1065 = arith.addi %mul3A_1063, %add3A_1064 : i32
        %get3A_1066 = arith.index_cast %add3A_1065 : i32 to index
        %get3A_1067 = arith.constant 96 : index
        %get3A_1068 = tpu.vector_load %arg8[%get3A_1066, %get3A_1067] {strides = array<i32>} : memref<128x128xf32, #tpu.memory_space<vmem>>, vector<1x16xf32>,
        %get3A_1069 = vector.shape_cast %get3A_1068 : vector<1x16xf32> to vector<16xf32>
        %mul3A_1070 = arith.mulf %get3A_11, %get3A_1069 : vector<16xf32>
        %add3A_1071 = arith.addf %mul3A_1061, %mul3A_1070 : vector<16xf32>
        %swap3A_1072 = arith.index_cast %scan3A_949 : i32 to index
        %swap3A_1073 = arith.constant 32 : index
        %swap3A_1074 = tpu.vector_load %arg8[%swap3A_1072, %swap3A_1073] {strides = array<i32>} : memref<128x128xf32, #tpu.memory_space<vmem>>, vector<1x16xf32>,
        %swap3A_1075 = vector.shape_cast %swap3A_1074 : vector<1x16xf32> to vector<16xf32>
        %swap3A_1076 = vector.shape_cast %add3A_1052 : vector<16xf32> to vector<1x16xf32>
        tpu.vector_store %arg8[%swap3A_1072, %swap3A_1073], %swap3A_1076 {strides = array<i32>} : memref<128x128xf32, #tpu.memory_space<vmem>>, vector<1x16xf32>,
        %swap3A_1077 = arith.index_cast %scan3A_949 : i32 to index
        %swap3A_1078 = arith.constant 96 : index
        %swap3A_1079 = tpu.vector_load %arg8[%swap3A_1077, %swap3A_1078] {strides = array<i32>} : memref<128x128xf32, #tpu.memory_space<vmem>>, vector<1x16xf32>,
        %swap3A_1080 = vector.shape_cast %swap3A_1079 : vector<1x16xf32> to vector<16xf32>
        %swap3A_1081 = vector.shape_cast %add3A_1071 : vector<16xf32> to vector<1x16xf32>
        tpu.vector_store %arg8[%swap3A_1077, %swap3A_1078], %swap3A_1081 {strides = array<i32>} : memref<128x128xf32, #tpu.memory_space<vmem>>, vector<1x16xf32>,
        %mul3A_1082 = arith.constant 2 : i32
        %mul3A_1083 = arith.muli %mul3A_1082, %scan3A_949 : i32
        %get3A_1084 = arith.index_cast %mul3A_1083 : i32 to index
        %get3A_1085 = arith.constant 48 : index
        %get3A_1086 = tpu.vector_load %arg8[%get3A_1084, %get3A_1085] {strides = array<i32>} : memref<128x128xf32, #tpu.memory_space<vmem>>, vector<1x16xf32>,
        %get3A_1087 = vector.shape_cast %get3A_1086 : vector<1x16xf32> to vector<16xf32>
        %mul3A_1088 = arith.mulf %get3A_6, %get3A_1087 : vector<16xf32>
        %mul3A_1089 = arith.constant 2 : i32
        %mul3A_1090 = arith.muli %mul3A_1089, %scan3A_949 : i32
        %get3A_1091 = arith.index_cast %mul3A_1090 : i32 to index
        %get3A_1092 = arith.constant 112 : index
        %get3A_1093 = tpu.vector_load %arg8[%get3A_1091, %get3A_1092] {strides = array<i32>} : memref<128x128xf32, #tpu.memory_space<vmem>>, vector<1x16xf32>,
        %get3A_1094 = vector.shape_cast %get3A_1093 : vector<1x16xf32> to vector<16xf32>
        %mul3A_1095 = arith.mulf %get3A_11, %get3A_1094 : vector<16xf32>
        %add3A_1096 = arith.addf %mul3A_1088, %mul3A_1095 : vector<16xf32>
        %mul3A_1097 = arith.constant 2 : i32
        %mul3A_1098 = arith.muli %mul3A_1097, %scan3A_949 : i32
        %add3A_1099 = arith.constant 1 : i32
        %add3A_1100 = arith.addi %mul3A_1098, %add3A_1099 : i32
        %get3A_1101 = arith.index_cast %add3A_1100 : i32 to index
        %get3A_1102 = arith.constant 48 : index
        %get3A_1103 = tpu.vector_load %arg8[%get3A_1101, %get3A_1102] {strides = array<i32>} : memref<128x128xf32, #tpu.memory_space<vmem>>, vector<1x16xf32>,
        %get3A_1104 = vector.shape_cast %get3A_1103 : vector<1x16xf32> to vector<16xf32>
        %mul3A_1105 = arith.mulf %get3A_6, %get3A_1104 : vector<16xf32>
        %mul3A_1106 = arith.constant 2 : i32
        %mul3A_1107 = arith.muli %mul3A_1106, %scan3A_949 : i32
        %add3A_1108 = arith.constant 1 : i32
        %add3A_1109 = arith.addi %mul3A_1107, %add3A_1108 : i32
        %get3A_1110 = arith.index_cast %add3A_1109 : i32 to index
        %get3A_1111 = arith.constant 112 : index
        %get3A_1112 = tpu.vector_load %arg8[%get3A_1110, %get3A_1111] {strides = array<i32>} : memref<128x128xf32, #tpu.memory_space<vmem>>, vector<1x16xf32>,
        %get3A_1113 = vector.shape_cast %get3A_1112 : vector<1x16xf32> to vector<16xf32>
        %mul3A_1114 = arith.mulf %get3A_11, %get3A_1113 : vector<16xf32>
        %add3A_1115 = arith.addf %mul3A_1105, %mul3A_1114 : vector<16xf32>
        %swap3A_1116 = arith.index_cast %scan3A_949 : i32 to index
        %swap3A_1117 = arith.constant 48 : index
        %swap3A_1118 = tpu.vector_load %arg8[%swap3A_1116, %swap3A_1117] {strides = array<i32>} : memref<128x128xf32, #tpu.memory_space<vmem>>, vector<1x16xf32>,
        %swap3A_1119 = vector.shape_cast %swap3A_1118 : vector<1x16xf32> to vector<16xf32>
        %swap3A_1120 = vector.shape_cast %add3A_1096 : vector<16xf32> to vector<1x16xf32>
        tpu.vector_store %arg8[%swap3A_1116, %swap3A_1117], %swap3A_1120 {strides = array<i32>} : memref<128x128xf32, #tpu.memory_space<vmem>>, vector<1x16xf32>,
        %swap3A_1121 = arith.index_cast %scan3A_949 : i32 to index
        %swap3A_1122 = arith.constant 112 : index
        %swap3A_1123 = tpu.vector_load %arg8[%swap3A_1121, %swap3A_1122] {strides = array<i32>} : memref<128x128xf32, #tpu.memory_space<vmem>>, vector<1x16xf32>,
        %swap3A_1124 = vector.shape_cast %swap3A_1123 : vector<1x16xf32> to vector<16xf32>
        %swap3A_1125 = vector.shape_cast %add3A_1115 : vector<16xf32> to vector<1x16xf32>
        tpu.vector_store %arg8[%swap3A_1121, %swap3A_1122], %swap3A_1125 {strides = array<i32>} : memref<128x128xf32, #tpu.memory_space<vmem>>, vector<1x16xf32>,
      }
      %scan3A_248 = arith.constant 64 : i32
      %mul3A_249 = arith.constant 128 : i32
      %mul3A_250 = arith.muli %add3A_236, %mul3A_249 : i32
      %add3A_251 = arith.addi %mul3A_2, %mul3A_250 : i32
      %jit3A_252 = arith.constant 2 : i32
      %div3A_253 = arith.divsi %add3A_251, %jit3A_252 : i32
      %sign3A_254 = arith.constant 0 : i32
      %sign3A_255 = arith.cmpi sgt, %add3A_251, %sign3A_254 : i32
      %sign3A_256 = arith.extui %sign3A_255 : i1 to i32
      %sign3A_257 = arith.constant 0 : i32
      %sign3A_258 = arith.cmpi slt, %add3A_251, %sign3A_257 : i32
      %sign3A_259 = arith.extui %sign3A_258 : i1 to i32
      %sign3A_260 = arith.subi %sign3A_256, %sign3A_259 : i32
      %sign3A_261 = arith.constant 0 : i32
      %sign3A_262 = arith.cmpi sgt, %jit3A_252, %sign3A_261 : i32
      %sign3A_263 = arith.extui %sign3A_262 : i1 to i32
      %sign3A_264 = arith.constant 0 : i32
      %sign3A_265 = arith.cmpi slt, %jit3A_252, %sign3A_264 : i32
      %sign3A_266 = arith.extui %sign3A_265 : i1 to i32
      %sign3A_267 = arith.subi %sign3A_263, %sign3A_266 : i32
      %ne3A_268 = arith.cmpi ne, %sign3A_260, %sign3A_267 : i32
      %rem3A_269 = arith.remsi %add3A_251, %jit3A_252 : i32
      %ne3A_270 = arith.constant 0 : i32
      %ne3A_271 = arith.cmpi ne, %rem3A_269, %ne3A_270 : i32
      %and3A_272 = arith.andi %ne3A_268, %ne3A_271 : i1
      %sub3A_273 = arith.constant 1 : i32
      %sub3A_274 = arith.subi %div3A_253, %sub3A_273 : i32
      %select_n3A_275 = arith.select %and3A_272, %sub3A_274, %div3A_253 : i32
      %multiple_of3A_276 = tpu.assume_multiple %select_n3A_275, 64 : i32
      %dma_start3A_277 = arith.constant 0 : i32
      %dma_start3A_278 = arith.constant 0 : i32
      %dma_start3A_279 = tpu.memref_slice %arg8[%dma_start3A_277, %dma_start3A_278] : memref<128x128xf32, #tpu.memory_space<vmem>> -> memref<64x128xf32, #tpu.memory_space<vmem>>
      %dma_start3A_280 = arith.constant 0 : i32
      %dma_start3A_281 = tpu.memref_slice %arg5[%multiple_of3A_276, %dma_start3A_280] : memref<409600x128xf32, #tpu.memory_space<hbm>> -> memref<64x128xf32, #tpu.memory_space<hbm>>
      %dma_start3A_282 = arith.constant 0 : i32
      %dma_start3A_283 = tpu.memref_slice %arg5[%multiple_of3A_276, %dma_start3A_282] : memref<409600x128xf32, #tpu.memory_space<hbm>> -> memref<64x128xf32, #tpu.memory_space<hbm>>
      %dma_start3A_284 = arith.constant 0 : i32
      %dma_start3A_285 = arith.constant 0 : i32
      %dma_start3A_286 = tpu.memref_slice %arg8[%dma_start3A_284, %dma_start3A_285] : memref<128x128xf32, #tpu.memory_space<vmem>> -> memref<64x128xf32, #tpu.memory_space<vmem>>
      tpu.enqueue_dma source(%dma_start3A_286 : memref<64x128xf32, #tpu.memory_space<vmem>>) target(%dma_start3A_283 : memref<64x128xf32, #tpu.memory_space<hbm>>) target_semaphore(%arg17 : memref<!tpu.dma_semaphore, #tpu.memory_space<semaphore_mem>>)
      %add3A_287 = arith.constant 4 : i32
      %add3A_288 = arith.addi %add3A_236, %add3A_287 : i32
      %lt3A_289 = arith.constant 200 : i32
      %lt3A_290 = arith.cmpi slt, %add3A_288, %lt3A_289 : i32
      %convert_element_type3A_291 = arith.extui %lt3A_290 : i1 to i32
      %cond3A_292 = arith.constant 0 : i32
      %cond3A_293 = arith.cmpi ne, %convert_element_type3A_291, %cond3A_292 : i32
      scf.if %cond3A_293 {
        %mul3A_416 = arith.constant 128 : i32
        %mul3A_417 = arith.muli %add3A_236, %mul3A_416 : i32
        %add3A_418 = arith.addi %mul3A_2, %mul3A_417 : i32
        %jit3A_419 = arith.constant 2 : i32
        %div3A_420 = arith.divsi %add3A_418, %jit3A_419 : i32
        %sign3A_421 = arith.constant 0 : i32
        %sign3A_422 = arith.cmpi sgt, %add3A_418, %sign3A_421 : i32
        %sign3A_423 = arith.extui %sign3A_422 : i1 to i32
        %sign3A_424 = arith.constant 0 : i32
        %sign3A_425 = arith.cmpi slt, %add3A_418, %sign3A_424 : i32
        %sign3A_426 = arith.extui %sign3A_425 : i1 to i32
        %sign3A_427 = arith.subi %sign3A_423, %sign3A_426 : i32
        %sign3A_428 = arith.constant 0 : i32
        %sign3A_429 = arith.cmpi sgt, %jit3A_419, %sign3A_428 : i32
        %sign3A_430 = arith.extui %sign3A_429 : i1 to i32
        %sign3A_431 = arith.constant 0 : i32
        %sign3A_432 = arith.cmpi slt, %jit3A_419, %sign3A_431 : i32
        %sign3A_433 = arith.extui %sign3A_432 : i1 to i32
        %sign3A_434 = arith.subi %sign3A_430, %sign3A_433 : i32
        %ne3A_435 = arith.cmpi ne, %sign3A_427, %sign3A_434 : i32
        %rem3A_436 = arith.remsi %add3A_418, %jit3A_419 : i32
        %ne3A_437 = arith.constant 0 : i32
        %ne3A_438 = arith.cmpi ne, %rem3A_436, %ne3A_437 : i32
        %and3A_439 = arith.andi %ne3A_435, %ne3A_438 : i1
        %sub3A_440 = arith.constant 1 : i32
        %sub3A_441 = arith.subi %div3A_420, %sub3A_440 : i32
        %select_n3A_442 = arith.select %and3A_439, %sub3A_441, %div3A_420 : i32
        %multiple_of3A_443 = tpu.assume_multiple %select_n3A_442, 64 : i32
        %dma_wait3A_444 = arith.constant 0 : i32
        %dma_wait3A_445 = arith.constant 0 : i32
        %dma_wait3A_446 = tpu.memref_slice %arg8[%dma_wait3A_444, %dma_wait3A_445] : memref<128x128xf32, #tpu.memory_space<vmem>> -> memref<64x128xf32, #tpu.memory_space<vmem>>
        %dma_wait3A_447 = arith.constant 0 : i32
        %dma_wait3A_448 = tpu.memref_slice %arg5[%multiple_of3A_443, %dma_wait3A_447] : memref<409600x128xf32, #tpu.memory_space<hbm>> -> memref<64x128xf32, #tpu.memory_space<hbm>>
        %dma_wait3A_449 = arith.constant 0 : i32
        %dma_wait3A_450 = tpu.memref_slice %arg5[%multiple_of3A_443, %dma_wait3A_449] : memref<409600x128xf32, #tpu.memory_space<hbm>> -> memref<64x128xf32, #tpu.memory_space<hbm>>
        %dma_wait3A_451 = arith.constant 0 : i32
        %dma_wait3A_452 = arith.constant 0 : i32
        %dma_wait3A_453 = tpu.memref_slice %arg8[%dma_wait3A_451, %dma_wait3A_452] : memref<128x128xf32, #tpu.memory_space<vmem>> -> memref<64x128xf32, #tpu.memory_space<vmem>>
        tpu.wait_dma2 semaphore(%arg17 : memref<!tpu.dma_semaphore, #tpu.memory_space<semaphore_mem>>) src(%dma_wait3A_453 : memref<64x128xf32, #tpu.memory_space<vmem>>) dst(%dma_wait3A_450 : memref<64x128xf32, #tpu.memory_space<hbm>>)
        %add3A_454 = arith.constant 4 : i32
        %add3A_455 = arith.addi %add3A_236, %add3A_454 : i32
        %mul3A_456 = arith.constant 128 : i32
        %mul3A_457 = arith.muli %add3A_455, %mul3A_456 : i32
        %dma_start3A_458 = tpu.memref_slice %arg6[%mul3A_457] : memref<25600xi32, #tpu.memory_space<vmem>> -> memref<128xi32, #tpu.memory_space<vmem>>
        %dma_start3A_459 = arith.constant 0 : i32
        %dma_start3A_460 = arith.constant 0 : i32
        %dma_start3A_461 = tpu.memref_slice %arg3[%dma_start3A_459, %dma_start3A_460] : memref<1000000x128xf32, #tpu.memory_space<hbm>> -> memref<1000000x128xf32, #tpu.memory_space<hbm>>
        tpu.enqueue_indirect_dma source(%dma_start3A_461 : memref<1000000x128xf32, #tpu.memory_space<hbm>>) target(%arg8 : memref<128x128xf32, #tpu.memory_space<vmem>>) offsets(%dma_start3A_458 : memref<128xi32, #tpu.memory_space<vmem>>) semaphore(%arg13 : memref<!tpu.dma_semaphore, #tpu.memory_space<semaphore_mem>>)
      } else {
      }
      %mul3A_294 = arith.constant 4 : i32
      %mul3A_295 = arith.muli %scan3A_174, %mul3A_294 : i32
      %add3A_296 = arith.constant 2 : i32
      %add3A_297 = arith.addi %mul3A_295, %add3A_296 : i32
      %mul3A_298 = arith.constant 128 : i32
      %mul3A_299 = arith.muli %add3A_297, %mul3A_298 : i32
      %dma_wait3A_300 = tpu.memref_slice %arg6[%mul3A_299] : memref<25600xi32, #tpu.memory_space<vmem>> -> memref<128xi32, #tpu.memory_space<vmem>>
      %dma_wait3A_301 = arith.constant 0 : i32
      %dma_wait3A_302 = arith.constant 0 : i32
      %dma_wait3A_303 = tpu.memref_slice %arg3[%dma_wait3A_301, %dma_wait3A_302] : memref<1000000x128xf32, #tpu.memory_space<hbm>> -> memref<1000000x128xf32, #tpu.memory_space<hbm>>
      tpu.wait_indirect_dma semaphore(%arg14 : memref<!tpu.dma_semaphore, #tpu.memory_space<semaphore_mem>>) src(%dma_wait3A_303 : memref<1000000x128xf32, #tpu.memory_space<hbm>>) dst(%arg9 : memref<128x128xf32, #tpu.memory_space<vmem>>)
      %scan3A_304 = arith.constant 0 : i32
      %scan3A_305 = arith.constant 0 : i32
      %scan3A_306 = arith.constant 64 : i32
      %scan3A_307 = arith.addi %scan3A_305, %scan3A_306 : i32
      %scan3A_308 = arith.constant 4 : i32
      scf.for %scan3A_416 = %scan3A_305 to %scan3A_307 step %scan3A_308  : i32 {
        %mul3A_417 = arith.constant 2 : i32
        %mul3A_418 = arith.muli %mul3A_417, %scan3A_416 : i32
        %get3A_419 = arith.index_cast %mul3A_418 : i32 to index
        %get3A_420 = arith.constant 0 : index
        %get3A_421 = tpu.vector_load %arg9[%get3A_419, %get3A_420] {strides = array<i32>} : memref<128x128xf32, #tpu.memory_space<vmem>>, vector<1x16xf32>,
        %get3A_422 = vector.shape_cast %get3A_421 : vector<1x16xf32> to vector<16xf32>
        %mul3A_423 = arith.mulf %get3A_6, %get3A_422 : vector<16xf32>
        %mul3A_424 = arith.constant 2 : i32
        %mul3A_425 = arith.muli %mul3A_424, %scan3A_416 : i32
        %get3A_426 = arith.index_cast %mul3A_425 : i32 to index
        %get3A_427 = arith.constant 64 : index
        %get3A_428 = tpu.vector_load %arg9[%get3A_426, %get3A_427] {strides = array<i32>} : memref<128x128xf32, #tpu.memory_space<vmem>>, vector<1x16xf32>,
        %get3A_429 = vector.shape_cast %get3A_428 : vector<1x16xf32> to vector<16xf32>
        %mul3A_430 = arith.mulf %get3A_11, %get3A_429 : vector<16xf32>
        %add3A_431 = arith.addf %mul3A_423, %mul3A_430 : vector<16xf32>
        %mul3A_432 = arith.constant 2 : i32
        %mul3A_433 = arith.muli %mul3A_432, %scan3A_416 : i32
        %add3A_434 = arith.constant 1 : i32
        %add3A_435 = arith.addi %mul3A_433, %add3A_434 : i32
        %get3A_436 = arith.index_cast %add3A_435 : i32 to index
        %get3A_437 = arith.constant 0 : index
        %get3A_438 = tpu.vector_load %arg9[%get3A_436, %get3A_437] {strides = array<i32>} : memref<128x128xf32, #tpu.memory_space<vmem>>, vector<1x16xf32>,
        %get3A_439 = vector.shape_cast %get3A_438 : vector<1x16xf32> to vector<16xf32>
        %mul3A_440 = arith.mulf %get3A_6, %get3A_439 : vector<16xf32>
        %mul3A_441 = arith.constant 2 : i32
        %mul3A_442 = arith.muli %mul3A_441, %scan3A_416 : i32
        %add3A_443 = arith.constant 1 : i32
        %add3A_444 = arith.addi %mul3A_442, %add3A_443 : i32
        %get3A_445 = arith.index_cast %add3A_444 : i32 to index
        %get3A_446 = arith.constant 64 : index
        %get3A_447 = tpu.vector_load %arg9[%get3A_445, %get3A_446] {strides = array<i32>} : memref<128x128xf32, #tpu.memory_space<vmem>>, vector<1x16xf32>,
        %get3A_448 = vector.shape_cast %get3A_447 : vector<1x16xf32> to vector<16xf32>
        %mul3A_449 = arith.mulf %get3A_11, %get3A_448 : vector<16xf32>
        %add3A_450 = arith.addf %mul3A_440, %mul3A_449 : vector<16xf32>
        %swap3A = arith.index_cast %scan3A_416 : i32 to index
        %swap3A_451 = arith.constant 0 : index
        %swap3A_452 = tpu.vector_load %arg9[%swap3A, %swap3A_451] {strides = array<i32>} : memref<128x128xf32, #tpu.memory_space<vmem>>, vector<1x16xf32>,
        %swap3A_453 = vector.shape_cast %swap3A_452 : vector<1x16xf32> to vector<16xf32>
        %swap3A_454 = vector.shape_cast %add3A_431 : vector<16xf32> to vector<1x16xf32>
        tpu.vector_store %arg9[%swap3A, %swap3A_451], %swap3A_454 {strides = array<i32>} : memref<128x128xf32, #tpu.memory_space<vmem>>, vector<1x16xf32>,
        %swap3A_455 = arith.index_cast %scan3A_416 : i32 to index
        %swap3A_456 = arith.constant 64 : index
        %swap3A_457 = tpu.vector_load %arg9[%swap3A_455, %swap3A_456] {strides = array<i32>} : memref<128x128xf32, #tpu.memory_space<vmem>>, vector<1x16xf32>,
        %swap3A_458 = vector.shape_cast %swap3A_457 : vector<1x16xf32> to vector<16xf32>
        %swap3A_459 = vector.shape_cast %add3A_450 : vector<16xf32> to vector<1x16xf32>
        tpu.vector_store %arg9[%swap3A_455, %swap3A_456], %swap3A_459 {strides = array<i32>} : memref<128x128xf32, #tpu.memory_space<vmem>>, vector<1x16xf32>,
        %mul3A_460 = arith.constant 2 : i32
        %mul3A_461 = arith.muli %mul3A_460, %scan3A_416 : i32
        %get3A_462 = arith.index_cast %mul3A_461 : i32 to index
        %get3A_463 = arith.constant 16 : index
        %get3A_464 = tpu.vector_load %arg9[%get3A_462, %get3A_463] {strides = array<i32>} : memref<128x128xf32, #tpu.memory_space<vmem>>, vector<1x16xf32>,
        %get3A_465 = vector.shape_cast %get3A_464 : vector<1x16xf32> to vector<16xf32>
        %mul3A_466 = arith.mulf %get3A_6, %get3A_465 : vector<16xf32>
        %mul3A_467 = arith.constant 2 : i32
        %mul3A_468 = arith.muli %mul3A_467, %scan3A_416 : i32
        %get3A_469 = arith.index_cast %mul3A_468 : i32 to index
        %get3A_470 = arith.constant 80 : index
        %get3A_471 = tpu.vector_load %arg9[%get3A_469, %get3A_470] {strides = array<i32>} : memref<128x128xf32, #tpu.memory_space<vmem>>, vector<1x16xf32>,
        %get3A_472 = vector.shape_cast %get3A_471 : vector<1x16xf32> to vector<16xf32>
        %mul3A_473 = arith.mulf %get3A_11, %get3A_472 : vector<16xf32>
        %add3A_474 = arith.addf %mul3A_466, %mul3A_473 : vector<16xf32>
        %mul3A_475 = arith.constant 2 : i32
        %mul3A_476 = arith.muli %mul3A_475, %scan3A_416 : i32
        %add3A_477 = arith.constant 1 : i32
        %add3A_478 = arith.addi %mul3A_476, %add3A_477 : i32
        %get3A_479 = arith.index_cast %add3A_478 : i32 to index
        %get3A_480 = arith.constant 16 : index
        %get3A_481 = tpu.vector_load %arg9[%get3A_479, %get3A_480] {strides = array<i32>} : memref<128x128xf32, #tpu.memory_space<vmem>>, vector<1x16xf32>,
        %get3A_482 = vector.shape_cast %get3A_481 : vector<1x16xf32> to vector<16xf32>
        %mul3A_483 = arith.mulf %get3A_6, %get3A_482 : vector<16xf32>
        %mul3A_484 = arith.constant 2 : i32
        %mul3A_485 = arith.muli %mul3A_484, %scan3A_416 : i32
        %add3A_486 = arith.constant 1 : i32
        %add3A_487 = arith.addi %mul3A_485, %add3A_486 : i32
        %get3A_488 = arith.index_cast %add3A_487 : i32 to index
        %get3A_489 = arith.constant 80 : index
        %get3A_490 = tpu.vector_load %arg9[%get3A_488, %get3A_489] {strides = array<i32>} : memref<128x128xf32, #tpu.memory_space<vmem>>, vector<1x16xf32>,
        %get3A_491 = vector.shape_cast %get3A_490 : vector<1x16xf32> to vector<16xf32>
        %mul3A_492 = arith.mulf %get3A_11, %get3A_491 : vector<16xf32>
        %add3A_493 = arith.addf %mul3A_483, %mul3A_492 : vector<16xf32>
        %swap3A_494 = arith.index_cast %scan3A_416 : i32 to index
        %swap3A_495 = arith.constant 16 : index
        %swap3A_496 = tpu.vector_load %arg9[%swap3A_494, %swap3A_495] {strides = array<i32>} : memref<128x128xf32, #tpu.memory_space<vmem>>, vector<1x16xf32>,
        %swap3A_497 = vector.shape_cast %swap3A_496 : vector<1x16xf32> to vector<16xf32>
        %swap3A_498 = vector.shape_cast %add3A_474 : vector<16xf32> to vector<1x16xf32>
        tpu.vector_store %arg9[%swap3A_494, %swap3A_495], %swap3A_498 {strides = array<i32>} : memref<128x128xf32, #tpu.memory_space<vmem>>, vector<1x16xf32>,
        %swap3A_499 = arith.index_cast %scan3A_416 : i32 to index
        %swap3A_500 = arith.constant 80 : index
        %swap3A_501 = tpu.vector_load %arg9[%swap3A_499, %swap3A_500] {strides = array<i32>} : memref<128x128xf32, #tpu.memory_space<vmem>>, vector<1x16xf32>,
        %swap3A_502 = vector.shape_cast %swap3A_501 : vector<1x16xf32> to vector<16xf32>
        %swap3A_503 = vector.shape_cast %add3A_493 : vector<16xf32> to vector<1x16xf32>
        tpu.vector_store %arg9[%swap3A_499, %swap3A_500], %swap3A_503 {strides = array<i32>} : memref<128x128xf32, #tpu.memory_space<vmem>>, vector<1x16xf32>,
        %mul3A_504 = arith.constant 2 : i32
        %mul3A_505 = arith.muli %mul3A_504, %scan3A_416 : i32
        %get3A_506 = arith.index_cast %mul3A_505 : i32 to index
        %get3A_507 = arith.constant 32 : index
        %get3A_508 = tpu.vector_load %arg9[%get3A_506, %get3A_507] {strides = array<i32>} : memref<128x128xf32, #tpu.memory_space<vmem>>, vector<1x16xf32>,
        %get3A_509 = vector.shape_cast %get3A_508 : vector<1x16xf32> to vector<16xf32>
        %mul3A_510 = arith.mulf %get3A_6, %get3A_509 : vector<16xf32>
        %mul3A_511 = arith.constant 2 : i32
        %mul3A_512 = arith.muli %mul3A_511, %scan3A_416 : i32
        %get3A_513 = arith.index_cast %mul3A_512 : i32 to index
        %get3A_514 = arith.constant 96 : index
        %get3A_515 = tpu.vector_load %arg9[%get3A_513, %get3A_514] {strides = array<i32>} : memref<128x128xf32, #tpu.memory_space<vmem>>, vector<1x16xf32>,
        %get3A_516 = vector.shape_cast %get3A_515 : vector<1x16xf32> to vector<16xf32>
        %mul3A_517 = arith.mulf %get3A_11, %get3A_516 : vector<16xf32>
        %add3A_518 = arith.addf %mul3A_510, %mul3A_517 : vector<16xf32>
        %mul3A_519 = arith.constant 2 : i32
        %mul3A_520 = arith.muli %mul3A_519, %scan3A_416 : i32
        %add3A_521 = arith.constant 1 : i32
        %add3A_522 = arith.addi %mul3A_520, %add3A_521 : i32
        %get3A_523 = arith.index_cast %add3A_522 : i32 to index
        %get3A_524 = arith.constant 32 : index
        %get3A_525 = tpu.vector_load %arg9[%get3A_523, %get3A_524] {strides = array<i32>} : memref<128x128xf32, #tpu.memory_space<vmem>>, vector<1x16xf32>,
        %get3A_526 = vector.shape_cast %get3A_525 : vector<1x16xf32> to vector<16xf32>
        %mul3A_527 = arith.mulf %get3A_6, %get3A_526 : vector<16xf32>
        %mul3A_528 = arith.constant 2 : i32
        %mul3A_529 = arith.muli %mul3A_528, %scan3A_416 : i32
        %add3A_530 = arith.constant 1 : i32
        %add3A_531 = arith.addi %mul3A_529, %add3A_530 : i32
        %get3A_532 = arith.index_cast %add3A_531 : i32 to index
        %get3A_533 = arith.constant 96 : index
        %get3A_534 = tpu.vector_load %arg9[%get3A_532, %get3A_533] {strides = array<i32>} : memref<128x128xf32, #tpu.memory_space<vmem>>, vector<1x16xf32>,
        %get3A_535 = vector.shape_cast %get3A_534 : vector<1x16xf32> to vector<16xf32>
        %mul3A_536 = arith.mulf %get3A_11, %get3A_535 : vector<16xf32>
        %add3A_537 = arith.addf %mul3A_527, %mul3A_536 : vector<16xf32>
        %swap3A_538 = arith.index_cast %scan3A_416 : i32 to index
        %swap3A_539 = arith.constant 32 : index
        %swap3A_540 = tpu.vector_load %arg9[%swap3A_538, %swap3A_539] {strides = array<i32>} : memref<128x128xf32, #tpu.memory_space<vmem>>, vector<1x16xf32>,
        %swap3A_541 = vector.shape_cast %swap3A_540 : vector<1x16xf32> to vector<16xf32>
        %swap3A_542 = vector.shape_cast %add3A_518 : vector<16xf32> to vector<1x16xf32>
        tpu.vector_store %arg9[%swap3A_538, %swap3A_539], %swap3A_542 {strides = array<i32>} : memref<128x128xf32, #tpu.memory_space<vmem>>, vector<1x16xf32>,
        %swap3A_543 = arith.index_cast %scan3A_416 : i32 to index
        %swap3A_544 = arith.constant 96 : index
        %swap3A_545 = tpu.vector_load %arg9[%swap3A_543, %swap3A_544] {strides = array<i32>} : memref<128x128xf32, #tpu.memory_space<vmem>>, vector<1x16xf32>,
        %swap3A_546 = vector.shape_cast %swap3A_545 : vector<1x16xf32> to vector<16xf32>
        %swap3A_547 = vector.shape_cast %add3A_537 : vector<16xf32> to vector<1x16xf32>
        tpu.vector_store %arg9[%swap3A_543, %swap3A_544], %swap3A_547 {strides = array<i32>} : memref<128x128xf32, #tpu.memory_space<vmem>>, vector<1x16xf32>,
        %mul3A_548 = arith.constant 2 : i32
        %mul3A_549 = arith.muli %mul3A_548, %scan3A_416 : i32
        %get3A_550 = arith.index_cast %mul3A_549 : i32 to index
        %get3A_551 = arith.constant 48 : index
        %get3A_552 = tpu.vector_load %arg9[%get3A_550, %get3A_551] {strides = array<i32>} : memref<128x128xf32, #tpu.memory_space<vmem>>, vector<1x16xf32>,
        %get3A_553 = vector.shape_cast %get3A_552 : vector<1x16xf32> to vector<16xf32>
        %mul3A_554 = arith.mulf %get3A_6, %get3A_553 : vector<16xf32>
        %mul3A_555 = arith.constant 2 : i32
        %mul3A_556 = arith.muli %mul3A_555, %scan3A_416 : i32
        %get3A_557 = arith.index_cast %mul3A_556 : i32 to index
        %get3A_558 = arith.constant 112 : index
        %get3A_559 = tpu.vector_load %arg9[%get3A_557, %get3A_558] {strides = array<i32>} : memref<128x128xf32, #tpu.memory_space<vmem>>, vector<1x16xf32>,
        %get3A_560 = vector.shape_cast %get3A_559 : vector<1x16xf32> to vector<16xf32>
        %mul3A_561 = arith.mulf %get3A_11, %get3A_560 : vector<16xf32>
        %add3A_562 = arith.addf %mul3A_554, %mul3A_561 : vector<16xf32>
        %mul3A_563 = arith.constant 2 : i32
        %mul3A_564 = arith.muli %mul3A_563, %scan3A_416 : i32
        %add3A_565 = arith.constant 1 : i32
        %add3A_566 = arith.addi %mul3A_564, %add3A_565 : i32
        %get3A_567 = arith.index_cast %add3A_566 : i32 to index
        %get3A_568 = arith.constant 48 : index
        %get3A_569 = tpu.vector_load %arg9[%get3A_567, %get3A_568] {strides = array<i32>} : memref<128x128xf32, #tpu.memory_space<vmem>>, vector<1x16xf32>,
        %get3A_570 = vector.shape_cast %get3A_569 : vector<1x16xf32> to vector<16xf32>
        %mul3A_571 = arith.mulf %get3A_6, %get3A_570 : vector<16xf32>
        %mul3A_572 = arith.constant 2 : i32
        %mul3A_573 = arith.muli %mul3A_572, %scan3A_416 : i32
        %add3A_574 = arith.constant 1 : i32
        %add3A_575 = arith.addi %mul3A_573, %add3A_574 : i32
        %get3A_576 = arith.index_cast %add3A_575 : i32 to index
        %get3A_577 = arith.constant 112 : index
        %get3A_578 = tpu.vector_load %arg9[%get3A_576, %get3A_577] {strides = array<i32>} : memref<128x128xf32, #tpu.memory_space<vmem>>, vector<1x16xf32>,
        %get3A_579 = vector.shape_cast %get3A_578 : vector<1x16xf32> to vector<16xf32>
        %mul3A_580 = arith.mulf %get3A_11, %get3A_579 : vector<16xf32>
        %add3A_581 = arith.addf %mul3A_571, %mul3A_580 : vector<16xf32>
        %swap3A_582 = arith.index_cast %scan3A_416 : i32 to index
        %swap3A_583 = arith.constant 48 : index
        %swap3A_584 = tpu.vector_load %arg9[%swap3A_582, %swap3A_583] {strides = array<i32>} : memref<128x128xf32, #tpu.memory_space<vmem>>, vector<1x16xf32>,
        %swap3A_585 = vector.shape_cast %swap3A_584 : vector<1x16xf32> to vector<16xf32>
        %swap3A_586 = vector.shape_cast %add3A_562 : vector<16xf32> to vector<1x16xf32>
        tpu.vector_store %arg9[%swap3A_582, %swap3A_583], %swap3A_586 {strides = array<i32>} : memref<128x128xf32, #tpu.memory_space<vmem>>, vector<1x16xf32>,
        %swap3A_587 = arith.index_cast %scan3A_416 : i32 to index
        %swap3A_588 = arith.constant 112 : index
        %swap3A_589 = tpu.vector_load %arg9[%swap3A_587, %swap3A_588] {strides = array<i32>} : memref<128x128xf32, #tpu.memory_space<vmem>>, vector<1x16xf32>,
        %swap3A_590 = vector.shape_cast %swap3A_589 : vector<1x16xf32> to vector<16xf32>
        %swap3A_591 = vector.shape_cast %add3A_581 : vector<16xf32> to vector<1x16xf32>
        tpu.vector_store %arg9[%swap3A_587, %swap3A_588], %swap3A_591 {strides = array<i32>} : memref<128x128xf32, #tpu.memory_space<vmem>>, vector<1x16xf32>,
        %scan3A_592 = arith.constant 1 : i32
        %scan3A_593 = arith.addi %scan3A_416, %scan3A_592 : i32
        %mul3A_594 = arith.constant 2 : i32
        %mul3A_595 = arith.muli %mul3A_594, %scan3A_593 : i32
        %get3A_596 = arith.index_cast %mul3A_595 : i32 to index
        %get3A_597 = arith.constant 0 : index
        %get3A_598 = tpu.vector_load %arg9[%get3A_596, %get3A_597] {strides = array<i32>} : memref<128x128xf32, #tpu.memory_space<vmem>>, vector<1x16xf32>,
        %get3A_599 = vector.shape_cast %get3A_598 : vector<1x16xf32> to vector<16xf32>
        %mul3A_600 = arith.mulf %get3A_6, %get3A_599 : vector<16xf32>
        %mul3A_601 = arith.constant 2 : i32
        %mul3A_602 = arith.muli %mul3A_601, %scan3A_593 : i32
        %get3A_603 = arith.index_cast %mul3A_602 : i32 to index
        %get3A_604 = arith.constant 64 : index
        %get3A_605 = tpu.vector_load %arg9[%get3A_603, %get3A_604] {strides = array<i32>} : memref<128x128xf32, #tpu.memory_space<vmem>>, vector<1x16xf32>,
        %get3A_606 = vector.shape_cast %get3A_605 : vector<1x16xf32> to vector<16xf32>
        %mul3A_607 = arith.mulf %get3A_11, %get3A_606 : vector<16xf32>
        %add3A_608 = arith.addf %mul3A_600, %mul3A_607 : vector<16xf32>
        %mul3A_609 = arith.constant 2 : i32
        %mul3A_610 = arith.muli %mul3A_609, %scan3A_593 : i32
        %add3A_611 = arith.constant 1 : i32
        %add3A_612 = arith.addi %mul3A_610, %add3A_611 : i32
        %get3A_613 = arith.index_cast %add3A_612 : i32 to index
        %get3A_614 = arith.constant 0 : index
        %get3A_615 = tpu.vector_load %arg9[%get3A_613, %get3A_614] {strides = array<i32>} : memref<128x128xf32, #tpu.memory_space<vmem>>, vector<1x16xf32>,
        %get3A_616 = vector.shape_cast %get3A_615 : vector<1x16xf32> to vector<16xf32>
        %mul3A_617 = arith.mulf %get3A_6, %get3A_616 : vector<16xf32>
        %mul3A_618 = arith.constant 2 : i32
        %mul3A_619 = arith.muli %mul3A_618, %scan3A_593 : i32
        %add3A_620 = arith.constant 1 : i32
        %add3A_621 = arith.addi %mul3A_619, %add3A_620 : i32
        %get3A_622 = arith.index_cast %add3A_621 : i32 to index
        %get3A_623 = arith.constant 64 : index
        %get3A_624 = tpu.vector_load %arg9[%get3A_622, %get3A_623] {strides = array<i32>} : memref<128x128xf32, #tpu.memory_space<vmem>>, vector<1x16xf32>,
        %get3A_625 = vector.shape_cast %get3A_624 : vector<1x16xf32> to vector<16xf32>
        %mul3A_626 = arith.mulf %get3A_11, %get3A_625 : vector<16xf32>
        %add3A_627 = arith.addf %mul3A_617, %mul3A_626 : vector<16xf32>
        %swap3A_628 = arith.index_cast %scan3A_593 : i32 to index
        %swap3A_629 = arith.constant 0 : index
        %swap3A_630 = tpu.vector_load %arg9[%swap3A_628, %swap3A_629] {strides = array<i32>} : memref<128x128xf32, #tpu.memory_space<vmem>>, vector<1x16xf32>,
        %swap3A_631 = vector.shape_cast %swap3A_630 : vector<1x16xf32> to vector<16xf32>
        %swap3A_632 = vector.shape_cast %add3A_608 : vector<16xf32> to vector<1x16xf32>
        tpu.vector_store %arg9[%swap3A_628, %swap3A_629], %swap3A_632 {strides = array<i32>} : memref<128x128xf32, #tpu.memory_space<vmem>>, vector<1x16xf32>,
        %swap3A_633 = arith.index_cast %scan3A_593 : i32 to index
        %swap3A_634 = arith.constant 64 : index
        %swap3A_635 = tpu.vector_load %arg9[%swap3A_633, %swap3A_634] {strides = array<i32>} : memref<128x128xf32, #tpu.memory_space<vmem>>, vector<1x16xf32>,
        %swap3A_636 = vector.shape_cast %swap3A_635 : vector<1x16xf32> to vector<16xf32>
        %swap3A_637 = vector.shape_cast %add3A_627 : vector<16xf32> to vector<1x16xf32>
        tpu.vector_store %arg9[%swap3A_633, %swap3A_634], %swap3A_637 {strides = array<i32>} : memref<128x128xf32, #tpu.memory_space<vmem>>, vector<1x16xf32>,
        %mul3A_638 = arith.constant 2 : i32
        %mul3A_639 = arith.muli %mul3A_638, %scan3A_593 : i32
        %get3A_640 = arith.index_cast %mul3A_639 : i32 to index
        %get3A_641 = arith.constant 16 : index
        %get3A_642 = tpu.vector_load %arg9[%get3A_640, %get3A_641] {strides = array<i32>} : memref<128x128xf32, #tpu.memory_space<vmem>>, vector<1x16xf32>,
        %get3A_643 = vector.shape_cast %get3A_642 : vector<1x16xf32> to vector<16xf32>
        %mul3A_644 = arith.mulf %get3A_6, %get3A_643 : vector<16xf32>
        %mul3A_645 = arith.constant 2 : i32
        %mul3A_646 = arith.muli %mul3A_645, %scan3A_593 : i32
        %get3A_647 = arith.index_cast %mul3A_646 : i32 to index
        %get3A_648 = arith.constant 80 : index
        %get3A_649 = tpu.vector_load %arg9[%get3A_647, %get3A_648] {strides = array<i32>} : memref<128x128xf32, #tpu.memory_space<vmem>>, vector<1x16xf32>,
        %get3A_650 = vector.shape_cast %get3A_649 : vector<1x16xf32> to vector<16xf32>
        %mul3A_651 = arith.mulf %get3A_11, %get3A_650 : vector<16xf32>
        %add3A_652 = arith.addf %mul3A_644, %mul3A_651 : vector<16xf32>
        %mul3A_653 = arith.constant 2 : i32
        %mul3A_654 = arith.muli %mul3A_653, %scan3A_593 : i32
        %add3A_655 = arith.constant 1 : i32
        %add3A_656 = arith.addi %mul3A_654, %add3A_655 : i32
        %get3A_657 = arith.index_cast %add3A_656 : i32 to index
        %get3A_658 = arith.constant 16 : index
        %get3A_659 = tpu.vector_load %arg9[%get3A_657, %get3A_658] {strides = array<i32>} : memref<128x128xf32, #tpu.memory_space<vmem>>, vector<1x16xf32>,
        %get3A_660 = vector.shape_cast %get3A_659 : vector<1x16xf32> to vector<16xf32>
        %mul3A_661 = arith.mulf %get3A_6, %get3A_660 : vector<16xf32>
        %mul3A_662 = arith.constant 2 : i32
        %mul3A_663 = arith.muli %mul3A_662, %scan3A_593 : i32
        %add3A_664 = arith.constant 1 : i32
        %add3A_665 = arith.addi %mul3A_663, %add3A_664 : i32
        %get3A_666 = arith.index_cast %add3A_665 : i32 to index
        %get3A_667 = arith.constant 80 : index
        %get3A_668 = tpu.vector_load %arg9[%get3A_666, %get3A_667] {strides = array<i32>} : memref<128x128xf32, #tpu.memory_space<vmem>>, vector<1x16xf32>,
        %get3A_669 = vector.shape_cast %get3A_668 : vector<1x16xf32> to vector<16xf32>
        %mul3A_670 = arith.mulf %get3A_11, %get3A_669 : vector<16xf32>
        %add3A_671 = arith.addf %mul3A_661, %mul3A_670 : vector<16xf32>
        %swap3A_672 = arith.index_cast %scan3A_593 : i32 to index
        %swap3A_673 = arith.constant 16 : index
        %swap3A_674 = tpu.vector_load %arg9[%swap3A_672, %swap3A_673] {strides = array<i32>} : memref<128x128xf32, #tpu.memory_space<vmem>>, vector<1x16xf32>,
        %swap3A_675 = vector.shape_cast %swap3A_674 : vector<1x16xf32> to vector<16xf32>
        %swap3A_676 = vector.shape_cast %add3A_652 : vector<16xf32> to vector<1x16xf32>
        tpu.vector_store %arg9[%swap3A_672, %swap3A_673], %swap3A_676 {strides = array<i32>} : memref<128x128xf32, #tpu.memory_space<vmem>>, vector<1x16xf32>,
        %swap3A_677 = arith.index_cast %scan3A_593 : i32 to index
        %swap3A_678 = arith.constant 80 : index
        %swap3A_679 = tpu.vector_load %arg9[%swap3A_677, %swap3A_678] {strides = array<i32>} : memref<128x128xf32, #tpu.memory_space<vmem>>, vector<1x16xf32>,
        %swap3A_680 = vector.shape_cast %swap3A_679 : vector<1x16xf32> to vector<16xf32>
        %swap3A_681 = vector.shape_cast %add3A_671 : vector<16xf32> to vector<1x16xf32>
        tpu.vector_store %arg9[%swap3A_677, %swap3A_678], %swap3A_681 {strides = array<i32>} : memref<128x128xf32, #tpu.memory_space<vmem>>, vector<1x16xf32>,
        %mul3A_682 = arith.constant 2 : i32
        %mul3A_683 = arith.muli %mul3A_682, %scan3A_593 : i32
        %get3A_684 = arith.index_cast %mul3A_683 : i32 to index
        %get3A_685 = arith.constant 32 : index
        %get3A_686 = tpu.vector_load %arg9[%get3A_684, %get3A_685] {strides = array<i32>} : memref<128x128xf32, #tpu.memory_space<vmem>>, vector<1x16xf32>,
        %get3A_687 = vector.shape_cast %get3A_686 : vector<1x16xf32> to vector<16xf32>
        %mul3A_688 = arith.mulf %get3A_6, %get3A_687 : vector<16xf32>
        %mul3A_689 = arith.constant 2 : i32
        %mul3A_690 = arith.muli %mul3A_689, %scan3A_593 : i32
        %get3A_691 = arith.index_cast %mul3A_690 : i32 to index
        %get3A_692 = arith.constant 96 : index
        %get3A_693 = tpu.vector_load %arg9[%get3A_691, %get3A_692] {strides = array<i32>} : memref<128x128xf32, #tpu.memory_space<vmem>>, vector<1x16xf32>,
        %get3A_694 = vector.shape_cast %get3A_693 : vector<1x16xf32> to vector<16xf32>
        %mul3A_695 = arith.mulf %get3A_11, %get3A_694 : vector<16xf32>
        %add3A_696 = arith.addf %mul3A_688, %mul3A_695 : vector<16xf32>
        %mul3A_697 = arith.constant 2 : i32
        %mul3A_698 = arith.muli %mul3A_697, %scan3A_593 : i32
        %add3A_699 = arith.constant 1 : i32
        %add3A_700 = arith.addi %mul3A_698, %add3A_699 : i32
        %get3A_701 = arith.index_cast %add3A_700 : i32 to index
        %get3A_702 = arith.constant 32 : index
        %get3A_703 = tpu.vector_load %arg9[%get3A_701, %get3A_702] {strides = array<i32>} : memref<128x128xf32, #tpu.memory_space<vmem>>, vector<1x16xf32>,
        %get3A_704 = vector.shape_cast %get3A_703 : vector<1x16xf32> to vector<16xf32>
        %mul3A_705 = arith.mulf %get3A_6, %get3A_704 : vector<16xf32>
        %mul3A_706 = arith.constant 2 : i32
        %mul3A_707 = arith.muli %mul3A_706, %scan3A_593 : i32
        %add3A_708 = arith.constant 1 : i32
        %add3A_709 = arith.addi %mul3A_707, %add3A_708 : i32
        %get3A_710 = arith.index_cast %add3A_709 : i32 to index
        %get3A_711 = arith.constant 96 : index
        %get3A_712 = tpu.vector_load %arg9[%get3A_710, %get3A_711] {strides = array<i32>} : memref<128x128xf32, #tpu.memory_space<vmem>>, vector<1x16xf32>,
        %get3A_713 = vector.shape_cast %get3A_712 : vector<1x16xf32> to vector<16xf32>
        %mul3A_714 = arith.mulf %get3A_11, %get3A_713 : vector<16xf32>
        %add3A_715 = arith.addf %mul3A_705, %mul3A_714 : vector<16xf32>
        %swap3A_716 = arith.index_cast %scan3A_593 : i32 to index
        %swap3A_717 = arith.constant 32 : index
        %swap3A_718 = tpu.vector_load %arg9[%swap3A_716, %swap3A_717] {strides = array<i32>} : memref<128x128xf32, #tpu.memory_space<vmem>>, vector<1x16xf32>,
        %swap3A_719 = vector.shape_cast %swap3A_718 : vector<1x16xf32> to vector<16xf32>
        %swap3A_720 = vector.shape_cast %add3A_696 : vector<16xf32> to vector<1x16xf32>
        tpu.vector_store %arg9[%swap3A_716, %swap3A_717], %swap3A_720 {strides = array<i32>} : memref<128x128xf32, #tpu.memory_space<vmem>>, vector<1x16xf32>,
        %swap3A_721 = arith.index_cast %scan3A_593 : i32 to index
        %swap3A_722 = arith.constant 96 : index
        %swap3A_723 = tpu.vector_load %arg9[%swap3A_721, %swap3A_722] {strides = array<i32>} : memref<128x128xf32, #tpu.memory_space<vmem>>, vector<1x16xf32>,
        %swap3A_724 = vector.shape_cast %swap3A_723 : vector<1x16xf32> to vector<16xf32>
        %swap3A_725 = vector.shape_cast %add3A_715 : vector<16xf32> to vector<1x16xf32>
        tpu.vector_store %arg9[%swap3A_721, %swap3A_722], %swap3A_725 {strides = array<i32>} : memref<128x128xf32, #tpu.memory_space<vmem>>, vector<1x16xf32>,
        %mul3A_726 = arith.constant 2 : i32
        %mul3A_727 = arith.muli %mul3A_726, %scan3A_593 : i32
        %get3A_728 = arith.index_cast %mul3A_727 : i32 to index
        %get3A_729 = arith.constant 48 : index
        %get3A_730 = tpu.vector_load %arg9[%get3A_728, %get3A_729] {strides = array<i32>} : memref<128x128xf32, #tpu.memory_space<vmem>>, vector<1x16xf32>,
        %get3A_731 = vector.shape_cast %get3A_730 : vector<1x16xf32> to vector<16xf32>
        %mul3A_732 = arith.mulf %get3A_6, %get3A_731 : vector<16xf32>
        %mul3A_733 = arith.constant 2 : i32
        %mul3A_734 = arith.muli %mul3A_733, %scan3A_593 : i32
        %get3A_735 = arith.index_cast %mul3A_734 : i32 to index
        %get3A_736 = arith.constant 112 : index
        %get3A_737 = tpu.vector_load %arg9[%get3A_735, %get3A_736] {strides = array<i32>} : memref<128x128xf32, #tpu.memory_space<vmem>>, vector<1x16xf32>,
        %get3A_738 = vector.shape_cast %get3A_737 : vector<1x16xf32> to vector<16xf32>
        %mul3A_739 = arith.mulf %get3A_11, %get3A_738 : vector<16xf32>
        %add3A_740 = arith.addf %mul3A_732, %mul3A_739 : vector<16xf32>
        %mul3A_741 = arith.constant 2 : i32
        %mul3A_742 = arith.muli %mul3A_741, %scan3A_593 : i32
        %add3A_743 = arith.constant 1 : i32
        %add3A_744 = arith.addi %mul3A_742, %add3A_743 : i32
        %get3A_745 = arith.index_cast %add3A_744 : i32 to index
        %get3A_746 = arith.constant 48 : index
        %get3A_747 = tpu.vector_load %arg9[%get3A_745, %get3A_746] {strides = array<i32>} : memref<128x128xf32, #tpu.memory_space<vmem>>, vector<1x16xf32>,
        %get3A_748 = vector.shape_cast %get3A_747 : vector<1x16xf32> to vector<16xf32>
        %mul3A_749 = arith.mulf %get3A_6, %get3A_748 : vector<16xf32>
        %mul3A_750 = arith.constant 2 : i32
        %mul3A_751 = arith.muli %mul3A_750, %scan3A_593 : i32
        %add3A_752 = arith.constant 1 : i32
        %add3A_753 = arith.addi %mul3A_751, %add3A_752 : i32
        %get3A_754 = arith.index_cast %add3A_753 : i32 to index
        %get3A_755 = arith.constant 112 : index
        %get3A_756 = tpu.vector_load %arg9[%get3A_754, %get3A_755] {strides = array<i32>} : memref<128x128xf32, #tpu.memory_space<vmem>>, vector<1x16xf32>,
        %get3A_757 = vector.shape_cast %get3A_756 : vector<1x16xf32> to vector<16xf32>
        %mul3A_758 = arith.mulf %get3A_11, %get3A_757 : vector<16xf32>
        %add3A_759 = arith.addf %mul3A_749, %mul3A_758 : vector<16xf32>
        %swap3A_760 = arith.index_cast %scan3A_593 : i32 to index
        %swap3A_761 = arith.constant 48 : index
        %swap3A_762 = tpu.vector_load %arg9[%swap3A_760, %swap3A_761] {strides = array<i32>} : memref<128x128xf32, #tpu.memory_space<vmem>>, vector<1x16xf32>,
        %swap3A_763 = vector.shape_cast %swap3A_762 : vector<1x16xf32> to vector<16xf32>
        %swap3A_764 = vector.shape_cast %add3A_740 : vector<16xf32> to vector<1x16xf32>
        tpu.vector_store %arg9[%swap3A_760, %swap3A_761], %swap3A_764 {strides = array<i32>} : memref<128x128xf32, #tpu.memory_space<vmem>>, vector<1x16xf32>,
        %swap3A_765 = arith.index_cast %scan3A_593 : i32 to index
        %swap3A_766 = arith.constant 112 : index
        %swap3A_767 = tpu.vector_load %arg9[%swap3A_765, %swap3A_766] {strides = array<i32>} : memref<128x128xf32, #tpu.memory_space<vmem>>, vector<1x16xf32>,
        %swap3A_768 = vector.shape_cast %swap3A_767 : vector<1x16xf32> to vector<16xf32>
        %swap3A_769 = vector.shape_cast %add3A_759 : vector<16xf32> to vector<1x16xf32>
        tpu.vector_store %arg9[%swap3A_765, %swap3A_766], %swap3A_769 {strides = array<i32>} : memref<128x128xf32, #tpu.memory_space<vmem>>, vector<1x16xf32>,
        %scan3A_770 = arith.constant 2 : i32
        %scan3A_771 = arith.addi %scan3A_416, %scan3A_770 : i32
        %mul3A_772 = arith.constant 2 : i32
        %mul3A_773 = arith.muli %mul3A_772, %scan3A_771 : i32
        %get3A_774 = arith.index_cast %mul3A_773 : i32 to index
        %get3A_775 = arith.constant 0 : index
        %get3A_776 = tpu.vector_load %arg9[%get3A_774, %get3A_775] {strides = array<i32>} : memref<128x128xf32, #tpu.memory_space<vmem>>, vector<1x16xf32>,
        %get3A_777 = vector.shape_cast %get3A_776 : vector<1x16xf32> to vector<16xf32>
        %mul3A_778 = arith.mulf %get3A_6, %get3A_777 : vector<16xf32>
        %mul3A_779 = arith.constant 2 : i32
        %mul3A_780 = arith.muli %mul3A_779, %scan3A_771 : i32
        %get3A_781 = arith.index_cast %mul3A_780 : i32 to index
        %get3A_782 = arith.constant 64 : index
        %get3A_783 = tpu.vector_load %arg9[%get3A_781, %get3A_782] {strides = array<i32>} : memref<128x128xf32, #tpu.memory_space<vmem>>, vector<1x16xf32>,
        %get3A_784 = vector.shape_cast %get3A_783 : vector<1x16xf32> to vector<16xf32>
        %mul3A_785 = arith.mulf %get3A_11, %get3A_784 : vector<16xf32>
        %add3A_786 = arith.addf %mul3A_778, %mul3A_785 : vector<16xf32>
        %mul3A_787 = arith.constant 2 : i32
        %mul3A_788 = arith.muli %mul3A_787, %scan3A_771 : i32
        %add3A_789 = arith.constant 1 : i32
        %add3A_790 = arith.addi %mul3A_788, %add3A_789 : i32
        %get3A_791 = arith.index_cast %add3A_790 : i32 to index
        %get3A_792 = arith.constant 0 : index
        %get3A_793 = tpu.vector_load %arg9[%get3A_791, %get3A_792] {strides = array<i32>} : memref<128x128xf32, #tpu.memory_space<vmem>>, vector<1x16xf32>,
        %get3A_794 = vector.shape_cast %get3A_793 : vector<1x16xf32> to vector<16xf32>
        %mul3A_795 = arith.mulf %get3A_6, %get3A_794 : vector<16xf32>
        %mul3A_796 = arith.constant 2 : i32
        %mul3A_797 = arith.muli %mul3A_796, %scan3A_771 : i32
        %add3A_798 = arith.constant 1 : i32
        %add3A_799 = arith.addi %mul3A_797, %add3A_798 : i32
        %get3A_800 = arith.index_cast %add3A_799 : i32 to index
        %get3A_801 = arith.constant 64 : index
        %get3A_802 = tpu.vector_load %arg9[%get3A_800, %get3A_801] {strides = array<i32>} : memref<128x128xf32, #tpu.memory_space<vmem>>, vector<1x16xf32>,
        %get3A_803 = vector.shape_cast %get3A_802 : vector<1x16xf32> to vector<16xf32>
        %mul3A_804 = arith.mulf %get3A_11, %get3A_803 : vector<16xf32>
        %add3A_805 = arith.addf %mul3A_795, %mul3A_804 : vector<16xf32>
        %swap3A_806 = arith.index_cast %scan3A_771 : i32 to index
        %swap3A_807 = arith.constant 0 : index
        %swap3A_808 = tpu.vector_load %arg9[%swap3A_806, %swap3A_807] {strides = array<i32>} : memref<128x128xf32, #tpu.memory_space<vmem>>, vector<1x16xf32>,
        %swap3A_809 = vector.shape_cast %swap3A_808 : vector<1x16xf32> to vector<16xf32>
        %swap3A_810 = vector.shape_cast %add3A_786 : vector<16xf32> to vector<1x16xf32>
        tpu.vector_store %arg9[%swap3A_806, %swap3A_807], %swap3A_810 {strides = array<i32>} : memref<128x128xf32, #tpu.memory_space<vmem>>, vector<1x16xf32>,
        %swap3A_811 = arith.index_cast %scan3A_771 : i32 to index
        %swap3A_812 = arith.constant 64 : index
        %swap3A_813 = tpu.vector_load %arg9[%swap3A_811, %swap3A_812] {strides = array<i32>} : memref<128x128xf32, #tpu.memory_space<vmem>>, vector<1x16xf32>,
        %swap3A_814 = vector.shape_cast %swap3A_813 : vector<1x16xf32> to vector<16xf32>
        %swap3A_815 = vector.shape_cast %add3A_805 : vector<16xf32> to vector<1x16xf32>
        tpu.vector_store %arg9[%swap3A_811, %swap3A_812], %swap3A_815 {strides = array<i32>} : memref<128x128xf32, #tpu.memory_space<vmem>>, vector<1x16xf32>,
        %mul3A_816 = arith.constant 2 : i32
        %mul3A_817 = arith.muli %mul3A_816, %scan3A_771 : i32
        %get3A_818 = arith.index_cast %mul3A_817 : i32 to index
        %get3A_819 = arith.constant 16 : index
        %get3A_820 = tpu.vector_load %arg9[%get3A_818, %get3A_819] {strides = array<i32>} : memref<128x128xf32, #tpu.memory_space<vmem>>, vector<1x16xf32>,
        %get3A_821 = vector.shape_cast %get3A_820 : vector<1x16xf32> to vector<16xf32>
        %mul3A_822 = arith.mulf %get3A_6, %get3A_821 : vector<16xf32>
        %mul3A_823 = arith.constant 2 : i32
        %mul3A_824 = arith.muli %mul3A_823, %scan3A_771 : i32
        %get3A_825 = arith.index_cast %mul3A_824 : i32 to index
        %get3A_826 = arith.constant 80 : index
        %get3A_827 = tpu.vector_load %arg9[%get3A_825, %get3A_826] {strides = array<i32>} : memref<128x128xf32, #tpu.memory_space<vmem>>, vector<1x16xf32>,
        %get3A_828 = vector.shape_cast %get3A_827 : vector<1x16xf32> to vector<16xf32>
        %mul3A_829 = arith.mulf %get3A_11, %get3A_828 : vector<16xf32>
        %add3A_830 = arith.addf %mul3A_822, %mul3A_829 : vector<16xf32>
        %mul3A_831 = arith.constant 2 : i32
        %mul3A_832 = arith.muli %mul3A_831, %scan3A_771 : i32
        %add3A_833 = arith.constant 1 : i32
        %add3A_834 = arith.addi %mul3A_832, %add3A_833 : i32
        %get3A_835 = arith.index_cast %add3A_834 : i32 to index
        %get3A_836 = arith.constant 16 : index
        %get3A_837 = tpu.vector_load %arg9[%get3A_835, %get3A_836] {strides = array<i32>} : memref<128x128xf32, #tpu.memory_space<vmem>>, vector<1x16xf32>,
        %get3A_838 = vector.shape_cast %get3A_837 : vector<1x16xf32> to vector<16xf32>
        %mul3A_839 = arith.mulf %get3A_6, %get3A_838 : vector<16xf32>
        %mul3A_840 = arith.constant 2 : i32
        %mul3A_841 = arith.muli %mul3A_840, %scan3A_771 : i32
        %add3A_842 = arith.constant 1 : i32
        %add3A_843 = arith.addi %mul3A_841, %add3A_842 : i32
        %get3A_844 = arith.index_cast %add3A_843 : i32 to index
        %get3A_845 = arith.constant 80 : index
        %get3A_846 = tpu.vector_load %arg9[%get3A_844, %get3A_845] {strides = array<i32>} : memref<128x128xf32, #tpu.memory_space<vmem>>, vector<1x16xf32>,
        %get3A_847 = vector.shape_cast %get3A_846 : vector<1x16xf32> to vector<16xf32>
        %mul3A_848 = arith.mulf %get3A_11, %get3A_847 : vector<16xf32>
        %add3A_849 = arith.addf %mul3A_839, %mul3A_848 : vector<16xf32>
        %swap3A_850 = arith.index_cast %scan3A_771 : i32 to index
        %swap3A_851 = arith.constant 16 : index
        %swap3A_852 = tpu.vector_load %arg9[%swap3A_850, %swap3A_851] {strides = array<i32>} : memref<128x128xf32, #tpu.memory_space<vmem>>, vector<1x16xf32>,
        %swap3A_853 = vector.shape_cast %swap3A_852 : vector<1x16xf32> to vector<16xf32>
        %swap3A_854 = vector.shape_cast %add3A_830 : vector<16xf32> to vector<1x16xf32>
        tpu.vector_store %arg9[%swap3A_850, %swap3A_851], %swap3A_854 {strides = array<i32>} : memref<128x128xf32, #tpu.memory_space<vmem>>, vector<1x16xf32>,
        %swap3A_855 = arith.index_cast %scan3A_771 : i32 to index
        %swap3A_856 = arith.constant 80 : index
        %swap3A_857 = tpu.vector_load %arg9[%swap3A_855, %swap3A_856] {strides = array<i32>} : memref<128x128xf32, #tpu.memory_space<vmem>>, vector<1x16xf32>,
        %swap3A_858 = vector.shape_cast %swap3A_857 : vector<1x16xf32> to vector<16xf32>
        %swap3A_859 = vector.shape_cast %add3A_849 : vector<16xf32> to vector<1x16xf32>
        tpu.vector_store %arg9[%swap3A_855, %swap3A_856], %swap3A_859 {strides = array<i32>} : memref<128x128xf32, #tpu.memory_space<vmem>>, vector<1x16xf32>,
        %mul3A_860 = arith.constant 2 : i32
        %mul3A_861 = arith.muli %mul3A_860, %scan3A_771 : i32
        %get3A_862 = arith.index_cast %mul3A_861 : i32 to index
        %get3A_863 = arith.constant 32 : index
        %get3A_864 = tpu.vector_load %arg9[%get3A_862, %get3A_863] {strides = array<i32>} : memref<128x128xf32, #tpu.memory_space<vmem>>, vector<1x16xf32>,
        %get3A_865 = vector.shape_cast %get3A_864 : vector<1x16xf32> to vector<16xf32>
        %mul3A_866 = arith.mulf %get3A_6, %get3A_865 : vector<16xf32>
        %mul3A_867 = arith.constant 2 : i32
        %mul3A_868 = arith.muli %mul3A_867, %scan3A_771 : i32
        %get3A_869 = arith.index_cast %mul3A_868 : i32 to index
        %get3A_870 = arith.constant 96 : index
        %get3A_871 = tpu.vector_load %arg9[%get3A_869, %get3A_870] {strides = array<i32>} : memref<128x128xf32, #tpu.memory_space<vmem>>, vector<1x16xf32>,
        %get3A_872 = vector.shape_cast %get3A_871 : vector<1x16xf32> to vector<16xf32>
        %mul3A_873 = arith.mulf %get3A_11, %get3A_872 : vector<16xf32>
        %add3A_874 = arith.addf %mul3A_866, %mul3A_873 : vector<16xf32>
        %mul3A_875 = arith.constant 2 : i32
        %mul3A_876 = arith.muli %mul3A_875, %scan3A_771 : i32
        %add3A_877 = arith.constant 1 : i32
        %add3A_878 = arith.addi %mul3A_876, %add3A_877 : i32
        %get3A_879 = arith.index_cast %add3A_878 : i32 to index
        %get3A_880 = arith.constant 32 : index
        %get3A_881 = tpu.vector_load %arg9[%get3A_879, %get3A_880] {strides = array<i32>} : memref<128x128xf32, #tpu.memory_space<vmem>>, vector<1x16xf32>,
        %get3A_882 = vector.shape_cast %get3A_881 : vector<1x16xf32> to vector<16xf32>
        %mul3A_883 = arith.mulf %get3A_6, %get3A_882 : vector<16xf32>
        %mul3A_884 = arith.constant 2 : i32
        %mul3A_885 = arith.muli %mul3A_884, %scan3A_771 : i32
        %add3A_886 = arith.constant 1 : i32
        %add3A_887 = arith.addi %mul3A_885, %add3A_886 : i32
        %get3A_888 = arith.index_cast %add3A_887 : i32 to index
        %get3A_889 = arith.constant 96 : index
        %get3A_890 = tpu.vector_load %arg9[%get3A_888, %get3A_889] {strides = array<i32>} : memref<128x128xf32, #tpu.memory_space<vmem>>, vector<1x16xf32>,
        %get3A_891 = vector.shape_cast %get3A_890 : vector<1x16xf32> to vector<16xf32>
        %mul3A_892 = arith.mulf %get3A_11, %get3A_891 : vector<16xf32>
        %add3A_893 = arith.addf %mul3A_883, %mul3A_892 : vector<16xf32>
        %swap3A_894 = arith.index_cast %scan3A_771 : i32 to index
        %swap3A_895 = arith.constant 32 : index
        %swap3A_896 = tpu.vector_load %arg9[%swap3A_894, %swap3A_895] {strides = array<i32>} : memref<128x128xf32, #tpu.memory_space<vmem>>, vector<1x16xf32>,
        %swap3A_897 = vector.shape_cast %swap3A_896 : vector<1x16xf32> to vector<16xf32>
        %swap3A_898 = vector.shape_cast %add3A_874 : vector<16xf32> to vector<1x16xf32>
        tpu.vector_store %arg9[%swap3A_894, %swap3A_895], %swap3A_898 {strides = array<i32>} : memref<128x128xf32, #tpu.memory_space<vmem>>, vector<1x16xf32>,
        %swap3A_899 = arith.index_cast %scan3A_771 : i32 to index
        %swap3A_900 = arith.constant 96 : index
        %swap3A_901 = tpu.vector_load %arg9[%swap3A_899, %swap3A_900] {strides = array<i32>} : memref<128x128xf32, #tpu.memory_space<vmem>>, vector<1x16xf32>,
        %swap3A_902 = vector.shape_cast %swap3A_901 : vector<1x16xf32> to vector<16xf32>
        %swap3A_903 = vector.shape_cast %add3A_893 : vector<16xf32> to vector<1x16xf32>
        tpu.vector_store %arg9[%swap3A_899, %swap3A_900], %swap3A_903 {strides = array<i32>} : memref<128x128xf32, #tpu.memory_space<vmem>>, vector<1x16xf32>,
        %mul3A_904 = arith.constant 2 : i32
        %mul3A_905 = arith.muli %mul3A_904, %scan3A_771 : i32
        %get3A_906 = arith.index_cast %mul3A_905 : i32 to index
        %get3A_907 = arith.constant 48 : index
        %get3A_908 = tpu.vector_load %arg9[%get3A_906, %get3A_907] {strides = array<i32>} : memref<128x128xf32, #tpu.memory_space<vmem>>, vector<1x16xf32>,
        %get3A_909 = vector.shape_cast %get3A_908 : vector<1x16xf32> to vector<16xf32>
        %mul3A_910 = arith.mulf %get3A_6, %get3A_909 : vector<16xf32>
        %mul3A_911 = arith.constant 2 : i32
        %mul3A_912 = arith.muli %mul3A_911, %scan3A_771 : i32
        %get3A_913 = arith.index_cast %mul3A_912 : i32 to index
        %get3A_914 = arith.constant 112 : index
        %get3A_915 = tpu.vector_load %arg9[%get3A_913, %get3A_914] {strides = array<i32>} : memref<128x128xf32, #tpu.memory_space<vmem>>, vector<1x16xf32>,
        %get3A_916 = vector.shape_cast %get3A_915 : vector<1x16xf32> to vector<16xf32>
        %mul3A_917 = arith.mulf %get3A_11, %get3A_916 : vector<16xf32>
        %add3A_918 = arith.addf %mul3A_910, %mul3A_917 : vector<16xf32>
        %mul3A_919 = arith.constant 2 : i32
        %mul3A_920 = arith.muli %mul3A_919, %scan3A_771 : i32
        %add3A_921 = arith.constant 1 : i32
        %add3A_922 = arith.addi %mul3A_920, %add3A_921 : i32
        %get3A_923 = arith.index_cast %add3A_922 : i32 to index
        %get3A_924 = arith.constant 48 : index
        %get3A_925 = tpu.vector_load %arg9[%get3A_923, %get3A_924] {strides = array<i32>} : memref<128x128xf32, #tpu.memory_space<vmem>>, vector<1x16xf32>,
        %get3A_926 = vector.shape_cast %get3A_925 : vector<1x16xf32> to vector<16xf32>
        %mul3A_927 = arith.mulf %get3A_6, %get3A_926 : vector<16xf32>
        %mul3A_928 = arith.constant 2 : i32
        %mul3A_929 = arith.muli %mul3A_928, %scan3A_771 : i32
        %add3A_930 = arith.constant 1 : i32
        %add3A_931 = arith.addi %mul3A_929, %add3A_930 : i32
        %get3A_932 = arith.index_cast %add3A_931 : i32 to index
        %get3A_933 = arith.constant 112 : index
        %get3A_934 = tpu.vector_load %arg9[%get3A_932, %get3A_933] {strides = array<i32>} : memref<128x128xf32, #tpu.memory_space<vmem>>, vector<1x16xf32>,
        %get3A_935 = vector.shape_cast %get3A_934 : vector<1x16xf32> to vector<16xf32>
        %mul3A_936 = arith.mulf %get3A_11, %get3A_935 : vector<16xf32>
        %add3A_937 = arith.addf %mul3A_927, %mul3A_936 : vector<16xf32>
        %swap3A_938 = arith.index_cast %scan3A_771 : i32 to index
        %swap3A_939 = arith.constant 48 : index
        %swap3A_940 = tpu.vector_load %arg9[%swap3A_938, %swap3A_939] {strides = array<i32>} : memref<128x128xf32, #tpu.memory_space<vmem>>, vector<1x16xf32>,
        %swap3A_941 = vector.shape_cast %swap3A_940 : vector<1x16xf32> to vector<16xf32>
        %swap3A_942 = vector.shape_cast %add3A_918 : vector<16xf32> to vector<1x16xf32>
        tpu.vector_store %arg9[%swap3A_938, %swap3A_939], %swap3A_942 {strides = array<i32>} : memref<128x128xf32, #tpu.memory_space<vmem>>, vector<1x16xf32>,
        %swap3A_943 = arith.index_cast %scan3A_771 : i32 to index
        %swap3A_944 = arith.constant 112 : index
        %swap3A_945 = tpu.vector_load %arg9[%swap3A_943, %swap3A_944] {strides = array<i32>} : memref<128x128xf32, #tpu.memory_space<vmem>>, vector<1x16xf32>,
        %swap3A_946 = vector.shape_cast %swap3A_945 : vector<1x16xf32> to vector<16xf32>
        %swap3A_947 = vector.shape_cast %add3A_937 : vector<16xf32> to vector<1x16xf32>
        tpu.vector_store %arg9[%swap3A_943, %swap3A_944], %swap3A_947 {strides = array<i32>} : memref<128x128xf32, #tpu.memory_space<vmem>>, vector<1x16xf32>,
        %scan3A_948 = arith.constant 3 : i32
        %scan3A_949 = arith.addi %scan3A_416, %scan3A_948 : i32
        %mul3A_950 = arith.constant 2 : i32
        %mul3A_951 = arith.muli %mul3A_950, %scan3A_949 : i32
        %get3A_952 = arith.index_cast %mul3A_951 : i32 to index
        %get3A_953 = arith.constant 0 : index
        %get3A_954 = tpu.vector_load %arg9[%get3A_952, %get3A_953] {strides = array<i32>} : memref<128x128xf32, #tpu.memory_space<vmem>>, vector<1x16xf32>,
        %get3A_955 = vector.shape_cast %get3A_954 : vector<1x16xf32> to vector<16xf32>
        %mul3A_956 = arith.mulf %get3A_6, %get3A_955 : vector<16xf32>
        %mul3A_957 = arith.constant 2 : i32
        %mul3A_958 = arith.muli %mul3A_957, %scan3A_949 : i32
        %get3A_959 = arith.index_cast %mul3A_958 : i32 to index
        %get3A_960 = arith.constant 64 : index
        %get3A_961 = tpu.vector_load %arg9[%get3A_959, %get3A_960] {strides = array<i32>} : memref<128x128xf32, #tpu.memory_space<vmem>>, vector<1x16xf32>,
        %get3A_962 = vector.shape_cast %get3A_961 : vector<1x16xf32> to vector<16xf32>
        %mul3A_963 = arith.mulf %get3A_11, %get3A_962 : vector<16xf32>
        %add3A_964 = arith.addf %mul3A_956, %mul3A_963 : vector<16xf32>
        %mul3A_965 = arith.constant 2 : i32
        %mul3A_966 = arith.muli %mul3A_965, %scan3A_949 : i32
        %add3A_967 = arith.constant 1 : i32
        %add3A_968 = arith.addi %mul3A_966, %add3A_967 : i32
        %get3A_969 = arith.index_cast %add3A_968 : i32 to index
        %get3A_970 = arith.constant 0 : index
        %get3A_971 = tpu.vector_load %arg9[%get3A_969, %get3A_970] {strides = array<i32>} : memref<128x128xf32, #tpu.memory_space<vmem>>, vector<1x16xf32>,
        %get3A_972 = vector.shape_cast %get3A_971 : vector<1x16xf32> to vector<16xf32>
        %mul3A_973 = arith.mulf %get3A_6, %get3A_972 : vector<16xf32>
        %mul3A_974 = arith.constant 2 : i32
        %mul3A_975 = arith.muli %mul3A_974, %scan3A_949 : i32
        %add3A_976 = arith.constant 1 : i32
        %add3A_977 = arith.addi %mul3A_975, %add3A_976 : i32
        %get3A_978 = arith.index_cast %add3A_977 : i32 to index
        %get3A_979 = arith.constant 64 : index
        %get3A_980 = tpu.vector_load %arg9[%get3A_978, %get3A_979] {strides = array<i32>} : memref<128x128xf32, #tpu.memory_space<vmem>>, vector<1x16xf32>,
        %get3A_981 = vector.shape_cast %get3A_980 : vector<1x16xf32> to vector<16xf32>
        %mul3A_982 = arith.mulf %get3A_11, %get3A_981 : vector<16xf32>
        %add3A_983 = arith.addf %mul3A_973, %mul3A_982 : vector<16xf32>
        %swap3A_984 = arith.index_cast %scan3A_949 : i32 to index
        %swap3A_985 = arith.constant 0 : index
        %swap3A_986 = tpu.vector_load %arg9[%swap3A_984, %swap3A_985] {strides = array<i32>} : memref<128x128xf32, #tpu.memory_space<vmem>>, vector<1x16xf32>,
        %swap3A_987 = vector.shape_cast %swap3A_986 : vector<1x16xf32> to vector<16xf32>
        %swap3A_988 = vector.shape_cast %add3A_964 : vector<16xf32> to vector<1x16xf32>
        tpu.vector_store %arg9[%swap3A_984, %swap3A_985], %swap3A_988 {strides = array<i32>} : memref<128x128xf32, #tpu.memory_space<vmem>>, vector<1x16xf32>,
        %swap3A_989 = arith.index_cast %scan3A_949 : i32 to index
        %swap3A_990 = arith.constant 64 : index
        %swap3A_991 = tpu.vector_load %arg9[%swap3A_989, %swap3A_990] {strides = array<i32>} : memref<128x128xf32, #tpu.memory_space<vmem>>, vector<1x16xf32>,
        %swap3A_992 = vector.shape_cast %swap3A_991 : vector<1x16xf32> to vector<16xf32>
        %swap3A_993 = vector.shape_cast %add3A_983 : vector<16xf32> to vector<1x16xf32>
        tpu.vector_store %arg9[%swap3A_989, %swap3A_990], %swap3A_993 {strides = array<i32>} : memref<128x128xf32, #tpu.memory_space<vmem>>, vector<1x16xf32>,
        %mul3A_994 = arith.constant 2 : i32
        %mul3A_995 = arith.muli %mul3A_994, %scan3A_949 : i32
        %get3A_996 = arith.index_cast %mul3A_995 : i32 to index
        %get3A_997 = arith.constant 16 : index
        %get3A_998 = tpu.vector_load %arg9[%get3A_996, %get3A_997] {strides = array<i32>} : memref<128x128xf32, #tpu.memory_space<vmem>>, vector<1x16xf32>,
        %get3A_999 = vector.shape_cast %get3A_998 : vector<1x16xf32> to vector<16xf32>
        %mul3A_1000 = arith.mulf %get3A_6, %get3A_999 : vector<16xf32>
        %mul3A_1001 = arith.constant 2 : i32
        %mul3A_1002 = arith.muli %mul3A_1001, %scan3A_949 : i32
        %get3A_1003 = arith.index_cast %mul3A_1002 : i32 to index
        %get3A_1004 = arith.constant 80 : index
        %get3A_1005 = tpu.vector_load %arg9[%get3A_1003, %get3A_1004] {strides = array<i32>} : memref<128x128xf32, #tpu.memory_space<vmem>>, vector<1x16xf32>,
        %get3A_1006 = vector.shape_cast %get3A_1005 : vector<1x16xf32> to vector<16xf32>
        %mul3A_1007 = arith.mulf %get3A_11, %get3A_1006 : vector<16xf32>
        %add3A_1008 = arith.addf %mul3A_1000, %mul3A_1007 : vector<16xf32>
        %mul3A_1009 = arith.constant 2 : i32
        %mul3A_1010 = arith.muli %mul3A_1009, %scan3A_949 : i32
        %add3A_1011 = arith.constant 1 : i32
        %add3A_1012 = arith.addi %mul3A_1010, %add3A_1011 : i32
        %get3A_1013 = arith.index_cast %add3A_1012 : i32 to index
        %get3A_1014 = arith.constant 16 : index
        %get3A_1015 = tpu.vector_load %arg9[%get3A_1013, %get3A_1014] {strides = array<i32>} : memref<128x128xf32, #tpu.memory_space<vmem>>, vector<1x16xf32>,
        %get3A_1016 = vector.shape_cast %get3A_1015 : vector<1x16xf32> to vector<16xf32>
        %mul3A_1017 = arith.mulf %get3A_6, %get3A_1016 : vector<16xf32>
        %mul3A_1018 = arith.constant 2 : i32
        %mul3A_1019 = arith.muli %mul3A_1018, %scan3A_949 : i32
        %add3A_1020 = arith.constant 1 : i32
        %add3A_1021 = arith.addi %mul3A_1019, %add3A_1020 : i32
        %get3A_1022 = arith.index_cast %add3A_1021 : i32 to index
        %get3A_1023 = arith.constant 80 : index
        %get3A_1024 = tpu.vector_load %arg9[%get3A_1022, %get3A_1023] {strides = array<i32>} : memref<128x128xf32, #tpu.memory_space<vmem>>, vector<1x16xf32>,
        %get3A_1025 = vector.shape_cast %get3A_1024 : vector<1x16xf32> to vector<16xf32>
        %mul3A_1026 = arith.mulf %get3A_11, %get3A_1025 : vector<16xf32>
        %add3A_1027 = arith.addf %mul3A_1017, %mul3A_1026 : vector<16xf32>
        %swap3A_1028 = arith.index_cast %scan3A_949 : i32 to index
        %swap3A_1029 = arith.constant 16 : index
        %swap3A_1030 = tpu.vector_load %arg9[%swap3A_1028, %swap3A_1029] {strides = array<i32>} : memref<128x128xf32, #tpu.memory_space<vmem>>, vector<1x16xf32>,
        %swap3A_1031 = vector.shape_cast %swap3A_1030 : vector<1x16xf32> to vector<16xf32>
        %swap3A_1032 = vector.shape_cast %add3A_1008 : vector<16xf32> to vector<1x16xf32>
        tpu.vector_store %arg9[%swap3A_1028, %swap3A_1029], %swap3A_1032 {strides = array<i32>} : memref<128x128xf32, #tpu.memory_space<vmem>>, vector<1x16xf32>,
        %swap3A_1033 = arith.index_cast %scan3A_949 : i32 to index
        %swap3A_1034 = arith.constant 80 : index
        %swap3A_1035 = tpu.vector_load %arg9[%swap3A_1033, %swap3A_1034] {strides = array<i32>} : memref<128x128xf32, #tpu.memory_space<vmem>>, vector<1x16xf32>,
        %swap3A_1036 = vector.shape_cast %swap3A_1035 : vector<1x16xf32> to vector<16xf32>
        %swap3A_1037 = vector.shape_cast %add3A_1027 : vector<16xf32> to vector<1x16xf32>
        tpu.vector_store %arg9[%swap3A_1033, %swap3A_1034], %swap3A_1037 {strides = array<i32>} : memref<128x128xf32, #tpu.memory_space<vmem>>, vector<1x16xf32>,
        %mul3A_1038 = arith.constant 2 : i32
        %mul3A_1039 = arith.muli %mul3A_1038, %scan3A_949 : i32
        %get3A_1040 = arith.index_cast %mul3A_1039 : i32 to index
        %get3A_1041 = arith.constant 32 : index
        %get3A_1042 = tpu.vector_load %arg9[%get3A_1040, %get3A_1041] {strides = array<i32>} : memref<128x128xf32, #tpu.memory_space<vmem>>, vector<1x16xf32>,
        %get3A_1043 = vector.shape_cast %get3A_1042 : vector<1x16xf32> to vector<16xf32>
        %mul3A_1044 = arith.mulf %get3A_6, %get3A_1043 : vector<16xf32>
        %mul3A_1045 = arith.constant 2 : i32
        %mul3A_1046 = arith.muli %mul3A_1045, %scan3A_949 : i32
        %get3A_1047 = arith.index_cast %mul3A_1046 : i32 to index
        %get3A_1048 = arith.constant 96 : index
        %get3A_1049 = tpu.vector_load %arg9[%get3A_1047, %get3A_1048] {strides = array<i32>} : memref<128x128xf32, #tpu.memory_space<vmem>>, vector<1x16xf32>,
        %get3A_1050 = vector.shape_cast %get3A_1049 : vector<1x16xf32> to vector<16xf32>
        %mul3A_1051 = arith.mulf %get3A_11, %get3A_1050 : vector<16xf32>
        %add3A_1052 = arith.addf %mul3A_1044, %mul3A_1051 : vector<16xf32>
        %mul3A_1053 = arith.constant 2 : i32
        %mul3A_1054 = arith.muli %mul3A_1053, %scan3A_949 : i32
        %add3A_1055 = arith.constant 1 : i32
        %add3A_1056 = arith.addi %mul3A_1054, %add3A_1055 : i32
        %get3A_1057 = arith.index_cast %add3A_1056 : i32 to index
        %get3A_1058 = arith.constant 32 : index
        %get3A_1059 = tpu.vector_load %arg9[%get3A_1057, %get3A_1058] {strides = array<i32>} : memref<128x128xf32, #tpu.memory_space<vmem>>, vector<1x16xf32>,
        %get3A_1060 = vector.shape_cast %get3A_1059 : vector<1x16xf32> to vector<16xf32>
        %mul3A_1061 = arith.mulf %get3A_6, %get3A_1060 : vector<16xf32>
        %mul3A_1062 = arith.constant 2 : i32
        %mul3A_1063 = arith.muli %mul3A_1062, %scan3A_949 : i32
        %add3A_1064 = arith.constant 1 : i32
        %add3A_1065 = arith.addi %mul3A_1063, %add3A_1064 : i32
        %get3A_1066 = arith.index_cast %add3A_1065 : i32 to index
        %get3A_1067 = arith.constant 96 : index
        %get3A_1068 = tpu.vector_load %arg9[%get3A_1066, %get3A_1067] {strides = array<i32>} : memref<128x128xf32, #tpu.memory_space<vmem>>, vector<1x16xf32>,
        %get3A_1069 = vector.shape_cast %get3A_1068 : vector<1x16xf32> to vector<16xf32>
        %mul3A_1070 = arith.mulf %get3A_11, %get3A_1069 : vector<16xf32>
        %add3A_1071 = arith.addf %mul3A_1061, %mul3A_1070 : vector<16xf32>
        %swap3A_1072 = arith.index_cast %scan3A_949 : i32 to index
        %swap3A_1073 = arith.constant 32 : index
        %swap3A_1074 = tpu.vector_load %arg9[%swap3A_1072, %swap3A_1073] {strides = array<i32>} : memref<128x128xf32, #tpu.memory_space<vmem>>, vector<1x16xf32>,
        %swap3A_1075 = vector.shape_cast %swap3A_1074 : vector<1x16xf32> to vector<16xf32>
        %swap3A_1076 = vector.shape_cast %add3A_1052 : vector<16xf32> to vector<1x16xf32>
        tpu.vector_store %arg9[%swap3A_1072, %swap3A_1073], %swap3A_1076 {strides = array<i32>} : memref<128x128xf32, #tpu.memory_space<vmem>>, vector<1x16xf32>,
        %swap3A_1077 = arith.index_cast %scan3A_949 : i32 to index
        %swap3A_1078 = arith.constant 96 : index
        %swap3A_1079 = tpu.vector_load %arg9[%swap3A_1077, %swap3A_1078] {strides = array<i32>} : memref<128x128xf32, #tpu.memory_space<vmem>>, vector<1x16xf32>,
        %swap3A_1080 = vector.shape_cast %swap3A_1079 : vector<1x16xf32> to vector<16xf32>
        %swap3A_1081 = vector.shape_cast %add3A_1071 : vector<16xf32> to vector<1x16xf32>
        tpu.vector_store %arg9[%swap3A_1077, %swap3A_1078], %swap3A_1081 {strides = array<i32>} : memref<128x128xf32, #tpu.memory_space<vmem>>, vector<1x16xf32>,
        %mul3A_1082 = arith.constant 2 : i32
        %mul3A_1083 = arith.muli %mul3A_1082, %scan3A_949 : i32
        %get3A_1084 = arith.index_cast %mul3A_1083 : i32 to index
        %get3A_1085 = arith.constant 48 : index
        %get3A_1086 = tpu.vector_load %arg9[%get3A_1084, %get3A_1085] {strides = array<i32>} : memref<128x128xf32, #tpu.memory_space<vmem>>, vector<1x16xf32>,
        %get3A_1087 = vector.shape_cast %get3A_1086 : vector<1x16xf32> to vector<16xf32>
        %mul3A_1088 = arith.mulf %get3A_6, %get3A_1087 : vector<16xf32>
        %mul3A_1089 = arith.constant 2 : i32
        %mul3A_1090 = arith.muli %mul3A_1089, %scan3A_949 : i32
        %get3A_1091 = arith.index_cast %mul3A_1090 : i32 to index
        %get3A_1092 = arith.constant 112 : index
        %get3A_1093 = tpu.vector_load %arg9[%get3A_1091, %get3A_1092] {strides = array<i32>} : memref<128x128xf32, #tpu.memory_space<vmem>>, vector<1x16xf32>,
        %get3A_1094 = vector.shape_cast %get3A_1093 : vector<1x16xf32> to vector<16xf32>
        %mul3A_1095 = arith.mulf %get3A_11, %get3A_1094 : vector<16xf32>
        %add3A_1096 = arith.addf %mul3A_1088, %mul3A_1095 : vector<16xf32>
        %mul3A_1097 = arith.constant 2 : i32
        %mul3A_1098 = arith.muli %mul3A_1097, %scan3A_949 : i32
        %add3A_1099 = arith.constant 1 : i32
        %add3A_1100 = arith.addi %mul3A_1098, %add3A_1099 : i32
        %get3A_1101 = arith.index_cast %add3A_1100 : i32 to index
        %get3A_1102 = arith.constant 48 : index
        %get3A_1103 = tpu.vector_load %arg9[%get3A_1101, %get3A_1102] {strides = array<i32>} : memref<128x128xf32, #tpu.memory_space<vmem>>, vector<1x16xf32>,
        %get3A_1104 = vector.shape_cast %get3A_1103 : vector<1x16xf32> to vector<16xf32>
        %mul3A_1105 = arith.mulf %get3A_6, %get3A_1104 : vector<16xf32>
        %mul3A_1106 = arith.constant 2 : i32
        %mul3A_1107 = arith.muli %mul3A_1106, %scan3A_949 : i32
        %add3A_1108 = arith.constant 1 : i32
        %add3A_1109 = arith.addi %mul3A_1107, %add3A_1108 : i32
        %get3A_1110 = arith.index_cast %add3A_1109 : i32 to index
        %get3A_1111 = arith.constant 112 : index
        %get3A_1112 = tpu.vector_load %arg9[%get3A_1110, %get3A_1111] {strides = array<i32>} : memref<128x128xf32, #tpu.memory_space<vmem>>, vector<1x16xf32>,
        %get3A_1113 = vector.shape_cast %get3A_1112 : vector<1x16xf32> to vector<16xf32>
        %mul3A_1114 = arith.mulf %get3A_11, %get3A_1113 : vector<16xf32>
        %add3A_1115 = arith.addf %mul3A_1105, %mul3A_1114 : vector<16xf32>
        %swap3A_1116 = arith.index_cast %scan3A_949 : i32 to index
        %swap3A_1117 = arith.constant 48 : index
        %swap3A_1118 = tpu.vector_load %arg9[%swap3A_1116, %swap3A_1117] {strides = array<i32>} : memref<128x128xf32, #tpu.memory_space<vmem>>, vector<1x16xf32>,
        %swap3A_1119 = vector.shape_cast %swap3A_1118 : vector<1x16xf32> to vector<16xf32>
        %swap3A_1120 = vector.shape_cast %add3A_1096 : vector<16xf32> to vector<1x16xf32>
        tpu.vector_store %arg9[%swap3A_1116, %swap3A_1117], %swap3A_1120 {strides = array<i32>} : memref<128x128xf32, #tpu.memory_space<vmem>>, vector<1x16xf32>,
        %swap3A_1121 = arith.index_cast %scan3A_949 : i32 to index
        %swap3A_1122 = arith.constant 112 : index
        %swap3A_1123 = tpu.vector_load %arg9[%swap3A_1121, %swap3A_1122] {strides = array<i32>} : memref<128x128xf32, #tpu.memory_space<vmem>>, vector<1x16xf32>,
        %swap3A_1124 = vector.shape_cast %swap3A_1123 : vector<1x16xf32> to vector<16xf32>
        %swap3A_1125 = vector.shape_cast %add3A_1115 : vector<16xf32> to vector<1x16xf32>
        tpu.vector_store %arg9[%swap3A_1121, %swap3A_1122], %swap3A_1125 {strides = array<i32>} : memref<128x128xf32, #tpu.memory_space<vmem>>, vector<1x16xf32>,
      }
      %scan3A_309 = arith.constant 64 : i32
      %mul3A_310 = arith.constant 128 : i32
      %mul3A_311 = arith.muli %add3A_297, %mul3A_310 : i32
      %add3A_312 = arith.addi %mul3A_2, %mul3A_311 : i32
      %jit3A_313 = arith.constant 2 : i32
      %div3A_314 = arith.divsi %add3A_312, %jit3A_313 : i32
      %sign3A_315 = arith.constant 0 : i32
      %sign3A_316 = arith.cmpi sgt, %add3A_312, %sign3A_315 : i32
      %sign3A_317 = arith.extui %sign3A_316 : i1 to i32
      %sign3A_318 = arith.constant 0 : i32
      %sign3A_319 = arith.cmpi slt, %add3A_312, %sign3A_318 : i32
      %sign3A_320 = arith.extui %sign3A_319 : i1 to i32
      %sign3A_321 = arith.subi %sign3A_317, %sign3A_320 : i32
      %sign3A_322 = arith.constant 0 : i32
      %sign3A_323 = arith.cmpi sgt, %jit3A_313, %sign3A_322 : i32
      %sign3A_324 = arith.extui %sign3A_323 : i1 to i32
      %sign3A_325 = arith.constant 0 : i32
      %sign3A_326 = arith.cmpi slt, %jit3A_313, %sign3A_325 : i32
      %sign3A_327 = arith.extui %sign3A_326 : i1 to i32
      %sign3A_328 = arith.subi %sign3A_324, %sign3A_327 : i32
      %ne3A_329 = arith.cmpi ne, %sign3A_321, %sign3A_328 : i32
      %rem3A_330 = arith.remsi %add3A_312, %jit3A_313 : i32
      %ne3A_331 = arith.constant 0 : i32
      %ne3A_332 = arith.cmpi ne, %rem3A_330, %ne3A_331 : i32
      %and3A_333 = arith.andi %ne3A_329, %ne3A_332 : i1
      %sub3A_334 = arith.constant 1 : i32
      %sub3A_335 = arith.subi %div3A_314, %sub3A_334 : i32
      %select_n3A_336 = arith.select %and3A_333, %sub3A_335, %div3A_314 : i32
      %multiple_of3A_337 = tpu.assume_multiple %select_n3A_336, 64 : i32
      %dma_start3A_338 = arith.constant 0 : i32
      %dma_start3A_339 = arith.constant 0 : i32
      %dma_start3A_340 = tpu.memref_slice %arg9[%dma_start3A_338, %dma_start3A_339] : memref<128x128xf32, #tpu.memory_space<vmem>> -> memref<64x128xf32, #tpu.memory_space<vmem>>
      %dma_start3A_341 = arith.constant 0 : i32
      %dma_start3A_342 = tpu.memref_slice %arg5[%multiple_of3A_337, %dma_start3A_341] : memref<409600x128xf32, #tpu.memory_space<hbm>> -> memref<64x128xf32, #tpu.memory_space<hbm>>
      %dma_start3A_343 = arith.constant 0 : i32
      %dma_start3A_344 = tpu.memref_slice %arg5[%multiple_of3A_337, %dma_start3A_343] : memref<409600x128xf32, #tpu.memory_space<hbm>> -> memref<64x128xf32, #tpu.memory_space<hbm>>
      %dma_start3A_345 = arith.constant 0 : i32
      %dma_start3A_346 = arith.constant 0 : i32
      %dma_start3A_347 = tpu.memref_slice %arg9[%dma_start3A_345, %dma_start3A_346] : memref<128x128xf32, #tpu.memory_space<vmem>> -> memref<64x128xf32, #tpu.memory_space<vmem>>
      tpu.enqueue_dma source(%dma_start3A_347 : memref<64x128xf32, #tpu.memory_space<vmem>>) target(%dma_start3A_344 : memref<64x128xf32, #tpu.memory_space<hbm>>) target_semaphore(%arg18 : memref<!tpu.dma_semaphore, #tpu.memory_space<semaphore_mem>>)
      %add3A_348 = arith.constant 4 : i32
      %add3A_349 = arith.addi %add3A_297, %add3A_348 : i32
      %lt3A_350 = arith.constant 200 : i32
      %lt3A_351 = arith.cmpi slt, %add3A_349, %lt3A_350 : i32
      %convert_element_type3A_352 = arith.extui %lt3A_351 : i1 to i32
      %cond3A_353 = arith.constant 0 : i32
      %cond3A_354 = arith.cmpi ne, %convert_element_type3A_352, %cond3A_353 : i32
      scf.if %cond3A_354 {
        %mul3A_416 = arith.constant 128 : i32
        %mul3A_417 = arith.muli %add3A_297, %mul3A_416 : i32
        %add3A_418 = arith.addi %mul3A_2, %mul3A_417 : i32
        %jit3A_419 = arith.constant 2 : i32
        %div3A_420 = arith.divsi %add3A_418, %jit3A_419 : i32
        %sign3A_421 = arith.constant 0 : i32
        %sign3A_422 = arith.cmpi sgt, %add3A_418, %sign3A_421 : i32
        %sign3A_423 = arith.extui %sign3A_422 : i1 to i32
        %sign3A_424 = arith.constant 0 : i32
        %sign3A_425 = arith.cmpi slt, %add3A_418, %sign3A_424 : i32
        %sign3A_426 = arith.extui %sign3A_425 : i1 to i32
        %sign3A_427 = arith.subi %sign3A_423, %sign3A_426 : i32
        %sign3A_428 = arith.constant 0 : i32
        %sign3A_429 = arith.cmpi sgt, %jit3A_419, %sign3A_428 : i32
        %sign3A_430 = arith.extui %sign3A_429 : i1 to i32
        %sign3A_431 = arith.constant 0 : i32
        %sign3A_432 = arith.cmpi slt, %jit3A_419, %sign3A_431 : i32
        %sign3A_433 = arith.extui %sign3A_432 : i1 to i32
        %sign3A_434 = arith.subi %sign3A_430, %sign3A_433 : i32
        %ne3A_435 = arith.cmpi ne, %sign3A_427, %sign3A_434 : i32
        %rem3A_436 = arith.remsi %add3A_418, %jit3A_419 : i32
        %ne3A_437 = arith.constant 0 : i32
        %ne3A_438 = arith.cmpi ne, %rem3A_436, %ne3A_437 : i32
        %and3A_439 = arith.andi %ne3A_435, %ne3A_438 : i1
        %sub3A_440 = arith.constant 1 : i32
        %sub3A_441 = arith.subi %div3A_420, %sub3A_440 : i32
        %select_n3A_442 = arith.select %and3A_439, %sub3A_441, %div3A_420 : i32
        %multiple_of3A_443 = tpu.assume_multiple %select_n3A_442, 64 : i32
        %dma_wait3A_444 = arith.constant 0 : i32
        %dma_wait3A_445 = arith.constant 0 : i32
        %dma_wait3A_446 = tpu.memref_slice %arg9[%dma_wait3A_444, %dma_wait3A_445] : memref<128x128xf32, #tpu.memory_space<vmem>> -> memref<64x128xf32, #tpu.memory_space<vmem>>
        %dma_wait3A_447 = arith.constant 0 : i32
        %dma_wait3A_448 = tpu.memref_slice %arg5[%multiple_of3A_443, %dma_wait3A_447] : memref<409600x128xf32, #tpu.memory_space<hbm>> -> memref<64x128xf32, #tpu.memory_space<hbm>>
        %dma_wait3A_449 = arith.constant 0 : i32
        %dma_wait3A_450 = tpu.memref_slice %arg5[%multiple_of3A_443, %dma_wait3A_449] : memref<409600x128xf32, #tpu.memory_space<hbm>> -> memref<64x128xf32, #tpu.memory_space<hbm>>
        %dma_wait3A_451 = arith.constant 0 : i32
        %dma_wait3A_452 = arith.constant 0 : i32
        %dma_wait3A_453 = tpu.memref_slice %arg9[%dma_wait3A_451, %dma_wait3A_452] : memref<128x128xf32, #tpu.memory_space<vmem>> -> memref<64x128xf32, #tpu.memory_space<vmem>>
        tpu.wait_dma2 semaphore(%arg18 : memref<!tpu.dma_semaphore, #tpu.memory_space<semaphore_mem>>) src(%dma_wait3A_453 : memref<64x128xf32, #tpu.memory_space<vmem>>) dst(%dma_wait3A_450 : memref<64x128xf32, #tpu.memory_space<hbm>>)
        %add3A_454 = arith.constant 4 : i32
        %add3A_455 = arith.addi %add3A_297, %add3A_454 : i32
        %mul3A_456 = arith.constant 128 : i32
        %mul3A_457 = arith.muli %add3A_455, %mul3A_456 : i32
        %dma_start3A_458 = tpu.memref_slice %arg6[%mul3A_457] : memref<25600xi32, #tpu.memory_space<vmem>> -> memref<128xi32, #tpu.memory_space<vmem>>
        %dma_start3A_459 = arith.constant 0 : i32
        %dma_start3A_460 = arith.constant 0 : i32
        %dma_start3A_461 = tpu.memref_slice %arg3[%dma_start3A_459, %dma_start3A_460] : memref<1000000x128xf32, #tpu.memory_space<hbm>> -> memref<1000000x128xf32, #tpu.memory_space<hbm>>
        tpu.enqueue_indirect_dma source(%dma_start3A_461 : memref<1000000x128xf32, #tpu.memory_space<hbm>>) target(%arg9 : memref<128x128xf32, #tpu.memory_space<vmem>>) offsets(%dma_start3A_458 : memref<128xi32, #tpu.memory_space<vmem>>) semaphore(%arg14 : memref<!tpu.dma_semaphore, #tpu.memory_space<semaphore_mem>>)
      } else {
      }
      %mul3A_355 = arith.constant 4 : i32
      %mul3A_356 = arith.muli %scan3A_174, %mul3A_355 : i32
      %add3A_357 = arith.constant 3 : i32
      %add3A_358 = arith.addi %mul3A_356, %add3A_357 : i32
      %mul3A_359 = arith.constant 128 : i32
      %mul3A_360 = arith.muli %add3A_358, %mul3A_359 : i32
      %dma_wait3A_361 = tpu.memref_slice %arg6[%mul3A_360] : memref<25600xi32, #tpu.memory_space<vmem>> -> memref<128xi32, #tpu.memory_space<vmem>>
      %dma_wait3A_362 = arith.constant 0 : i32
      %dma_wait3A_363 = arith.constant 0 : i32
      %dma_wait3A_364 = tpu.memref_slice %arg3[%dma_wait3A_362, %dma_wait3A_363] : memref<1000000x128xf32, #tpu.memory_space<hbm>> -> memref<1000000x128xf32, #tpu.memory_space<hbm>>
      tpu.wait_indirect_dma semaphore(%arg15 : memref<!tpu.dma_semaphore, #tpu.memory_space<semaphore_mem>>) src(%dma_wait3A_364 : memref<1000000x128xf32, #tpu.memory_space<hbm>>) dst(%arg10 : memref<128x128xf32, #tpu.memory_space<vmem>>)
      %scan3A_365 = arith.constant 0 : i32
      %scan3A_366 = arith.constant 0 : i32
      %scan3A_367 = arith.constant 64 : i32
      %scan3A_368 = arith.addi %scan3A_366, %scan3A_367 : i32
      %scan3A_369 = arith.constant 4 : i32
      scf.for %scan3A_416 = %scan3A_366 to %scan3A_368 step %scan3A_369  : i32 {
        %mul3A_417 = arith.constant 2 : i32
        %mul3A_418 = arith.muli %mul3A_417, %scan3A_416 : i32
        %get3A_419 = arith.index_cast %mul3A_418 : i32 to index
        %get3A_420 = arith.constant 0 : index
        %get3A_421 = tpu.vector_load %arg10[%get3A_419, %get3A_420] {strides = array<i32>} : memref<128x128xf32, #tpu.memory_space<vmem>>, vector<1x16xf32>,
        %get3A_422 = vector.shape_cast %get3A_421 : vector<1x16xf32> to vector<16xf32>
        %mul3A_423 = arith.mulf %get3A_6, %get3A_422 : vector<16xf32>
        %mul3A_424 = arith.constant 2 : i32
        %mul3A_425 = arith.muli %mul3A_424, %scan3A_416 : i32
        %get3A_426 = arith.index_cast %mul3A_425 : i32 to index
        %get3A_427 = arith.constant 64 : index
        %get3A_428 = tpu.vector_load %arg10[%get3A_426, %get3A_427] {strides = array<i32>} : memref<128x128xf32, #tpu.memory_space<vmem>>, vector<1x16xf32>,
        %get3A_429 = vector.shape_cast %get3A_428 : vector<1x16xf32> to vector<16xf32>
        %mul3A_430 = arith.mulf %get3A_11, %get3A_429 : vector<16xf32>
        %add3A_431 = arith.addf %mul3A_423, %mul3A_430 : vector<16xf32>
        %mul3A_432 = arith.constant 2 : i32
        %mul3A_433 = arith.muli %mul3A_432, %scan3A_416 : i32
        %add3A_434 = arith.constant 1 : i32
        %add3A_435 = arith.addi %mul3A_433, %add3A_434 : i32
        %get3A_436 = arith.index_cast %add3A_435 : i32 to index
        %get3A_437 = arith.constant 0 : index
        %get3A_438 = tpu.vector_load %arg10[%get3A_436, %get3A_437] {strides = array<i32>} : memref<128x128xf32, #tpu.memory_space<vmem>>, vector<1x16xf32>,
        %get3A_439 = vector.shape_cast %get3A_438 : vector<1x16xf32> to vector<16xf32>
        %mul3A_440 = arith.mulf %get3A_6, %get3A_439 : vector<16xf32>
        %mul3A_441 = arith.constant 2 : i32
        %mul3A_442 = arith.muli %mul3A_441, %scan3A_416 : i32
        %add3A_443 = arith.constant 1 : i32
        %add3A_444 = arith.addi %mul3A_442, %add3A_443 : i32
        %get3A_445 = arith.index_cast %add3A_444 : i32 to index
        %get3A_446 = arith.constant 64 : index
        %get3A_447 = tpu.vector_load %arg10[%get3A_445, %get3A_446] {strides = array<i32>} : memref<128x128xf32, #tpu.memory_space<vmem>>, vector<1x16xf32>,
        %get3A_448 = vector.shape_cast %get3A_447 : vector<1x16xf32> to vector<16xf32>
        %mul3A_449 = arith.mulf %get3A_11, %get3A_448 : vector<16xf32>
        %add3A_450 = arith.addf %mul3A_440, %mul3A_449 : vector<16xf32>
        %swap3A = arith.index_cast %scan3A_416 : i32 to index
        %swap3A_451 = arith.constant 0 : index
        %swap3A_452 = tpu.vector_load %arg10[%swap3A, %swap3A_451] {strides = array<i32>} : memref<128x128xf32, #tpu.memory_space<vmem>>, vector<1x16xf32>,
        %swap3A_453 = vector.shape_cast %swap3A_452 : vector<1x16xf32> to vector<16xf32>
        %swap3A_454 = vector.shape_cast %add3A_431 : vector<16xf32> to vector<1x16xf32>
        tpu.vector_store %arg10[%swap3A, %swap3A_451], %swap3A_454 {strides = array<i32>} : memref<128x128xf32, #tpu.memory_space<vmem>>, vector<1x16xf32>,
        %swap3A_455 = arith.index_cast %scan3A_416 : i32 to index
        %swap3A_456 = arith.constant 64 : index
        %swap3A_457 = tpu.vector_load %arg10[%swap3A_455, %swap3A_456] {strides = array<i32>} : memref<128x128xf32, #tpu.memory_space<vmem>>, vector<1x16xf32>,
        %swap3A_458 = vector.shape_cast %swap3A_457 : vector<1x16xf32> to vector<16xf32>
        %swap3A_459 = vector.shape_cast %add3A_450 : vector<16xf32> to vector<1x16xf32>
        tpu.vector_store %arg10[%swap3A_455, %swap3A_456], %swap3A_459 {strides = array<i32>} : memref<128x128xf32, #tpu.memory_space<vmem>>, vector<1x16xf32>,
        %mul3A_460 = arith.constant 2 : i32
        %mul3A_461 = arith.muli %mul3A_460, %scan3A_416 : i32
        %get3A_462 = arith.index_cast %mul3A_461 : i32 to index
        %get3A_463 = arith.constant 16 : index
        %get3A_464 = tpu.vector_load %arg10[%get3A_462, %get3A_463] {strides = array<i32>} : memref<128x128xf32, #tpu.memory_space<vmem>>, vector<1x16xf32>,
        %get3A_465 = vector.shape_cast %get3A_464 : vector<1x16xf32> to vector<16xf32>
        %mul3A_466 = arith.mulf %get3A_6, %get3A_465 : vector<16xf32>
        %mul3A_467 = arith.constant 2 : i32
        %mul3A_468 = arith.muli %mul3A_467, %scan3A_416 : i32
        %get3A_469 = arith.index_cast %mul3A_468 : i32 to index
        %get3A_470 = arith.constant 80 : index
        %get3A_471 = tpu.vector_load %arg10[%get3A_469, %get3A_470] {strides = array<i32>} : memref<128x128xf32, #tpu.memory_space<vmem>>, vector<1x16xf32>,
        %get3A_472 = vector.shape_cast %get3A_471 : vector<1x16xf32> to vector<16xf32>
        %mul3A_473 = arith.mulf %get3A_11, %get3A_472 : vector<16xf32>
        %add3A_474 = arith.addf %mul3A_466, %mul3A_473 : vector<16xf32>
        %mul3A_475 = arith.constant 2 : i32
        %mul3A_476 = arith.muli %mul3A_475, %scan3A_416 : i32
        %add3A_477 = arith.constant 1 : i32
        %add3A_478 = arith.addi %mul3A_476, %add3A_477 : i32
        %get3A_479 = arith.index_cast %add3A_478 : i32 to index
        %get3A_480 = arith.constant 16 : index
        %get3A_481 = tpu.vector_load %arg10[%get3A_479, %get3A_480] {strides = array<i32>} : memref<128x128xf32, #tpu.memory_space<vmem>>, vector<1x16xf32>,
        %get3A_482 = vector.shape_cast %get3A_481 : vector<1x16xf32> to vector<16xf32>
        %mul3A_483 = arith.mulf %get3A_6, %get3A_482 : vector<16xf32>
        %mul3A_484 = arith.constant 2 : i32
        %mul3A_485 = arith.muli %mul3A_484, %scan3A_416 : i32
        %add3A_486 = arith.constant 1 : i32
        %add3A_487 = arith.addi %mul3A_485, %add3A_486 : i32
        %get3A_488 = arith.index_cast %add3A_487 : i32 to index
        %get3A_489 = arith.constant 80 : index
        %get3A_490 = tpu.vector_load %arg10[%get3A_488, %get3A_489] {strides = array<i32>} : memref<128x128xf32, #tpu.memory_space<vmem>>, vector<1x16xf32>,
        %get3A_491 = vector.shape_cast %get3A_490 : vector<1x16xf32> to vector<16xf32>
        %mul3A_492 = arith.mulf %get3A_11, %get3A_491 : vector<16xf32>
        %add3A_493 = arith.addf %mul3A_483, %mul3A_492 : vector<16xf32>
        %swap3A_494 = arith.index_cast %scan3A_416 : i32 to index
        %swap3A_495 = arith.constant 16 : index
        %swap3A_496 = tpu.vector_load %arg10[%swap3A_494, %swap3A_495] {strides = array<i32>} : memref<128x128xf32, #tpu.memory_space<vmem>>, vector<1x16xf32>,
        %swap3A_497 = vector.shape_cast %swap3A_496 : vector<1x16xf32> to vector<16xf32>
        %swap3A_498 = vector.shape_cast %add3A_474 : vector<16xf32> to vector<1x16xf32>
        tpu.vector_store %arg10[%swap3A_494, %swap3A_495], %swap3A_498 {strides = array<i32>} : memref<128x128xf32, #tpu.memory_space<vmem>>, vector<1x16xf32>,
        %swap3A_499 = arith.index_cast %scan3A_416 : i32 to index
        %swap3A_500 = arith.constant 80 : index
        %swap3A_501 = tpu.vector_load %arg10[%swap3A_499, %swap3A_500] {strides = array<i32>} : memref<128x128xf32, #tpu.memory_space<vmem>>, vector<1x16xf32>,
        %swap3A_502 = vector.shape_cast %swap3A_501 : vector<1x16xf32> to vector<16xf32>
        %swap3A_503 = vector.shape_cast %add3A_493 : vector<16xf32> to vector<1x16xf32>
        tpu.vector_store %arg10[%swap3A_499, %swap3A_500], %swap3A_503 {strides = array<i32>} : memref<128x128xf32, #tpu.memory_space<vmem>>, vector<1x16xf32>,
        %mul3A_504 = arith.constant 2 : i32
        %mul3A_505 = arith.muli %mul3A_504, %scan3A_416 : i32
        %get3A_506 = arith.index_cast %mul3A_505 : i32 to index
        %get3A_507 = arith.constant 32 : index
        %get3A_508 = tpu.vector_load %arg10[%get3A_506, %get3A_507] {strides = array<i32>} : memref<128x128xf32, #tpu.memory_space<vmem>>, vector<1x16xf32>,
        %get3A_509 = vector.shape_cast %get3A_508 : vector<1x16xf32> to vector<16xf32>
        %mul3A_510 = arith.mulf %get3A_6, %get3A_509 : vector<16xf32>
        %mul3A_511 = arith.constant 2 : i32
        %mul3A_512 = arith.muli %mul3A_511, %scan3A_416 : i32
        %get3A_513 = arith.index_cast %mul3A_512 : i32 to index
        %get3A_514 = arith.constant 96 : index
        %get3A_515 = tpu.vector_load %arg10[%get3A_513, %get3A_514] {strides = array<i32>} : memref<128x128xf32, #tpu.memory_space<vmem>>, vector<1x16xf32>,
        %get3A_516 = vector.shape_cast %get3A_515 : vector<1x16xf32> to vector<16xf32>
        %mul3A_517 = arith.mulf %get3A_11, %get3A_516 : vector<16xf32>
        %add3A_518 = arith.addf %mul3A_510, %mul3A_517 : vector<16xf32>
        %mul3A_519 = arith.constant 2 : i32
        %mul3A_520 = arith.muli %mul3A_519, %scan3A_416 : i32
        %add3A_521 = arith.constant 1 : i32
        %add3A_522 = arith.addi %mul3A_520, %add3A_521 : i32
        %get3A_523 = arith.index_cast %add3A_522 : i32 to index
        %get3A_524 = arith.constant 32 : index
        %get3A_525 = tpu.vector_load %arg10[%get3A_523, %get3A_524] {strides = array<i32>} : memref<128x128xf32, #tpu.memory_space<vmem>>, vector<1x16xf32>,
        %get3A_526 = vector.shape_cast %get3A_525 : vector<1x16xf32> to vector<16xf32>
        %mul3A_527 = arith.mulf %get3A_6, %get3A_526 : vector<16xf32>
        %mul3A_528 = arith.constant 2 : i32
        %mul3A_529 = arith.muli %mul3A_528, %scan3A_416 : i32
        %add3A_530 = arith.constant 1 : i32
        %add3A_531 = arith.addi %mul3A_529, %add3A_530 : i32
        %get3A_532 = arith.index_cast %add3A_531 : i32 to index
        %get3A_533 = arith.constant 96 : index
        %get3A_534 = tpu.vector_load %arg10[%get3A_532, %get3A_533] {strides = array<i32>} : memref<128x128xf32, #tpu.memory_space<vmem>>, vector<1x16xf32>,
        %get3A_535 = vector.shape_cast %get3A_534 : vector<1x16xf32> to vector<16xf32>
        %mul3A_536 = arith.mulf %get3A_11, %get3A_535 : vector<16xf32>
        %add3A_537 = arith.addf %mul3A_527, %mul3A_536 : vector<16xf32>
        %swap3A_538 = arith.index_cast %scan3A_416 : i32 to index
        %swap3A_539 = arith.constant 32 : index
        %swap3A_540 = tpu.vector_load %arg10[%swap3A_538, %swap3A_539] {strides = array<i32>} : memref<128x128xf32, #tpu.memory_space<vmem>>, vector<1x16xf32>,
        %swap3A_541 = vector.shape_cast %swap3A_540 : vector<1x16xf32> to vector<16xf32>
        %swap3A_542 = vector.shape_cast %add3A_518 : vector<16xf32> to vector<1x16xf32>
        tpu.vector_store %arg10[%swap3A_538, %swap3A_539], %swap3A_542 {strides = array<i32>} : memref<128x128xf32, #tpu.memory_space<vmem>>, vector<1x16xf32>,
        %swap3A_543 = arith.index_cast %scan3A_416 : i32 to index
        %swap3A_544 = arith.constant 96 : index
        %swap3A_545 = tpu.vector_load %arg10[%swap3A_543, %swap3A_544] {strides = array<i32>} : memref<128x128xf32, #tpu.memory_space<vmem>>, vector<1x16xf32>,
        %swap3A_546 = vector.shape_cast %swap3A_545 : vector<1x16xf32> to vector<16xf32>
        %swap3A_547 = vector.shape_cast %add3A_537 : vector<16xf32> to vector<1x16xf32>
        tpu.vector_store %arg10[%swap3A_543, %swap3A_544], %swap3A_547 {strides = array<i32>} : memref<128x128xf32, #tpu.memory_space<vmem>>, vector<1x16xf32>,
        %mul3A_548 = arith.constant 2 : i32
        %mul3A_549 = arith.muli %mul3A_548, %scan3A_416 : i32
        %get3A_550 = arith.index_cast %mul3A_549 : i32 to index
        %get3A_551 = arith.constant 48 : index
        %get3A_552 = tpu.vector_load %arg10[%get3A_550, %get3A_551] {strides = array<i32>} : memref<128x128xf32, #tpu.memory_space<vmem>>, vector<1x16xf32>,
        %get3A_553 = vector.shape_cast %get3A_552 : vector<1x16xf32> to vector<16xf32>
        %mul3A_554 = arith.mulf %get3A_6, %get3A_553 : vector<16xf32>
        %mul3A_555 = arith.constant 2 : i32
        %mul3A_556 = arith.muli %mul3A_555, %scan3A_416 : i32
        %get3A_557 = arith.index_cast %mul3A_556 : i32 to index
        %get3A_558 = arith.constant 112 : index
        %get3A_559 = tpu.vector_load %arg10[%get3A_557, %get3A_558] {strides = array<i32>} : memref<128x128xf32, #tpu.memory_space<vmem>>, vector<1x16xf32>,
        %get3A_560 = vector.shape_cast %get3A_559 : vector<1x16xf32> to vector<16xf32>
        %mul3A_561 = arith.mulf %get3A_11, %get3A_560 : vector<16xf32>
        %add3A_562 = arith.addf %mul3A_554, %mul3A_561 : vector<16xf32>
        %mul3A_563 = arith.constant 2 : i32
        %mul3A_564 = arith.muli %mul3A_563, %scan3A_416 : i32
        %add3A_565 = arith.constant 1 : i32
        %add3A_566 = arith.addi %mul3A_564, %add3A_565 : i32
        %get3A_567 = arith.index_cast %add3A_566 : i32 to index
        %get3A_568 = arith.constant 48 : index
        %get3A_569 = tpu.vector_load %arg10[%get3A_567, %get3A_568] {strides = array<i32>} : memref<128x128xf32, #tpu.memory_space<vmem>>, vector<1x16xf32>,
        %get3A_570 = vector.shape_cast %get3A_569 : vector<1x16xf32> to vector<16xf32>
        %mul3A_571 = arith.mulf %get3A_6, %get3A_570 : vector<16xf32>
        %mul3A_572 = arith.constant 2 : i32
        %mul3A_573 = arith.muli %mul3A_572, %scan3A_416 : i32
        %add3A_574 = arith.constant 1 : i32
        %add3A_575 = arith.addi %mul3A_573, %add3A_574 : i32
        %get3A_576 = arith.index_cast %add3A_575 : i32 to index
        %get3A_577 = arith.constant 112 : index
        %get3A_578 = tpu.vector_load %arg10[%get3A_576, %get3A_577] {strides = array<i32>} : memref<128x128xf32, #tpu.memory_space<vmem>>, vector<1x16xf32>,
        %get3A_579 = vector.shape_cast %get3A_578 : vector<1x16xf32> to vector<16xf32>
        %mul3A_580 = arith.mulf %get3A_11, %get3A_579 : vector<16xf32>
        %add3A_581 = arith.addf %mul3A_571, %mul3A_580 : vector<16xf32>
        %swap3A_582 = arith.index_cast %scan3A_416 : i32 to index
        %swap3A_583 = arith.constant 48 : index
        %swap3A_584 = tpu.vector_load %arg10[%swap3A_582, %swap3A_583] {strides = array<i32>} : memref<128x128xf32, #tpu.memory_space<vmem>>, vector<1x16xf32>,
        %swap3A_585 = vector.shape_cast %swap3A_584 : vector<1x16xf32> to vector<16xf32>
        %swap3A_586 = vector.shape_cast %add3A_562 : vector<16xf32> to vector<1x16xf32>
        tpu.vector_store %arg10[%swap3A_582, %swap3A_583], %swap3A_586 {strides = array<i32>} : memref<128x128xf32, #tpu.memory_space<vmem>>, vector<1x16xf32>,
        %swap3A_587 = arith.index_cast %scan3A_416 : i32 to index
        %swap3A_588 = arith.constant 112 : index
        %swap3A_589 = tpu.vector_load %arg10[%swap3A_587, %swap3A_588] {strides = array<i32>} : memref<128x128xf32, #tpu.memory_space<vmem>>, vector<1x16xf32>,
        %swap3A_590 = vector.shape_cast %swap3A_589 : vector<1x16xf32> to vector<16xf32>
        %swap3A_591 = vector.shape_cast %add3A_581 : vector<16xf32> to vector<1x16xf32>
        tpu.vector_store %arg10[%swap3A_587, %swap3A_588], %swap3A_591 {strides = array<i32>} : memref<128x128xf32, #tpu.memory_space<vmem>>, vector<1x16xf32>,
        %scan3A_592 = arith.constant 1 : i32
        %scan3A_593 = arith.addi %scan3A_416, %scan3A_592 : i32
        %mul3A_594 = arith.constant 2 : i32
        %mul3A_595 = arith.muli %mul3A_594, %scan3A_593 : i32
        %get3A_596 = arith.index_cast %mul3A_595 : i32 to index
        %get3A_597 = arith.constant 0 : index
        %get3A_598 = tpu.vector_load %arg10[%get3A_596, %get3A_597] {strides = array<i32>} : memref<128x128xf32, #tpu.memory_space<vmem>>, vector<1x16xf32>,
        %get3A_599 = vector.shape_cast %get3A_598 : vector<1x16xf32> to vector<16xf32>
        %mul3A_600 = arith.mulf %get3A_6, %get3A_599 : vector<16xf32>
        %mul3A_601 = arith.constant 2 : i32
        %mul3A_602 = arith.muli %mul3A_601, %scan3A_593 : i32
        %get3A_603 = arith.index_cast %mul3A_602 : i32 to index
        %get3A_604 = arith.constant 64 : index
        %get3A_605 = tpu.vector_load %arg10[%get3A_603, %get3A_604] {strides = array<i32>} : memref<128x128xf32, #tpu.memory_space<vmem>>, vector<1x16xf32>,
        %get3A_606 = vector.shape_cast %get3A_605 : vector<1x16xf32> to vector<16xf32>
        %mul3A_607 = arith.mulf %get3A_11, %get3A_606 : vector<16xf32>
        %add3A_608 = arith.addf %mul3A_600, %mul3A_607 : vector<16xf32>
        %mul3A_609 = arith.constant 2 : i32
        %mul3A_610 = arith.muli %mul3A_609, %scan3A_593 : i32
        %add3A_611 = arith.constant 1 : i32
        %add3A_612 = arith.addi %mul3A_610, %add3A_611 : i32
        %get3A_613 = arith.index_cast %add3A_612 : i32 to index
        %get3A_614 = arith.constant 0 : index
        %get3A_615 = tpu.vector_load %arg10[%get3A_613, %get3A_614] {strides = array<i32>} : memref<128x128xf32, #tpu.memory_space<vmem>>, vector<1x16xf32>,
        %get3A_616 = vector.shape_cast %get3A_615 : vector<1x16xf32> to vector<16xf32>
        %mul3A_617 = arith.mulf %get3A_6, %get3A_616 : vector<16xf32>
        %mul3A_618 = arith.constant 2 : i32
        %mul3A_619 = arith.muli %mul3A_618, %scan3A_593 : i32
        %add3A_620 = arith.constant 1 : i32
        %add3A_621 = arith.addi %mul3A_619, %add3A_620 : i32
        %get3A_622 = arith.index_cast %add3A_621 : i32 to index
        %get3A_623 = arith.constant 64 : index
        %get3A_624 = tpu.vector_load %arg10[%get3A_622, %get3A_623] {strides = array<i32>} : memref<128x128xf32, #tpu.memory_space<vmem>>, vector<1x16xf32>,
        %get3A_625 = vector.shape_cast %get3A_624 : vector<1x16xf32> to vector<16xf32>
        %mul3A_626 = arith.mulf %get3A_11, %get3A_625 : vector<16xf32>
        %add3A_627 = arith.addf %mul3A_617, %mul3A_626 : vector<16xf32>
        %swap3A_628 = arith.index_cast %scan3A_593 : i32 to index
        %swap3A_629 = arith.constant 0 : index
        %swap3A_630 = tpu.vector_load %arg10[%swap3A_628, %swap3A_629] {strides = array<i32>} : memref<128x128xf32, #tpu.memory_space<vmem>>, vector<1x16xf32>,
        %swap3A_631 = vector.shape_cast %swap3A_630 : vector<1x16xf32> to vector<16xf32>
        %swap3A_632 = vector.shape_cast %add3A_608 : vector<16xf32> to vector<1x16xf32>
        tpu.vector_store %arg10[%swap3A_628, %swap3A_629], %swap3A_632 {strides = array<i32>} : memref<128x128xf32, #tpu.memory_space<vmem>>, vector<1x16xf32>,
        %swap3A_633 = arith.index_cast %scan3A_593 : i32 to index
        %swap3A_634 = arith.constant 64 : index
        %swap3A_635 = tpu.vector_load %arg10[%swap3A_633, %swap3A_634] {strides = array<i32>} : memref<128x128xf32, #tpu.memory_space<vmem>>, vector<1x16xf32>,
        %swap3A_636 = vector.shape_cast %swap3A_635 : vector<1x16xf32> to vector<16xf32>
        %swap3A_637 = vector.shape_cast %add3A_627 : vector<16xf32> to vector<1x16xf32>
        tpu.vector_store %arg10[%swap3A_633, %swap3A_634], %swap3A_637 {strides = array<i32>} : memref<128x128xf32, #tpu.memory_space<vmem>>, vector<1x16xf32>,
        %mul3A_638 = arith.constant 2 : i32
        %mul3A_639 = arith.muli %mul3A_638, %scan3A_593 : i32
        %get3A_640 = arith.index_cast %mul3A_639 : i32 to index
        %get3A_641 = arith.constant 16 : index
        %get3A_642 = tpu.vector_load %arg10[%get3A_640, %get3A_641] {strides = array<i32>} : memref<128x128xf32, #tpu.memory_space<vmem>>, vector<1x16xf32>,
        %get3A_643 = vector.shape_cast %get3A_642 : vector<1x16xf32> to vector<16xf32>
        %mul3A_644 = arith.mulf %get3A_6, %get3A_643 : vector<16xf32>
        %mul3A_645 = arith.constant 2 : i32
        %mul3A_646 = arith.muli %mul3A_645, %scan3A_593 : i32
        %get3A_647 = arith.index_cast %mul3A_646 : i32 to index
        %get3A_648 = arith.constant 80 : index
        %get3A_649 = tpu.vector_load %arg10[%get3A_647, %get3A_648] {strides = array<i32>} : memref<128x128xf32, #tpu.memory_space<vmem>>, vector<1x16xf32>,
        %get3A_650 = vector.shape_cast %get3A_649 : vector<1x16xf32> to vector<16xf32>
        %mul3A_651 = arith.mulf %get3A_11, %get3A_650 : vector<16xf32>
        %add3A_652 = arith.addf %mul3A_644, %mul3A_651 : vector<16xf32>
        %mul3A_653 = arith.constant 2 : i32
        %mul3A_654 = arith.muli %mul3A_653, %scan3A_593 : i32
        %add3A_655 = arith.constant 1 : i32
        %add3A_656 = arith.addi %mul3A_654, %add3A_655 : i32
        %get3A_657 = arith.index_cast %add3A_656 : i32 to index
        %get3A_658 = arith.constant 16 : index
        %get3A_659 = tpu.vector_load %arg10[%get3A_657, %get3A_658] {strides = array<i32>} : memref<128x128xf32, #tpu.memory_space<vmem>>, vector<1x16xf32>,
        %get3A_660 = vector.shape_cast %get3A_659 : vector<1x16xf32> to vector<16xf32>
        %mul3A_661 = arith.mulf %get3A_6, %get3A_660 : vector<16xf32>
        %mul3A_662 = arith.constant 2 : i32
        %mul3A_663 = arith.muli %mul3A_662, %scan3A_593 : i32
        %add3A_664 = arith.constant 1 : i32
        %add3A_665 = arith.addi %mul3A_663, %add3A_664 : i32
        %get3A_666 = arith.index_cast %add3A_665 : i32 to index
        %get3A_667 = arith.constant 80 : index
        %get3A_668 = tpu.vector_load %arg10[%get3A_666, %get3A_667] {strides = array<i32>} : memref<128x128xf32, #tpu.memory_space<vmem>>, vector<1x16xf32>,
        %get3A_669 = vector.shape_cast %get3A_668 : vector<1x16xf32> to vector<16xf32>
        %mul3A_670 = arith.mulf %get3A_11, %get3A_669 : vector<16xf32>
        %add3A_671 = arith.addf %mul3A_661, %mul3A_670 : vector<16xf32>
        %swap3A_672 = arith.index_cast %scan3A_593 : i32 to index
        %swap3A_673 = arith.constant 16 : index
        %swap3A_674 = tpu.vector_load %arg10[%swap3A_672, %swap3A_673] {strides = array<i32>} : memref<128x128xf32, #tpu.memory_space<vmem>>, vector<1x16xf32>,
        %swap3A_675 = vector.shape_cast %swap3A_674 : vector<1x16xf32> to vector<16xf32>
        %swap3A_676 = vector.shape_cast %add3A_652 : vector<16xf32> to vector<1x16xf32>
        tpu.vector_store %arg10[%swap3A_672, %swap3A_673], %swap3A_676 {strides = array<i32>} : memref<128x128xf32, #tpu.memory_space<vmem>>, vector<1x16xf32>,
        %swap3A_677 = arith.index_cast %scan3A_593 : i32 to index
        %swap3A_678 = arith.constant 80 : index
        %swap3A_679 = tpu.vector_load %arg10[%swap3A_677, %swap3A_678] {strides = array<i32>} : memref<128x128xf32, #tpu.memory_space<vmem>>, vector<1x16xf32>,
        %swap3A_680 = vector.shape_cast %swap3A_679 : vector<1x16xf32> to vector<16xf32>
        %swap3A_681 = vector.shape_cast %add3A_671 : vector<16xf32> to vector<1x16xf32>
        tpu.vector_store %arg10[%swap3A_677, %swap3A_678], %swap3A_681 {strides = array<i32>} : memref<128x128xf32, #tpu.memory_space<vmem>>, vector<1x16xf32>,
        %mul3A_682 = arith.constant 2 : i32
        %mul3A_683 = arith.muli %mul3A_682, %scan3A_593 : i32
        %get3A_684 = arith.index_cast %mul3A_683 : i32 to index
        %get3A_685 = arith.constant 32 : index
        %get3A_686 = tpu.vector_load %arg10[%get3A_684, %get3A_685] {strides = array<i32>} : memref<128x128xf32, #tpu.memory_space<vmem>>, vector<1x16xf32>,
        %get3A_687 = vector.shape_cast %get3A_686 : vector<1x16xf32> to vector<16xf32>
        %mul3A_688 = arith.mulf %get3A_6, %get3A_687 : vector<16xf32>
        %mul3A_689 = arith.constant 2 : i32
        %mul3A_690 = arith.muli %mul3A_689, %scan3A_593 : i32
        %get3A_691 = arith.index_cast %mul3A_690 : i32 to index
        %get3A_692 = arith.constant 96 : index
        %get3A_693 = tpu.vector_load %arg10[%get3A_691, %get3A_692] {strides = array<i32>} : memref<128x128xf32, #tpu.memory_space<vmem>>, vector<1x16xf32>,
        %get3A_694 = vector.shape_cast %get3A_693 : vector<1x16xf32> to vector<16xf32>
        %mul3A_695 = arith.mulf %get3A_11, %get3A_694 : vector<16xf32>
        %add3A_696 = arith.addf %mul3A_688, %mul3A_695 : vector<16xf32>
        %mul3A_697 = arith.constant 2 : i32
        %mul3A_698 = arith.muli %mul3A_697, %scan3A_593 : i32
        %add3A_699 = arith.constant 1 : i32
        %add3A_700 = arith.addi %mul3A_698, %add3A_699 : i32
        %get3A_701 = arith.index_cast %add3A_700 : i32 to index
        %get3A_702 = arith.constant 32 : index
        %get3A_703 = tpu.vector_load %arg10[%get3A_701, %get3A_702] {strides = array<i32>} : memref<128x128xf32, #tpu.memory_space<vmem>>, vector<1x16xf32>,
        %get3A_704 = vector.shape_cast %get3A_703 : vector<1x16xf32> to vector<16xf32>
        %mul3A_705 = arith.mulf %get3A_6, %get3A_704 : vector<16xf32>
        %mul3A_706 = arith.constant 2 : i32
        %mul3A_707 = arith.muli %mul3A_706, %scan3A_593 : i32
        %add3A_708 = arith.constant 1 : i32
        %add3A_709 = arith.addi %mul3A_707, %add3A_708 : i32
        %get3A_710 = arith.index_cast %add3A_709 : i32 to index
        %get3A_711 = arith.constant 96 : index
        %get3A_712 = tpu.vector_load %arg10[%get3A_710, %get3A_711] {strides = array<i32>} : memref<128x128xf32, #tpu.memory_space<vmem>>, vector<1x16xf32>,
        %get3A_713 = vector.shape_cast %get3A_712 : vector<1x16xf32> to vector<16xf32>
        %mul3A_714 = arith.mulf %get3A_11, %get3A_713 : vector<16xf32>
        %add3A_715 = arith.addf %mul3A_705, %mul3A_714 : vector<16xf32>
        %swap3A_716 = arith.index_cast %scan3A_593 : i32 to index
        %swap3A_717 = arith.constant 32 : index
        %swap3A_718 = tpu.vector_load %arg10[%swap3A_716, %swap3A_717] {strides = array<i32>} : memref<128x128xf32, #tpu.memory_space<vmem>>, vector<1x16xf32>,
        %swap3A_719 = vector.shape_cast %swap3A_718 : vector<1x16xf32> to vector<16xf32>
        %swap3A_720 = vector.shape_cast %add3A_696 : vector<16xf32> to vector<1x16xf32>
        tpu.vector_store %arg10[%swap3A_716, %swap3A_717], %swap3A_720 {strides = array<i32>} : memref<128x128xf32, #tpu.memory_space<vmem>>, vector<1x16xf32>,
        %swap3A_721 = arith.index_cast %scan3A_593 : i32 to index
        %swap3A_722 = arith.constant 96 : index
        %swap3A_723 = tpu.vector_load %arg10[%swap3A_721, %swap3A_722] {strides = array<i32>} : memref<128x128xf32, #tpu.memory_space<vmem>>, vector<1x16xf32>,
        %swap3A_724 = vector.shape_cast %swap3A_723 : vector<1x16xf32> to vector<16xf32>
        %swap3A_725 = vector.shape_cast %add3A_715 : vector<16xf32> to vector<1x16xf32>
        tpu.vector_store %arg10[%swap3A_721, %swap3A_722], %swap3A_725 {strides = array<i32>} : memref<128x128xf32, #tpu.memory_space<vmem>>, vector<1x16xf32>,
        %mul3A_726 = arith.constant 2 : i32
        %mul3A_727 = arith.muli %mul3A_726, %scan3A_593 : i32
        %get3A_728 = arith.index_cast %mul3A_727 : i32 to index
        %get3A_729 = arith.constant 48 : index
        %get3A_730 = tpu.vector_load %arg10[%get3A_728, %get3A_729] {strides = array<i32>} : memref<128x128xf32, #tpu.memory_space<vmem>>, vector<1x16xf32>,
        %get3A_731 = vector.shape_cast %get3A_730 : vector<1x16xf32> to vector<16xf32>
        %mul3A_732 = arith.mulf %get3A_6, %get3A_731 : vector<16xf32>
        %mul3A_733 = arith.constant 2 : i32
        %mul3A_734 = arith.muli %mul3A_733, %scan3A_593 : i32
        %get3A_735 = arith.index_cast %mul3A_734 : i32 to index
        %get3A_736 = arith.constant 112 : index
        %get3A_737 = tpu.vector_load %arg10[%get3A_735, %get3A_736] {strides = array<i32>} : memref<128x128xf32, #tpu.memory_space<vmem>>, vector<1x16xf32>,
        %get3A_738 = vector.shape_cast %get3A_737 : vector<1x16xf32> to vector<16xf32>
        %mul3A_739 = arith.mulf %get3A_11, %get3A_738 : vector<16xf32>
        %add3A_740 = arith.addf %mul3A_732, %mul3A_739 : vector<16xf32>
        %mul3A_741 = arith.constant 2 : i32
        %mul3A_742 = arith.muli %mul3A_741, %scan3A_593 : i32
        %add3A_743 = arith.constant 1 : i32
        %add3A_744 = arith.addi %mul3A_742, %add3A_743 : i32
        %get3A_745 = arith.index_cast %add3A_744 : i32 to index
        %get3A_746 = arith.constant 48 : index
        %get3A_747 = tpu.vector_load %arg10[%get3A_745, %get3A_746] {strides = array<i32>} : memref<128x128xf32, #tpu.memory_space<vmem>>, vector<1x16xf32>,
        %get3A_748 = vector.shape_cast %get3A_747 : vector<1x16xf32> to vector<16xf32>
        %mul3A_749 = arith.mulf %get3A_6, %get3A_748 : vector<16xf32>
        %mul3A_750 = arith.constant 2 : i32
        %mul3A_751 = arith.muli %mul3A_750, %scan3A_593 : i32
        %add3A_752 = arith.constant 1 : i32
        %add3A_753 = arith.addi %mul3A_751, %add3A_752 : i32
        %get3A_754 = arith.index_cast %add3A_753 : i32 to index
        %get3A_755 = arith.constant 112 : index
        %get3A_756 = tpu.vector_load %arg10[%get3A_754, %get3A_755] {strides = array<i32>} : memref<128x128xf32, #tpu.memory_space<vmem>>, vector<1x16xf32>,
        %get3A_757 = vector.shape_cast %get3A_756 : vector<1x16xf32> to vector<16xf32>
        %mul3A_758 = arith.mulf %get3A_11, %get3A_757 : vector<16xf32>
        %add3A_759 = arith.addf %mul3A_749, %mul3A_758 : vector<16xf32>
        %swap3A_760 = arith.index_cast %scan3A_593 : i32 to index
        %swap3A_761 = arith.constant 48 : index
        %swap3A_762 = tpu.vector_load %arg10[%swap3A_760, %swap3A_761] {strides = array<i32>} : memref<128x128xf32, #tpu.memory_space<vmem>>, vector<1x16xf32>,
        %swap3A_763 = vector.shape_cast %swap3A_762 : vector<1x16xf32> to vector<16xf32>
        %swap3A_764 = vector.shape_cast %add3A_740 : vector<16xf32> to vector<1x16xf32>
        tpu.vector_store %arg10[%swap3A_760, %swap3A_761], %swap3A_764 {strides = array<i32>} : memref<128x128xf32, #tpu.memory_space<vmem>>, vector<1x16xf32>,
        %swap3A_765 = arith.index_cast %scan3A_593 : i32 to index
        %swap3A_766 = arith.constant 112 : index
        %swap3A_767 = tpu.vector_load %arg10[%swap3A_765, %swap3A_766] {strides = array<i32>} : memref<128x128xf32, #tpu.memory_space<vmem>>, vector<1x16xf32>,
        %swap3A_768 = vector.shape_cast %swap3A_767 : vector<1x16xf32> to vector<16xf32>
        %swap3A_769 = vector.shape_cast %add3A_759 : vector<16xf32> to vector<1x16xf32>
        tpu.vector_store %arg10[%swap3A_765, %swap3A_766], %swap3A_769 {strides = array<i32>} : memref<128x128xf32, #tpu.memory_space<vmem>>, vector<1x16xf32>,
        %scan3A_770 = arith.constant 2 : i32
        %scan3A_771 = arith.addi %scan3A_416, %scan3A_770 : i32
        %mul3A_772 = arith.constant 2 : i32
        %mul3A_773 = arith.muli %mul3A_772, %scan3A_771 : i32
        %get3A_774 = arith.index_cast %mul3A_773 : i32 to index
        %get3A_775 = arith.constant 0 : index
        %get3A_776 = tpu.vector_load %arg10[%get3A_774, %get3A_775] {strides = array<i32>} : memref<128x128xf32, #tpu.memory_space<vmem>>, vector<1x16xf32>,
        %get3A_777 = vector.shape_cast %get3A_776 : vector<1x16xf32> to vector<16xf32>
        %mul3A_778 = arith.mulf %get3A_6, %get3A_777 : vector<16xf32>
        %mul3A_779 = arith.constant 2 : i32
        %mul3A_780 = arith.muli %mul3A_779, %scan3A_771 : i32
        %get3A_781 = arith.index_cast %mul3A_780 : i32 to index
        %get3A_782 = arith.constant 64 : index
        %get3A_783 = tpu.vector_load %arg10[%get3A_781, %get3A_782] {strides = array<i32>} : memref<128x128xf32, #tpu.memory_space<vmem>>, vector<1x16xf32>,
        %get3A_784 = vector.shape_cast %get3A_783 : vector<1x16xf32> to vector<16xf32>
        %mul3A_785 = arith.mulf %get3A_11, %get3A_784 : vector<16xf32>
        %add3A_786 = arith.addf %mul3A_778, %mul3A_785 : vector<16xf32>
        %mul3A_787 = arith.constant 2 : i32
        %mul3A_788 = arith.muli %mul3A_787, %scan3A_771 : i32
        %add3A_789 = arith.constant 1 : i32
        %add3A_790 = arith.addi %mul3A_788, %add3A_789 : i32
        %get3A_791 = arith.index_cast %add3A_790 : i32 to index
        %get3A_792 = arith.constant 0 : index
        %get3A_793 = tpu.vector_load %arg10[%get3A_791, %get3A_792] {strides = array<i32>} : memref<128x128xf32, #tpu.memory_space<vmem>>, vector<1x16xf32>,
        %get3A_794 = vector.shape_cast %get3A_793 : vector<1x16xf32> to vector<16xf32>
        %mul3A_795 = arith.mulf %get3A_6, %get3A_794 : vector<16xf32>
        %mul3A_796 = arith.constant 2 : i32
        %mul3A_797 = arith.muli %mul3A_796, %scan3A_771 : i32
        %add3A_798 = arith.constant 1 : i32
        %add3A_799 = arith.addi %mul3A_797, %add3A_798 : i32
        %get3A_800 = arith.index_cast %add3A_799 : i32 to index
        %get3A_801 = arith.constant 64 : index
        %get3A_802 = tpu.vector_load %arg10[%get3A_800, %get3A_801] {strides = array<i32>} : memref<128x128xf32, #tpu.memory_space<vmem>>, vector<1x16xf32>,
        %get3A_803 = vector.shape_cast %get3A_802 : vector<1x16xf32> to vector<16xf32>
        %mul3A_804 = arith.mulf %get3A_11, %get3A_803 : vector<16xf32>
        %add3A_805 = arith.addf %mul3A_795, %mul3A_804 : vector<16xf32>
        %swap3A_806 = arith.index_cast %scan3A_771 : i32 to index
        %swap3A_807 = arith.constant 0 : index
        %swap3A_808 = tpu.vector_load %arg10[%swap3A_806, %swap3A_807] {strides = array<i32>} : memref<128x128xf32, #tpu.memory_space<vmem>>, vector<1x16xf32>,
        %swap3A_809 = vector.shape_cast %swap3A_808 : vector<1x16xf32> to vector<16xf32>
        %swap3A_810 = vector.shape_cast %add3A_786 : vector<16xf32> to vector<1x16xf32>
        tpu.vector_store %arg10[%swap3A_806, %swap3A_807], %swap3A_810 {strides = array<i32>} : memref<128x128xf32, #tpu.memory_space<vmem>>, vector<1x16xf32>,
        %swap3A_811 = arith.index_cast %scan3A_771 : i32 to index
        %swap3A_812 = arith.constant 64 : index
        %swap3A_813 = tpu.vector_load %arg10[%swap3A_811, %swap3A_812] {strides = array<i32>} : memref<128x128xf32, #tpu.memory_space<vmem>>, vector<1x16xf32>,
        %swap3A_814 = vector.shape_cast %swap3A_813 : vector<1x16xf32> to vector<16xf32>
        %swap3A_815 = vector.shape_cast %add3A_805 : vector<16xf32> to vector<1x16xf32>
        tpu.vector_store %arg10[%swap3A_811, %swap3A_812], %swap3A_815 {strides = array<i32>} : memref<128x128xf32, #tpu.memory_space<vmem>>, vector<1x16xf32>,
        %mul3A_816 = arith.constant 2 : i32
        %mul3A_817 = arith.muli %mul3A_816, %scan3A_771 : i32
        %get3A_818 = arith.index_cast %mul3A_817 : i32 to index
        %get3A_819 = arith.constant 16 : index
        %get3A_820 = tpu.vector_load %arg10[%get3A_818, %get3A_819] {strides = array<i32>} : memref<128x128xf32, #tpu.memory_space<vmem>>, vector<1x16xf32>,
        %get3A_821 = vector.shape_cast %get3A_820 : vector<1x16xf32> to vector<16xf32>
        %mul3A_822 = arith.mulf %get3A_6, %get3A_821 : vector<16xf32>
        %mul3A_823 = arith.constant 2 : i32
        %mul3A_824 = arith.muli %mul3A_823, %scan3A_771 : i32
        %get3A_825 = arith.index_cast %mul3A_824 : i32 to index
        %get3A_826 = arith.constant 80 : index
        %get3A_827 = tpu.vector_load %arg10[%get3A_825, %get3A_826] {strides = array<i32>} : memref<128x128xf32, #tpu.memory_space<vmem>>, vector<1x16xf32>,
        %get3A_828 = vector.shape_cast %get3A_827 : vector<1x16xf32> to vector<16xf32>
        %mul3A_829 = arith.mulf %get3A_11, %get3A_828 : vector<16xf32>
        %add3A_830 = arith.addf %mul3A_822, %mul3A_829 : vector<16xf32>
        %mul3A_831 = arith.constant 2 : i32
        %mul3A_832 = arith.muli %mul3A_831, %scan3A_771 : i32
        %add3A_833 = arith.constant 1 : i32
        %add3A_834 = arith.addi %mul3A_832, %add3A_833 : i32
        %get3A_835 = arith.index_cast %add3A_834 : i32 to index
        %get3A_836 = arith.constant 16 : index
        %get3A_837 = tpu.vector_load %arg10[%get3A_835, %get3A_836] {strides = array<i32>} : memref<128x128xf32, #tpu.memory_space<vmem>>, vector<1x16xf32>,
        %get3A_838 = vector.shape_cast %get3A_837 : vector<1x16xf32> to vector<16xf32>
        %mul3A_839 = arith.mulf %get3A_6, %get3A_838 : vector<16xf32>
        %mul3A_840 = arith.constant 2 : i32
        %mul3A_841 = arith.muli %mul3A_840, %scan3A_771 : i32
        %add3A_842 = arith.constant 1 : i32
        %add3A_843 = arith.addi %mul3A_841, %add3A_842 : i32
        %get3A_844 = arith.index_cast %add3A_843 : i32 to index
        %get3A_845 = arith.constant 80 : index
        %get3A_846 = tpu.vector_load %arg10[%get3A_844, %get3A_845] {strides = array<i32>} : memref<128x128xf32, #tpu.memory_space<vmem>>, vector<1x16xf32>,
        %get3A_847 = vector.shape_cast %get3A_846 : vector<1x16xf32> to vector<16xf32>
        %mul3A_848 = arith.mulf %get3A_11, %get3A_847 : vector<16xf32>
        %add3A_849 = arith.addf %mul3A_839, %mul3A_848 : vector<16xf32>
        %swap3A_850 = arith.index_cast %scan3A_771 : i32 to index
        %swap3A_851 = arith.constant 16 : index
        %swap3A_852 = tpu.vector_load %arg10[%swap3A_850, %swap3A_851] {strides = array<i32>} : memref<128x128xf32, #tpu.memory_space<vmem>>, vector<1x16xf32>,
        %swap3A_853 = vector.shape_cast %swap3A_852 : vector<1x16xf32> to vector<16xf32>
        %swap3A_854 = vector.shape_cast %add3A_830 : vector<16xf32> to vector<1x16xf32>
        tpu.vector_store %arg10[%swap3A_850, %swap3A_851], %swap3A_854 {strides = array<i32>} : memref<128x128xf32, #tpu.memory_space<vmem>>, vector<1x16xf32>,
        %swap3A_855 = arith.index_cast %scan3A_771 : i32 to index
        %swap3A_856 = arith.constant 80 : index
        %swap3A_857 = tpu.vector_load %arg10[%swap3A_855, %swap3A_856] {strides = array<i32>} : memref<128x128xf32, #tpu.memory_space<vmem>>, vector<1x16xf32>,
        %swap3A_858 = vector.shape_cast %swap3A_857 : vector<1x16xf32> to vector<16xf32>
        %swap3A_859 = vector.shape_cast %add3A_849 : vector<16xf32> to vector<1x16xf32>
        tpu.vector_store %arg10[%swap3A_855, %swap3A_856], %swap3A_859 {strides = array<i32>} : memref<128x128xf32, #tpu.memory_space<vmem>>, vector<1x16xf32>,
        %mul3A_860 = arith.constant 2 : i32
        %mul3A_861 = arith.muli %mul3A_860, %scan3A_771 : i32
        %get3A_862 = arith.index_cast %mul3A_861 : i32 to index
        %get3A_863 = arith.constant 32 : index
        %get3A_864 = tpu.vector_load %arg10[%get3A_862, %get3A_863] {strides = array<i32>} : memref<128x128xf32, #tpu.memory_space<vmem>>, vector<1x16xf32>,
        %get3A_865 = vector.shape_cast %get3A_864 : vector<1x16xf32> to vector<16xf32>
        %mul3A_866 = arith.mulf %get3A_6, %get3A_865 : vector<16xf32>
        %mul3A_867 = arith.constant 2 : i32
        %mul3A_868 = arith.muli %mul3A_867, %scan3A_771 : i32
        %get3A_869 = arith.index_cast %mul3A_868 : i32 to index
        %get3A_870 = arith.constant 96 : index
        %get3A_871 = tpu.vector_load %arg10[%get3A_869, %get3A_870] {strides = array<i32>} : memref<128x128xf32, #tpu.memory_space<vmem>>, vector<1x16xf32>,
        %get3A_872 = vector.shape_cast %get3A_871 : vector<1x16xf32> to vector<16xf32>
        %mul3A_873 = arith.mulf %get3A_11, %get3A_872 : vector<16xf32>
        %add3A_874 = arith.addf %mul3A_866, %mul3A_873 : vector<16xf32>
        %mul3A_875 = arith.constant 2 : i32
        %mul3A_876 = arith.muli %mul3A_875, %scan3A_771 : i32
        %add3A_877 = arith.constant 1 : i32
        %add3A_878 = arith.addi %mul3A_876, %add3A_877 : i32
        %get3A_879 = arith.index_cast %add3A_878 : i32 to index
        %get3A_880 = arith.constant 32 : index
        %get3A_881 = tpu.vector_load %arg10[%get3A_879, %get3A_880] {strides = array<i32>} : memref<128x128xf32, #tpu.memory_space<vmem>>, vector<1x16xf32>,
        %get3A_882 = vector.shape_cast %get3A_881 : vector<1x16xf32> to vector<16xf32>
        %mul3A_883 = arith.mulf %get3A_6, %get3A_882 : vector<16xf32>
        %mul3A_884 = arith.constant 2 : i32
        %mul3A_885 = arith.muli %mul3A_884, %scan3A_771 : i32
        %add3A_886 = arith.constant 1 : i32
        %add3A_887 = arith.addi %mul3A_885, %add3A_886 : i32
        %get3A_888 = arith.index_cast %add3A_887 : i32 to index
        %get3A_889 = arith.constant 96 : index
        %get3A_890 = tpu.vector_load %arg10[%get3A_888, %get3A_889] {strides = array<i32>} : memref<128x128xf32, #tpu.memory_space<vmem>>, vector<1x16xf32>,
        %get3A_891 = vector.shape_cast %get3A_890 : vector<1x16xf32> to vector<16xf32>
        %mul3A_892 = arith.mulf %get3A_11, %get3A_891 : vector<16xf32>
        %add3A_893 = arith.addf %mul3A_883, %mul3A_892 : vector<16xf32>
        %swap3A_894 = arith.index_cast %scan3A_771 : i32 to index
        %swap3A_895 = arith.constant 32 : index
        %swap3A_896 = tpu.vector_load %arg10[%swap3A_894, %swap3A_895] {strides = array<i32>} : memref<128x128xf32, #tpu.memory_space<vmem>>, vector<1x16xf32>,
        %swap3A_897 = vector.shape_cast %swap3A_896 : vector<1x16xf32> to vector<16xf32>
        %swap3A_898 = vector.shape_cast %add3A_874 : vector<16xf32> to vector<1x16xf32>
        tpu.vector_store %arg10[%swap3A_894, %swap3A_895], %swap3A_898 {strides = array<i32>} : memref<128x128xf32, #tpu.memory_space<vmem>>, vector<1x16xf32>,
        %swap3A_899 = arith.index_cast %scan3A_771 : i32 to index
        %swap3A_900 = arith.constant 96 : index
        %swap3A_901 = tpu.vector_load %arg10[%swap3A_899, %swap3A_900] {strides = array<i32>} : memref<128x128xf32, #tpu.memory_space<vmem>>, vector<1x16xf32>,
        %swap3A_902 = vector.shape_cast %swap3A_901 : vector<1x16xf32> to vector<16xf32>
        %swap3A_903 = vector.shape_cast %add3A_893 : vector<16xf32> to vector<1x16xf32>
        tpu.vector_store %arg10[%swap3A_899, %swap3A_900], %swap3A_903 {strides = array<i32>} : memref<128x128xf32, #tpu.memory_space<vmem>>, vector<1x16xf32>,
        %mul3A_904 = arith.constant 2 : i32
        %mul3A_905 = arith.muli %mul3A_904, %scan3A_771 : i32
        %get3A_906 = arith.index_cast %mul3A_905 : i32 to index
        %get3A_907 = arith.constant 48 : index
        %get3A_908 = tpu.vector_load %arg10[%get3A_906, %get3A_907] {strides = array<i32>} : memref<128x128xf32, #tpu.memory_space<vmem>>, vector<1x16xf32>,
        %get3A_909 = vector.shape_cast %get3A_908 : vector<1x16xf32> to vector<16xf32>
        %mul3A_910 = arith.mulf %get3A_6, %get3A_909 : vector<16xf32>
        %mul3A_911 = arith.constant 2 : i32
        %mul3A_912 = arith.muli %mul3A_911, %scan3A_771 : i32
        %get3A_913 = arith.index_cast %mul3A_912 : i32 to index
        %get3A_914 = arith.constant 112 : index
        %get3A_915 = tpu.vector_load %arg10[%get3A_913, %get3A_914] {strides = array<i32>} : memref<128x128xf32, #tpu.memory_space<vmem>>, vector<1x16xf32>,
        %get3A_916 = vector.shape_cast %get3A_915 : vector<1x16xf32> to vector<16xf32>
        %mul3A_917 = arith.mulf %get3A_11, %get3A_916 : vector<16xf32>
        %add3A_918 = arith.addf %mul3A_910, %mul3A_917 : vector<16xf32>
        %mul3A_919 = arith.constant 2 : i32
        %mul3A_920 = arith.muli %mul3A_919, %scan3A_771 : i32
        %add3A_921 = arith.constant 1 : i32
        %add3A_922 = arith.addi %mul3A_920, %add3A_921 : i32
        %get3A_923 = arith.index_cast %add3A_922 : i32 to index
        %get3A_924 = arith.constant 48 : index
        %get3A_925 = tpu.vector_load %arg10[%get3A_923, %get3A_924] {strides = array<i32>} : memref<128x128xf32, #tpu.memory_space<vmem>>, vector<1x16xf32>,
        %get3A_926 = vector.shape_cast %get3A_925 : vector<1x16xf32> to vector<16xf32>
        %mul3A_927 = arith.mulf %get3A_6, %get3A_926 : vector<16xf32>
        %mul3A_928 = arith.constant 2 : i32
        %mul3A_929 = arith.muli %mul3A_928, %scan3A_771 : i32
        %add3A_930 = arith.constant 1 : i32
        %add3A_931 = arith.addi %mul3A_929, %add3A_930 : i32
        %get3A_932 = arith.index_cast %add3A_931 : i32 to index
        %get3A_933 = arith.constant 112 : index
        %get3A_934 = tpu.vector_load %arg10[%get3A_932, %get3A_933] {strides = array<i32>} : memref<128x128xf32, #tpu.memory_space<vmem>>, vector<1x16xf32>,
        %get3A_935 = vector.shape_cast %get3A_934 : vector<1x16xf32> to vector<16xf32>
        %mul3A_936 = arith.mulf %get3A_11, %get3A_935 : vector<16xf32>
        %add3A_937 = arith.addf %mul3A_927, %mul3A_936 : vector<16xf32>
        %swap3A_938 = arith.index_cast %scan3A_771 : i32 to index
        %swap3A_939 = arith.constant 48 : index
        %swap3A_940 = tpu.vector_load %arg10[%swap3A_938, %swap3A_939] {strides = array<i32>} : memref<128x128xf32, #tpu.memory_space<vmem>>, vector<1x16xf32>,
        %swap3A_941 = vector.shape_cast %swap3A_940 : vector<1x16xf32> to vector<16xf32>
        %swap3A_942 = vector.shape_cast %add3A_918 : vector<16xf32> to vector<1x16xf32>
        tpu.vector_store %arg10[%swap3A_938, %swap3A_939], %swap3A_942 {strides = array<i32>} : memref<128x128xf32, #tpu.memory_space<vmem>>, vector<1x16xf32>,
        %swap3A_943 = arith.index_cast %scan3A_771 : i32 to index
        %swap3A_944 = arith.constant 112 : index
        %swap3A_945 = tpu.vector_load %arg10[%swap3A_943, %swap3A_944] {strides = array<i32>} : memref<128x128xf32, #tpu.memory_space<vmem>>, vector<1x16xf32>,
        %swap3A_946 = vector.shape_cast %swap3A_945 : vector<1x16xf32> to vector<16xf32>
        %swap3A_947 = vector.shape_cast %add3A_937 : vector<16xf32> to vector<1x16xf32>
        tpu.vector_store %arg10[%swap3A_943, %swap3A_944], %swap3A_947 {strides = array<i32>} : memref<128x128xf32, #tpu.memory_space<vmem>>, vector<1x16xf32>,
        %scan3A_948 = arith.constant 3 : i32
        %scan3A_949 = arith.addi %scan3A_416, %scan3A_948 : i32
        %mul3A_950 = arith.constant 2 : i32
        %mul3A_951 = arith.muli %mul3A_950, %scan3A_949 : i32
        %get3A_952 = arith.index_cast %mul3A_951 : i32 to index
        %get3A_953 = arith.constant 0 : index
        %get3A_954 = tpu.vector_load %arg10[%get3A_952, %get3A_953] {strides = array<i32>} : memref<128x128xf32, #tpu.memory_space<vmem>>, vector<1x16xf32>,
        %get3A_955 = vector.shape_cast %get3A_954 : vector<1x16xf32> to vector<16xf32>
        %mul3A_956 = arith.mulf %get3A_6, %get3A_955 : vector<16xf32>
        %mul3A_957 = arith.constant 2 : i32
        %mul3A_958 = arith.muli %mul3A_957, %scan3A_949 : i32
        %get3A_959 = arith.index_cast %mul3A_958 : i32 to index
        %get3A_960 = arith.constant 64 : index
        %get3A_961 = tpu.vector_load %arg10[%get3A_959, %get3A_960] {strides = array<i32>} : memref<128x128xf32, #tpu.memory_space<vmem>>, vector<1x16xf32>,
        %get3A_962 = vector.shape_cast %get3A_961 : vector<1x16xf32> to vector<16xf32>
        %mul3A_963 = arith.mulf %get3A_11, %get3A_962 : vector<16xf32>
        %add3A_964 = arith.addf %mul3A_956, %mul3A_963 : vector<16xf32>
        %mul3A_965 = arith.constant 2 : i32
        %mul3A_966 = arith.muli %mul3A_965, %scan3A_949 : i32
        %add3A_967 = arith.constant 1 : i32
        %add3A_968 = arith.addi %mul3A_966, %add3A_967 : i32
        %get3A_969 = arith.index_cast %add3A_968 : i32 to index
        %get3A_970 = arith.constant 0 : index
        %get3A_971 = tpu.vector_load %arg10[%get3A_969, %get3A_970] {strides = array<i32>} : memref<128x128xf32, #tpu.memory_space<vmem>>, vector<1x16xf32>,
        %get3A_972 = vector.shape_cast %get3A_971 : vector<1x16xf32> to vector<16xf32>
        %mul3A_973 = arith.mulf %get3A_6, %get3A_972 : vector<16xf32>
        %mul3A_974 = arith.constant 2 : i32
        %mul3A_975 = arith.muli %mul3A_974, %scan3A_949 : i32
        %add3A_976 = arith.constant 1 : i32
        %add3A_977 = arith.addi %mul3A_975, %add3A_976 : i32
        %get3A_978 = arith.index_cast %add3A_977 : i32 to index
        %get3A_979 = arith.constant 64 : index
        %get3A_980 = tpu.vector_load %arg10[%get3A_978, %get3A_979] {strides = array<i32>} : memref<128x128xf32, #tpu.memory_space<vmem>>, vector<1x16xf32>,
        %get3A_981 = vector.shape_cast %get3A_980 : vector<1x16xf32> to vector<16xf32>
        %mul3A_982 = arith.mulf %get3A_11, %get3A_981 : vector<16xf32>
        %add3A_983 = arith.addf %mul3A_973, %mul3A_982 : vector<16xf32>
        %swap3A_984 = arith.index_cast %scan3A_949 : i32 to index
        %swap3A_985 = arith.constant 0 : index
        %swap3A_986 = tpu.vector_load %arg10[%swap3A_984, %swap3A_985] {strides = array<i32>} : memref<128x128xf32, #tpu.memory_space<vmem>>, vector<1x16xf32>,
        %swap3A_987 = vector.shape_cast %swap3A_986 : vector<1x16xf32> to vector<16xf32>
        %swap3A_988 = vector.shape_cast %add3A_964 : vector<16xf32> to vector<1x16xf32>
        tpu.vector_store %arg10[%swap3A_984, %swap3A_985], %swap3A_988 {strides = array<i32>} : memref<128x128xf32, #tpu.memory_space<vmem>>, vector<1x16xf32>,
        %swap3A_989 = arith.index_cast %scan3A_949 : i32 to index
        %swap3A_990 = arith.constant 64 : index
        %swap3A_991 = tpu.vector_load %arg10[%swap3A_989, %swap3A_990] {strides = array<i32>} : memref<128x128xf32, #tpu.memory_space<vmem>>, vector<1x16xf32>,
        %swap3A_992 = vector.shape_cast %swap3A_991 : vector<1x16xf32> to vector<16xf32>
        %swap3A_993 = vector.shape_cast %add3A_983 : vector<16xf32> to vector<1x16xf32>
        tpu.vector_store %arg10[%swap3A_989, %swap3A_990], %swap3A_993 {strides = array<i32>} : memref<128x128xf32, #tpu.memory_space<vmem>>, vector<1x16xf32>,
        %mul3A_994 = arith.constant 2 : i32
        %mul3A_995 = arith.muli %mul3A_994, %scan3A_949 : i32
        %get3A_996 = arith.index_cast %mul3A_995 : i32 to index
        %get3A_997 = arith.constant 16 : index
        %get3A_998 = tpu.vector_load %arg10[%get3A_996, %get3A_997] {strides = array<i32>} : memref<128x128xf32, #tpu.memory_space<vmem>>, vector<1x16xf32>,
        %get3A_999 = vector.shape_cast %get3A_998 : vector<1x16xf32> to vector<16xf32>
        %mul3A_1000 = arith.mulf %get3A_6, %get3A_999 : vector<16xf32>
        %mul3A_1001 = arith.constant 2 : i32
        %mul3A_1002 = arith.muli %mul3A_1001, %scan3A_949 : i32
        %get3A_1003 = arith.index_cast %mul3A_1002 : i32 to index
        %get3A_1004 = arith.constant 80 : index
        %get3A_1005 = tpu.vector_load %arg10[%get3A_1003, %get3A_1004] {strides = array<i32>} : memref<128x128xf32, #tpu.memory_space<vmem>>, vector<1x16xf32>,
        %get3A_1006 = vector.shape_cast %get3A_1005 : vector<1x16xf32> to vector<16xf32>
        %mul3A_1007 = arith.mulf %get3A_11, %get3A_1006 : vector<16xf32>
        %add3A_1008 = arith.addf %mul3A_1000, %mul3A_1007 : vector<16xf32>
        %mul3A_1009 = arith.constant 2 : i32
        %mul3A_1010 = arith.muli %mul3A_1009, %scan3A_949 : i32
        %add3A_1011 = arith.constant 1 : i32
        %add3A_1012 = arith.addi %mul3A_1010, %add3A_1011 : i32
        %get3A_1013 = arith.index_cast %add3A_1012 : i32 to index
        %get3A_1014 = arith.constant 16 : index
        %get3A_1015 = tpu.vector_load %arg10[%get3A_1013, %get3A_1014] {strides = array<i32>} : memref<128x128xf32, #tpu.memory_space<vmem>>, vector<1x16xf32>,
        %get3A_1016 = vector.shape_cast %get3A_1015 : vector<1x16xf32> to vector<16xf32>
        %mul3A_1017 = arith.mulf %get3A_6, %get3A_1016 : vector<16xf32>
        %mul3A_1018 = arith.constant 2 : i32
        %mul3A_1019 = arith.muli %mul3A_1018, %scan3A_949 : i32
        %add3A_1020 = arith.constant 1 : i32
        %add3A_1021 = arith.addi %mul3A_1019, %add3A_1020 : i32
        %get3A_1022 = arith.index_cast %add3A_1021 : i32 to index
        %get3A_1023 = arith.constant 80 : index
        %get3A_1024 = tpu.vector_load %arg10[%get3A_1022, %get3A_1023] {strides = array<i32>} : memref<128x128xf32, #tpu.memory_space<vmem>>, vector<1x16xf32>,
        %get3A_1025 = vector.shape_cast %get3A_1024 : vector<1x16xf32> to vector<16xf32>
        %mul3A_1026 = arith.mulf %get3A_11, %get3A_1025 : vector<16xf32>
        %add3A_1027 = arith.addf %mul3A_1017, %mul3A_1026 : vector<16xf32>
        %swap3A_1028 = arith.index_cast %scan3A_949 : i32 to index
        %swap3A_1029 = arith.constant 16 : index
        %swap3A_1030 = tpu.vector_load %arg10[%swap3A_1028, %swap3A_1029] {strides = array<i32>} : memref<128x128xf32, #tpu.memory_space<vmem>>, vector<1x16xf32>,
        %swap3A_1031 = vector.shape_cast %swap3A_1030 : vector<1x16xf32> to vector<16xf32>
        %swap3A_1032 = vector.shape_cast %add3A_1008 : vector<16xf32> to vector<1x16xf32>
        tpu.vector_store %arg10[%swap3A_1028, %swap3A_1029], %swap3A_1032 {strides = array<i32>} : memref<128x128xf32, #tpu.memory_space<vmem>>, vector<1x16xf32>,
        %swap3A_1033 = arith.index_cast %scan3A_949 : i32 to index
        %swap3A_1034 = arith.constant 80 : index
        %swap3A_1035 = tpu.vector_load %arg10[%swap3A_1033, %swap3A_1034] {strides = array<i32>} : memref<128x128xf32, #tpu.memory_space<vmem>>, vector<1x16xf32>,
        %swap3A_1036 = vector.shape_cast %swap3A_1035 : vector<1x16xf32> to vector<16xf32>
        %swap3A_1037 = vector.shape_cast %add3A_1027 : vector<16xf32> to vector<1x16xf32>
        tpu.vector_store %arg10[%swap3A_1033, %swap3A_1034], %swap3A_1037 {strides = array<i32>} : memref<128x128xf32, #tpu.memory_space<vmem>>, vector<1x16xf32>,
        %mul3A_1038 = arith.constant 2 : i32
        %mul3A_1039 = arith.muli %mul3A_1038, %scan3A_949 : i32
        %get3A_1040 = arith.index_cast %mul3A_1039 : i32 to index
        %get3A_1041 = arith.constant 32 : index
        %get3A_1042 = tpu.vector_load %arg10[%get3A_1040, %get3A_1041] {strides = array<i32>} : memref<128x128xf32, #tpu.memory_space<vmem>>, vector<1x16xf32>,
        %get3A_1043 = vector.shape_cast %get3A_1042 : vector<1x16xf32> to vector<16xf32>
        %mul3A_1044 = arith.mulf %get3A_6, %get3A_1043 : vector<16xf32>
        %mul3A_1045 = arith.constant 2 : i32
        %mul3A_1046 = arith.muli %mul3A_1045, %scan3A_949 : i32
        %get3A_1047 = arith.index_cast %mul3A_1046 : i32 to index
        %get3A_1048 = arith.constant 96 : index
        %get3A_1049 = tpu.vector_load %arg10[%get3A_1047, %get3A_1048] {strides = array<i32>} : memref<128x128xf32, #tpu.memory_space<vmem>>, vector<1x16xf32>,
        %get3A_1050 = vector.shape_cast %get3A_1049 : vector<1x16xf32> to vector<16xf32>
        %mul3A_1051 = arith.mulf %get3A_11, %get3A_1050 : vector<16xf32>
        %add3A_1052 = arith.addf %mul3A_1044, %mul3A_1051 : vector<16xf32>
        %mul3A_1053 = arith.constant 2 : i32
        %mul3A_1054 = arith.muli %mul3A_1053, %scan3A_949 : i32
        %add3A_1055 = arith.constant 1 : i32
        %add3A_1056 = arith.addi %mul3A_1054, %add3A_1055 : i32
        %get3A_1057 = arith.index_cast %add3A_1056 : i32 to index
        %get3A_1058 = arith.constant 32 : index
        %get3A_1059 = tpu.vector_load %arg10[%get3A_1057, %get3A_1058] {strides = array<i32>} : memref<128x128xf32, #tpu.memory_space<vmem>>, vector<1x16xf32>,
        %get3A_1060 = vector.shape_cast %get3A_1059 : vector<1x16xf32> to vector<16xf32>
        %mul3A_1061 = arith.mulf %get3A_6, %get3A_1060 : vector<16xf32>
        %mul3A_1062 = arith.constant 2 : i32
        %mul3A_1063 = arith.muli %mul3A_1062, %scan3A_949 : i32
        %add3A_1064 = arith.constant 1 : i32
        %add3A_1065 = arith.addi %mul3A_1063, %add3A_1064 : i32
        %get3A_1066 = arith.index_cast %add3A_1065 : i32 to index
        %get3A_1067 = arith.constant 96 : index
        %get3A_1068 = tpu.vector_load %arg10[%get3A_1066, %get3A_1067] {strides = array<i32>} : memref<128x128xf32, #tpu.memory_space<vmem>>, vector<1x16xf32>,
        %get3A_1069 = vector.shape_cast %get3A_1068 : vector<1x16xf32> to vector<16xf32>
        %mul3A_1070 = arith.mulf %get3A_11, %get3A_1069 : vector<16xf32>
        %add3A_1071 = arith.addf %mul3A_1061, %mul3A_1070 : vector<16xf32>
        %swap3A_1072 = arith.index_cast %scan3A_949 : i32 to index
        %swap3A_1073 = arith.constant 32 : index
        %swap3A_1074 = tpu.vector_load %arg10[%swap3A_1072, %swap3A_1073] {strides = array<i32>} : memref<128x128xf32, #tpu.memory_space<vmem>>, vector<1x16xf32>,
        %swap3A_1075 = vector.shape_cast %swap3A_1074 : vector<1x16xf32> to vector<16xf32>
        %swap3A_1076 = vector.shape_cast %add3A_1052 : vector<16xf32> to vector<1x16xf32>
        tpu.vector_store %arg10[%swap3A_1072, %swap3A_1073], %swap3A_1076 {strides = array<i32>} : memref<128x128xf32, #tpu.memory_space<vmem>>, vector<1x16xf32>,
        %swap3A_1077 = arith.index_cast %scan3A_949 : i32 to index
        %swap3A_1078 = arith.constant 96 : index
        %swap3A_1079 = tpu.vector_load %arg10[%swap3A_1077, %swap3A_1078] {strides = array<i32>} : memref<128x128xf32, #tpu.memory_space<vmem>>, vector<1x16xf32>,
        %swap3A_1080 = vector.shape_cast %swap3A_1079 : vector<1x16xf32> to vector<16xf32>
        %swap3A_1081 = vector.shape_cast %add3A_1071 : vector<16xf32> to vector<1x16xf32>
        tpu.vector_store %arg10[%swap3A_1077, %swap3A_1078], %swap3A_1081 {strides = array<i32>} : memref<128x128xf32, #tpu.memory_space<vmem>>, vector<1x16xf32>,
        %mul3A_1082 = arith.constant 2 : i32
        %mul3A_1083 = arith.muli %mul3A_1082, %scan3A_949 : i32
        %get3A_1084 = arith.index_cast %mul3A_1083 : i32 to index
        %get3A_1085 = arith.constant 48 : index
        %get3A_1086 = tpu.vector_load %arg10[%get3A_1084, %get3A_1085] {strides = array<i32>} : memref<128x128xf32, #tpu.memory_space<vmem>>, vector<1x16xf32>,
        %get3A_1087 = vector.shape_cast %get3A_1086 : vector<1x16xf32> to vector<16xf32>
        %mul3A_1088 = arith.mulf %get3A_6, %get3A_1087 : vector<16xf32>
        %mul3A_1089 = arith.constant 2 : i32
        %mul3A_1090 = arith.muli %mul3A_1089, %scan3A_949 : i32
        %get3A_1091 = arith.index_cast %mul3A_1090 : i32 to index
        %get3A_1092 = arith.constant 112 : index
        %get3A_1093 = tpu.vector_load %arg10[%get3A_1091, %get3A_1092] {strides = array<i32>} : memref<128x128xf32, #tpu.memory_space<vmem>>, vector<1x16xf32>,
        %get3A_1094 = vector.shape_cast %get3A_1093 : vector<1x16xf32> to vector<16xf32>
        %mul3A_1095 = arith.mulf %get3A_11, %get3A_1094 : vector<16xf32>
        %add3A_1096 = arith.addf %mul3A_1088, %mul3A_1095 : vector<16xf32>
        %mul3A_1097 = arith.constant 2 : i32
        %mul3A_1098 = arith.muli %mul3A_1097, %scan3A_949 : i32
        %add3A_1099 = arith.constant 1 : i32
        %add3A_1100 = arith.addi %mul3A_1098, %add3A_1099 : i32
        %get3A_1101 = arith.index_cast %add3A_1100 : i32 to index
        %get3A_1102 = arith.constant 48 : index
        %get3A_1103 = tpu.vector_load %arg10[%get3A_1101, %get3A_1102] {strides = array<i32>} : memref<128x128xf32, #tpu.memory_space<vmem>>, vector<1x16xf32>,
        %get3A_1104 = vector.shape_cast %get3A_1103 : vector<1x16xf32> to vector<16xf32>
        %mul3A_1105 = arith.mulf %get3A_6, %get3A_1104 : vector<16xf32>
        %mul3A_1106 = arith.constant 2 : i32
        %mul3A_1107 = arith.muli %mul3A_1106, %scan3A_949 : i32
        %add3A_1108 = arith.constant 1 : i32
        %add3A_1109 = arith.addi %mul3A_1107, %add3A_1108 : i32
        %get3A_1110 = arith.index_cast %add3A_1109 : i32 to index
        %get3A_1111 = arith.constant 112 : index
        %get3A_1112 = tpu.vector_load %arg10[%get3A_1110, %get3A_1111] {strides = array<i32>} : memref<128x128xf32, #tpu.memory_space<vmem>>, vector<1x16xf32>,
        %get3A_1113 = vector.shape_cast %get3A_1112 : vector<1x16xf32> to vector<16xf32>
        %mul3A_1114 = arith.mulf %get3A_11, %get3A_1113 : vector<16xf32>
        %add3A_1115 = arith.addf %mul3A_1105, %mul3A_1114 : vector<16xf32>
        %swap3A_1116 = arith.index_cast %scan3A_949 : i32 to index
        %swap3A_1117 = arith.constant 48 : index
        %swap3A_1118 = tpu.vector_load %arg10[%swap3A_1116, %swap3A_1117] {strides = array<i32>} : memref<128x128xf32, #tpu.memory_space<vmem>>, vector<1x16xf32>,
        %swap3A_1119 = vector.shape_cast %swap3A_1118 : vector<1x16xf32> to vector<16xf32>
        %swap3A_1120 = vector.shape_cast %add3A_1096 : vector<16xf32> to vector<1x16xf32>
        tpu.vector_store %arg10[%swap3A_1116, %swap3A_1117], %swap3A_1120 {strides = array<i32>} : memref<128x128xf32, #tpu.memory_space<vmem>>, vector<1x16xf32>,
        %swap3A_1121 = arith.index_cast %scan3A_949 : i32 to index
        %swap3A_1122 = arith.constant 112 : index
        %swap3A_1123 = tpu.vector_load %arg10[%swap3A_1121, %swap3A_1122] {strides = array<i32>} : memref<128x128xf32, #tpu.memory_space<vmem>>, vector<1x16xf32>,
        %swap3A_1124 = vector.shape_cast %swap3A_1123 : vector<1x16xf32> to vector<16xf32>
        %swap3A_1125 = vector.shape_cast %add3A_1115 : vector<16xf32> to vector<1x16xf32>
        tpu.vector_store %arg10[%swap3A_1121, %swap3A_1122], %swap3A_1125 {strides = array<i32>} : memref<128x128xf32, #tpu.memory_space<vmem>>, vector<1x16xf32>,
      }
      %scan3A_370 = arith.constant 64 : i32
      %mul3A_371 = arith.constant 128 : i32
      %mul3A_372 = arith.muli %add3A_358, %mul3A_371 : i32
      %add3A_373 = arith.addi %mul3A_2, %mul3A_372 : i32
      %jit3A_374 = arith.constant 2 : i32
      %div3A_375 = arith.divsi %add3A_373, %jit3A_374 : i32
      %sign3A_376 = arith.constant 0 : i32
      %sign3A_377 = arith.cmpi sgt, %add3A_373, %sign3A_376 : i32
      %sign3A_378 = arith.extui %sign3A_377 : i1 to i32
      %sign3A_379 = arith.constant 0 : i32
      %sign3A_380 = arith.cmpi slt, %add3A_373, %sign3A_379 : i32
      %sign3A_381 = arith.extui %sign3A_380 : i1 to i32
      %sign3A_382 = arith.subi %sign3A_378, %sign3A_381 : i32
      %sign3A_383 = arith.constant 0 : i32
      %sign3A_384 = arith.cmpi sgt, %jit3A_374, %sign3A_383 : i32
      %sign3A_385 = arith.extui %sign3A_384 : i1 to i32
      %sign3A_386 = arith.constant 0 : i32
      %sign3A_387 = arith.cmpi slt, %jit3A_374, %sign3A_386 : i32
      %sign3A_388 = arith.extui %sign3A_387 : i1 to i32
      %sign3A_389 = arith.subi %sign3A_385, %sign3A_388 : i32
      %ne3A_390 = arith.cmpi ne, %sign3A_382, %sign3A_389 : i32
      %rem3A_391 = arith.remsi %add3A_373, %jit3A_374 : i32
      %ne3A_392 = arith.constant 0 : i32
      %ne3A_393 = arith.cmpi ne, %rem3A_391, %ne3A_392 : i32
      %and3A_394 = arith.andi %ne3A_390, %ne3A_393 : i1
      %sub3A_395 = arith.constant 1 : i32
      %sub3A_396 = arith.subi %div3A_375, %sub3A_395 : i32
      %select_n3A_397 = arith.select %and3A_394, %sub3A_396, %div3A_375 : i32
      %multiple_of3A_398 = tpu.assume_multiple %select_n3A_397, 64 : i32
      %dma_start3A_399 = arith.constant 0 : i32
      %dma_start3A_400 = arith.constant 0 : i32
      %dma_start3A_401 = tpu.memref_slice %arg10[%dma_start3A_399, %dma_start3A_400] : memref<128x128xf32, #tpu.memory_space<vmem>> -> memref<64x128xf32, #tpu.memory_space<vmem>>
      %dma_start3A_402 = arith.constant 0 : i32
      %dma_start3A_403 = tpu.memref_slice %arg5[%multiple_of3A_398, %dma_start3A_402] : memref<409600x128xf32, #tpu.memory_space<hbm>> -> memref<64x128xf32, #tpu.memory_space<hbm>>
      %dma_start3A_404 = arith.constant 0 : i32
      %dma_start3A_405 = tpu.memref_slice %arg5[%multiple_of3A_398, %dma_start3A_404] : memref<409600x128xf32, #tpu.memory_space<hbm>> -> memref<64x128xf32, #tpu.memory_space<hbm>>
      %dma_start3A_406 = arith.constant 0 : i32
      %dma_start3A_407 = arith.constant 0 : i32
      %dma_start3A_408 = tpu.memref_slice %arg10[%dma_start3A_406, %dma_start3A_407] : memref<128x128xf32, #tpu.memory_space<vmem>> -> memref<64x128xf32, #tpu.memory_space<vmem>>
      tpu.enqueue_dma source(%dma_start3A_408 : memref<64x128xf32, #tpu.memory_space<vmem>>) target(%dma_start3A_405 : memref<64x128xf32, #tpu.memory_space<hbm>>) target_semaphore(%arg19 : memref<!tpu.dma_semaphore, #tpu.memory_space<semaphore_mem>>)
      %add3A_409 = arith.constant 4 : i32
      %add3A_410 = arith.addi %add3A_358, %add3A_409 : i32
      %lt3A_411 = arith.constant 200 : i32
      %lt3A_412 = arith.cmpi slt, %add3A_410, %lt3A_411 : i32
      %convert_element_type3A_413 = arith.extui %lt3A_412 : i1 to i32
      %cond3A_414 = arith.constant 0 : i32
      %cond3A_415 = arith.cmpi ne, %convert_element_type3A_413, %cond3A_414 : i32
      scf.if %cond3A_415 {
        %mul3A_416 = arith.constant 128 : i32
        %mul3A_417 = arith.muli %add3A_358, %mul3A_416 : i32
        %add3A_418 = arith.addi %mul3A_2, %mul3A_417 : i32
        %jit3A_419 = arith.constant 2 : i32
        %div3A_420 = arith.divsi %add3A_418, %jit3A_419 : i32
        %sign3A_421 = arith.constant 0 : i32
        %sign3A_422 = arith.cmpi sgt, %add3A_418, %sign3A_421 : i32
        %sign3A_423 = arith.extui %sign3A_422 : i1 to i32
        %sign3A_424 = arith.constant 0 : i32
        %sign3A_425 = arith.cmpi slt, %add3A_418, %sign3A_424 : i32
        %sign3A_426 = arith.extui %sign3A_425 : i1 to i32
        %sign3A_427 = arith.subi %sign3A_423, %sign3A_426 : i32
        %sign3A_428 = arith.constant 0 : i32
        %sign3A_429 = arith.cmpi sgt, %jit3A_419, %sign3A_428 : i32
        %sign3A_430 = arith.extui %sign3A_429 : i1 to i32
        %sign3A_431 = arith.constant 0 : i32
        %sign3A_432 = arith.cmpi slt, %jit3A_419, %sign3A_431 : i32
        %sign3A_433 = arith.extui %sign3A_432 : i1 to i32
        %sign3A_434 = arith.subi %sign3A_430, %sign3A_433 : i32
        %ne3A_435 = arith.cmpi ne, %sign3A_427, %sign3A_434 : i32
        %rem3A_436 = arith.remsi %add3A_418, %jit3A_419 : i32
        %ne3A_437 = arith.constant 0 : i32
        %ne3A_438 = arith.cmpi ne, %rem3A_436, %ne3A_437 : i32
        %and3A_439 = arith.andi %ne3A_435, %ne3A_438 : i1
        %sub3A_440 = arith.constant 1 : i32
        %sub3A_441 = arith.subi %div3A_420, %sub3A_440 : i32
        %select_n3A_442 = arith.select %and3A_439, %sub3A_441, %div3A_420 : i32
        %multiple_of3A_443 = tpu.assume_multiple %select_n3A_442, 64 : i32
        %dma_wait3A_444 = arith.constant 0 : i32
        %dma_wait3A_445 = arith.constant 0 : i32
        %dma_wait3A_446 = tpu.memref_slice %arg10[%dma_wait3A_444, %dma_wait3A_445] : memref<128x128xf32, #tpu.memory_space<vmem>> -> memref<64x128xf32, #tpu.memory_space<vmem>>
        %dma_wait3A_447 = arith.constant 0 : i32
        %dma_wait3A_448 = tpu.memref_slice %arg5[%multiple_of3A_443, %dma_wait3A_447] : memref<409600x128xf32, #tpu.memory_space<hbm>> -> memref<64x128xf32, #tpu.memory_space<hbm>>
        %dma_wait3A_449 = arith.constant 0 : i32
        %dma_wait3A_450 = tpu.memref_slice %arg5[%multiple_of3A_443, %dma_wait3A_449] : memref<409600x128xf32, #tpu.memory_space<hbm>> -> memref<64x128xf32, #tpu.memory_space<hbm>>
        %dma_wait3A_451 = arith.constant 0 : i32
        %dma_wait3A_452 = arith.constant 0 : i32
        %dma_wait3A_453 = tpu.memref_slice %arg10[%dma_wait3A_451, %dma_wait3A_452] : memref<128x128xf32, #tpu.memory_space<vmem>> -> memref<64x128xf32, #tpu.memory_space<vmem>>
        tpu.wait_dma2 semaphore(%arg19 : memref<!tpu.dma_semaphore, #tpu.memory_space<semaphore_mem>>) src(%dma_wait3A_453 : memref<64x128xf32, #tpu.memory_space<vmem>>) dst(%dma_wait3A_450 : memref<64x128xf32, #tpu.memory_space<hbm>>)
        %add3A_454 = arith.constant 4 : i32
        %add3A_455 = arith.addi %add3A_358, %add3A_454 : i32
        %mul3A_456 = arith.constant 128 : i32
        %mul3A_457 = arith.muli %add3A_455, %mul3A_456 : i32
        %dma_start3A_458 = tpu.memref_slice %arg6[%mul3A_457] : memref<25600xi32, #tpu.memory_space<vmem>> -> memref<128xi32, #tpu.memory_space<vmem>>
        %dma_start3A_459 = arith.constant 0 : i32
        %dma_start3A_460 = arith.constant 0 : i32
        %dma_start3A_461 = tpu.memref_slice %arg3[%dma_start3A_459, %dma_start3A_460] : memref<1000000x128xf32, #tpu.memory_space<hbm>> -> memref<1000000x128xf32, #tpu.memory_space<hbm>>
        tpu.enqueue_indirect_dma source(%dma_start3A_461 : memref<1000000x128xf32, #tpu.memory_space<hbm>>) target(%arg10 : memref<128x128xf32, #tpu.memory_space<vmem>>) offsets(%dma_start3A_458 : memref<128xi32, #tpu.memory_space<vmem>>) semaphore(%arg15 : memref<!tpu.dma_semaphore, #tpu.memory_space<semaphore_mem>>)
      } else {
      }
    }
    %scan3A_35 = arith.constant 50 : i32
    %add3A_36 = arith.constant 25088 : i32
    %add3A_37 = arith.addi %mul3A_2, %add3A_36 : i32
    %jit3A = arith.constant 2 : i32
    %div3A = arith.divsi %add3A_37, %jit3A : i32
    %sign3A = arith.constant 0 : i32
    %sign3A_38 = arith.cmpi sgt, %add3A_37, %sign3A : i32
    %sign3A_39 = arith.extui %sign3A_38 : i1 to i32
    %sign3A_40 = arith.constant 0 : i32
    %sign3A_41 = arith.cmpi slt, %add3A_37, %sign3A_40 : i32
    %sign3A_42 = arith.extui %sign3A_41 : i1 to i32
    %sign3A_43 = arith.subi %sign3A_39, %sign3A_42 : i32
    %sign3A_44 = arith.constant 0 : i32
    %sign3A_45 = arith.cmpi sgt, %jit3A, %sign3A_44 : i32
    %sign3A_46 = arith.extui %sign3A_45 : i1 to i32
    %sign3A_47 = arith.constant 0 : i32
    %sign3A_48 = arith.cmpi slt, %jit3A, %sign3A_47 : i32
    %sign3A_49 = arith.extui %sign3A_48 : i1 to i32
    %sign3A_50 = arith.subi %sign3A_46, %sign3A_49 : i32
    %ne3A = arith.cmpi ne, %sign3A_43, %sign3A_50 : i32
    %rem3A = arith.remsi %add3A_37, %jit3A : i32
    %ne3A_51 = arith.constant 0 : i32
    %ne3A_52 = arith.cmpi ne, %rem3A, %ne3A_51 : i32
    %and3A = arith.andi %ne3A, %ne3A_52 : i1
    %sub3A = arith.constant 1 : i32
    %sub3A_53 = arith.subi %div3A, %sub3A : i32
    %select_n3A = arith.select %and3A, %sub3A_53, %div3A : i32
    %multiple_of3A = tpu.assume_multiple %select_n3A, 64 : i32
    %dma_wait3A = arith.constant 0 : i32
    %dma_wait3A_54 = arith.constant 0 : i32
    %dma_wait3A_55 = tpu.memref_slice %arg7[%dma_wait3A, %dma_wait3A_54] : memref<128x128xf32, #tpu.memory_space<vmem>> -> memref<64x128xf32, #tpu.memory_space<vmem>>
    %dma_wait3A_56 = arith.constant 0 : i32
    %dma_wait3A_57 = tpu.memref_slice %arg5[%multiple_of3A, %dma_wait3A_56] : memref<409600x128xf32, #tpu.memory_space<hbm>> -> memref<64x128xf32, #tpu.memory_space<hbm>>
    %dma_wait3A_58 = arith.constant 0 : i32
    %dma_wait3A_59 = tpu.memref_slice %arg5[%multiple_of3A, %dma_wait3A_58] : memref<409600x128xf32, #tpu.memory_space<hbm>> -> memref<64x128xf32, #tpu.memory_space<hbm>>
    %dma_wait3A_60 = arith.constant 0 : i32
    %dma_wait3A_61 = arith.constant 0 : i32
    %dma_wait3A_62 = tpu.memref_slice %arg7[%dma_wait3A_60, %dma_wait3A_61] : memref<128x128xf32, #tpu.memory_space<vmem>> -> memref<64x128xf32, #tpu.memory_space<vmem>>
    tpu.wait_dma2 semaphore(%arg16 : memref<!tpu.dma_semaphore, #tpu.memory_space<semaphore_mem>>) src(%dma_wait3A_62 : memref<64x128xf32, #tpu.memory_space<vmem>>) dst(%dma_wait3A_59 : memref<64x128xf32, #tpu.memory_space<hbm>>)
    %add3A_63 = arith.constant 25216 : i32
    %add3A_64 = arith.addi %mul3A_2, %add3A_63 : i32
    %jit3A_65 = arith.constant 2 : i32
    %div3A_66 = arith.divsi %add3A_64, %jit3A_65 : i32
    %sign3A_67 = arith.constant 0 : i32
    %sign3A_68 = arith.cmpi sgt, %add3A_64, %sign3A_67 : i32
    %sign3A_69 = arith.extui %sign3A_68 : i1 to i32
    %sign3A_70 = arith.constant 0 : i32
    %sign3A_71 = arith.cmpi slt, %add3A_64, %sign3A_70 : i32
    %sign3A_72 = arith.extui %sign3A_71 : i1 to i32
    %sign3A_73 = arith.subi %sign3A_69, %sign3A_72 : i32
    %sign3A_74 = arith.constant 0 : i32
    %sign3A_75 = arith.cmpi sgt, %jit3A_65, %sign3A_74 : i32
    %sign3A_76 = arith.extui %sign3A_75 : i1 to i32
    %sign3A_77 = arith.constant 0 : i32
    %sign3A_78 = arith.cmpi slt, %jit3A_65, %sign3A_77 : i32
    %sign3A_79 = arith.extui %sign3A_78 : i1 to i32
    %sign3A_80 = arith.subi %sign3A_76, %sign3A_79 : i32
    %ne3A_81 = arith.cmpi ne, %sign3A_73, %sign3A_80 : i32
    %rem3A_82 = arith.remsi %add3A_64, %jit3A_65 : i32
    %ne3A_83 = arith.constant 0 : i32
    %ne3A_84 = arith.cmpi ne, %rem3A_82, %ne3A_83 : i32
    %and3A_85 = arith.andi %ne3A_81, %ne3A_84 : i1
    %sub3A_86 = arith.constant 1 : i32
    %sub3A_87 = arith.subi %div3A_66, %sub3A_86 : i32
    %select_n3A_88 = arith.select %and3A_85, %sub3A_87, %div3A_66 : i32
    %multiple_of3A_89 = tpu.assume_multiple %select_n3A_88, 64 : i32
    %dma_wait3A_90 = arith.constant 0 : i32
    %dma_wait3A_91 = arith.constant 0 : i32
    %dma_wait3A_92 = tpu.memref_slice %arg8[%dma_wait3A_90, %dma_wait3A_91] : memref<128x128xf32, #tpu.memory_space<vmem>> -> memref<64x128xf32, #tpu.memory_space<vmem>>
    %dma_wait3A_93 = arith.constant 0 : i32
    %dma_wait3A_94 = tpu.memref_slice %arg5[%multiple_of3A_89, %dma_wait3A_93] : memref<409600x128xf32, #tpu.memory_space<hbm>> -> memref<64x128xf32, #tpu.memory_space<hbm>>
    %dma_wait3A_95 = arith.constant 0 : i32
    %dma_wait3A_96 = tpu.memref_slice %arg5[%multiple_of3A_89, %dma_wait3A_95] : memref<409600x128xf32, #tpu.memory_space<hbm>> -> memref<64x128xf32, #tpu.memory_space<hbm>>
    %dma_wait3A_97 = arith.constant 0 : i32
    %dma_wait3A_98 = arith.constant 0 : i32
    %dma_wait3A_99 = tpu.memref_slice %arg8[%dma_wait3A_97, %dma_wait3A_98] : memref<128x128xf32, #tpu.memory_space<vmem>> -> memref<64x128xf32, #tpu.memory_space<vmem>>
    tpu.wait_dma2 semaphore(%arg17 : memref<!tpu.dma_semaphore, #tpu.memory_space<semaphore_mem>>) src(%dma_wait3A_99 : memref<64x128xf32, #tpu.memory_space<vmem>>) dst(%dma_wait3A_96 : memref<64x128xf32, #tpu.memory_space<hbm>>)
    %add3A_100 = arith.constant 25344 : i32
    %add3A_101 = arith.addi %mul3A_2, %add3A_100 : i32
    %jit3A_102 = arith.constant 2 : i32
    %div3A_103 = arith.divsi %add3A_101, %jit3A_102 : i32
    %sign3A_104 = arith.constant 0 : i32
    %sign3A_105 = arith.cmpi sgt, %add3A_101, %sign3A_104 : i32
    %sign3A_106 = arith.extui %sign3A_105 : i1 to i32
    %sign3A_107 = arith.constant 0 : i32
    %sign3A_108 = arith.cmpi slt, %add3A_101, %sign3A_107 : i32
    %sign3A_109 = arith.extui %sign3A_108 : i1 to i32
    %sign3A_110 = arith.subi %sign3A_106, %sign3A_109 : i32
    %sign3A_111 = arith.constant 0 : i32
    %sign3A_112 = arith.cmpi sgt, %jit3A_102, %sign3A_111 : i32
    %sign3A_113 = arith.extui %sign3A_112 : i1 to i32
    %sign3A_114 = arith.constant 0 : i32
    %sign3A_115 = arith.cmpi slt, %jit3A_102, %sign3A_114 : i32
    %sign3A_116 = arith.extui %sign3A_115 : i1 to i32
    %sign3A_117 = arith.subi %sign3A_113, %sign3A_116 : i32
    %ne3A_118 = arith.cmpi ne, %sign3A_110, %sign3A_117 : i32
    %rem3A_119 = arith.remsi %add3A_101, %jit3A_102 : i32
    %ne3A_120 = arith.constant 0 : i32
    %ne3A_121 = arith.cmpi ne, %rem3A_119, %ne3A_120 : i32
    %and3A_122 = arith.andi %ne3A_118, %ne3A_121 : i1
    %sub3A_123 = arith.constant 1 : i32
    %sub3A_124 = arith.subi %div3A_103, %sub3A_123 : i32
    %select_n3A_125 = arith.select %and3A_122, %sub3A_124, %div3A_103 : i32
    %multiple_of3A_126 = tpu.assume_multiple %select_n3A_125, 64 : i32
    %dma_wait3A_127 = arith.constant 0 : i32
    %dma_wait3A_128 = arith.constant 0 : i32
    %dma_wait3A_129 = tpu.memref_slice %arg9[%dma_wait3A_127, %dma_wait3A_128] : memref<128x128xf32, #tpu.memory_space<vmem>> -> memref<64x128xf32, #tpu.memory_space<vmem>>
    %dma_wait3A_130 = arith.constant 0 : i32
    %dma_wait3A_131 = tpu.memref_slice %arg5[%multiple_of3A_126, %dma_wait3A_130] : memref<409600x128xf32, #tpu.memory_space<hbm>> -> memref<64x128xf32, #tpu.memory_space<hbm>>
    %dma_wait3A_132 = arith.constant 0 : i32
    %dma_wait3A_133 = tpu.memref_slice %arg5[%multiple_of3A_126, %dma_wait3A_132] : memref<409600x128xf32, #tpu.memory_space<hbm>> -> memref<64x128xf32, #tpu.memory_space<hbm>>
    %dma_wait3A_134 = arith.constant 0 : i32
    %dma_wait3A_135 = arith.constant 0 : i32
    %dma_wait3A_136 = tpu.memref_slice %arg9[%dma_wait3A_134, %dma_wait3A_135] : memref<128x128xf32, #tpu.memory_space<vmem>> -> memref<64x128xf32, #tpu.memory_space<vmem>>
    tpu.wait_dma2 semaphore(%arg18 : memref<!tpu.dma_semaphore, #tpu.memory_space<semaphore_mem>>) src(%dma_wait3A_136 : memref<64x128xf32, #tpu.memory_space<vmem>>) dst(%dma_wait3A_133 : memref<64x128xf32, #tpu.memory_space<hbm>>)
    %add3A_137 = arith.constant 25472 : i32
    %add3A_138 = arith.addi %mul3A_2, %add3A_137 : i32
    %jit3A_139 = arith.constant 2 : i32
    %div3A_140 = arith.divsi %add3A_138, %jit3A_139 : i32
    %sign3A_141 = arith.constant 0 : i32
    %sign3A_142 = arith.cmpi sgt, %add3A_138, %sign3A_141 : i32
    %sign3A_143 = arith.extui %sign3A_142 : i1 to i32
    %sign3A_144 = arith.constant 0 : i32
    %sign3A_145 = arith.cmpi slt, %add3A_138, %sign3A_144 : i32
    %sign3A_146 = arith.extui %sign3A_145 : i1 to i32
    %sign3A_147 = arith.subi %sign3A_143, %sign3A_146 : i32
    %sign3A_148 = arith.constant 0 : i32
    %sign3A_149 = arith.cmpi sgt, %jit3A_139, %sign3A_148 : i32
    %sign3A_150 = arith.extui %sign3A_149 : i1 to i32
    %sign3A_151 = arith.constant 0 : i32
    %sign3A_152 = arith.cmpi slt, %jit3A_139, %sign3A_151 : i32
    %sign3A_153 = arith.extui %sign3A_152 : i1 to i32
    %sign3A_154 = arith.subi %sign3A_150, %sign3A_153 : i32
    %ne3A_155 = arith.cmpi ne, %sign3A_147, %sign3A_154 : i32
    %rem3A_156 = arith.remsi %add3A_138, %jit3A_139 : i32
    %ne3A_157 = arith.constant 0 : i32
    %ne3A_158 = arith.cmpi ne, %rem3A_156, %ne3A_157 : i32
    %and3A_159 = arith.andi %ne3A_155, %ne3A_158 : i1
    %sub3A_160 = arith.constant 1 : i32
    %sub3A_161 = arith.subi %div3A_140, %sub3A_160 : i32
    %select_n3A_162 = arith.select %and3A_159, %sub3A_161, %div3A_140 : i32
    %multiple_of3A_163 = tpu.assume_multiple %select_n3A_162, 64 : i32
    %dma_wait3A_164 = arith.constant 0 : i32
    %dma_wait3A_165 = arith.constant 0 : i32
    %dma_wait3A_166 = tpu.memref_slice %arg10[%dma_wait3A_164, %dma_wait3A_165] : memref<128x128xf32, #tpu.memory_space<vmem>> -> memref<64x128xf32, #tpu.memory_space<vmem>>
    %dma_wait3A_167 = arith.constant 0 : i32
    %dma_wait3A_168 = tpu.memref_slice %arg5[%multiple_of3A_163, %dma_wait3A_167] : memref<409600x128xf32, #tpu.memory_space<hbm>> -> memref<64x128xf32, #tpu.memory_space<hbm>>
    %dma_wait3A_169 = arith.constant 0 : i32
    %dma_wait3A_170 = tpu.memref_slice %arg5[%multiple_of3A_163, %dma_wait3A_169] : memref<409600x128xf32, #tpu.memory_space<hbm>> -> memref<64x128xf32, #tpu.memory_space<hbm>>
    %dma_wait3A_171 = arith.constant 0 : i32
    %dma_wait3A_172 = arith.constant 0 : i32
    %dma_wait3A_173 = tpu.memref_slice %arg10[%dma_wait3A_171, %dma_wait3A_172] : memref<128x128xf32, #tpu.memory_space<vmem>> -> memref<64x128xf32, #tpu.memory_space<vmem>>
    tpu.wait_dma2 semaphore(%arg19 : memref<!tpu.dma_semaphore, #tpu.memory_space<semaphore_mem>>) src(%dma_wait3A_173 : memref<64x128xf32, #tpu.memory_space<vmem>>) dst(%dma_wait3A_170 : memref<64x128xf32, #tpu.memory_space<hbm>>)
    return
  }
}

</mosaic_0001>

<sc_bundles>
// kernel: kernel.3.cloned.1.call-start
scs
__scs_entry_jumppad:
0x0: {  	(pc) =	sbr.rel $0x88, $3  }
0x1: {  	(tag) =	ssettag $0x0;
	lr =	simm.s32 $0x1  }
0x2: {  	[smem:$0x3F9D] =	sst lr;
	_ =	strace $0xD0000000  }
0x3: {  	_ = 	snop  }
0x4: {  	_ = 	snop  }
0x5: {  	_ = 	snop  }
0x6: {  	_ = 	snop  }
0x7: {  	_ = 	snop  }
__scs_overlays_trampoline_lowered:
0x8: {  	[smem:$0x3FAC] =	sst s0  }
0x9: {  	[smem:$0x3FAD] =	sst s1  }
0xa: {  	[smem:$0x3FAE] =	sst s2  }
0xb: {  	[smem:$0x3FAF] =	sst s3  }
0xc: {  	[smem:$0x3FB0] =	sst s4  }
0xd: {  	[smem:$0x3FB1] =	sst s5  }
0xe: {  	[smem:$0x3FB2] =	sst s6  }
0xf: {  	[smem:$0x3FB3] =	sst s7  }
0x10: {  	[smem:$0x3FB4] =	sst s8  }
0x11: {  	[smem:$0x3FB5] =	sst s9;
	s0 =	simm.s32 @!p0 $0x0  }
0x12: {  	s1 =	sld [smem:$0x3F9B];
	s0 =	simm.s32 @p0 $0x1  }
0x13: {  	[smem:$0x3FB6] =	sst s0;
	s0 =	simm.s32 @!p1 $0x0  }
0x14: {  	s2 =	sld [smem:$0x3F9A];
	s0 =	simm.s32 @p1 $0x1  }
0x15: {  	[smem:$0x3FB7] =	sst s0;
	s0 =	simm.s32 @!p2 $0x0  }
0x16: {  	s3 =	sld [smem:$0x3FDB];
	s0 =	simm.s32 @p2 $0x1  }
0x17: {  	s4 =	simm.s32 $0x1BF5;
	[smem:$0x3FB9] =	sst s0  }
0x18: {  	s0 =	sld [smem:$0x3F9C];
	_ =	swait.ge [sflag:s4], $0x0  }
0x19: {  	s7 =	sld [smem:$0x3F9D]  }
0x1a: {  	s8 =	sadd.s32 $0xFFFFE003, lr  }
0x1b: {  	s9 =	sadd.s32 $0xFFFFFEF7, lr;
	s5 =	simm.s32 $0xFFFFFFFF;
	p2 =	slt.u32 s8, $0xFFFFF086  }
0x1c: {  	p1 =	slt.u32 s9, $0xF7A;
	s5 =	simm.s32 @!p2 $0x0  }
0x1d: {  	s5 =	simm.s32 @p1 $0x1;
	p0 =	seq.s32 s7, s2  }
0x1e: {  	s7 =	smul.u32 @!p0 $0xF7A, s2;
	p2 =	seq.s32 @!p0 s5, $0x0  }
0x1f: {  	s9 =	smul.u32 $0xF7A, s1;
	s8 =	simm.s32 @!p0 $0x1BF5;
	p2 =	por !p2, p0  }
0x20: {  	[sflag:s8] =	ssyncset.s32 @!p0 $0xFFFFF086;
	s6 =	sadd.s32 @!p0 s3, s7;
	s7 =	simm.s32 @!p0 $0x108  }
0x21: {  	s3 =	sadd.s32 s3, s9;
	s6 =	sadd.s32 @!p0 $0x88, s6;
	s7 =	simm.s32 @p2 $0x1082  }
0x22: {  	[simem:s7], [sflag:s8] =	dma.local @!p0 [hbm:s6], $0xF7A  }
0x23: {  	s9 =	sor.u32 $0xD0000000, s2;
	s6 =	simm.s32 $0x108;
	_ =	swait.ge @!p0 [sflag:s8], $0x0  }
0x24: {  	s3 =	sadd.s32 $0x88, s3;
	s6 =	simm.s32 @!p1 $0x1082;
	[sflag:s4] =	ssyncset.s32 $0xFFFFF086  }
0x25: {  	[simem:s6], [sflag:s4] =	dma.local [hbm:s3], $0xF7A  }
0x26: {  	[smem:$0x3F9D] =	sst s1;
	(tag) =	ssettag s2;
	_ =	strace s9  }
0x27: {  	s1 =	sld [smem:$0x3FAD]  }
0x28: {  	s2 =	sld [smem:$0x3FAE]  }
0x29: {  	s4 =	sld [smem:$0x3FB0]  }
0x2a: {  	p0 =	seq.s32 s5, $0x0;
	s5 =	sld [smem:$0x3FB1]  }
0x2b: {  	s6 =	sld [smem:$0x3FB2]  }
0x2c: {  	s7 =	sld [smem:$0x3FB3]  }
0x2d: {  	s3 =	simm.s32 $0x108;
	s8 =	sld [smem:$0x3FB4]  }
0x2e: {  	s3 =	simm.s32 @!p0 $0x1082;
	s9 =	sld [smem:$0x3FB5]  }
0x2f: {  	lr =	sadd.s32 s0, s3;
	s0 =	sld [smem:$0x3FAC]  }
0x30: {  	s3 =	sld [smem:$0x3FAF]  }
0x31: {  	[smem:$0x3FB8] =	sst s10  }
0x32: {  	s10 =	sld [smem:$0x3FB6];
	_ =	sdelay $0x3  }
0x33: {  	p0 =	seq.s32 s10, $0x1;
	s10 =	sld [smem:$0x3FB8];
	_ =	sdelay $0x3  }
0x34: {  	[smem:$0x3FB8] =	sst s10  }
0x35: {  	s10 =	sld [smem:$0x3FB7];
	_ =	sdelay $0x3  }
0x36: {  	p1 =	seq.s32 s10, $0x1;
	s10 =	sld [smem:$0x3FB8];
	_ =	sdelay $0x3  }
0x37: {  	[smem:$0x3FB8] =	sst s10  }
0x38: {  	s10 =	sld [smem:$0x3FB9]  }
0x39: {  	_ = 	snop;
	(pc) =	sbr.ind lr, $3  }
0x3a: {  	_ = 	snop  }
0x3b: {  	_ = 	snop  }
0x3c: {  	p2 =	seq.s32 s10, $0x1;
	s10 =	sld [smem:$0x3FB8]  }
0x3d: {  	_ =	shalt  }
0x3e: {  	_ =	shalt  }
0x3f: {  	_ =	shalt  }
0x40: {  	_ =	shalt  }
0x41: {  	_ =	shalt  }
0x42: {  	_ =	shalt  }
0x43: {  	_ =	shalt  }
0x44: {  	_ =	shalt  }
0x45: {  	_ =	shalt  }
0x46: {  	_ =	shalt  }
0x47: {  	_ =	shalt  }
0x48: {  	_ =	shalt  }
0x49: {  	_ =	shalt  }
0x4a: {  	_ =	shalt  }
0x4b: {  	_ =	shalt  }
0x4c: {  	_ =	shalt  }
0x4d: {  	_ =	shalt  }
0x4e: {  	_ =	shalt  }
0x4f: {  	_ =	shalt  }
0x50: {  	_ =	shalt  }
0x51: {  	_ =	shalt  }
0x52: {  	_ =	shalt  }
0x53: {  	_ =	shalt  }
0x54: {  	_ =	shalt  }
0x55: {  	_ =	shalt  }
0x56: {  	_ =	shalt  }
0x57: {  	_ =	shalt  }
0x58: {  	_ =	shalt  }
0x59: {  	_ =	shalt  }
0x5a: {  	_ =	shalt  }
0x5b: {  	_ =	shalt  }
0x5c: {  	_ =	shalt  }
0x5d: {  	_ =	shalt  }
0x5e: {  	_ =	shalt  }
0x5f: {  	_ =	shalt  }
0x60: {  	_ =	shalt  }
0x61: {  	_ =	shalt  }
0x62: {  	_ =	shalt  }
0x63: {  	_ =	shalt  }
0x64: {  	_ =	shalt  }
0x65: {  	_ =	shalt  }
0x66: {  	_ =	shalt  }
0x67: {  	_ =	shalt  }
0x68: {  	_ =	shalt  }
0x69: {  	_ =	shalt  }
0x6a: {  	_ =	shalt  }
0x6b: {  	_ =	shalt  }
0x6c: {  	_ =	shalt  }
0x6d: {  	_ =	shalt  }
0x6e: {  	_ =	shalt  }
0x6f: {  	_ =	shalt  }
0x70: {  	_ =	shalt  }
0x71: {  	_ =	shalt  }
0x72: {  	_ =	shalt  }
0x73: {  	_ =	shalt  }
0x74: {  	_ =	shalt  }
0x75: {  	_ =	shalt  }
0x76: {  	_ =	shalt  }
0x77: {  	_ =	shalt  }
0x78: {  	_ =	shalt  }
0x79: {  	_ =	shalt  }
0x7a: {  	_ =	shalt  }
0x7b: {  	_ =	shalt  }
0x7c: {  	_ =	shalt  }
0x7d: {  	_ =	shalt  }
0x7e: {  	_ =	shalt  }
0x7f: {  	_ =	shalt  }
0x80: {  	_ =	shalt  }
0x81: {  	_ =	shalt  }
0x82: {  	_ =	shalt  }
0x83: {  	_ =	shalt  }
0x84: {  	_ =	shalt  }
0x85: {  	_ =	shalt  }
0x86: {  	_ =	shalt  }
0x87: {  	_ =	shalt  }
.Lfunc_end0:
.L_simem_size_0:
called_computation.1_lowered:
.L_overlay_start_0:
0x88: {  	s2 =	sld [smem:$0x3FD9]  }
0x89: {  	s3 =	sld [smem:$0x3FFE];
	_ =	sdelay $0x1  }
0x8a: {  	s1 =	srdreg.scid  }
0x8b: {  	s0 =	sand.u32 $0x1, s1  }
0x8c: {  	s17 =	sshll.u32 s0, $0xA;
	s2 =	sadd.s32 s3, s2  }
0x8d: {  	s2 =	sadd.s32 s2, s17  }
0x8e: {  	[smem:$0x3FC4] =	sst s2  }
0x8f: {  	_ = 	snop  }
0x90: {  	s2 =	sld [smem:$0x3FD0];
	(tm) =	ssettm $0x1  }
0x91: {  	s18 =	sld [smem:$0x3FFB];
	_ =	sdelay $0x3  }
0x92: {  	_ =	strace s18  }
0x93: {  	s3 =	sld [smem:$0x3FFC];
	_ =	sdelay $0x3  }
0x94: {  	_ =	strace s3  }
0x95: {  	s3 =	sld [smem:$0x3FFD];
	_ =	sdelay $0x3  }
0x96: {  	_ =	strace s3  }
0x97: {  	_ =	strace $0x8FFFFFFF  }
0x98: {  	s19 =	sld [smem:$0x3FDB];
	_ =	sdelay $0x1  }
0x99: {  	s4 =	simm.s32 $_scs_section_size  }
0x9a: {  	s5 =	simm.s32 $_size__tile_overlayer_lowered;
	s6 =	simm.s32 $_tile_overlayer_lowered  }
0x9b: {  	s22 =	simm.s32 $0x1BFF;
	s21 =	sshll.u32 s6, $0x1;
	s3 =	sadd.s32 s4, s19  }
0x9c: {  	s7 =	simm.s32 $0x0;
	s20 =	sshll.u32 s5, $0x1;
	s5 =	sadd.s32 s21, s3  }
0x9d: {  	[timem:s7], [sflag:s22] =	dma.local [hbm:s5], s20  }
0x9e: {  	_ =	swait.ge [sflag:s22], s20  }
0x9f: {  	s4 =	ssub.s32 $0x0, s20;
	[sflag:s22] =	ssyncset.done $0x0  }
0xa0: {  	[sflag:s22] =	ssyncadd.s32 s4;
	_ =	sdelay $0x1  }
0xa1: {  	s23 =	simm.s32 $0x1B8B  }
0xa2: {  	_ =	swait.ge [sflag:s23], $0x1  }
0xa3: {  	[sflag:s23] =	ssyncset.done $0x0  }
0xa4: {  	s25 =	simm.s32 $0x1B8E;
	s24 =	sld [smem:$0x3FFE];
	[sflag:s23] =	ssyncadd.s32 $0xFFFFFFFF  }
0xa5: {  	s26 =	simm.s32 $execute0_lowered;
	[smem:$0x3FD2] =	sst s25  }
0xa6: {  	s5 =	sshll.u32 s26, $0x1;
	_ =	strace $0x80000046;
	[dreg:$0x1] =	wrdreg $0xFFFFFFFF  }
0xa7: {  	s28 =	simm.s32 $_size_execute0_lowered;
	s3 =	sadd.s32 s3, s5;
	[dreg:$0x0] =	wrdreg $0x0  }
0xa8: {  	s5 =	sshll.u32 s28, $0x1;
	[dreg:$0x2] =	wrdreg s3  }
0xa9: {  	[dreg:$0x3] =	wrdreg s5  }
0xaa: {  	[dreg:$0x4] =	wrdreg $0xC0  }
0xab: {  	_ =	task [dreg:s7], $0x5FFFF  }
0xac: {  	[dreg:$0x1] =	wrdreg $0xFFFFFFFF  }
0xad: {  	[dreg:$0x0] =	wrdreg $0x60  }
0xae: {  	[dreg:$0x2] =	wrdreg s24  }
0xaf: {  	[dreg:$0x3] =	wrdreg s2  }
0xb0: {  	[dreg:$0x4] =	wrdreg $0x9  }
0xb1: {  	_ =	task.clear_ibuf [dreg:s7], $0x5FFFF;
	_ =	strace $0x90000046  }
0xb2: {  	s29 =	simm.s32 $0x9;
	_ =	strace $0x80000048  }
0xb3: {  	_ =	swait.ge [sflag:s29], $0x1  }
0xb4: {  	[sflag:s29] =	ssyncadd.s32 $0xFFFFFFFF  }
0xb5: {  	_ =	strace $0x90000048  }
0xb6: {  	_ =	sfence  }
0xb7: {  	s30 =	sld [smem:$0x0];
	_ =	sdelay $0x2  }
0xb8: {  	s31 =	sshll.u32 s1, $0xD;
	s1 =	sshrl.u32 s1, $0x2  }
0xb9: {  	s3 =	sand.u32 $0x4000, s31;
	s1 =	sadd.s32 s1, s30  }
0xba: {  	s0 =	sor.u32 s3, s0;
	s1 =	sshll.u32 s1, $0x11  }
0xbb: {  	s0 =	sor.u32 s1, s0  }
0xbc: {  	s0 =	sadd.s32 $0x8F2B, s0  }
0xbd: {  	[sflag:s0] =	ssyncadd.remote.s32 $0x1  }
0xbe: {  	_ =	sfence.sel $0xFFFF  }
0xbf: {  	[dreg:$0x0] =	wrdreg $0xFFFFFFFF;
	(pc) =	sbr.abs _section_cstart, $3  }
0xc0: {  	[dreg:$0x1] =	wrdreg $0xFFFFFFFF  }
0xc1: {  	_ =	task.clear_ibuf [dreg:s7], $0x2FFFF;
	_ =	strace $0x9FFFFFFF  }
0xc2: {  	(tm) =	ssettm $0x7FFFFFFF  }
0xc3: {  	_ =	shalt  }
tec
execute0_lowered:
.L_overlay_start_1:
0x0: {  	(tag) =	ssettag $0x1  }
0x1: {  	s0 =	srdreg.scid;
	s5 =	rddreg [dreg:$0x0]  }
0x2: {  	s1 =	stileid.u32;
	s2 =	rddreg [dreg:$0x1]  }
0x3: {  	s3 =	simm.s32 $0x0;
	s13 =	simm.s32 $0x9;
	s14 =	simm.s32 $0x80  }
0x4: {  	s15 =	simm.s32 $0x6400;
	s16 =	simm.s32 $0xA400;
	s18 =	simm.s32 $0xE400  }
0x5: {  	s20 =	simm.s32 $0x12400;
	s21 =	simm.s32 $0x1;
	s22 =	simm.s32 $0x2  }
0x6: {  	s23 =	simm.s32 $0x3;
	s24 =	simm.s32 $0x4;
	s25 =	simm.s32 $0x5  }
0x7: {  	s26 =	simm.s32 $0x6;
	s0 =	sand.u32 $0x1, s0;
	s1 =	sshll.u32 s1, $0x1  }
0x8: {  	s28 =	simm.s32 $0x7;
	s29 =	simm.s32 $0x8;
	s1 =	sor.u32 s0, s1  }
0x9: {  	[smem:$0x7FF] =	sst s3;
	s0 =	ssub.s32 $0x2, s0;
	s6 =	smul.u32 $0x6400, s1  }
0xa: {  	s30 =	simm.s32 $0x0;
	_ =	strace $0x80000047;
	s8 =	sshrl.u32 s0, $0x1  }
.Ltmp0:
0xb: {  	s0 =	ssub.s32 s0, s8;
	s4 =	sshrl.u32 s6, $0x3;
	(pc) =	sbr.rel .LBB2_1-.Ltmp0, $4  }
0xc: {  	s8 =	sor.u32 $0x80, s6;
	s0 =	smax.u32 s0, $0x1;
	s7 =	sadd.s32 s4, s5  }
0xd: {  	s4 =	sadd.s32 $0x1E9E400, s5;
	s5 =	sadd.s32 $0xC00, s5;
	[dreg:$0x5] =	wrdreg s0  }
0xe: {  	s9 =	sor.u32 $0x100, s6;
	[dreg:$0x3] =	wrdreg s5;
	s31 =	sadd.s32 $0x1E85400, s7  }
0xf: {  	s10 =	sor.u32 $0x180, s6;
	s7 =	smul.u32 $0x190000, s1;
	[dreg:$0x4] =	wrdreg s31  }
.LBB2_12:
0x10: {  	_ =	swait.ge [sflag:s25], $0x2000  }
0x11: {  	[sflag:s25] =	ssyncset.done $0x0  }
0x12: {  	[sflag:s25] =	ssyncadd.s32 $0xFFFFE000  }
0x13: {  	_ =	swait.ge [sflag:s26], $0x2000  }
0x14: {  	[sflag:s26] =	ssyncset.done $0x0  }
0x15: {  	[sflag:s26] =	ssyncadd.s32 $0xFFFFE000  }
0x16: {  	_ =	swait.ge [sflag:s28], $0x2000  }
0x17: {  	[sflag:s28] =	ssyncset.done $0x0  }
0x18: {  	[sflag:s28] =	ssyncadd.s32 $0xFFFFE000  }
0x19: {  	_ =	swait.ge [sflag:s29], $0x2000  }
0x1a: {  	s30 =	sadd.s32 $0x1, s30;
	s0 =	rddreg [dreg:$0x5]  }
0x1b: {  	p0 =	sne.s32 s30, s0  }
.Ltmp1:
0x1c: {  	_ = 	snop;
	(pc) =	sbr.rel @!p0 .LBB2_13-.Ltmp1, $3  }
0x1d: {  	_ =	sdelay $0x1  }
0x1e: {  	[sflag:s29] =	ssyncset.done $0x0  }
0x1f: {  	[sflag:s29] =	ssyncadd.s32 $0xFFFFE000  }
.LBB2_1:
0x20: {  	s0 =	rddreg [dreg:$0x3];
	s1 =	simm.s32 $0x16400  }
0x21: {  	[tilespmem:s1], [sflag:$0x9] =	stream.linear.gather [hbm4b:s0+s3], $0x100, $0x38;
	[tilespmem:$0x16500] =	vst v63  }
0x22: {  	_ =	swait.ge [sflag:s13], $0x100  }
0x23: {  	[sflag:s13] =	ssyncset.done $0x0  }
0x24: {  	s12 =	rddreg [dreg:$0x4];
	[sflag:s13] =	ssyncadd.s32 $0xFFFFFF00  }
0x25: {  	[tilespmem:s3], [sflag:$0x9] =	stream.linear.gather [hbm4b:s12+s3], $0x6400, $0x38;
	[tilespmem:$0x16500] =	vst v63  }
0x26: {  	_ =	swait.ge [sflag:s13], $0x6400  }
0x27: {  	[sflag:s13] =	ssyncset.done $0x0  }
0x28: {  	[sflag:s13] =	ssyncadd.s32 $0xFFFF9C00  }
0x29: {  	v0 =	vld [tilespmem:$0x16400]  }
0x2a: {  	v1 =	vld [tilespmem:$0x16480];
	[tilespmem:s15], [sflag:$0x1] =	stream.indirect.gather [hbm4b:s4+s14], $0x80, s3, s14, $0xb8  }
0x2b: {  	_ = 	snop  }
0x2c: {  	[tilespmem:s16], [sflag:$0x2] =	stream.indirect.gather [hbm4b:s4+s14], $0x80, s14, s14, $0xb8;
	[tilespmem:$0x16500] =	vst v63  }
0x2d: {  	s17 =	simm.s32 $0x100  }
0x2e: {  	[tilespmem:s18], [sflag:$0x3] =	stream.indirect.gather [hbm4b:s4+s14], $0x80, s17, s14, $0xb8;
	[tilespmem:$0x16500] =	vst v63  }
0x2f: {  	s19 =	simm.s32 $0x180;
	s31 =	simm.s32 $0x0  }
0x30: {  	[tilespmem:s20], [sflag:$0x4] =	stream.indirect.gather [hbm4b:s4+s14], $0x80, s19, s14, $0xb8;
	[tilespmem:$0x16500] =	vst v63  }
.LBB2_2:
0x31: {  	_ =	swait.ge [sflag:s21], $0x4000  }
0x32: {  	[sflag:s21] =	ssyncset.done $0x0  }
0x33: {  	s0 =	simm.s32 $0x6600;
	[sflag:s21] =	ssyncadd.s32 $0xFFFFC000  }
0x34: {  	v2 =	vld [tilespmem:s0+$0xFFFFFE00]  }
0x35: {  	v3 =	vld [tilespmem:s0+$0xFFFFFEC0]  }
0x36: {  	v4 =	vld [tilespmem:s0+$0xFFFFFE80]  }
0x37: {  	v5 =	vld [tilespmem:s0+$0xFFFFFE40];
	_ =	sdelay $0x3  }
0x38: {  	v4 =	vmul.f32 v4, v0;
	v3 =	vmul.f32 v3, v1  }
0x39: {  	v2 =	vmul.f32 v2, v0;
	v5 =	vmul.f32 v5, v1  }
0x3a: {  	v3 =	vadd.f32 v3, v4  }
0x3b: {  	s1 =	simm.s32 $0x6500;
	v2 =	vadd.f32 v5, v2  }
0x3c: {  	[tilespmem:s1+$0xFFFFFF40] =	vst v3  }
0x3d: {  	[tilespmem:s1+$0xFFFFFF00] =	vst v2  }
0x3e: {  	v2 =	vld [tilespmem:s0+$0xFFFFFED0]  }
0x3f: {  	v3 =	vld [tilespmem:s0+$0xFFFFFE10]  }
0x40: {  	v4 =	vld [tilespmem:s0+$0xFFFFFE90]  }
0x41: {  	v5 =	vld [tilespmem:s0+$0xFFFFFE50];
	_ =	sdelay $0x3  }
0x42: {  	v4 =	vmul.f32 v4, v0;
	v2 =	vmul.f32 v2, v1  }
0x43: {  	v3 =	vmul.f32 v3, v0;
	v5 =	vmul.f32 v5, v1  }
0x44: {  	v2 =	vadd.f32 v2, v4  }
0x45: {  	v3 =	vadd.f32 v5, v3  }
0x46: {  	[tilespmem:s1+$0xFFFFFF50] =	vst v2  }
0x47: {  	[tilespmem:s1+$0xFFFFFF10] =	vst v3  }
0x48: {  	v2 =	vld [tilespmem:s0+$0xFFFFFE20]  }
0x49: {  	v3 =	vld [tilespmem:s0+$0xFFFFFEA0]  }
0x4a: {  	v4 =	vld [tilespmem:s0+$0xFFFFFE60]  }
0x4b: {  	v5 =	vld [tilespmem:s0+$0xFFFFFEE0];
	_ =	sdelay $0x3  }
0x4c: {  	v2 =	vmul.f32 v2, v0;
	v4 =	vmul.f32 v4, v1  }
0x4d: {  	v3 =	vmul.f32 v3, v0;
	v5 =	vmul.f32 v5, v1  }
0x4e: {  	v2 =	vadd.f32 v4, v2  }
0x4f: {  	v3 =	vadd.f32 v5, v3  }
0x50: {  	[tilespmem:s1+$0xFFFFFF20] =	vst v2  }
0x51: {  	[tilespmem:s1+$0xFFFFFF60] =	vst v3  }
0x52: {  	v2 =	vld [tilespmem:s0+$0xFFFFFE30]  }
0x53: {  	v3 =	vld [tilespmem:s0+$0xFFFFFE70]  }
0x54: {  	v4 =	vld [tilespmem:s0+$0xFFFFFEB0]  }
0x55: {  	v5 =	vld [tilespmem:s0+$0xFFFFFEF0];
	_ =	sdelay $0x3  }
0x56: {  	v2 =	vmul.f32 v2, v0;
	v3 =	vmul.f32 v3, v1  }
0x57: {  	v4 =	vmul.f32 v4, v0;
	v5 =	vmul.f32 v5, v1  }
0x58: {  	v2 =	vadd.f32 v3, v2  }
0x59: {  	v3 =	vadd.f32 v5, v4  }
0x5a: {  	[tilespmem:s1+$0xFFFFFF30] =	vst v2  }
0x5b: {  	[tilespmem:s1+$0xFFFFFF70] =	vst v3  }
0x5c: {  	v2 =	vld [tilespmem:s0+$0xFFFFFF40]  }
0x5d: {  	v3 =	vld [tilespmem:s0+$0xFFFFFF00]  }
0x5e: {  	v4 =	vld [tilespmem:s0+$0xFFFFFF80]  }
0x5f: {  	v5 =	vld [tilespmem:s0+$0xFFFFFFC0];
	_ =	sdelay $0x3  }
0x60: {  	v3 =	vmul.f32 v3, v0;
	v2 =	vmul.f32 v2, v1  }
0x61: {  	v4 =	vmul.f32 v4, v0;
	v5 =	vmul.f32 v5, v1  }
0x62: {  	v2 =	vadd.f32 v2, v3  }
0x63: {  	v3 =	vadd.f32 v5, v4  }
0x64: {  	[tilespmem:s1+$0xFFFFFF80] =	vst v2  }
0x65: {  	[tilespmem:s1+$0xFFFFFFC0] =	vst v3  }
0x66: {  	v2 =	vld [tilespmem:s0+$0xFFFFFF90]  }
0x67: {  	v3 =	vld [tilespmem:s0+$0xFFFFFF50]  }
0x68: {  	v4 =	vld [tilespmem:s0+$0xFFFFFF10]  }
0x69: {  	v5 =	vld [tilespmem:s0+$0xFFFFFFD0];
	_ =	sdelay $0x3  }
0x6a: {  	v3 =	vmul.f32 v3, v1;
	v4 =	vmul.f32 v4, v0  }
0x6b: {  	v2 =	vmul.f32 v2, v0;
	v5 =	vmul.f32 v5, v1  }
0x6c: {  	v3 =	vadd.f32 v3, v4  }
0x6d: {  	v2 =	vadd.f32 v5, v2  }
0x6e: {  	[tilespmem:s1+$0xFFFFFF90] =	vst v3  }
0x6f: {  	[tilespmem:s1+$0xFFFFFFD0] =	vst v2  }
0x70: {  	v2 =	vld [tilespmem:s0+$0xFFFFFF20]  }
0x71: {  	v3 =	vld [tilespmem:s0+$0xFFFFFF60]  }
0x72: {  	v4 =	vld [tilespmem:s0+$0xFFFFFFA0]  }
0x73: {  	v5 =	vld [tilespmem:s0+$0xFFFFFFE0];
	_ =	sdelay $0x3  }
0x74: {  	v2 =	vmul.f32 v2, v0;
	v3 =	vmul.f32 v3, v1  }
0x75: {  	v4 =	vmul.f32 v4, v0;
	v5 =	vmul.f32 v5, v1  }
0x76: {  	v2 =	vadd.f32 v3, v2  }
0x77: {  	v3 =	vadd.f32 v5, v4  }
0x78: {  	[tilespmem:s1+$0xFFFFFFA0] =	vst v2  }
0x79: {  	[tilespmem:s1+$0xFFFFFFE0] =	vst v3  }
0x7a: {  	v2 =	vld [tilespmem:s0+$0xFFFFFF70]  }
0x7b: {  	v3 =	vld [tilespmem:s0+$0xFFFFFF30]  }
0x7c: {  	v4 =	vld [tilespmem:s0+$0xFFFFFFB0]  }
0x7d: {  	v5 =	vld [tilespmem:s0+$0xFFFFFFF0];
	_ =	sdelay $0x3  }
0x7e: {  	v3 =	vmul.f32 v3, v0;
	v2 =	vmul.f32 v2, v1  }
0x7f: {  	v4 =	vmul.f32 v4, v0;
	v5 =	vmul.f32 v5, v1  }
0x80: {  	v2 =	vadd.f32 v2, v3  }
0x81: {  	v3 =	vadd.f32 v5, v4  }
0x82: {  	[tilespmem:s1+$0xFFFFFFB0] =	vst v2  }
0x83: {  	[tilespmem:s1+$0xFFFFFFF0] =	vst v3  }
0x84: {  	v2 =	vld [tilespmem:s0+$0x80]  }
0x85: {  	v3 =	vld [tilespmem:s0+$0x40]  }
0x86: {  	v4 =	vld [tilespmem:s0+$0x0]  }
0x87: {  	v5 =	vld [tilespmem:s0+$0xC0];
	_ =	sdelay $0x3  }
0x88: {  	v3 =	vmul.f32 v3, v1;
	v4 =	vmul.f32 v4, v0  }
0x89: {  	v2 =	vmul.f32 v2, v0;
	v5 =	vmul.f32 v5, v1  }
0x8a: {  	v3 =	vadd.f32 v3, v4  }
0x8b: {  	v2 =	vadd.f32 v5, v2  }
0x8c: {  	[tilespmem:s1+$0x0] =	vst v3  }
0x8d: {  	[tilespmem:s1+$0x40] =	vst v2  }
0x8e: {  	v2 =	vld [tilespmem:s0+$0x10]  }
0x8f: {  	v3 =	vld [tilespmem:s0+$0x50]  }
0x90: {  	v4 =	vld [tilespmem:s0+$0x90]  }
0x91: {  	v5 =	vld [tilespmem:s0+$0xD0];
	_ =	sdelay $0x3  }
0x92: {  	v2 =	vmul.f32 v2, v0;
	v3 =	vmul.f32 v3, v1  }
0x93: {  	v4 =	vmul.f32 v4, v0;
	v5 =	vmul.f32 v5, v1  }
0x94: {  	v2 =	vadd.f32 v3, v2  }
0x95: {  	v3 =	vadd.f32 v5, v4  }
0x96: {  	[tilespmem:s1+$0x10] =	vst v2  }
0x97: {  	[tilespmem:s1+$0x50] =	vst v3  }
0x98: {  	v2 =	vld [tilespmem:s0+$0x60]  }
0x99: {  	v3 =	vld [tilespmem:s0+$0x20]  }
0x9a: {  	v4 =	vld [tilespmem:s0+$0xA0]  }
0x9b: {  	v5 =	vld [tilespmem:s0+$0xE0];
	_ =	sdelay $0x3  }
0x9c: {  	v3 =	vmul.f32 v3, v0;
	v2 =	vmul.f32 v2, v1  }
0x9d: {  	v4 =	vmul.f32 v4, v0;
	v5 =	vmul.f32 v5, v1  }
0x9e: {  	v2 =	vadd.f32 v2, v3  }
0x9f: {  	v3 =	vadd.f32 v5, v4  }
0xa0: {  	[tilespmem:s1+$0x20] =	vst v2  }
0xa1: {  	[tilespmem:s1+$0x60] =	vst v3  }
0xa2: {  	v2 =	vld [tilespmem:s0+$0xB0]  }
0xa3: {  	v3 =	vld [tilespmem:s0+$0x70]  }
0xa4: {  	v4 =	vld [tilespmem:s0+$0x30]  }
0xa5: {  	v5 =	vld [tilespmem:s0+$0xF0];
	_ =	sdelay $0x3  }
0xa6: {  	v3 =	vmul.f32 v3, v1;
	v4 =	vmul.f32 v4, v0  }
0xa7: {  	v2 =	vmul.f32 v2, v0;
	v5 =	vmul.f32 v5, v1  }
0xa8: {  	v3 =	vadd.f32 v3, v4  }
0xa9: {  	v2 =	vadd.f32 v5, v2  }
0xaa: {  	[tilespmem:s1+$0x30] =	vst v3  }
0xab: {  	[tilespmem:s1+$0x70] =	vst v2  }
0xac: {  	v3 =	vld [tilespmem:s0+$0x100]  }
0xad: {  	v2 =	vld [tilespmem:s0+$0x140]  }
0xae: {  	v4 =	vld [tilespmem:s0+$0x180]  }
0xaf: {  	s6 =	simm.s32 $0x0;
	s12 =	simm.s32 $0x6500;
	s5 =	simm.s32 $0x6600;
	v5 =	vld [tilespmem:s0+$0x1C0]  }
.LBB2_3:
0xb0: {  	_ =	sdelay $0x1  }
0xb1: {  	s6 =	sadd.s32 $0x4, s6;
	s0 =	sadd.s32 $0x400, s0;
	s1 =	sadd.s32 $0x200, s1  }
0xb2: {  	p0 =	slt.u32 s6, $0x3C;
	v3 =	vmul.f32 v3, v0;
	v4 =	vmul.f32 v4, v0  }
0xb3: {  	v2 =	vmul.f32 v2, v1;
	v5 =	vmul.f32 v5, v1;
	_ =	sdelay $0x1  }
0xb4: {  	v2 =	vadd.f32 v2, v3;
	v3 =	vadd.f32 v5, v4;
	_ =	sdelay $0x1  }
0xb5: {  	[tilespmem:s12+$0xC0] =	vst v3  }
0xb6: {  	[tilespmem:s12+$0x80] =	vst v2  }
0xb7: {  	v2 =	vld [tilespmem:s5+$0x150]  }
0xb8: {  	v3 =	vld [tilespmem:s5+$0x1D0]  }
0xb9: {  	v4 =	vld [tilespmem:s5+$0x190]  }
0xba: {  	v5 =	vld [tilespmem:s5+$0x110];
	_ =	sdelay $0x2  }
0xbb: {  	v2 =	vmul.f32 v2, v1  }
0xbc: {  	v3 =	vmul.f32 v3, v1;
	v4 =	vmul.f32 v4, v0  }
0xbd: {  	v5 =	vmul.f32 v5, v0  }
0xbe: {  	v3 =	vadd.f32 v3, v4  }
0xbf: {  	v2 =	vadd.f32 v2, v5  }
0xc0: {  	[tilespmem:s12+$0xD0] =	vst v3  }
0xc1: {  	[tilespmem:s12+$0x90] =	vst v2  }
0xc2: {  	v2 =	vld [tilespmem:s5+$0x1A0]  }
0xc3: {  	v3 =	vld [tilespmem:s5+$0x1E0]  }
0xc4: {  	v4 =	vld [tilespmem:s5+$0x120]  }
0xc5: {  	v5 =	vld [tilespmem:s5+$0x160];
	_ =	sdelay $0x3  }
0xc6: {  	v2 =	vmul.f32 v2, v0;
	v3 =	vmul.f32 v3, v1  }
0xc7: {  	v4 =	vmul.f32 v4, v0;
	v5 =	vmul.f32 v5, v1  }
0xc8: {  	v2 =	vadd.f32 v3, v2  }
0xc9: {  	v3 =	vadd.f32 v5, v4  }
0xca: {  	[tilespmem:s12+$0xE0] =	vst v2  }
0xcb: {  	[tilespmem:s12+$0xA0] =	vst v3  }
0xcc: {  	v2 =	vld [tilespmem:s5+$0x130]  }
0xcd: {  	v3 =	vld [tilespmem:s5+$0x1F0]  }
0xce: {  	v4 =	vld [tilespmem:s5+$0x170]  }
0xcf: {  	v5 =	vld [tilespmem:s5+$0x1B0];
	s5 =	smov.u32 s0;
	_ =	sdelay $0x2  }
0xd0: {  	v2 =	vmul.f32 v2, v0;
	v3 =	vmul.f32 v3, v1  }
0xd1: {  	v4 =	vmul.f32 v4, v1  }
0xd2: {  	v5 =	vmul.f32 v5, v0  }
0xd3: {  	v2 =	vadd.f32 v4, v2  }
0xd4: {  	v3 =	vadd.f32 v3, v5  }
0xd5: {  	[tilespmem:s12+$0xB0] =	vst v2  }
0xd6: {  	[tilespmem:s12+$0xF0] =	vst v3;
	s12 =	smov.u32 s1  }
0xd7: {  	v2 =	vld [tilespmem:s0+$0xFFFFFE00]  }
0xd8: {  	v3 =	vld [tilespmem:s0+$0xFFFFFEC0]  }
0xd9: {  	v4 =	vld [tilespmem:s0+$0xFFFFFE80]  }
0xda: {  	v5 =	vld [tilespmem:s0+$0xFFFFFE40];
	_ =	sdelay $0x3  }
0xdb: {  	v3 =	vmul.f32 v3, v1;
	v4 =	vmul.f32 v4, v0  }
0xdc: {  	v2 =	vmul.f32 v2, v0;
	v5 =	vmul.f32 v5, v1  }
0xdd: {  	v3 =	vadd.f32 v3, v4  }
0xde: {  	v2 =	vadd.f32 v5, v2  }
0xdf: {  	[tilespmem:s1+$0xFFFFFF40] =	vst v3  }
0xe0: {  	[tilespmem:s1+$0xFFFFFF00] =	vst v2  }
0xe1: {  	v2 =	vld [tilespmem:s0+$0xFFFFFED0]  }
0xe2: {  	v3 =	vld [tilespmem:s0+$0xFFFFFE10]  }
0xe3: {  	v4 =	vld [tilespmem:s0+$0xFFFFFE90]  }
0xe4: {  	v5 =	vld [tilespmem:s0+$0xFFFFFE50];
	_ =	sdelay $0x2  }
0xe5: {  	v3 =	vmul.f32 v3, v0  }
0xe6: {  	v2 =	vmul.f32 v2, v1;
	v4 =	vmul.f32 v4, v0  }
0xe7: {  	v5 =	vmul.f32 v5, v1  }
0xe8: {  	v2 =	vadd.f32 v2, v4  }
0xe9: {  	v3 =	vadd.f32 v5, v3  }
0xea: {  	[tilespmem:s1+$0xFFFFFF50] =	vst v2  }
0xeb: {  	[tilespmem:s1+$0xFFFFFF10] =	vst v3  }
0xec: {  	v2 =	vld [tilespmem:s0+$0xFFFFFE20]  }
0xed: {  	v3 =	vld [tilespmem:s0+$0xFFFFFEA0]  }
0xee: {  	v4 =	vld [tilespmem:s0+$0xFFFFFE60]  }
0xef: {  	v5 =	vld [tilespmem:s0+$0xFFFFFEE0];
	_ =	sdelay $0x2  }
0xf0: {  	v2 =	vmul.f32 v2, v0  }
0xf1: {  	v3 =	vmul.f32 v3, v0;
	v4 =	vmul.f32 v4, v1  }
0xf2: {  	v5 =	vmul.f32 v5, v1  }
0xf3: {  	v2 =	vadd.f32 v4, v2  }
0xf4: {  	v3 =	vadd.f32 v5, v3  }
0xf5: {  	[tilespmem:s1+$0xFFFFFF20] =	vst v2  }
0xf6: {  	[tilespmem:s1+$0xFFFFFF60] =	vst v3  }
0xf7: {  	v2 =	vld [tilespmem:s0+$0xFFFFFE30]  }
0xf8: {  	v3 =	vld [tilespmem:s0+$0xFFFFFE70]  }
0xf9: {  	v4 =	vld [tilespmem:s0+$0xFFFFFEB0]  }
0xfa: {  	v5 =	vld [tilespmem:s0+$0xFFFFFEF0];
	_ =	sdelay $0x1  }
0xfb: {  	v2 =	vmul.f32 v2, v0  }
0xfc: {  	v3 =	vmul.f32 v3, v1  }
0xfd: {  	v4 =	vmul.f32 v4, v0  }
0xfe: {  	v2 =	vadd.f32 v3, v2;
	v3 =	vmul.f32 v5, v1;
	_ =	sdelay $0x1  }
0xff: {  	v3 =	vadd.f32 v3, v4;
	[tilespmem:s1+$0xFFFFFF30] =	vst v2;
	_ =	sdelay $0x1  }
0x100: {  	[tilespmem:s1+$0xFFFFFF70] =	vst v3  }
0x101: {  	v2 =	vld [tilespmem:s0+$0xFFFFFF40]  }
0x102: {  	v3 =	vld [tilespmem:s0+$0xFFFFFF00]  }
0x103: {  	v4 =	vld [tilespmem:s0+$0xFFFFFF80]  }
0x104: {  	v5 =	vld [tilespmem:s0+$0xFFFFFFC0];
	_ =	sdelay $0x2  }
0x105: {  	v3 =	vmul.f32 v3, v0  }
0x106: {  	v2 =	vmul.f32 v2, v1;
	v4 =	vmul.f32 v4, v0  }
0x107: {  	v5 =	vmul.f32 v5, v1  }
0x108: {  	v2 =	vadd.f32 v2, v3  }
0x109: {  	v3 =	vadd.f32 v5, v4  }
0x10a: {  	[tilespmem:s1+$0xFFFFFF80] =	vst v2  }
0x10b: {  	[tilespmem:s1+$0xFFFFFFC0] =	vst v3  }
0x10c: {  	v2 =	vld [tilespmem:s0+$0xFFFFFF90]  }
0x10d: {  	v3 =	vld [tilespmem:s0+$0xFFFFFF50]  }
0x10e: {  	v4 =	vld [tilespmem:s0+$0xFFFFFF10]  }
0x10f: {  	v5 =	vld [tilespmem:s0+$0xFFFFFFD0];
	_ =	sdelay $0x2  }
0x110: {  	v3 =	vmul.f32 v3, v1  }
0x111: {  	v2 =	vmul.f32 v2, v0;
	v4 =	vmul.f32 v4, v0  }
0x112: {  	v5 =	vmul.f32 v5, v1  }
0x113: {  	v3 =	vadd.f32 v3, v4  }
0x114: {  	v2 =	vadd.f32 v5, v2  }
0x115: {  	[tilespmem:s1+$0xFFFFFF90] =	vst v3  }
0x116: {  	[tilespmem:s1+$0xFFFFFFD0] =	vst v2  }
0x117: {  	v2 =	vld [tilespmem:s0+$0xFFFFFF20]  }
0x118: {  	v3 =	vld [tilespmem:s0+$0xFFFFFF60]  }
0x119: {  	v4 =	vld [tilespmem:s0+$0xFFFFFFA0]  }
0x11a: {  	v5 =	vld [tilespmem:s0+$0xFFFFFFE0];
	_ =	sdelay $0x1  }
0x11b: {  	v2 =	vmul.f32 v2, v0  }
0x11c: {  	v3 =	vmul.f32 v3, v1  }
0x11d: {  	v4 =	vmul.f32 v4, v0  }
0x11e: {  	v2 =	vadd.f32 v3, v2;
	v3 =	vmul.f32 v5, v1;
	_ =	sdelay $0x1  }
0x11f: {  	v3 =	vadd.f32 v3, v4;
	[tilespmem:s1+$0xFFFFFFA0] =	vst v2;
	_ =	sdelay $0x1  }
0x120: {  	[tilespmem:s1+$0xFFFFFFE0] =	vst v3  }
0x121: {  	v2 =	vld [tilespmem:s0+$0xFFFFFF70]  }
0x122: {  	v3 =	vld [tilespmem:s0+$0xFFFFFF30]  }
0x123: {  	v4 =	vld [tilespmem:s0+$0xFFFFFFB0]  }
0x124: {  	v5 =	vld [tilespmem:s0+$0xFFFFFFF0];
	_ =	sdelay $0x2  }
0x125: {  	v3 =	vmul.f32 v3, v0  }
0x126: {  	v2 =	vmul.f32 v2, v1;
	v4 =	vmul.f32 v4, v0  }
0x127: {  	v5 =	vmul.f32 v5, v1  }
0x128: {  	v2 =	vadd.f32 v2, v3  }
0x129: {  	v3 =	vadd.f32 v5, v4  }
0x12a: {  	[tilespmem:s1+$0xFFFFFFB0] =	vst v2  }
0x12b: {  	[tilespmem:s1+$0xFFFFFFF0] =	vst v3  }
0x12c: {  	v2 =	vld [tilespmem:s0+$0x80]  }
0x12d: {  	v3 =	vld [tilespmem:s0+$0x40]  }
0x12e: {  	v4 =	vld [tilespmem:s0+$0x0]  }
0x12f: {  	v5 =	vld [tilespmem:s0+$0xC0];
	_ =	sdelay $0x2  }
0x130: {  	v3 =	vmul.f32 v3, v1  }
0x131: {  	v2 =	vmul.f32 v2, v0;
	v4 =	vmul.f32 v4, v0  }
0x132: {  	v5 =	vmul.f32 v5, v1  }
0x133: {  	v3 =	vadd.f32 v3, v4  }
0x134: {  	v2 =	vadd.f32 v5, v2  }
0x135: {  	[tilespmem:s1+$0x0] =	vst v3  }
0x136: {  	[tilespmem:s1+$0x40] =	vst v2  }
0x137: {  	v2 =	vld [tilespmem:s0+$0x10]  }
0x138: {  	v3 =	vld [tilespmem:s0+$0x50]  }
0x139: {  	v4 =	vld [tilespmem:s0+$0x90]  }
0x13a: {  	v5 =	vld [tilespmem:s0+$0xD0];
	_ =	sdelay $0x1  }
0x13b: {  	v2 =	vmul.f32 v2, v0  }
0x13c: {  	v3 =	vmul.f32 v3, v1  }
0x13d: {  	v4 =	vmul.f32 v4, v0  }
0x13e: {  	v2 =	vadd.f32 v3, v2;
	v3 =	vmul.f32 v5, v1;
	_ =	sdelay $0x1  }
0x13f: {  	v3 =	vadd.f32 v3, v4;
	[tilespmem:s1+$0x10] =	vst v2;
	_ =	sdelay $0x1  }
0x140: {  	[tilespmem:s1+$0x50] =	vst v3  }
0x141: {  	v2 =	vld [tilespmem:s0+$0x60]  }
0x142: {  	v3 =	vld [tilespmem:s0+$0x20]  }
0x143: {  	v4 =	vld [tilespmem:s0+$0xA0]  }
0x144: {  	v5 =	vld [tilespmem:s0+$0xE0];
	_ =	sdelay $0x2  }
0x145: {  	v3 =	vmul.f32 v3, v0  }
0x146: {  	v2 =	vmul.f32 v2, v1;
	v4 =	vmul.f32 v4, v0  }
0x147: {  	v5 =	vmul.f32 v5, v1  }
0x148: {  	v2 =	vadd.f32 v2, v3  }
0x149: {  	v3 =	vadd.f32 v5, v4  }
0x14a: {  	[tilespmem:s1+$0x20] =	vst v2  }
0x14b: {  	[tilespmem:s1+$0x60] =	vst v3  }
0x14c: {  	v2 =	vld [tilespmem:s0+$0xB0]  }
0x14d: {  	v3 =	vld [tilespmem:s0+$0x70]  }
0x14e: {  	v4 =	vld [tilespmem:s0+$0x30]  }
0x14f: {  	v5 =	vld [tilespmem:s0+$0xF0];
	_ =	sdelay $0x2  }
0x150: {  	v3 =	vmul.f32 v3, v1  }
0x151: {  	v2 =	vmul.f32 v2, v0;
	v4 =	vmul.f32 v4, v0  }
0x152: {  	v5 =	vmul.f32 v5, v1  }
0x153: {  	v3 =	vadd.f32 v3, v4  }
0x154: {  	v2 =	vadd.f32 v5, v2  }
0x155: {  	[tilespmem:s1+$0x30] =	vst v3  }
.Ltmp2:
0x156: {  	[tilespmem:s1+$0x70] =	vst v2;
	(pc) =	sbr.rel @p0 .LBB2_3-.Ltmp2, $4  }
0x157: {  	v3 =	vld [tilespmem:s0+$0x100]  }
0x158: {  	v2 =	vld [tilespmem:s0+$0x140]  }
0x159: {  	v4 =	vld [tilespmem:s0+$0x180]  }
0x15a: {  	v5 =	vld [tilespmem:s0+$0x1C0]  }
0x15b: {  	_ =	sdelay $0x2  }
0x15c: {  	v3 =	vmul.f32 v3, v0;
	v2 =	vmul.f32 v2, v1  }
0x15d: {  	v4 =	vmul.f32 v4, v0;
	v5 =	vmul.f32 v5, v1  }
0x15e: {  	v2 =	vadd.f32 v2, v3  }
0x15f: {  	v4 =	vadd.f32 v5, v4  }
0x160: {  	[tilespmem:s12+$0x80] =	vst v2  }
0x161: {  	[tilespmem:s12+$0xC0] =	vst v4  }
0x162: {  	v2 =	vld [tilespmem:s5+$0x150]  }
0x163: {  	v3 =	vld [tilespmem:s5+$0x1D0]  }
0x164: {  	v4 =	vld [tilespmem:s5+$0x190]  }
0x165: {  	v5 =	vld [tilespmem:s5+$0x110];
	_ =	sdelay $0x3  }
0x166: {  	v4 =	vmul.f32 v4, v0;
	v3 =	vmul.f32 v3, v1  }
0x167: {  	v2 =	vmul.f32 v2, v1;
	v5 =	vmul.f32 v5, v0  }
0x168: {  	v3 =	vadd.f32 v3, v4  }
0x169: {  	v2 =	vadd.f32 v2, v5  }
0x16a: {  	[tilespmem:s12+$0xD0] =	vst v3  }
0x16b: {  	[tilespmem:s12+$0x90] =	vst v2  }
0x16c: {  	v2 =	vld [tilespmem:s5+$0x1A0]  }
0x16d: {  	v3 =	vld [tilespmem:s5+$0x1E0]  }
0x16e: {  	v4 =	vld [tilespmem:s5+$0x120]  }
0x16f: {  	v5 =	vld [tilespmem:s5+$0x160];
	_ =	sdelay $0x3  }
0x170: {  	v2 =	vmul.f32 v2, v0;
	v3 =	vmul.f32 v3, v1  }
0x171: {  	v4 =	vmul.f32 v4, v0;
	v5 =	vmul.f32 v5, v1  }
0x172: {  	v2 =	vadd.f32 v3, v2  }
0x173: {  	v3 =	vadd.f32 v5, v4  }
0x174: {  	[tilespmem:s12+$0xE0] =	vst v2  }
0x175: {  	[tilespmem:s12+$0xA0] =	vst v3  }
0x176: {  	v2 =	vld [tilespmem:s5+$0x130]  }
0x177: {  	v3 =	vld [tilespmem:s5+$0x1F0]  }
0x178: {  	v4 =	vld [tilespmem:s5+$0x170]  }
0x179: {  	v5 =	vld [tilespmem:s5+$0x1B0];
	_ =	sdelay $0x3  }
0x17a: {  	v2 =	vmul.f32 v2, v0;
	v4 =	vmul.f32 v4, v1  }
0x17b: {  	v3 =	vmul.f32 v3, v1;
	v5 =	vmul.f32 v5, v0  }
0x17c: {  	s0 =	sshll.u32 s31, $0xF;
	v2 =	vadd.f32 v4, v2  }
0x17d: {  	s0 =	sadd.s32 s7, s0;
	v3 =	vadd.f32 v3, v5  }
0x17e: {  	s0 =	sshrl.u32 s0, $0x3;
	[tilespmem:s12+$0xB0] =	vst v2  }
0x17f: {  	p0 =	seq.s32 s31, $0x31;
	s0 =	sadd.s32 s2, s0;
	[tilespmem:s12+$0xF0] =	vst v3  }
0x180: {  	[hbm4b:s0+s3] =	stream.linear.scatter [tilespmem:s15], [sflag:$0x5], $0x2000, $0x38;
	[tilespmem:$0x16500] =	vst v63  }
0x181: {  	s0 =	simm.s32 @!p0 $0x5  }
0x182: {  	s1 =	sshll.u32 s31, $0xB;
	_ =	swait.ge @!p0 [sflag:s0], $0x2000  }
0x183: {  	s6 =	simm.s32 @!p0 $0x6400;
	s12 =	sshrl.u32 @!p0 s1, $0x2;
	[sflag:s0] =	ssyncset.done @!p0 $0x0  }
0x184: {  	s5 =	simm.s32 @!p0 $0x80;
	[sflag:s0] =	ssyncadd.s32 @!p0 $0xFFFFE000;
	s0 =	sadd.s32 @!p0 $0x200, s12  }
0x185: {  	[tilespmem:s6], [sflag:$0x1] =	stream.indirect.gather @!p0 [hbm4b:s4+s5], $0x80, s0, s5, $0xb8;
	[tilespmem:$0x16500] =	vst v63  }
0x186: {  	_ =	swait.ge [sflag:s22], $0x4000  }
0x187: {  	[sflag:s22] =	ssyncset.done $0x0  }
0x188: {  	s0 =	simm.s32 $0xA600;
	[sflag:s22] =	ssyncadd.s32 $0xFFFFC000  }
0x189: {  	v2 =	vld [tilespmem:s0+$0xFFFFFE00]  }
0x18a: {  	v3 =	vld [tilespmem:s0+$0xFFFFFEC0]  }
0x18b: {  	v4 =	vld [tilespmem:s0+$0xFFFFFE80]  }
0x18c: {  	v5 =	vld [tilespmem:s0+$0xFFFFFE40];
	_ =	sdelay $0x3  }
0x18d: {  	v4 =	vmul.f32 v4, v0;
	v3 =	vmul.f32 v3, v1  }
0x18e: {  	v2 =	vmul.f32 v2, v0;
	v5 =	vmul.f32 v5, v1  }
0x18f: {  	v3 =	vadd.f32 v3, v4  }
0x190: {  	s17 =	simm.s32 $0xA500;
	v2 =	vadd.f32 v5, v2  }
0x191: {  	[tilespmem:s17+$0xFFFFFF40] =	vst v3  }
0x192: {  	[tilespmem:s17+$0xFFFFFF00] =	vst v2  }
0x193: {  	v2 =	vld [tilespmem:s0+$0xFFFFFED0]  }
0x194: {  	v3 =	vld [tilespmem:s0+$0xFFFFFE10]  }
0x195: {  	v4 =	vld [tilespmem:s0+$0xFFFFFE90]  }
0x196: {  	v5 =	vld [tilespmem:s0+$0xFFFFFE50];
	_ =	sdelay $0x3  }
0x197: {  	v4 =	vmul.f32 v4, v0;
	v2 =	vmul.f32 v2, v1  }
0x198: {  	v3 =	vmul.f32 v3, v0;
	v5 =	vmul.f32 v5, v1  }
0x199: {  	v2 =	vadd.f32 v2, v4  }
0x19a: {  	v3 =	vadd.f32 v5, v3  }
0x19b: {  	[tilespmem:s17+$0xFFFFFF50] =	vst v2  }
0x19c: {  	[tilespmem:s17+$0xFFFFFF10] =	vst v3  }
0x19d: {  	v2 =	vld [tilespmem:s0+$0xFFFFFE20]  }
0x19e: {  	v3 =	vld [tilespmem:s0+$0xFFFFFEA0]  }
0x19f: {  	v4 =	vld [tilespmem:s0+$0xFFFFFE60]  }
0x1a0: {  	v5 =	vld [tilespmem:s0+$0xFFFFFEE0];
	_ =	sdelay $0x3  }
0x1a1: {  	v2 =	vmul.f32 v2, v0;
	v4 =	vmul.f32 v4, v1  }
0x1a2: {  	v3 =	vmul.f32 v3, v0;
	v5 =	vmul.f32 v5, v1  }
0x1a3: {  	v2 =	vadd.f32 v4, v2  }
0x1a4: {  	v3 =	vadd.f32 v5, v3  }
0x1a5: {  	[tilespmem:s17+$0xFFFFFF20] =	vst v2  }
0x1a6: {  	[tilespmem:s17+$0xFFFFFF60] =	vst v3  }
0x1a7: {  	v2 =	vld [tilespmem:s0+$0xFFFFFE30]  }
0x1a8: {  	v3 =	vld [tilespmem:s0+$0xFFFFFE70]  }
0x1a9: {  	v4 =	vld [tilespmem:s0+$0xFFFFFEB0]  }
0x1aa: {  	v5 =	vld [tilespmem:s0+$0xFFFFFEF0];
	_ =	sdelay $0x3  }
0x1ab: {  	v2 =	vmul.f32 v2, v0;
	v3 =	vmul.f32 v3, v1  }
0x1ac: {  	v4 =	vmul.f32 v4, v0;
	v5 =	vmul.f32 v5, v1  }
0x1ad: {  	v2 =	vadd.f32 v3, v2  }
0x1ae: {  	v3 =	vadd.f32 v5, v4  }
0x1af: {  	[tilespmem:s17+$0xFFFFFF30] =	vst v2  }
0x1b0: {  	[tilespmem:s17+$0xFFFFFF70] =	vst v3  }
0x1b1: {  	v2 =	vld [tilespmem:s0+$0xFFFFFF40]  }
0x1b2: {  	v3 =	vld [tilespmem:s0+$0xFFFFFF00]  }
0x1b3: {  	v4 =	vld [tilespmem:s0+$0xFFFFFF80]  }
0x1b4: {  	v5 =	vld [tilespmem:s0+$0xFFFFFFC0];
	_ =	sdelay $0x3  }
0x1b5: {  	v3 =	vmul.f32 v3, v0;
	v2 =	vmul.f32 v2, v1  }
0x1b6: {  	v4 =	vmul.f32 v4, v0;
	v5 =	vmul.f32 v5, v1  }
0x1b7: {  	v2 =	vadd.f32 v2, v3  }
0x1b8: {  	v3 =	vadd.f32 v5, v4  }
0x1b9: {  	[tilespmem:s17+$0xFFFFFF80] =	vst v2  }
0x1ba: {  	[tilespmem:s17+$0xFFFFFFC0] =	vst v3  }
0x1bb: {  	v2 =	vld [tilespmem:s0+$0xFFFFFF90]  }
0x1bc: {  	v3 =	vld [tilespmem:s0+$0xFFFFFF50]  }
0x1bd: {  	v4 =	vld [tilespmem:s0+$0xFFFFFF10]  }
0x1be: {  	v5 =	vld [tilespmem:s0+$0xFFFFFFD0];
	_ =	sdelay $0x3  }
0x1bf: {  	v3 =	vmul.f32 v3, v1;
	v4 =	vmul.f32 v4, v0  }
0x1c0: {  	v2 =	vmul.f32 v2, v0;
	v5 =	vmul.f32 v5, v1  }
0x1c1: {  	v3 =	vadd.f32 v3, v4  }
0x1c2: {  	v2 =	vadd.f32 v5, v2  }
0x1c3: {  	[tilespmem:s17+$0xFFFFFF90] =	vst v3  }
0x1c4: {  	[tilespmem:s17+$0xFFFFFFD0] =	vst v2  }
0x1c5: {  	v2 =	vld [tilespmem:s0+$0xFFFFFF20]  }
0x1c6: {  	v3 =	vld [tilespmem:s0+$0xFFFFFF60]  }
0x1c7: {  	v4 =	vld [tilespmem:s0+$0xFFFFFFA0]  }
0x1c8: {  	v5 =	vld [tilespmem:s0+$0xFFFFFFE0];
	_ =	sdelay $0x3  }
0x1c9: {  	v2 =	vmul.f32 v2, v0;
	v3 =	vmul.f32 v3, v1  }
0x1ca: {  	v4 =	vmul.f32 v4, v0;
	v5 =	vmul.f32 v5, v1  }
0x1cb: {  	v2 =	vadd.f32 v3, v2  }
0x1cc: {  	v3 =	vadd.f32 v5, v4  }
0x1cd: {  	[tilespmem:s17+$0xFFFFFFA0] =	vst v2  }
0x1ce: {  	[tilespmem:s17+$0xFFFFFFE0] =	vst v3  }
0x1cf: {  	v2 =	vld [tilespmem:s0+$0xFFFFFF70]  }
0x1d0: {  	v3 =	vld [tilespmem:s0+$0xFFFFFF30]  }
0x1d1: {  	v4 =	vld [tilespmem:s0+$0xFFFFFFB0]  }
0x1d2: {  	v5 =	vld [tilespmem:s0+$0xFFFFFFF0];
	_ =	sdelay $0x3  }
0x1d3: {  	v3 =	vmul.f32 v3, v0;
	v2 =	vmul.f32 v2, v1  }
0x1d4: {  	v4 =	vmul.f32 v4, v0;
	v5 =	vmul.f32 v5, v1  }
0x1d5: {  	v2 =	vadd.f32 v2, v3  }
0x1d6: {  	v3 =	vadd.f32 v5, v4  }
0x1d7: {  	[tilespmem:s17+$0xFFFFFFB0] =	vst v2  }
0x1d8: {  	[tilespmem:s17+$0xFFFFFFF0] =	vst v3  }
0x1d9: {  	v2 =	vld [tilespmem:s0+$0x80]  }
0x1da: {  	v3 =	vld [tilespmem:s0+$0x40]  }
0x1db: {  	v4 =	vld [tilespmem:s0+$0x0]  }
0x1dc: {  	v5 =	vld [tilespmem:s0+$0xC0];
	_ =	sdelay $0x3  }
0x1dd: {  	v3 =	vmul.f32 v3, v1;
	v4 =	vmul.f32 v4, v0  }
0x1de: {  	v2 =	vmul.f32 v2, v0;
	v5 =	vmul.f32 v5, v1  }
0x1df: {  	v3 =	vadd.f32 v3, v4  }
0x1e0: {  	v2 =	vadd.f32 v5, v2  }
0x1e1: {  	[tilespmem:s17+$0x0] =	vst v3  }
0x1e2: {  	[tilespmem:s17+$0x40] =	vst v2  }
0x1e3: {  	v2 =	vld [tilespmem:s0+$0x10]  }
0x1e4: {  	v3 =	vld [tilespmem:s0+$0x50]  }
0x1e5: {  	v4 =	vld [tilespmem:s0+$0x90]  }
0x1e6: {  	v5 =	vld [tilespmem:s0+$0xD0];
	_ =	sdelay $0x3  }
0x1e7: {  	v2 =	vmul.f32 v2, v0;
	v3 =	vmul.f32 v3, v1  }
0x1e8: {  	v4 =	vmul.f32 v4, v0;
	v5 =	vmul.f32 v5, v1  }
0x1e9: {  	v2 =	vadd.f32 v3, v2  }
0x1ea: {  	v3 =	vadd.f32 v5, v4  }
0x1eb: {  	[tilespmem:s17+$0x10] =	vst v2  }
0x1ec: {  	[tilespmem:s17+$0x50] =	vst v3  }
0x1ed: {  	v2 =	vld [tilespmem:s0+$0x60]  }
0x1ee: {  	v3 =	vld [tilespmem:s0+$0x20]  }
0x1ef: {  	v4 =	vld [tilespmem:s0+$0xA0]  }
0x1f0: {  	v5 =	vld [tilespmem:s0+$0xE0];
	_ =	sdelay $0x3  }
0x1f1: {  	v3 =	vmul.f32 v3, v0;
	v2 =	vmul.f32 v2, v1  }
0x1f2: {  	v4 =	vmul.f32 v4, v0;
	v5 =	vmul.f32 v5, v1  }
0x1f3: {  	v2 =	vadd.f32 v2, v3  }
0x1f4: {  	v3 =	vadd.f32 v5, v4  }
0x1f5: {  	[tilespmem:s17+$0x20] =	vst v2  }
0x1f6: {  	[tilespmem:s17+$0x60] =	vst v3  }
0x1f7: {  	v2 =	vld [tilespmem:s0+$0xB0]  }
0x1f8: {  	v3 =	vld [tilespmem:s0+$0x70]  }
0x1f9: {  	v4 =	vld [tilespmem:s0+$0x30]  }
0x1fa: {  	v5 =	vld [tilespmem:s0+$0xF0];
	_ =	sdelay $0x3  }
0x1fb: {  	v3 =	vmul.f32 v3, v1;
	v4 =	vmul.f32 v4, v0  }
0x1fc: {  	v2 =	vmul.f32 v2, v0;
	v5 =	vmul.f32 v5, v1  }
0x1fd: {  	v3 =	vadd.f32 v3, v4  }
0x1fe: {  	v2 =	vadd.f32 v5, v2  }
0x1ff: {  	[tilespmem:s17+$0x30] =	vst v3  }
0x200: {  	[tilespmem:s17+$0x70] =	vst v2  }
0x201: {  	v3 =	vld [tilespmem:s0+$0x100]  }
0x202: {  	v2 =	vld [tilespmem:s0+$0x140]  }
0x203: {  	v4 =	vld [tilespmem:s0+$0x180]  }
0x204: {  	s19 =	simm.s32 $0xA500;
	s6 =	simm.s32 $0x0;
	s5 =	simm.s32 $0xA600;
	v5 =	vld [tilespmem:s0+$0x1C0]  }
.LBB2_5:
0x205: {  	_ =	sdelay $0x1  }
0x206: {  	s6 =	sadd.s32 $0x4, s6;
	s0 =	sadd.s32 $0x400, s0;
	s17 =	sadd.s32 $0x200, s17  }
0x207: {  	p1 =	slt.u32 s6, $0x3C;
	v3 =	vmul.f32 v3, v0;
	v4 =	vmul.f32 v4, v0  }
0x208: {  	v2 =	vmul.f32 v2, v1;
	v5 =	vmul.f32 v5, v1;
	_ =	sdelay $0x1  }
0x209: {  	v2 =	vadd.f32 v2, v3;
	v3 =	vadd.f32 v5, v4;
	_ =	sdelay $0x1  }
0x20a: {  	[tilespmem:s19+$0xC0] =	vst v3  }
0x20b: {  	[tilespmem:s19+$0x80] =	vst v2  }
0x20c: {  	v2 =	vld [tilespmem:s5+$0x150]  }
0x20d: {  	v3 =	vld [tilespmem:s5+$0x1D0]  }
0x20e: {  	v4 =	vld [tilespmem:s5+$0x190]  }
0x20f: {  	v5 =	vld [tilespmem:s5+$0x110];
	_ =	sdelay $0x2  }
0x210: {  	v2 =	vmul.f32 v2, v1  }
0x211: {  	v3 =	vmul.f32 v3, v1;
	v4 =	vmul.f32 v4, v0  }
0x212: {  	v5 =	vmul.f32 v5, v0  }
0x213: {  	v3 =	vadd.f32 v3, v4  }
0x214: {  	v2 =	vadd.f32 v2, v5  }
0x215: {  	[tilespmem:s19+$0xD0] =	vst v3  }
0x216: {  	[tilespmem:s19+$0x90] =	vst v2  }
0x217: {  	v2 =	vld [tilespmem:s5+$0x1A0]  }
0x218: {  	v3 =	vld [tilespmem:s5+$0x1E0]  }
0x219: {  	v4 =	vld [tilespmem:s5+$0x120]  }
0x21a: {  	v5 =	vld [tilespmem:s5+$0x160];
	_ =	sdelay $0x3  }
0x21b: {  	v2 =	vmul.f32 v2, v0;
	v3 =	vmul.f32 v3, v1  }
0x21c: {  	v4 =	vmul.f32 v4, v0;
	v5 =	vmul.f32 v5, v1  }
0x21d: {  	v2 =	vadd.f32 v3, v2  }
0x21e: {  	v3 =	vadd.f32 v5, v4  }
0x21f: {  	[tilespmem:s19+$0xE0] =	vst v2  }
0x220: {  	[tilespmem:s19+$0xA0] =	vst v3  }
0x221: {  	v2 =	vld [tilespmem:s5+$0x130]  }
0x222: {  	v3 =	vld [tilespmem:s5+$0x1F0]  }
0x223: {  	v4 =	vld [tilespmem:s5+$0x170]  }
0x224: {  	v5 =	vld [tilespmem:s5+$0x1B0];
	s5 =	smov.u32 s0;
	_ =	sdelay $0x2  }
0x225: {  	v2 =	vmul.f32 v2, v0;
	v3 =	vmul.f32 v3, v1  }
0x226: {  	v4 =	vmul.f32 v4, v1  }
0x227: {  	v5 =	vmul.f32 v5, v0  }
0x228: {  	v2 =	vadd.f32 v4, v2  }
0x229: {  	v3 =	vadd.f32 v3, v5  }
0x22a: {  	[tilespmem:s19+$0xB0] =	vst v2  }
0x22b: {  	[tilespmem:s19+$0xF0] =	vst v3;
	s19 =	smov.u32 s17  }
0x22c: {  	v2 =	vld [tilespmem:s0+$0xFFFFFE00]  }
0x22d: {  	v3 =	vld [tilespmem:s0+$0xFFFFFEC0]  }
0x22e: {  	v4 =	vld [tilespmem:s0+$0xFFFFFE80]  }
0x22f: {  	v5 =	vld [tilespmem:s0+$0xFFFFFE40];
	_ =	sdelay $0x3  }
0x230: {  	v3 =	vmul.f32 v3, v1;
	v4 =	vmul.f32 v4, v0  }
0x231: {  	v2 =	vmul.f32 v2, v0;
	v5 =	vmul.f32 v5, v1  }
0x232: {  	v3 =	vadd.f32 v3, v4  }
0x233: {  	v2 =	vadd.f32 v5, v2  }
0x234: {  	[tilespmem:s17+$0xFFFFFF40] =	vst v3  }
0x235: {  	[tilespmem:s17+$0xFFFFFF00] =	vst v2  }
0x236: {  	v2 =	vld [tilespmem:s0+$0xFFFFFED0]  }
0x237: {  	v3 =	vld [tilespmem:s0+$0xFFFFFE10]  }
0x238: {  	v4 =	vld [tilespmem:s0+$0xFFFFFE90]  }
0x239: {  	v5 =	vld [tilespmem:s0+$0xFFFFFE50];
	_ =	sdelay $0x2  }
0x23a: {  	v3 =	vmul.f32 v3, v0  }
0x23b: {  	v2 =	vmul.f32 v2, v1;
	v4 =	vmul.f32 v4, v0  }
0x23c: {  	v5 =	vmul.f32 v5, v1  }
0x23d: {  	v2 =	vadd.f32 v2, v4  }
0x23e: {  	v3 =	vadd.f32 v5, v3  }
0x23f: {  	[tilespmem:s17+$0xFFFFFF50] =	vst v2  }
0x240: {  	[tilespmem:s17+$0xFFFFFF10] =	vst v3  }
0x241: {  	v2 =	vld [tilespmem:s0+$0xFFFFFE20]  }
0x242: {  	v3 =	vld [tilespmem:s0+$0xFFFFFEA0]  }
0x243: {  	v4 =	vld [tilespmem:s0+$0xFFFFFE60]  }
0x244: {  	v5 =	vld [tilespmem:s0+$0xFFFFFEE0];
	_ =	sdelay $0x2  }
0x245: {  	v2 =	vmul.f32 v2, v0  }
0x246: {  	v3 =	vmul.f32 v3, v0;
	v4 =	vmul.f32 v4, v1  }
0x247: {  	v5 =	vmul.f32 v5, v1  }
0x248: {  	v2 =	vadd.f32 v4, v2  }
0x249: {  	v3 =	vadd.f32 v5, v3  }
0x24a: {  	[tilespmem:s17+$0xFFFFFF20] =	vst v2  }
0x24b: {  	[tilespmem:s17+$0xFFFFFF60] =	vst v3  }
0x24c: {  	v2 =	vld [tilespmem:s0+$0xFFFFFE30]  }
0x24d: {  	v3 =	vld [tilespmem:s0+$0xFFFFFE70]  }
0x24e: {  	v4 =	vld [tilespmem:s0+$0xFFFFFEB0]  }
0x24f: {  	v5 =	vld [tilespmem:s0+$0xFFFFFEF0];
	_ =	sdelay $0x1  }
0x250: {  	v2 =	vmul.f32 v2, v0  }
0x251: {  	v3 =	vmul.f32 v3, v1  }
0x252: {  	v4 =	vmul.f32 v4, v0  }
0x253: {  	v2 =	vadd.f32 v3, v2;
	v3 =	vmul.f32 v5, v1;
	_ =	sdelay $0x1  }
0x254: {  	v3 =	vadd.f32 v3, v4;
	[tilespmem:s17+$0xFFFFFF30] =	vst v2;
	_ =	sdelay $0x1  }
0x255: {  	[tilespmem:s17+$0xFFFFFF70] =	vst v3  }
0x256: {  	v2 =	vld [tilespmem:s0+$0xFFFFFF40]  }
0x257: {  	v3 =	vld [tilespmem:s0+$0xFFFFFF00]  }
0x258: {  	v4 =	vld [tilespmem:s0+$0xFFFFFF80]  }
0x259: {  	v5 =	vld [tilespmem:s0+$0xFFFFFFC0];
	_ =	sdelay $0x2  }
0x25a: {  	v3 =	vmul.f32 v3, v0  }
0x25b: {  	v2 =	vmul.f32 v2, v1;
	v4 =	vmul.f32 v4, v0  }
0x25c: {  	v5 =	vmul.f32 v5, v1  }
0x25d: {  	v2 =	vadd.f32 v2, v3  }
0x25e: {  	v3 =	vadd.f32 v5, v4  }
0x25f: {  	[tilespmem:s17+$0xFFFFFF80] =	vst v2  }
0x260: {  	[tilespmem:s17+$0xFFFFFFC0] =	vst v3  }
0x261: {  	v2 =	vld [tilespmem:s0+$0xFFFFFF90]  }
0x262: {  	v3 =	vld [tilespmem:s0+$0xFFFFFF50]  }
0x263: {  	v4 =	vld [tilespmem:s0+$0xFFFFFF10]  }
0x264: {  	v5 =	vld [tilespmem:s0+$0xFFFFFFD0];
	_ =	sdelay $0x2  }
0x265: {  	v3 =	vmul.f32 v3, v1  }
0x266: {  	v2 =	vmul.f32 v2, v0;
	v4 =	vmul.f32 v4, v0  }
0x267: {  	v5 =	vmul.f32 v5, v1  }
0x268: {  	v3 =	vadd.f32 v3, v4  }
0x269: {  	v2 =	vadd.f32 v5, v2  }
0x26a: {  	[tilespmem:s17+$0xFFFFFF90] =	vst v3  }
0x26b: {  	[tilespmem:s17+$0xFFFFFFD0] =	vst v2  }
0x26c: {  	v2 =	vld [tilespmem:s0+$0xFFFFFF20]  }
0x26d: {  	v3 =	vld [tilespmem:s0+$0xFFFFFF60]  }
0x26e: {  	v4 =	vld [tilespmem:s0+$0xFFFFFFA0]  }
0x26f: {  	v5 =	vld [tilespmem:s0+$0xFFFFFFE0];
	_ =	sdelay $0x1  }
0x270: {  	v2 =	vmul.f32 v2, v0  }
0x271: {  	v3 =	vmul.f32 v3, v1  }
0x272: {  	v4 =	vmul.f32 v4, v0  }
0x273: {  	v2 =	vadd.f32 v3, v2;
	v3 =	vmul.f32 v5, v1;
	_ =	sdelay $0x1  }
0x274: {  	v3 =	vadd.f32 v3, v4;
	[tilespmem:s17+$0xFFFFFFA0] =	vst v2;
	_ =	sdelay $0x1  }
0x275: {  	[tilespmem:s17+$0xFFFFFFE0] =	vst v3  }
0x276: {  	v2 =	vld [tilespmem:s0+$0xFFFFFF70]  }
0x277: {  	v3 =	vld [tilespmem:s0+$0xFFFFFF30]  }
0x278: {  	v4 =	vld [tilespmem:s0+$0xFFFFFFB0]  }
0x279: {  	v5 =	vld [tilespmem:s0+$0xFFFFFFF0];
	_ =	sdelay $0x2  }
0x27a: {  	v3 =	vmul.f32 v3, v0  }
0x27b: {  	v2 =	vmul.f32 v2, v1;
	v4 =	vmul.f32 v4, v0  }
0x27c: {  	v5 =	vmul.f32 v5, v1  }
0x27d: {  	v2 =	vadd.f32 v2, v3  }
0x27e: {  	v3 =	vadd.f32 v5, v4  }
0x27f: {  	[tilespmem:s17+$0xFFFFFFB0] =	vst v2  }
0x280: {  	[tilespmem:s17+$0xFFFFFFF0] =	vst v3  }
0x281: {  	v2 =	vld [tilespmem:s0+$0x80]  }
0x282: {  	v3 =	vld [tilespmem:s0+$0x40]  }
0x283: {  	v4 =	vld [tilespmem:s0+$0x0]  }
0x284: {  	v5 =	vld [tilespmem:s0+$0xC0];
	_ =	sdelay $0x2  }
0x285: {  	v3 =	vmul.f32 v3, v1  }
0x286: {  	v2 =	vmul.f32 v2, v0;
	v4 =	vmul.f32 v4, v0  }
0x287: {  	v5 =	vmul.f32 v5, v1  }
0x288: {  	v3 =	vadd.f32 v3, v4  }
0x289: {  	v2 =	vadd.f32 v5, v2  }
0x28a: {  	[tilespmem:s17+$0x0] =	vst v3  }
0x28b: {  	[tilespmem:s17+$0x40] =	vst v2  }
0x28c: {  	v2 =	vld [tilespmem:s0+$0x10]  }
0x28d: {  	v3 =	vld [tilespmem:s0+$0x50]  }
0x28e: {  	v4 =	vld [tilespmem:s0+$0x90]  }
0x28f: {  	v5 =	vld [tilespmem:s0+$0xD0];
	_ =	sdelay $0x1  }
0x290: {  	v2 =	vmul.f32 v2, v0  }
0x291: {  	v3 =	vmul.f32 v3, v1  }
0x292: {  	v4 =	vmul.f32 v4, v0  }
0x293: {  	v2 =	vadd.f32 v3, v2;
	v3 =	vmul.f32 v5, v1;
	_ =	sdelay $0x1  }
0x294: {  	v3 =	vadd.f32 v3, v4;
	[tilespmem:s17+$0x10] =	vst v2;
	_ =	sdelay $0x1  }
0x295: {  	[tilespmem:s17+$0x50] =	vst v3  }
0x296: {  	v2 =	vld [tilespmem:s0+$0x60]  }
0x297: {  	v3 =	vld [tilespmem:s0+$0x20]  }
0x298: {  	v4 =	vld [tilespmem:s0+$0xA0]  }
0x299: {  	v5 =	vld [tilespmem:s0+$0xE0];
	_ =	sdelay $0x2  }
0x29a: {  	v3 =	vmul.f32 v3, v0  }
0x29b: {  	v2 =	vmul.f32 v2, v1;
	v4 =	vmul.f32 v4, v0  }
0x29c: {  	v5 =	vmul.f32 v5, v1  }
0x29d: {  	v2 =	vadd.f32 v2, v3  }
0x29e: {  	v3 =	vadd.f32 v5, v4  }
0x29f: {  	[tilespmem:s17+$0x20] =	vst v2  }
0x2a0: {  	[tilespmem:s17+$0x60] =	vst v3  }
0x2a1: {  	v2 =	vld [tilespmem:s0+$0xB0]  }
0x2a2: {  	v3 =	vld [tilespmem:s0+$0x70]  }
0x2a3: {  	v4 =	vld [tilespmem:s0+$0x30]  }
0x2a4: {  	v5 =	vld [tilespmem:s0+$0xF0];
	_ =	sdelay $0x2  }
0x2a5: {  	v3 =	vmul.f32 v3, v1  }
0x2a6: {  	v2 =	vmul.f32 v2, v0;
	v4 =	vmul.f32 v4, v0  }
0x2a7: {  	v5 =	vmul.f32 v5, v1  }
0x2a8: {  	v3 =	vadd.f32 v3, v4  }
0x2a9: {  	v2 =	vadd.f32 v5, v2  }
0x2aa: {  	[tilespmem:s17+$0x30] =	vst v3  }
.Ltmp3:
0x2ab: {  	[tilespmem:s17+$0x70] =	vst v2;
	(pc) =	sbr.rel @p1 .LBB2_5-.Ltmp3, $4  }
0x2ac: {  	v3 =	vld [tilespmem:s0+$0x100]  }
0x2ad: {  	v2 =	vld [tilespmem:s0+$0x140]  }
0x2ae: {  	v4 =	vld [tilespmem:s0+$0x180]  }
0x2af: {  	v5 =	vld [tilespmem:s0+$0x1C0]  }
0x2b0: {  	_ =	sdelay $0x2  }
0x2b1: {  	v3 =	vmul.f32 v3, v0;
	v2 =	vmul.f32 v2, v1  }
0x2b2: {  	v4 =	vmul.f32 v4, v0;
	v5 =	vmul.f32 v5, v1  }
0x2b3: {  	v2 =	vadd.f32 v2, v3  }
0x2b4: {  	v4 =	vadd.f32 v5, v4  }
0x2b5: {  	[tilespmem:s19+$0x80] =	vst v2  }
0x2b6: {  	[tilespmem:s19+$0xC0] =	vst v4  }
0x2b7: {  	v2 =	vld [tilespmem:s5+$0x150]  }
0x2b8: {  	v3 =	vld [tilespmem:s5+$0x1D0]  }
0x2b9: {  	v4 =	vld [tilespmem:s5+$0x190]  }
0x2ba: {  	v5 =	vld [tilespmem:s5+$0x110];
	_ =	sdelay $0x3  }
0x2bb: {  	v4 =	vmul.f32 v4, v0;
	v3 =	vmul.f32 v3, v1  }
0x2bc: {  	v2 =	vmul.f32 v2, v1;
	v5 =	vmul.f32 v5, v0  }
0x2bd: {  	v3 =	vadd.f32 v3, v4  }
0x2be: {  	v2 =	vadd.f32 v2, v5  }
0x2bf: {  	[tilespmem:s19+$0xD0] =	vst v3  }
0x2c0: {  	[tilespmem:s19+$0x90] =	vst v2  }
0x2c1: {  	v2 =	vld [tilespmem:s5+$0x1A0]  }
0x2c2: {  	v3 =	vld [tilespmem:s5+$0x1E0]  }
0x2c3: {  	v4 =	vld [tilespmem:s5+$0x120]  }
0x2c4: {  	v5 =	vld [tilespmem:s5+$0x160];
	_ =	sdelay $0x3  }
0x2c5: {  	v2 =	vmul.f32 v2, v0;
	v3 =	vmul.f32 v3, v1  }
0x2c6: {  	v4 =	vmul.f32 v4, v0;
	v5 =	vmul.f32 v5, v1  }
0x2c7: {  	v2 =	vadd.f32 v3, v2  }
0x2c8: {  	v3 =	vadd.f32 v5, v4  }
0x2c9: {  	[tilespmem:s19+$0xE0] =	vst v2  }
0x2ca: {  	[tilespmem:s19+$0xA0] =	vst v3  }
0x2cb: {  	v2 =	vld [tilespmem:s5+$0x130]  }
0x2cc: {  	v3 =	vld [tilespmem:s5+$0x1F0]  }
0x2cd: {  	v4 =	vld [tilespmem:s5+$0x170]  }
0x2ce: {  	v5 =	vld [tilespmem:s5+$0x1B0];
	_ =	sdelay $0x3  }
0x2cf: {  	v2 =	vmul.f32 v2, v0;
	v4 =	vmul.f32 v4, v1  }
0x2d0: {  	v3 =	vmul.f32 v3, v1;
	v5 =	vmul.f32 v5, v0  }
0x2d1: {  	s0 =	sshll.u32 s31, $0x9;
	v2 =	vadd.f32 v4, v2  }
0x2d2: {  	s17 =	sadd.s32 s0, s8;
	v3 =	vadd.f32 v3, v5  }
0x2d3: {  	s5 =	sshll.u32 s17, $0x3;
	[tilespmem:s19+$0xB0] =	vst v2  }
0x2d4: {  	s5 =	sadd.s32 s2, s5;
	[tilespmem:s19+$0xF0] =	vst v3  }
0x2d5: {  	[hbm4b:s5+s3] =	stream.linear.scatter [tilespmem:s16], [sflag:$0x6], $0x2000, $0x38;
	[tilespmem:$0x16500] =	vst v63  }
0x2d6: {  	s5 =	simm.s32 @!p0 $0x6  }
0x2d7: {  	_ =	swait.ge @!p0 [sflag:s5], $0x2000  }
0x2d8: {  	s6 =	simm.s32 @!p0 $0x80;
	[sflag:s5] =	ssyncset.done @!p0 $0x0  }
0x2d9: {  	s11 =	simm.s32 @!p0 $0xA400;
	[sflag:s5] =	ssyncadd.s32 @!p0 $0xFFFFE000;
	s5 =	sadd.s32 @!p0 $0x280, s12  }
0x2da: {  	[tilespmem:s11], [sflag:$0x2] =	stream.indirect.gather @!p0 [hbm4b:s4+s6], $0x80, s5, s6, $0xb8;
	[tilespmem:$0x16500] =	vst v63  }
0x2db: {  	_ =	swait.ge [sflag:s23], $0x4000  }
0x2dc: {  	[sflag:s23] =	ssyncset.done $0x0  }
0x2dd: {  	s17 =	simm.s32 $0xE600;
	[sflag:s23] =	ssyncadd.s32 $0xFFFFC000  }
0x2de: {  	v2 =	vld [tilespmem:s17+$0xFFFFFE00]  }
0x2df: {  	v3 =	vld [tilespmem:s17+$0xFFFFFEC0]  }
0x2e0: {  	v4 =	vld [tilespmem:s17+$0xFFFFFE80]  }
0x2e1: {  	v5 =	vld [tilespmem:s17+$0xFFFFFE40];
	_ =	sdelay $0x3  }
0x2e2: {  	v4 =	vmul.f32 v4, v0;
	v3 =	vmul.f32 v3, v1  }
0x2e3: {  	v2 =	vmul.f32 v2, v0;
	v5 =	vmul.f32 v5, v1  }
0x2e4: {  	v3 =	vadd.f32 v3, v4  }
0x2e5: {  	s19 =	simm.s32 $0xE500;
	v2 =	vadd.f32 v5, v2  }
0x2e6: {  	[tilespmem:s19+$0xFFFFFF40] =	vst v3  }
0x2e7: {  	[tilespmem:s19+$0xFFFFFF00] =	vst v2  }
0x2e8: {  	v2 =	vld [tilespmem:s17+$0xFFFFFED0]  }
0x2e9: {  	v3 =	vld [tilespmem:s17+$0xFFFFFE10]  }
0x2ea: {  	v4 =	vld [tilespmem:s17+$0xFFFFFE90]  }
0x2eb: {  	v5 =	vld [tilespmem:s17+$0xFFFFFE50];
	_ =	sdelay $0x3  }
0x2ec: {  	v4 =	vmul.f32 v4, v0;
	v2 =	vmul.f32 v2, v1  }
0x2ed: {  	v3 =	vmul.f32 v3, v0;
	v5 =	vmul.f32 v5, v1  }
0x2ee: {  	v2 =	vadd.f32 v2, v4  }
0x2ef: {  	v3 =	vadd.f32 v5, v3  }
0x2f0: {  	[tilespmem:s19+$0xFFFFFF50] =	vst v2  }
0x2f1: {  	[tilespmem:s19+$0xFFFFFF10] =	vst v3  }
0x2f2: {  	v2 =	vld [tilespmem:s17+$0xFFFFFE20]  }
0x2f3: {  	v3 =	vld [tilespmem:s17+$0xFFFFFEA0]  }
0x2f4: {  	v4 =	vld [tilespmem:s17+$0xFFFFFE60]  }
0x2f5: {  	v5 =	vld [tilespmem:s17+$0xFFFFFEE0];
	_ =	sdelay $0x3  }
0x2f6: {  	v2 =	vmul.f32 v2, v0;
	v4 =	vmul.f32 v4, v1  }
0x2f7: {  	v3 =	vmul.f32 v3, v0;
	v5 =	vmul.f32 v5, v1  }
0x2f8: {  	v2 =	vadd.f32 v4, v2  }
0x2f9: {  	v3 =	vadd.f32 v5, v3  }
0x2fa: {  	[tilespmem:s19+$0xFFFFFF20] =	vst v2  }
0x2fb: {  	[tilespmem:s19+$0xFFFFFF60] =	vst v3  }
0x2fc: {  	v2 =	vld [tilespmem:s17+$0xFFFFFE30]  }
0x2fd: {  	v3 =	vld [tilespmem:s17+$0xFFFFFE70]  }
0x2fe: {  	v4 =	vld [tilespmem:s17+$0xFFFFFEB0]  }
0x2ff: {  	v5 =	vld [tilespmem:s17+$0xFFFFFEF0];
	_ =	sdelay $0x3  }
0x300: {  	v2 =	vmul.f32 v2, v0;
	v3 =	vmul.f32 v3, v1  }
0x301: {  	v4 =	vmul.f32 v4, v0;
	v5 =	vmul.f32 v5, v1  }
0x302: {  	v2 =	vadd.f32 v3, v2  }
0x303: {  	v3 =	vadd.f32 v5, v4  }
0x304: {  	[tilespmem:s19+$0xFFFFFF30] =	vst v2  }
0x305: {  	[tilespmem:s19+$0xFFFFFF70] =	vst v3  }
0x306: {  	v2 =	vld [tilespmem:s17+$0xFFFFFF40]  }
0x307: {  	v3 =	vld [tilespmem:s17+$0xFFFFFF00]  }
0x308: {  	v4 =	vld [tilespmem:s17+$0xFFFFFF80]  }
0x309: {  	v5 =	vld [tilespmem:s17+$0xFFFFFFC0];
	_ =	sdelay $0x3  }
0x30a: {  	v3 =	vmul.f32 v3, v0;
	v2 =	vmul.f32 v2, v1  }
0x30b: {  	v4 =	vmul.f32 v4, v0;
	v5 =	vmul.f32 v5, v1  }
0x30c: {  	v2 =	vadd.f32 v2, v3  }
0x30d: {  	v3 =	vadd.f32 v5, v4  }
0x30e: {  	[tilespmem:s19+$0xFFFFFF80] =	vst v2  }
0x30f: {  	[tilespmem:s19+$0xFFFFFFC0] =	vst v3  }
0x310: {  	v2 =	vld [tilespmem:s17+$0xFFFFFF90]  }
0x311: {  	v3 =	vld [tilespmem:s17+$0xFFFFFF50]  }
0x312: {  	v4 =	vld [tilespmem:s17+$0xFFFFFF10]  }
0x313: {  	v5 =	vld [tilespmem:s17+$0xFFFFFFD0];
	_ =	sdelay $0x3  }
0x314: {  	v3 =	vmul.f32 v3, v1;
	v4 =	vmul.f32 v4, v0  }
0x315: {  	v2 =	vmul.f32 v2, v0;
	v5 =	vmul.f32 v5, v1  }
0x316: {  	v3 =	vadd.f32 v3, v4  }
0x317: {  	v2 =	vadd.f32 v5, v2  }
0x318: {  	[tilespmem:s19+$0xFFFFFF90] =	vst v3  }
0x319: {  	[tilespmem:s19+$0xFFFFFFD0] =	vst v2  }
0x31a: {  	v2 =	vld [tilespmem:s17+$0xFFFFFF20]  }
0x31b: {  	v3 =	vld [tilespmem:s17+$0xFFFFFF60]  }
0x31c: {  	v4 =	vld [tilespmem:s17+$0xFFFFFFA0]  }
0x31d: {  	v5 =	vld [tilespmem:s17+$0xFFFFFFE0];
	_ =	sdelay $0x3  }
0x31e: {  	v2 =	vmul.f32 v2, v0;
	v3 =	vmul.f32 v3, v1  }
0x31f: {  	v4 =	vmul.f32 v4, v0;
	v5 =	vmul.f32 v5, v1  }
0x320: {  	v2 =	vadd.f32 v3, v2  }
0x321: {  	v3 =	vadd.f32 v5, v4  }
0x322: {  	[tilespmem:s19+$0xFFFFFFA0] =	vst v2  }
0x323: {  	[tilespmem:s19+$0xFFFFFFE0] =	vst v3  }
0x324: {  	v2 =	vld [tilespmem:s17+$0xFFFFFF70]  }
0x325: {  	v3 =	vld [tilespmem:s17+$0xFFFFFF30]  }
0x326: {  	v4 =	vld [tilespmem:s17+$0xFFFFFFB0]  }
0x327: {  	v5 =	vld [tilespmem:s17+$0xFFFFFFF0];
	_ =	sdelay $0x3  }
0x328: {  	v3 =	vmul.f32 v3, v0;
	v2 =	vmul.f32 v2, v1  }
0x329: {  	v4 =	vmul.f32 v4, v0;
	v5 =	vmul.f32 v5, v1  }
0x32a: {  	v2 =	vadd.f32 v2, v3  }
0x32b: {  	v3 =	vadd.f32 v5, v4  }
0x32c: {  	[tilespmem:s19+$0xFFFFFFB0] =	vst v2  }
0x32d: {  	[tilespmem:s19+$0xFFFFFFF0] =	vst v3  }
0x32e: {  	v2 =	vld [tilespmem:s17+$0x80]  }
0x32f: {  	v3 =	vld [tilespmem:s17+$0x40]  }
0x330: {  	v4 =	vld [tilespmem:s17+$0x0]  }
0x331: {  	v5 =	vld [tilespmem:s17+$0xC0];
	_ =	sdelay $0x3  }
0x332: {  	v3 =	vmul.f32 v3, v1;
	v4 =	vmul.f32 v4, v0  }
0x333: {  	v2 =	vmul.f32 v2, v0;
	v5 =	vmul.f32 v5, v1  }
0x334: {  	v3 =	vadd.f32 v3, v4  }
0x335: {  	v2 =	vadd.f32 v5, v2  }
0x336: {  	[tilespmem:s19+$0x0] =	vst v3  }
0x337: {  	[tilespmem:s19+$0x40] =	vst v2  }
0x338: {  	v2 =	vld [tilespmem:s17+$0x10]  }
0x339: {  	v3 =	vld [tilespmem:s17+$0x50]  }
0x33a: {  	v4 =	vld [tilespmem:s17+$0x90]  }
0x33b: {  	v5 =	vld [tilespmem:s17+$0xD0];
	_ =	sdelay $0x3  }
0x33c: {  	v2 =	vmul.f32 v2, v0;
	v3 =	vmul.f32 v3, v1  }
0x33d: {  	v4 =	vmul.f32 v4, v0;
	v5 =	vmul.f32 v5, v1  }
0x33e: {  	v2 =	vadd.f32 v3, v2  }
0x33f: {  	v3 =	vadd.f32 v5, v4  }
0x340: {  	[tilespmem:s19+$0x10] =	vst v2  }
0x341: {  	[tilespmem:s19+$0x50] =	vst v3  }
0x342: {  	v2 =	vld [tilespmem:s17+$0x60]  }
0x343: {  	v3 =	vld [tilespmem:s17+$0x20]  }
0x344: {  	v4 =	vld [tilespmem:s17+$0xA0]  }
0x345: {  	v5 =	vld [tilespmem:s17+$0xE0];
	_ =	sdelay $0x3  }
0x346: {  	v3 =	vmul.f32 v3, v0;
	v2 =	vmul.f32 v2, v1  }
0x347: {  	v4 =	vmul.f32 v4, v0;
	v5 =	vmul.f32 v5, v1  }
0x348: {  	v2 =	vadd.f32 v2, v3  }
0x349: {  	v3 =	vadd.f32 v5, v4  }
0x34a: {  	[tilespmem:s19+$0x20] =	vst v2  }
0x34b: {  	[tilespmem:s19+$0x60] =	vst v3  }
0x34c: {  	v2 =	vld [tilespmem:s17+$0xB0]  }
0x34d: {  	v3 =	vld [tilespmem:s17+$0x70]  }
0x34e: {  	v4 =	vld [tilespmem:s17+$0x30]  }
0x34f: {  	v5 =	vld [tilespmem:s17+$0xF0];
	_ =	sdelay $0x3  }
0x350: {  	v3 =	vmul.f32 v3, v1;
	v4 =	vmul.f32 v4, v0  }
0x351: {  	v2 =	vmul.f32 v2, v0;
	v5 =	vmul.f32 v5, v1  }
0x352: {  	v3 =	vadd.f32 v3, v4  }
0x353: {  	v2 =	vadd.f32 v5, v2  }
0x354: {  	[tilespmem:s19+$0x30] =	vst v3  }
0x355: {  	[tilespmem:s19+$0x70] =	vst v2  }
0x356: {  	v3 =	vld [tilespmem:s17+$0x100]  }
0x357: {  	v2 =	vld [tilespmem:s17+$0x140]  }
0x358: {  	v4 =	vld [tilespmem:s17+$0x180]  }
0x359: {  	s11 =	simm.s32 $0x0;
	s5 =	simm.s32 $0xE500;
	s6 =	simm.s32 $0xE600;
	v5 =	vld [tilespmem:s17+$0x1C0]  }
.LBB2_7:
0x35a: {  	_ =	sdelay $0x1  }
0x35b: {  	s11 =	sadd.s32 $0x4, s11;
	s17 =	sadd.s32 $0x400, s17;
	s19 =	sadd.s32 $0x200, s19  }
0x35c: {  	p1 =	slt.u32 s11, $0x3C;
	v3 =	vmul.f32 v3, v0;
	v4 =	vmul.f32 v4, v0  }
0x35d: {  	v2 =	vmul.f32 v2, v1;
	v5 =	vmul.f32 v5, v1;
	_ =	sdelay $0x1  }
0x35e: {  	v2 =	vadd.f32 v2, v3;
	v3 =	vadd.f32 v5, v4;
	_ =	sdelay $0x1  }
0x35f: {  	[tilespmem:s5+$0xC0] =	vst v3  }
0x360: {  	[tilespmem:s5+$0x80] =	vst v2  }
0x361: {  	v2 =	vld [tilespmem:s6+$0x150]  }
0x362: {  	v3 =	vld [tilespmem:s6+$0x1D0]  }
0x363: {  	v4 =	vld [tilespmem:s6+$0x190]  }
0x364: {  	v5 =	vld [tilespmem:s6+$0x110];
	_ =	sdelay $0x2  }
0x365: {  	v2 =	vmul.f32 v2, v1  }
0x366: {  	v3 =	vmul.f32 v3, v1;
	v4 =	vmul.f32 v4, v0  }
0x367: {  	v5 =	vmul.f32 v5, v0  }
0x368: {  	v3 =	vadd.f32 v3, v4  }
0x369: {  	v2 =	vadd.f32 v2, v5  }
0x36a: {  	[tilespmem:s5+$0xD0] =	vst v3  }
0x36b: {  	[tilespmem:s5+$0x90] =	vst v2  }
0x36c: {  	v2 =	vld [tilespmem:s6+$0x1A0]  }
0x36d: {  	v3 =	vld [tilespmem:s6+$0x1E0]  }
0x36e: {  	v4 =	vld [tilespmem:s6+$0x120]  }
0x36f: {  	v5 =	vld [tilespmem:s6+$0x160];
	_ =	sdelay $0x3  }
0x370: {  	v2 =	vmul.f32 v2, v0;
	v3 =	vmul.f32 v3, v1  }
0x371: {  	v4 =	vmul.f32 v4, v0;
	v5 =	vmul.f32 v5, v1  }
0x372: {  	v2 =	vadd.f32 v3, v2  }
0x373: {  	v3 =	vadd.f32 v5, v4  }
0x374: {  	[tilespmem:s5+$0xE0] =	vst v2  }
0x375: {  	[tilespmem:s5+$0xA0] =	vst v3  }
0x376: {  	v2 =	vld [tilespmem:s6+$0x130]  }
0x377: {  	v3 =	vld [tilespmem:s6+$0x1F0]  }
0x378: {  	v4 =	vld [tilespmem:s6+$0x170]  }
0x379: {  	v5 =	vld [tilespmem:s6+$0x1B0];
	s6 =	smov.u32 s17;
	_ =	sdelay $0x2  }
0x37a: {  	v2 =	vmul.f32 v2, v0;
	v3 =	vmul.f32 v3, v1  }
0x37b: {  	v4 =	vmul.f32 v4, v1  }
0x37c: {  	v5 =	vmul.f32 v5, v0  }
0x37d: {  	v2 =	vadd.f32 v4, v2  }
0x37e: {  	v3 =	vadd.f32 v3, v5  }
0x37f: {  	[tilespmem:s5+$0xB0] =	vst v2  }
0x380: {  	[tilespmem:s5+$0xF0] =	vst v3;
	s5 =	smov.u32 s19  }
0x381: {  	v2 =	vld [tilespmem:s17+$0xFFFFFE00]  }
0x382: {  	v3 =	vld [tilespmem:s17+$0xFFFFFEC0]  }
0x383: {  	v4 =	vld [tilespmem:s17+$0xFFFFFE80]  }
0x384: {  	v5 =	vld [tilespmem:s17+$0xFFFFFE40];
	_ =	sdelay $0x3  }
0x385: {  	v3 =	vmul.f32 v3, v1;
	v4 =	vmul.f32 v4, v0  }
0x386: {  	v2 =	vmul.f32 v2, v0;
	v5 =	vmul.f32 v5, v1  }
0x387: {  	v3 =	vadd.f32 v3, v4  }
0x388: {  	v2 =	vadd.f32 v5, v2  }
0x389: {  	[tilespmem:s19+$0xFFFFFF40] =	vst v3  }
0x38a: {  	[tilespmem:s19+$0xFFFFFF00] =	vst v2  }
0x38b: {  	v2 =	vld [tilespmem:s17+$0xFFFFFED0]  }
0x38c: {  	v3 =	vld [tilespmem:s17+$0xFFFFFE10]  }
0x38d: {  	v4 =	vld [tilespmem:s17+$0xFFFFFE90]  }
0x38e: {  	v5 =	vld [tilespmem:s17+$0xFFFFFE50];
	_ =	sdelay $0x2  }
0x38f: {  	v3 =	vmul.f32 v3, v0  }
0x390: {  	v2 =	vmul.f32 v2, v1;
	v4 =	vmul.f32 v4, v0  }
0x391: {  	v5 =	vmul.f32 v5, v1  }
0x392: {  	v2 =	vadd.f32 v2, v4  }
0x393: {  	v3 =	vadd.f32 v5, v3  }
0x394: {  	[tilespmem:s19+$0xFFFFFF50] =	vst v2  }
0x395: {  	[tilespmem:s19+$0xFFFFFF10] =	vst v3  }
0x396: {  	v2 =	vld [tilespmem:s17+$0xFFFFFE20]  }
0x397: {  	v3 =	vld [tilespmem:s17+$0xFFFFFEA0]  }
0x398: {  	v4 =	vld [tilespmem:s17+$0xFFFFFE60]  }
0x399: {  	v5 =	vld [tilespmem:s17+$0xFFFFFEE0];
	_ =	sdelay $0x2  }
0x39a: {  	v2 =	vmul.f32 v2, v0  }
0x39b: {  	v3 =	vmul.f32 v3, v0;
	v4 =	vmul.f32 v4, v1  }
0x39c: {  	v5 =	vmul.f32 v5, v1  }
0x39d: {  	v2 =	vadd.f32 v4, v2  }
0x39e: {  	v3 =	vadd.f32 v5, v3  }
0x39f: {  	[tilespmem:s19+$0xFFFFFF20] =	vst v2  }
0x3a0: {  	[tilespmem:s19+$0xFFFFFF60] =	vst v3  }
0x3a1: {  	v2 =	vld [tilespmem:s17+$0xFFFFFE30]  }
0x3a2: {  	v3 =	vld [tilespmem:s17+$0xFFFFFE70]  }
0x3a3: {  	v4 =	vld [tilespmem:s17+$0xFFFFFEB0]  }
0x3a4: {  	v5 =	vld [tilespmem:s17+$0xFFFFFEF0];
	_ =	sdelay $0x1  }
0x3a5: {  	v2 =	vmul.f32 v2, v0  }
0x3a6: {  	v3 =	vmul.f32 v3, v1  }
0x3a7: {  	v4 =	vmul.f32 v4, v0  }
0x3a8: {  	v2 =	vadd.f32 v3, v2;
	v3 =	vmul.f32 v5, v1;
	_ =	sdelay $0x1  }
0x3a9: {  	v3 =	vadd.f32 v3, v4;
	[tilespmem:s19+$0xFFFFFF30] =	vst v2;
	_ =	sdelay $0x1  }
0x3aa: {  	[tilespmem:s19+$0xFFFFFF70] =	vst v3  }
0x3ab: {  	v2 =	vld [tilespmem:s17+$0xFFFFFF40]  }
0x3ac: {  	v3 =	vld [tilespmem:s17+$0xFFFFFF00]  }
0x3ad: {  	v4 =	vld [tilespmem:s17+$0xFFFFFF80]  }
0x3ae: {  	v5 =	vld [tilespmem:s17+$0xFFFFFFC0];
	_ =	sdelay $0x2  }
0x3af: {  	v3 =	vmul.f32 v3, v0  }
0x3b0: {  	v2 =	vmul.f32 v2, v1;
	v4 =	vmul.f32 v4, v0  }
0x3b1: {  	v5 =	vmul.f32 v5, v1  }
0x3b2: {  	v2 =	vadd.f32 v2, v3  }
0x3b3: {  	v3 =	vadd.f32 v5, v4  }
0x3b4: {  	[tilespmem:s19+$0xFFFFFF80] =	vst v2  }
0x3b5: {  	[tilespmem:s19+$0xFFFFFFC0] =	vst v3  }
0x3b6: {  	v2 =	vld [tilespmem:s17+$0xFFFFFF90]  }
0x3b7: {  	v3 =	vld [tilespmem:s17+$0xFFFFFF50]  }
0x3b8: {  	v4 =	vld [tilespmem:s17+$0xFFFFFF10]  }
0x3b9: {  	v5 =	vld [tilespmem:s17+$0xFFFFFFD0];
	_ =	sdelay $0x2  }
0x3ba: {  	v3 =	vmul.f32 v3, v1  }
0x3bb: {  	v2 =	vmul.f32 v2, v0;
	v4 =	vmul.f32 v4, v0  }
0x3bc: {  	v5 =	vmul.f32 v5, v1  }
0x3bd: {  	v3 =	vadd.f32 v3, v4  }
0x3be: {  	v2 =	vadd.f32 v5, v2  }
0x3bf: {  	[tilespmem:s19+$0xFFFFFF90] =	vst v3  }
0x3c0: {  	[tilespmem:s19+$0xFFFFFFD0] =	vst v2  }
0x3c1: {  	v2 =	vld [tilespmem:s17+$0xFFFFFF20]  }
0x3c2: {  	v3 =	vld [tilespmem:s17+$0xFFFFFF60]  }
0x3c3: {  	v4 =	vld [tilespmem:s17+$0xFFFFFFA0]  }
0x3c4: {  	v5 =	vld [tilespmem:s17+$0xFFFFFFE0];
	_ =	sdelay $0x1  }
0x3c5: {  	v2 =	vmul.f32 v2, v0  }
0x3c6: {  	v3 =	vmul.f32 v3, v1  }
0x3c7: {  	v4 =	vmul.f32 v4, v0  }
0x3c8: {  	v2 =	vadd.f32 v3, v2;
	v3 =	vmul.f32 v5, v1;
	_ =	sdelay $0x1  }
0x3c9: {  	v3 =	vadd.f32 v3, v4;
	[tilespmem:s19+$0xFFFFFFA0] =	vst v2;
	_ =	sdelay $0x1  }
0x3ca: {  	[tilespmem:s19+$0xFFFFFFE0] =	vst v3  }
0x3cb: {  	v2 =	vld [tilespmem:s17+$0xFFFFFF70]  }
0x3cc: {  	v3 =	vld [tilespmem:s17+$0xFFFFFF30]  }
0x3cd: {  	v4 =	vld [tilespmem:s17+$0xFFFFFFB0]  }
0x3ce: {  	v5 =	vld [tilespmem:s17+$0xFFFFFFF0];
	_ =	sdelay $0x2  }
0x3cf: {  	v3 =	vmul.f32 v3, v0  }
0x3d0: {  	v2 =	vmul.f32 v2, v1;
	v4 =	vmul.f32 v4, v0  }
0x3d1: {  	v5 =	vmul.f32 v5, v1  }
0x3d2: {  	v2 =	vadd.f32 v2, v3  }
0x3d3: {  	v3 =	vadd.f32 v5, v4  }
0x3d4: {  	[tilespmem:s19+$0xFFFFFFB0] =	vst v2  }
0x3d5: {  	[tilespmem:s19+$0xFFFFFFF0] =	vst v3  }
0x3d6: {  	v2 =	vld [tilespmem:s17+$0x80]  }
0x3d7: {  	v3 =	vld [tilespmem:s17+$0x40]  }
0x3d8: {  	v4 =	vld [tilespmem:s17+$0x0]  }
0x3d9: {  	v5 =	vld [tilespmem:s17+$0xC0];
	_ =	sdelay $0x2  }
0x3da: {  	v3 =	vmul.f32 v3, v1  }
0x3db: {  	v2 =	vmul.f32 v2, v0;
	v4 =	vmul.f32 v4, v0  }
0x3dc: {  	v5 =	vmul.f32 v5, v1  }
0x3dd: {  	v3 =	vadd.f32 v3, v4  }
0x3de: {  	v2 =	vadd.f32 v5, v2  }
0x3df: {  	[tilespmem:s19+$0x0] =	vst v3  }
0x3e0: {  	[tilespmem:s19+$0x40] =	vst v2  }
0x3e1: {  	v2 =	vld [tilespmem:s17+$0x10]  }
0x3e2: {  	v3 =	vld [tilespmem:s17+$0x50]  }
0x3e3: {  	v4 =	vld [tilespmem:s17+$0x90]  }
0x3e4: {  	v5 =	vld [tilespmem:s17+$0xD0];
	_ =	sdelay $0x1  }
0x3e5: {  	v2 =	vmul.f32 v2, v0  }
0x3e6: {  	v3 =	vmul.f32 v3, v1  }
0x3e7: {  	v4 =	vmul.f32 v4, v0  }
0x3e8: {  	v2 =	vadd.f32 v3, v2;
	v3 =	vmul.f32 v5, v1;
	_ =	sdelay $0x1  }
0x3e9: {  	v3 =	vadd.f32 v3, v4;
	[tilespmem:s19+$0x10] =	vst v2;
	_ =	sdelay $0x1  }
0x3ea: {  	[tilespmem:s19+$0x50] =	vst v3  }
0x3eb: {  	v2 =	vld [tilespmem:s17+$0x60]  }
0x3ec: {  	v3 =	vld [tilespmem:s17+$0x20]  }
0x3ed: {  	v4 =	vld [tilespmem:s17+$0xA0]  }
0x3ee: {  	v5 =	vld [tilespmem:s17+$0xE0];
	_ =	sdelay $0x2  }
0x3ef: {  	v3 =	vmul.f32 v3, v0  }
0x3f0: {  	v2 =	vmul.f32 v2, v1;
	v4 =	vmul.f32 v4, v0  }
0x3f1: {  	v5 =	vmul.f32 v5, v1  }
0x3f2: {  	v2 =	vadd.f32 v2, v3  }
0x3f3: {  	v3 =	vadd.f32 v5, v4  }
0x3f4: {  	[tilespmem:s19+$0x20] =	vst v2  }
0x3f5: {  	[tilespmem:s19+$0x60] =	vst v3  }
0x3f6: {  	v2 =	vld [tilespmem:s17+$0xB0]  }
0x3f7: {  	v3 =	vld [tilespmem:s17+$0x70]  }
0x3f8: {  	v4 =	vld [tilespmem:s17+$0x30]  }
0x3f9: {  	v5 =	vld [tilespmem:s17+$0xF0];
	_ =	sdelay $0x2  }
0x3fa: {  	v3 =	vmul.f32 v3, v1  }
0x3fb: {  	v2 =	vmul.f32 v2, v0;
	v4 =	vmul.f32 v4, v0  }
0x3fc: {  	v5 =	vmul.f32 v5, v1  }
0x3fd: {  	v3 =	vadd.f32 v3, v4  }
0x3fe: {  	v2 =	vadd.f32 v5, v2  }
0x3ff: {  	[tilespmem:s19+$0x30] =	vst v3  }
.Ltmp4:
0x400: {  	[tilespmem:s19+$0x70] =	vst v2;
	(pc) =	sbr.rel @p1 .LBB2_7-.Ltmp4, $4  }
0x401: {  	v3 =	vld [tilespmem:s17+$0x100]  }
0x402: {  	v2 =	vld [tilespmem:s17+$0x140]  }
0x403: {  	v4 =	vld [tilespmem:s17+$0x180]  }
0x404: {  	v5 =	vld [tilespmem:s17+$0x1C0]  }
0x405: {  	_ =	sdelay $0x2  }
0x406: {  	v3 =	vmul.f32 v3, v0;
	v2 =	vmul.f32 v2, v1  }
0x407: {  	v4 =	vmul.f32 v4, v0;
	v5 =	vmul.f32 v5, v1  }
0x408: {  	v2 =	vadd.f32 v2, v3  }
0x409: {  	v4 =	vadd.f32 v5, v4  }
0x40a: {  	[tilespmem:s5+$0x80] =	vst v2  }
0x40b: {  	[tilespmem:s5+$0xC0] =	vst v4  }
0x40c: {  	v2 =	vld [tilespmem:s6+$0x150]  }
0x40d: {  	v3 =	vld [tilespmem:s6+$0x1D0]  }
0x40e: {  	v4 =	vld [tilespmem:s6+$0x190]  }
0x40f: {  	v5 =	vld [tilespmem:s6+$0x110];
	_ =	sdelay $0x3  }
0x410: {  	v4 =	vmul.f32 v4, v0;
	v3 =	vmul.f32 v3, v1  }
0x411: {  	v2 =	vmul.f32 v2, v1;
	v5 =	vmul.f32 v5, v0  }
0x412: {  	v3 =	vadd.f32 v3, v4  }
0x413: {  	v2 =	vadd.f32 v2, v5  }
0x414: {  	[tilespmem:s5+$0xD0] =	vst v3  }
0x415: {  	[tilespmem:s5+$0x90] =	vst v2  }
0x416: {  	v2 =	vld [tilespmem:s6+$0x1A0]  }
0x417: {  	v3 =	vld [tilespmem:s6+$0x1E0]  }
0x418: {  	v4 =	vld [tilespmem:s6+$0x120]  }
0x419: {  	v5 =	vld [tilespmem:s6+$0x160];
	_ =	sdelay $0x3  }
0x41a: {  	v2 =	vmul.f32 v2, v0;
	v3 =	vmul.f32 v3, v1  }
0x41b: {  	v4 =	vmul.f32 v4, v0;
	v5 =	vmul.f32 v5, v1  }
0x41c: {  	v2 =	vadd.f32 v3, v2  }
0x41d: {  	v3 =	vadd.f32 v5, v4  }
0x41e: {  	[tilespmem:s5+$0xE0] =	vst v2  }
0x41f: {  	[tilespmem:s5+$0xA0] =	vst v3  }
0x420: {  	v2 =	vld [tilespmem:s6+$0x130]  }
0x421: {  	v3 =	vld [tilespmem:s6+$0x1F0]  }
0x422: {  	v4 =	vld [tilespmem:s6+$0x170]  }
0x423: {  	v5 =	vld [tilespmem:s6+$0x1B0];
	_ =	sdelay $0x3  }
0x424: {  	v2 =	vmul.f32 v2, v0;
	v4 =	vmul.f32 v4, v1  }
0x425: {  	v3 =	vmul.f32 v3, v1;
	v5 =	vmul.f32 v5, v0  }
0x426: {  	v2 =	vadd.f32 v4, v2  }
0x427: {  	s17 =	sadd.s32 s0, s9;
	v3 =	vadd.f32 v3, v5  }
0x428: {  	s6 =	sshll.u32 s17, $0x3;
	[tilespmem:s5+$0xB0] =	vst v2  }
0x429: {  	s19 =	sadd.s32 s2, s6;
	[tilespmem:s5+$0xF0] =	vst v3;
	s5 =	simm.s32 @!p0 $0x7  }
0x42a: {  	[hbm4b:s19+s3] =	stream.linear.scatter [tilespmem:s18], [sflag:$0x7], $0x2000, $0x38;
	[tilespmem:$0x16500] =	vst v63  }
0x42b: {  	_ =	swait.ge @!p0 [sflag:s5], $0x2000  }
0x42c: {  	s11 =	simm.s32 @!p0 $0xE400;
	[sflag:s5] =	ssyncset.done @!p0 $0x0  }
0x42d: {  	s6 =	simm.s32 @!p0 $0x80;
	[sflag:s5] =	ssyncadd.s32 @!p0 $0xFFFFE000;
	s5 =	sadd.s32 @!p0 $0x300, s12  }
0x42e: {  	[tilespmem:s11], [sflag:$0x3] =	stream.indirect.gather @!p0 [hbm4b:s4+s6], $0x80, s5, s6, $0xb8;
	[tilespmem:$0x16500] =	vst v63  }
0x42f: {  	_ =	swait.ge [sflag:s24], $0x4000  }
0x430: {  	[sflag:s24] =	ssyncset.done $0x0  }
0x431: {  	s12 =	simm.s32 $0x12600;
	[sflag:s24] =	ssyncadd.s32 $0xFFFFC000  }
0x432: {  	v2 =	vld [tilespmem:s12+$0xFFFFFE00]  }
0x433: {  	v3 =	vld [tilespmem:s12+$0xFFFFFEC0]  }
0x434: {  	v4 =	vld [tilespmem:s12+$0xFFFFFE80]  }
0x435: {  	v5 =	vld [tilespmem:s12+$0xFFFFFE40];
	_ =	sdelay $0x3  }
0x436: {  	v4 =	vmul.f32 v4, v0;
	v3 =	vmul.f32 v3, v1  }
0x437: {  	v2 =	vmul.f32 v2, v0;
	v5 =	vmul.f32 v5, v1  }
0x438: {  	v3 =	vadd.f32 v3, v4  }
0x439: {  	s17 =	simm.s32 $0x12500;
	v2 =	vadd.f32 v5, v2  }
0x43a: {  	[tilespmem:s17+$0xFFFFFF40] =	vst v3  }
0x43b: {  	[tilespmem:s17+$0xFFFFFF00] =	vst v2  }
0x43c: {  	v2 =	vld [tilespmem:s12+$0xFFFFFED0]  }
0x43d: {  	v3 =	vld [tilespmem:s12+$0xFFFFFE10]  }
0x43e: {  	v4 =	vld [tilespmem:s12+$0xFFFFFE90]  }
0x43f: {  	v5 =	vld [tilespmem:s12+$0xFFFFFE50];
	_ =	sdelay $0x3  }
0x440: {  	v4 =	vmul.f32 v4, v0;
	v2 =	vmul.f32 v2, v1  }
0x441: {  	v3 =	vmul.f32 v3, v0;
	v5 =	vmul.f32 v5, v1  }
0x442: {  	v2 =	vadd.f32 v2, v4  }
0x443: {  	v3 =	vadd.f32 v5, v3  }
0x444: {  	[tilespmem:s17+$0xFFFFFF50] =	vst v2  }
0x445: {  	[tilespmem:s17+$0xFFFFFF10] =	vst v3  }
0x446: {  	v2 =	vld [tilespmem:s12+$0xFFFFFE20]  }
0x447: {  	v3 =	vld [tilespmem:s12+$0xFFFFFEA0]  }
0x448: {  	v4 =	vld [tilespmem:s12+$0xFFFFFE60]  }
0x449: {  	v5 =	vld [tilespmem:s12+$0xFFFFFEE0];
	_ =	sdelay $0x3  }
0x44a: {  	v2 =	vmul.f32 v2, v0;
	v4 =	vmul.f32 v4, v1  }
0x44b: {  	v3 =	vmul.f32 v3, v0;
	v5 =	vmul.f32 v5, v1  }
0x44c: {  	v2 =	vadd.f32 v4, v2  }
0x44d: {  	v3 =	vadd.f32 v5, v3  }
0x44e: {  	[tilespmem:s17+$0xFFFFFF20] =	vst v2  }
0x44f: {  	[tilespmem:s17+$0xFFFFFF60] =	vst v3  }
0x450: {  	v2 =	vld [tilespmem:s12+$0xFFFFFE30]  }
0x451: {  	v3 =	vld [tilespmem:s12+$0xFFFFFE70]  }
0x452: {  	v4 =	vld [tilespmem:s12+$0xFFFFFEB0]  }
0x453: {  	v5 =	vld [tilespmem:s12+$0xFFFFFEF0];
	_ =	sdelay $0x3  }
0x454: {  	v2 =	vmul.f32 v2, v0;
	v3 =	vmul.f32 v3, v1  }
0x455: {  	v4 =	vmul.f32 v4, v0;
	v5 =	vmul.f32 v5, v1  }
0x456: {  	v2 =	vadd.f32 v3, v2  }
0x457: {  	v3 =	vadd.f32 v5, v4  }
0x458: {  	[tilespmem:s17+$0xFFFFFF30] =	vst v2  }
0x459: {  	[tilespmem:s17+$0xFFFFFF70] =	vst v3  }
0x45a: {  	v2 =	vld [tilespmem:s12+$0xFFFFFF40]  }
0x45b: {  	v3 =	vld [tilespmem:s12+$0xFFFFFF00]  }
0x45c: {  	v4 =	vld [tilespmem:s12+$0xFFFFFF80]  }
0x45d: {  	v5 =	vld [tilespmem:s12+$0xFFFFFFC0];
	_ =	sdelay $0x3  }
0x45e: {  	v3 =	vmul.f32 v3, v0;
	v2 =	vmul.f32 v2, v1  }
0x45f: {  	v4 =	vmul.f32 v4, v0;
	v5 =	vmul.f32 v5, v1  }
0x460: {  	v2 =	vadd.f32 v2, v3  }
0x461: {  	v3 =	vadd.f32 v5, v4  }
0x462: {  	[tilespmem:s17+$0xFFFFFF80] =	vst v2  }
0x463: {  	[tilespmem:s17+$0xFFFFFFC0] =	vst v3  }
0x464: {  	v2 =	vld [tilespmem:s12+$0xFFFFFF90]  }
0x465: {  	v3 =	vld [tilespmem:s12+$0xFFFFFF50]  }
0x466: {  	v4 =	vld [tilespmem:s12+$0xFFFFFF10]  }
0x467: {  	v5 =	vld [tilespmem:s12+$0xFFFFFFD0];
	_ =	sdelay $0x3  }
0x468: {  	v3 =	vmul.f32 v3, v1;
	v4 =	vmul.f32 v4, v0  }
0x469: {  	v2 =	vmul.f32 v2, v0;
	v5 =	vmul.f32 v5, v1  }
0x46a: {  	v3 =	vadd.f32 v3, v4  }
0x46b: {  	v2 =	vadd.f32 v5, v2  }
0x46c: {  	[tilespmem:s17+$0xFFFFFF90] =	vst v3  }
0x46d: {  	[tilespmem:s17+$0xFFFFFFD0] =	vst v2  }
0x46e: {  	v2 =	vld [tilespmem:s12+$0xFFFFFF20]  }
0x46f: {  	v3 =	vld [tilespmem:s12+$0xFFFFFF60]  }
0x470: {  	v4 =	vld [tilespmem:s12+$0xFFFFFFA0]  }
0x471: {  	v5 =	vld [tilespmem:s12+$0xFFFFFFE0];
	_ =	sdelay $0x3  }
0x472: {  	v2 =	vmul.f32 v2, v0;
	v3 =	vmul.f32 v3, v1  }
0x473: {  	v4 =	vmul.f32 v4, v0;
	v5 =	vmul.f32 v5, v1  }
0x474: {  	v2 =	vadd.f32 v3, v2  }
0x475: {  	v3 =	vadd.f32 v5, v4  }
0x476: {  	[tilespmem:s17+$0xFFFFFFA0] =	vst v2  }
0x477: {  	[tilespmem:s17+$0xFFFFFFE0] =	vst v3  }
0x478: {  	v2 =	vld [tilespmem:s12+$0xFFFFFF70]  }
0x479: {  	v3 =	vld [tilespmem:s12+$0xFFFFFF30]  }
0x47a: {  	v4 =	vld [tilespmem:s12+$0xFFFFFFB0]  }
0x47b: {  	v5 =	vld [tilespmem:s12+$0xFFFFFFF0];
	_ =	sdelay $0x3  }
0x47c: {  	v3 =	vmul.f32 v3, v0;
	v2 =	vmul.f32 v2, v1  }
0x47d: {  	v4 =	vmul.f32 v4, v0;
	v5 =	vmul.f32 v5, v1  }
0x47e: {  	v2 =	vadd.f32 v2, v3  }
0x47f: {  	v3 =	vadd.f32 v5, v4  }
0x480: {  	[tilespmem:s17+$0xFFFFFFB0] =	vst v2  }
0x481: {  	[tilespmem:s17+$0xFFFFFFF0] =	vst v3  }
0x482: {  	v2 =	vld [tilespmem:s12+$0x80]  }
0x483: {  	v3 =	vld [tilespmem:s12+$0x40]  }
0x484: {  	v4 =	vld [tilespmem:s12+$0x0]  }
0x485: {  	v5 =	vld [tilespmem:s12+$0xC0];
	_ =	sdelay $0x3  }
0x486: {  	v3 =	vmul.f32 v3, v1;
	v4 =	vmul.f32 v4, v0  }
0x487: {  	v2 =	vmul.f32 v2, v0;
	v5 =	vmul.f32 v5, v1  }
0x488: {  	v3 =	vadd.f32 v3, v4  }
0x489: {  	v2 =	vadd.f32 v5, v2  }
0x48a: {  	[tilespmem:s17+$0x0] =	vst v3  }
0x48b: {  	[tilespmem:s17+$0x40] =	vst v2  }
0x48c: {  	v2 =	vld [tilespmem:s12+$0x10]  }
0x48d: {  	v3 =	vld [tilespmem:s12+$0x50]  }
0x48e: {  	v4 =	vld [tilespmem:s12+$0x90]  }
0x48f: {  	v5 =	vld [tilespmem:s12+$0xD0];
	_ =	sdelay $0x3  }
0x490: {  	v2 =	vmul.f32 v2, v0;
	v3 =	vmul.f32 v3, v1  }
0x491: {  	v4 =	vmul.f32 v4, v0;
	v5 =	vmul.f32 v5, v1  }
0x492: {  	v2 =	vadd.f32 v3, v2  }
0x493: {  	v3 =	vadd.f32 v5, v4  }
0x494: {  	[tilespmem:s17+$0x10] =	vst v2  }
0x495: {  	[tilespmem:s17+$0x50] =	vst v3  }
0x496: {  	v2 =	vld [tilespmem:s12+$0x60]  }
0x497: {  	v3 =	vld [tilespmem:s12+$0x20]  }
0x498: {  	v4 =	vld [tilespmem:s12+$0xA0]  }
0x499: {  	v5 =	vld [tilespmem:s12+$0xE0];
	_ =	sdelay $0x3  }
0x49a: {  	v3 =	vmul.f32 v3, v0;
	v2 =	vmul.f32 v2, v1  }
0x49b: {  	v4 =	vmul.f32 v4, v0;
	v5 =	vmul.f32 v5, v1  }
0x49c: {  	v2 =	vadd.f32 v2, v3  }
0x49d: {  	v3 =	vadd.f32 v5, v4  }
0x49e: {  	[tilespmem:s17+$0x20] =	vst v2  }
0x49f: {  	[tilespmem:s17+$0x60] =	vst v3  }
0x4a0: {  	v2 =	vld [tilespmem:s12+$0xB0]  }
0x4a1: {  	v3 =	vld [tilespmem:s12+$0x70]  }
0x4a2: {  	v4 =	vld [tilespmem:s12+$0x30]  }
0x4a3: {  	v5 =	vld [tilespmem:s12+$0xF0];
	_ =	sdelay $0x3  }
0x4a4: {  	v3 =	vmul.f32 v3, v1;
	v4 =	vmul.f32 v4, v0  }
0x4a5: {  	v2 =	vmul.f32 v2, v0;
	v5 =	vmul.f32 v5, v1  }
0x4a6: {  	v3 =	vadd.f32 v3, v4  }
0x4a7: {  	v2 =	vadd.f32 v5, v2  }
0x4a8: {  	[tilespmem:s17+$0x30] =	vst v3  }
0x4a9: {  	[tilespmem:s17+$0x70] =	vst v2  }
0x4aa: {  	v3 =	vld [tilespmem:s12+$0x100]  }
0x4ab: {  	v2 =	vld [tilespmem:s12+$0x140]  }
0x4ac: {  	v4 =	vld [tilespmem:s12+$0x180]  }
0x4ad: {  	s11 =	simm.s32 $0x0;
	s5 =	simm.s32 $0x12500;
	s6 =	simm.s32 $0x12600;
	v5 =	vld [tilespmem:s12+$0x1C0]  }
.LBB2_9:
0x4ae: {  	_ =	sdelay $0x1  }
0x4af: {  	s11 =	sadd.s32 $0x4, s11;
	s12 =	sadd.s32 $0x400, s12;
	s17 =	sadd.s32 $0x200, s17  }
0x4b0: {  	p1 =	slt.u32 s11, $0x3C;
	v3 =	vmul.f32 v3, v0;
	v4 =	vmul.f32 v4, v0  }
0x4b1: {  	v2 =	vmul.f32 v2, v1;
	v5 =	vmul.f32 v5, v1;
	_ =	sdelay $0x1  }
0x4b2: {  	v2 =	vadd.f32 v2, v3;
	v3 =	vadd.f32 v5, v4;
	_ =	sdelay $0x1  }
0x4b3: {  	[tilespmem:s5+$0xC0] =	vst v3  }
0x4b4: {  	[tilespmem:s5+$0x80] =	vst v2  }
0x4b5: {  	v2 =	vld [tilespmem:s6+$0x150]  }
0x4b6: {  	v3 =	vld [tilespmem:s6+$0x1D0]  }
0x4b7: {  	v4 =	vld [tilespmem:s6+$0x190]  }
0x4b8: {  	v5 =	vld [tilespmem:s6+$0x110];
	_ =	sdelay $0x2  }
0x4b9: {  	v2 =	vmul.f32 v2, v1  }
0x4ba: {  	v3 =	vmul.f32 v3, v1;
	v4 =	vmul.f32 v4, v0  }
0x4bb: {  	v5 =	vmul.f32 v5, v0  }
0x4bc: {  	v3 =	vadd.f32 v3, v4  }
0x4bd: {  	v2 =	vadd.f32 v2, v5  }
0x4be: {  	[tilespmem:s5+$0xD0] =	vst v3  }
0x4bf: {  	[tilespmem:s5+$0x90] =	vst v2  }
0x4c0: {  	v2 =	vld [tilespmem:s6+$0x1A0]  }
0x4c1: {  	v3 =	vld [tilespmem:s6+$0x1E0]  }
0x4c2: {  	v4 =	vld [tilespmem:s6+$0x120]  }
0x4c3: {  	v5 =	vld [tilespmem:s6+$0x160];
	_ =	sdelay $0x3  }
0x4c4: {  	v2 =	vmul.f32 v2, v0;
	v3 =	vmul.f32 v3, v1  }
0x4c5: {  	v4 =	vmul.f32 v4, v0;
	v5 =	vmul.f32 v5, v1  }
0x4c6: {  	v2 =	vadd.f32 v3, v2  }
0x4c7: {  	v3 =	vadd.f32 v5, v4  }
0x4c8: {  	[tilespmem:s5+$0xE0] =	vst v2  }
0x4c9: {  	[tilespmem:s5+$0xA0] =	vst v3  }
0x4ca: {  	v2 =	vld [tilespmem:s6+$0x130]  }
0x4cb: {  	v3 =	vld [tilespmem:s6+$0x1F0]  }
0x4cc: {  	v4 =	vld [tilespmem:s6+$0x170]  }
0x4cd: {  	v5 =	vld [tilespmem:s6+$0x1B0];
	s6 =	smov.u32 s12;
	_ =	sdelay $0x2  }
0x4ce: {  	v2 =	vmul.f32 v2, v0;
	v3 =	vmul.f32 v3, v1  }
0x4cf: {  	v4 =	vmul.f32 v4, v1  }
0x4d0: {  	v5 =	vmul.f32 v5, v0  }
0x4d1: {  	v2 =	vadd.f32 v4, v2  }
0x4d2: {  	v3 =	vadd.f32 v3, v5  }
0x4d3: {  	[tilespmem:s5+$0xB0] =	vst v2  }
0x4d4: {  	[tilespmem:s5+$0xF0] =	vst v3;
	s5 =	smov.u32 s17  }
0x4d5: {  	v2 =	vld [tilespmem:s12+$0xFFFFFE00]  }
0x4d6: {  	v3 =	vld [tilespmem:s12+$0xFFFFFEC0]  }
0x4d7: {  	v4 =	vld [tilespmem:s12+$0xFFFFFE80]  }
0x4d8: {  	v5 =	vld [tilespmem:s12+$0xFFFFFE40];
	_ =	sdelay $0x3  }
0x4d9: {  	v3 =	vmul.f32 v3, v1;
	v4 =	vmul.f32 v4, v0  }
0x4da: {  	v2 =	vmul.f32 v2, v0;
	v5 =	vmul.f32 v5, v1  }
0x4db: {  	v3 =	vadd.f32 v3, v4  }
0x4dc: {  	v2 =	vadd.f32 v5, v2  }
0x4dd: {  	[tilespmem:s17+$0xFFFFFF40] =	vst v3  }
0x4de: {  	[tilespmem:s17+$0xFFFFFF00] =	vst v2  }
0x4df: {  	v2 =	vld [tilespmem:s12+$0xFFFFFED0]  }
0x4e0: {  	v3 =	vld [tilespmem:s12+$0xFFFFFE10]  }
0x4e1: {  	v4 =	vld [tilespmem:s12+$0xFFFFFE90]  }
0x4e2: {  	v5 =	vld [tilespmem:s12+$0xFFFFFE50];
	_ =	sdelay $0x2  }
0x4e3: {  	v3 =	vmul.f32 v3, v0  }
0x4e4: {  	v2 =	vmul.f32 v2, v1;
	v4 =	vmul.f32 v4, v0  }
0x4e5: {  	v5 =	vmul.f32 v5, v1  }
0x4e6: {  	v2 =	vadd.f32 v2, v4  }
0x4e7: {  	v3 =	vadd.f32 v5, v3  }
0x4e8: {  	[tilespmem:s17+$0xFFFFFF50] =	vst v2  }
0x4e9: {  	[tilespmem:s17+$0xFFFFFF10] =	vst v3  }
0x4ea: {  	v2 =	vld [tilespmem:s12+$0xFFFFFE20]  }
0x4eb: {  	v3 =	vld [tilespmem:s12+$0xFFFFFEA0]  }
0x4ec: {  	v4 =	vld [tilespmem:s12+$0xFFFFFE60]  }
0x4ed: {  	v5 =	vld [tilespmem:s12+$0xFFFFFEE0];
	_ =	sdelay $0x2  }
0x4ee: {  	v2 =	vmul.f32 v2, v0  }
0x4ef: {  	v3 =	vmul.f32 v3, v0;
	v4 =	vmul.f32 v4, v1  }
0x4f0: {  	v5 =	vmul.f32 v5, v1  }
0x4f1: {  	v2 =	vadd.f32 v4, v2  }
0x4f2: {  	v3 =	vadd.f32 v5, v3  }
0x4f3: {  	[tilespmem:s17+$0xFFFFFF20] =	vst v2  }
0x4f4: {  	[tilespmem:s17+$0xFFFFFF60] =	vst v3  }
0x4f5: {  	v2 =	vld [tilespmem:s12+$0xFFFFFE30]  }
0x4f6: {  	v3 =	vld [tilespmem:s12+$0xFFFFFE70]  }
0x4f7: {  	v4 =	vld [tilespmem:s12+$0xFFFFFEB0]  }
0x4f8: {  	v5 =	vld [tilespmem:s12+$0xFFFFFEF0];
	_ =	sdelay $0x1  }
0x4f9: {  	v2 =	vmul.f32 v2, v0  }
0x4fa: {  	v3 =	vmul.f32 v3, v1  }
0x4fb: {  	v4 =	vmul.f32 v4, v0  }
0x4fc: {  	v2 =	vadd.f32 v3, v2;
	v3 =	vmul.f32 v5, v1;
	_ =	sdelay $0x1  }
0x4fd: {  	v3 =	vadd.f32 v3, v4;
	[tilespmem:s17+$0xFFFFFF30] =	vst v2;
	_ =	sdelay $0x1  }
0x4fe: {  	[tilespmem:s17+$0xFFFFFF70] =	vst v3  }
0x4ff: {  	v2 =	vld [tilespmem:s12+$0xFFFFFF40]  }
0x500: {  	v3 =	vld [tilespmem:s12+$0xFFFFFF00]  }
0x501: {  	v4 =	vld [tilespmem:s12+$0xFFFFFF80]  }
0x502: {  	v5 =	vld [tilespmem:s12+$0xFFFFFFC0];
	_ =	sdelay $0x2  }
0x503: {  	v3 =	vmul.f32 v3, v0  }
0x504: {  	v2 =	vmul.f32 v2, v1;
	v4 =	vmul.f32 v4, v0  }
0x505: {  	v5 =	vmul.f32 v5, v1  }
0x506: {  	v2 =	vadd.f32 v2, v3  }
0x507: {  	v3 =	vadd.f32 v5, v4  }
0x508: {  	[tilespmem:s17+$0xFFFFFF80] =	vst v2  }
0x509: {  	[tilespmem:s17+$0xFFFFFFC0] =	vst v3  }
0x50a: {  	v2 =	vld [tilespmem:s12+$0xFFFFFF90]  }
0x50b: {  	v3 =	vld [tilespmem:s12+$0xFFFFFF50]  }
0x50c: {  	v4 =	vld [tilespmem:s12+$0xFFFFFF10]  }
0x50d: {  	v5 =	vld [tilespmem:s12+$0xFFFFFFD0];
	_ =	sdelay $0x2  }
0x50e: {  	v3 =	vmul.f32 v3, v1  }
0x50f: {  	v2 =	vmul.f32 v2, v0;
	v4 =	vmul.f32 v4, v0  }
0x510: {  	v5 =	vmul.f32 v5, v1  }
0x511: {  	v3 =	vadd.f32 v3, v4  }
0x512: {  	v2 =	vadd.f32 v5, v2  }
0x513: {  	[tilespmem:s17+$0xFFFFFF90] =	vst v3  }
0x514: {  	[tilespmem:s17+$0xFFFFFFD0] =	vst v2  }
0x515: {  	v2 =	vld [tilespmem:s12+$0xFFFFFF20]  }
0x516: {  	v3 =	vld [tilespmem:s12+$0xFFFFFF60]  }
0x517: {  	v4 =	vld [tilespmem:s12+$0xFFFFFFA0]  }
0x518: {  	v5 =	vld [tilespmem:s12+$0xFFFFFFE0];
	_ =	sdelay $0x1  }
0x519: {  	v2 =	vmul.f32 v2, v0  }
0x51a: {  	v3 =	vmul.f32 v3, v1  }
0x51b: {  	v4 =	vmul.f32 v4, v0  }
0x51c: {  	v2 =	vadd.f32 v3, v2;
	v3 =	vmul.f32 v5, v1;
	_ =	sdelay $0x1  }
0x51d: {  	v3 =	vadd.f32 v3, v4;
	[tilespmem:s17+$0xFFFFFFA0] =	vst v2;
	_ =	sdelay $0x1  }
0x51e: {  	[tilespmem:s17+$0xFFFFFFE0] =	vst v3  }
0x51f: {  	v2 =	vld [tilespmem:s12+$0xFFFFFF70]  }
0x520: {  	v3 =	vld [tilespmem:s12+$0xFFFFFF30]  }
0x521: {  	v4 =	vld [tilespmem:s12+$0xFFFFFFB0]  }
0x522: {  	v5 =	vld [tilespmem:s12+$0xFFFFFFF0];
	_ =	sdelay $0x2  }
0x523: {  	v3 =	vmul.f32 v3, v0  }
0x524: {  	v2 =	vmul.f32 v2, v1;
	v4 =	vmul.f32 v4, v0  }
0x525: {  	v5 =	vmul.f32 v5, v1  }
0x526: {  	v2 =	vadd.f32 v2, v3  }
0x527: {  	v3 =	vadd.f32 v5, v4  }
0x528: {  	[tilespmem:s17+$0xFFFFFFB0] =	vst v2  }
0x529: {  	[tilespmem:s17+$0xFFFFFFF0] =	vst v3  }
0x52a: {  	v2 =	vld [tilespmem:s12+$0x80]  }
0x52b: {  	v3 =	vld [tilespmem:s12+$0x40]  }
0x52c: {  	v4 =	vld [tilespmem:s12+$0x0]  }
0x52d: {  	v5 =	vld [tilespmem:s12+$0xC0];
	_ =	sdelay $0x2  }
0x52e: {  	v3 =	vmul.f32 v3, v1  }
0x52f: {  	v2 =	vmul.f32 v2, v0;
	v4 =	vmul.f32 v4, v0  }
0x530: {  	v5 =	vmul.f32 v5, v1  }
0x531: {  	v3 =	vadd.f32 v3, v4  }
0x532: {  	v2 =	vadd.f32 v5, v2  }
0x533: {  	[tilespmem:s17+$0x0] =	vst v3  }
0x534: {  	[tilespmem:s17+$0x40] =	vst v2  }
0x535: {  	v2 =	vld [tilespmem:s12+$0x10]  }
0x536: {  	v3 =	vld [tilespmem:s12+$0x50]  }
0x537: {  	v4 =	vld [tilespmem:s12+$0x90]  }
0x538: {  	v5 =	vld [tilespmem:s12+$0xD0];
	_ =	sdelay $0x1  }
0x539: {  	v2 =	vmul.f32 v2, v0  }
0x53a: {  	v3 =	vmul.f32 v3, v1  }
0x53b: {  	v4 =	vmul.f32 v4, v0  }
0x53c: {  	v2 =	vadd.f32 v3, v2;
	v3 =	vmul.f32 v5, v1;
	_ =	sdelay $0x1  }
0x53d: {  	v3 =	vadd.f32 v3, v4;
	[tilespmem:s17+$0x10] =	vst v2;
	_ =	sdelay $0x1  }
0x53e: {  	[tilespmem:s17+$0x50] =	vst v3  }
0x53f: {  	v2 =	vld [tilespmem:s12+$0x60]  }
0x540: {  	v3 =	vld [tilespmem:s12+$0x20]  }
0x541: {  	v4 =	vld [tilespmem:s12+$0xA0]  }
0x542: {  	v5 =	vld [tilespmem:s12+$0xE0];
	_ =	sdelay $0x2  }
0x543: {  	v3 =	vmul.f32 v3, v0  }
0x544: {  	v2 =	vmul.f32 v2, v1;
	v4 =	vmul.f32 v4, v0  }
0x545: {  	v5 =	vmul.f32 v5, v1  }
0x546: {  	v2 =	vadd.f32 v2, v3  }
0x547: {  	v3 =	vadd.f32 v5, v4  }
0x548: {  	[tilespmem:s17+$0x20] =	vst v2  }
0x549: {  	[tilespmem:s17+$0x60] =	vst v3  }
0x54a: {  	v2 =	vld [tilespmem:s12+$0xB0]  }
0x54b: {  	v3 =	vld [tilespmem:s12+$0x70]  }
0x54c: {  	v4 =	vld [tilespmem:s12+$0x30]  }
0x54d: {  	v5 =	vld [tilespmem:s12+$0xF0];
	_ =	sdelay $0x2  }
0x54e: {  	v3 =	vmul.f32 v3, v1  }
0x54f: {  	v2 =	vmul.f32 v2, v0;
	v4 =	vmul.f32 v4, v0  }
0x550: {  	v5 =	vmul.f32 v5, v1  }
0x551: {  	v3 =	vadd.f32 v3, v4  }
0x552: {  	v2 =	vadd.f32 v5, v2  }
0x553: {  	[tilespmem:s17+$0x30] =	vst v3  }
.Ltmp5:
0x554: {  	[tilespmem:s17+$0x70] =	vst v2;
	(pc) =	sbr.rel @p1 .LBB2_9-.Ltmp5, $4  }
0x555: {  	v3 =	vld [tilespmem:s12+$0x100]  }
0x556: {  	v2 =	vld [tilespmem:s12+$0x140]  }
0x557: {  	v4 =	vld [tilespmem:s12+$0x180]  }
0x558: {  	v5 =	vld [tilespmem:s12+$0x1C0]  }
0x559: {  	_ =	sdelay $0x2  }
0x55a: {  	v3 =	vmul.f32 v3, v0;
	v2 =	vmul.f32 v2, v1  }
0x55b: {  	v4 =	vmul.f32 v4, v0;
	v5 =	vmul.f32 v5, v1  }
0x55c: {  	v2 =	vadd.f32 v2, v3  }
0x55d: {  	v4 =	vadd.f32 v5, v4  }
0x55e: {  	[tilespmem:s5+$0x80] =	vst v2  }
0x55f: {  	[tilespmem:s5+$0xC0] =	vst v4  }
0x560: {  	v2 =	vld [tilespmem:s6+$0x150]  }
0x561: {  	v3 =	vld [tilespmem:s6+$0x1D0]  }
0x562: {  	v4 =	vld [tilespmem:s6+$0x190]  }
0x563: {  	v59 =	vld [tilespmem:s6+$0x110];
	_ =	sdelay $0x3  }
0x564: {  	v4 =	vmul.f32 v4, v0;
	v3 =	vmul.f32 v3, v1  }
0x565: {  	v2 =	vmul.f32 v2, v1;
	v5 =	vmul.f32 v59, v0  }
0x566: {  	v3 =	vadd.f32 v3, v4  }
0x567: {  	v2 =	vadd.f32 v2, v5  }
0x568: {  	[tilespmem:s5+$0xD0] =	vst v3  }
0x569: {  	[tilespmem:s5+$0x90] =	vst v2  }
0x56a: {  	v2 =	vld [tilespmem:s6+$0x1A0]  }
0x56b: {  	v3 =	vld [tilespmem:s6+$0x1E0]  }
0x56c: {  	v60 =	vld [tilespmem:s6+$0x120]  }
0x56d: {  	v61 =	vld [tilespmem:s6+$0x160];
	_ =	sdelay $0x3  }
0x56e: {  	v2 =	vmul.f32 v2, v0;
	v3 =	vmul.f32 v3, v1  }
0x56f: {  	v4 =	vmul.f32 v60, v0;
	v5 =	vmul.f32 v61, v1  }
0x570: {  	v2 =	vadd.f32 v3, v2  }
0x571: {  	v3 =	vadd.f32 v5, v4  }
0x572: {  	[tilespmem:s5+$0xE0] =	vst v2  }
0x573: {  	[tilespmem:s5+$0xA0] =	vst v3  }
0x574: {  	v2 =	vld [tilespmem:s6+$0x130]  }
0x575: {  	v3 =	vld [tilespmem:s6+$0x1F0]  }
0x576: {  	v62 =	vld [tilespmem:s6+$0x170]  }
0x577: {  	v63 =	vld [tilespmem:s6+$0x1B0];
	_ =	sdelay $0x3  }
0x578: {  	v2 =	vmul.f32 v2, v0;
	v4 =	vmul.f32 v62, v1  }
0x579: {  	v3 =	vmul.f32 v3, v1;
	v5 =	vmul.f32 v63, v0  }
.Ltmp6:
0x57a: {  	v2 =	vadd.f32 v4, v2;
	(pc) =	sbr.rel @p0 .LBB2_12-.Ltmp6, $4  }
0x57b: {  	s0 =	sadd.s32 s0, s10;
	v3 =	vadd.f32 v3, v5  }
0x57c: {  	s0 =	sshll.u32 s0, $0x3;
	[tilespmem:s5+$0xB0] =	vst v2  }
0x57d: {  	s0 =	sadd.s32 s2, s0;
	[tilespmem:s5+$0xF0] =	vst v3  }
0x57e: {  	[hbm4b:s0+s3] =	stream.linear.scatter [tilespmem:s20], [sflag:$0x8], $0x2000, $0x38;
	[tilespmem:$0x16500] =	vst v63  }
.Ltmp7:
0x57f: {  	(pc) =	sbr.rel .LBB2_2-.Ltmp7, $4  }
0x580: {  	_ =	swait.ge [sflag:s29], $0x2000  }
0x581: {  	s0 =	sshrl.u32 s1, $0x2;
	[sflag:s29] =	ssyncset.done $0x0  }
0x582: {  	s31 =	sadd.s32 $0x1, s31;
	s0 =	sadd.s32 $0x380, s0;
	[sflag:s29] =	ssyncadd.s32 $0xFFFFE000  }
0x583: {  	[tilespmem:s20], [sflag:$0x4] =	stream.indirect.gather [hbm4b:s4+s14], $0x80, s0, s14, $0xb8;
	[tilespmem:$0x16500] =	vst v63  }
.LBB2_13:
0x584: {  	_ =	sfence.sel $0x180000  }
0x585: {  	[bflag:$0x0] =	sbarrier.arrive $0xFFFF  }
0x586: {  	_ =	strace $0x90000047  }
0x587: {  	s0 =	stileid.u32;
	[bflag:$0x2] =	sbarrier.arrive $0xFFFF  }
0x588: {  	p0 =	sne.s32 s0, $0x0;
	s0 =	rddreg [dreg:$0x2]  }
0x589: {  	s0 =	sadd.s32 @!p0 $0x100000, s0  }
0x58a: {  	[sflag:s0] =	ssyncadd.tile.s32 @!p0 $0x1;
	_ =	shalt  }
.Lfunc_end2:
_tile_overlayer_lowered:
.L_overlay_start_2:
0x58b: {  	(tag) =	ssettag $0x2  }
0x58c: {  	s0 =	rddreg [dreg:$0x0];
	s2 =	stileid.u32  }
0x58d: {  	s1 =	rddreg [dreg:$0x1];
	p0 =	sne.s32 s2, $0x0  }
0x58e: {  	s3 =	rddreg [dreg:$0x2];
	[bflag:$0x3] =	sbarrier.arrive $0xFFFF;
	s2 =	simm.s32 @!p0 $0x1C09  }
0x58f: {  	[timem:s3], [sflag:s2] =	dma.local @!p0 [hbm:s0], s1  }
0x590: {  	s0 =	simm.s32 @!p0 $0x9  }
0x591: {  	_ =	swait.ge @!p0 [sflag:s0], s1  }
0x592: {  	s1 =	ssub.s32 @!p0 $0x0, s1;
	[sflag:s0] =	ssyncset.done @!p0 $0x0  }
0x593: {  	[sflag:s0] =	ssyncadd.s32 @!p0 s1  }
0x594: {  	[bflag:$0x3] =	sbarrier.arrive $0xFFFF  }
0x595: {  	_ =	shalt  }

// kernel: sparse-core-data-format-call.cloned.1.call-start
scs
called_computation_lowered:
.L_overlay_start_0:
0x0: {  	s2 =	sld [smem:$0x3FD9]  }
0x1: {  	s3 =	sld [smem:$0x3FFE];
	_ =	sdelay $0x1  }
0x2: {  	s1 =	srdreg.scid  }
0x3: {  	s0 =	sand.u32 $0x1, s1  }
0x4: {  	s18 =	sshll.u32 s0, $0xA;
	s2 =	sadd.s32 s3, s2  }
0x5: {  	s2 =	sadd.s32 s2, s18  }
0x6: {  	[smem:$0x3FC4] =	sst s2  }
0x7: {  	_ = 	snop  }
0x8: {  	s2 =	sld [smem:$0x3FD0];
	(tm) =	ssettm $0x1  }
0x9: {  	s19 =	sld [smem:$0x3FFB];
	_ =	sdelay $0x3  }
0xa: {  	_ =	strace s19  }
0xb: {  	s3 =	sld [smem:$0x3FFC];
	_ =	sdelay $0x3  }
0xc: {  	_ =	strace s3  }
0xd: {  	s3 =	sld [smem:$0x3FFD];
	_ =	sdelay $0x3  }
0xe: {  	_ =	strace s3  }
0xf: {  	_ =	strace $0x8FFFFFFF  }
0x10: {  	s20 =	sld [smem:$0x3FDB];
	_ =	sdelay $0x1  }
0x11: {  	s4 =	simm.s32 $_scs_section_size  }
0x12: {  	s5 =	simm.s32 $_size__tile_overlayer_lowered;
	s6 =	simm.s32 $_tile_overlayer_lowered  }
0x13: {  	s23 =	simm.s32 $0x1BFF;
	s22 =	sshll.u32 s6, $0x1;
	s3 =	sadd.s32 s4, s20  }
0x14: {  	s7 =	simm.s32 $0x0;
	s21 =	sshll.u32 s5, $0x1;
	s5 =	sadd.s32 s22, s3  }
0x15: {  	[timem:s7], [sflag:s23] =	dma.local [hbm:s5], s21  }
0x16: {  	_ =	swait.ge [sflag:s23], s21  }
0x17: {  	s4 =	ssub.s32 $0x0, s21;
	[sflag:s23] =	ssyncset.done $0x0  }
0x18: {  	[sflag:s23] =	ssyncadd.s32 s4;
	_ =	sdelay $0x1  }
0x19: {  	s24 =	simm.s32 $0x1B8B  }
0x1a: {  	_ =	swait.ge [sflag:s24], $0x1  }
0x1b: {  	[sflag:s24] =	ssyncset.done $0x0  }
0x1c: {  	s26 =	simm.s32 $0x1B8E;
	s25 =	sld [smem:$0x3FFE];
	[sflag:s24] =	ssyncadd.s32 $0xFFFFFFFF  }
0x1d: {  	s27 =	simm.s32 $execute0_lowered;
	[smem:$0x3FD2] =	sst s26  }
0x1e: {  	s5 =	sshll.u32 s27, $0x1;
	_ =	strace $0x80000049;
	[dreg:$0x1] =	wrdreg $0xFFFFFFFF  }
0x1f: {  	s28 =	simm.s32 $_size_execute0_lowered;
	s3 =	sadd.s32 s3, s5;
	[dreg:$0x0] =	wrdreg $0x0  }
0x20: {  	s5 =	sshll.u32 s28, $0x1;
	[dreg:$0x2] =	wrdreg s3  }
0x21: {  	[dreg:$0x3] =	wrdreg s5  }
0x22: {  	[dreg:$0x4] =	wrdreg $0xC0  }
0x23: {  	_ =	task [dreg:s7], $0x5FFFF  }
0x24: {  	[dreg:$0x1] =	wrdreg $0xFFFFFFFF  }
0x25: {  	[dreg:$0x0] =	wrdreg $0x60  }
0x26: {  	[dreg:$0x2] =	wrdreg s25  }
0x27: {  	[dreg:$0x3] =	wrdreg s2  }
0x28: {  	[dreg:$0x4] =	wrdreg $0x9  }
0x29: {  	_ =	task.clear_ibuf [dreg:s7], $0x5FFFF;
	_ =	strace $0x90000049  }
0x2a: {  	s29 =	simm.s32 $0x9;
	_ =	strace $0x8000004B  }
0x2b: {  	_ =	swait.ge [sflag:s29], $0x1  }
0x2c: {  	[sflag:s29] =	ssyncadd.s32 $0xFFFFFFFF  }
0x2d: {  	_ =	strace $0x9000004B  }
0x2e: {  	_ =	sfence  }
0x2f: {  	s30 =	sld [smem:$0x0];
	_ =	sdelay $0x2  }
0x30: {  	s31 =	sshll.u32 s1, $0xD;
	s1 =	sshrl.u32 s1, $0x2  }
0x31: {  	s3 =	sand.u32 $0x4000, s31;
	s1 =	sadd.s32 s1, s30  }
0x32: {  	s0 =	sor.u32 s3, s0;
	s1 =	sshll.u32 s1, $0x11  }
0x33: {  	s0 =	sor.u32 s1, s0  }
0x34: {  	s0 =	sadd.s32 $0x8F2B, s0  }
0x35: {  	[sflag:s0] =	ssyncadd.remote.s32 $0x1  }
0x36: {  	_ =	sfence.sel $0xFFFF  }
0x37: {  	[dreg:$0x0] =	wrdreg $0xFFFFFFFF;
	(pc) =	sbr.abs _section_cstart, $3  }
0x38: {  	[dreg:$0x1] =	wrdreg $0xFFFFFFFF  }
0x39: {  	_ =	task.clear_ibuf [dreg:s7], $0x2FFFF;
	_ =	strace $0x9FFFFFFF  }
0x3a: {  	(tm) =	ssettm $0x7FFFFFFF  }
0x3b: {  	_ =	shalt  }
tec
execute0_lowered:
.L_overlay_start_1:
0x0: {  	(tag) =	ssettag $0x1  }
0x1: {  	s0 =	srdreg.scid  }
0x2: {  	s1 =	sshll.u32 s0, $0x4  }
0x3: {  	s0 =	stileid.u32;
	s1 =	sand.u32 $0x10, s1  }
0x4: {  	s1 =	sor.u32 s0, s1  }
0x5: {  	s6 =	rddreg [dreg:$0x0];
	s4 =	simm.s32 $0x1;
	s2 =	sshll.u32 s1, $0x7  }
0x6: {  	s7 =	simm.s32 $0x2;
	s12 =	simm.s32 $0x0;
	s1 =	ssub.s32 $0x1000, s2  }
0x7: {  	s8 =	simm.s32 $0x8000;
	s13 =	simm.s32 $0x0;
	s3 =	sand.u32 $0xF80, s1  }
0x8: {  	s9 =	simm.s32 $0x0;
	s5 =	sshrl.u32 s1, $0xC;
	p0 =	sne.s32 s3, $0x0  }
.Ltmp0:
0x9: {  	s1 =	rddreg [dreg:$0x2];
	s4 =	simm.s32 @!p0 $0x0;
	(pc) =	sbr.rel .LBB1_1-.Ltmp0, $4  }
0xa: {  	s11 =	simm.s32 $0x0;
	s3 =	rddreg [dreg:$0x1];
	s5 =	sadd.s32 s4, s5  }
0xb: {  	_ =	strace $0x8000004A;
	s4 =	simm.s32 $0x1;
	s5 =	smul.u32 $0xC8, s5  }
0xc: {  	s6 =	sadd.s32 $0xC00, s6;
	s10 =	smov.u32 s2;
	[sflag:s4] =	ssyncpa.u1 $0x0  }
0xd: {  	p0 =	por $0x0, $0x0;
	[sflag:s7] =	ssyncpa.u1 $0x0;
	s7 =	sor.u32 $0x1, s5  }
.LBB1_4:
0xe: {  	s16 =	sshll.u32 s13, $0x3;
	s17 =	sand.u32 $0x78, s13  }
0xf: {  	s30 =	sand.u32 $0x7E00, s13;
	s12 =	sshll.u32 s12, $0xF;
	s16 =	sand.u32 $0xC00, s16  }
0x10: {  	[tilespmem:s15+$0x810 ss:$0x81] =	vst.msk $0xffff, v2;
	s31 =	sand.u32 $0x7, s13;
	s16 =	sor.u32 s17, s16;
	s17 =	sadd.s32 s3, s30  }
0x11: {  	[tilespmem:s15+$0x1020 ss:$0x81] =	vst.msk $0xffff, v0;
	s13 =	sshll.u32 s31, $0x12;
	s12 =	sadd.s32 s12, s17;
	s16 =	sshrl.u32 s16, $0x3  }
0x12: {  	[tilespmem:s15+$0x0 ss:$0x81] =	vst.msk $0xffff, v1;
	s13 =	sor.u32 $0x400, s13;
	s12 =	sadd.s32 s16, s12  }
0x13: {  	[hbm4b:s12+s13] =	stream.strided.scatter [tilespmem:s14], [sflag:$0x2], $0x2000, s8, s13, $0x20;
	[tilespmem:$0x8080] =	vst v63  }
.LBB1_5:
0x14: {  	s14 =	sadd.s32 $0x1, s9  }
0x15: {  	s12 =	sadd.s32 $0x1000, s10;
	s16 =	smov.u32 s10;
	p2 =	sgt.s32 s14, $0xC7  }
0x16: {  	s16 =	smov.u32 @p2 s12  }
0x17: {  	s14 =	simm.s32 @p2 $0x0;
	p2 =	sgt.s32 s16, $0xFFF  }
0x18: {  	s16 =	smov.u32 @p2 s2;
	p2 =	sne.s32 s11, s7  }
.Ltmp1:
0x19: {  	p1 =	slt.u32 s11, $0x2;
	(pc) =	sbr.rel @!p2 .LBB1_6-.Ltmp1, $4  }
0x1a: {  	s15 =	simm.s32 @!p1 $0x2  }
0x1b: {  	s13 =	smov.u32 s10;
	p0 =	por !p0, !p0;
	_ =	swait.ge @!p1 [sflag:s15], $0x2000  }
0x1c: {  	s12 =	smov.u32 s9;
	[sflag:s15] =	ssyncset.done @!p1 $0x0;
	s9 =	smov.u32 s14  }
0x1d: {  	s11 =	sadd.s32 $0x1, s11;
	[sflag:s15] =	ssyncadd.s32 @!p1 $0xFFFFE000;
	s10 =	smov.u32 s16  }
.LBB1_1:
0x1e: {  	p1 =	sge.u32 s11, s5  }
0x1f: {  	s14 =	sand.u32 @!p1 $0x1FFFFFF, s9  }
0x20: {  	s15 =	smulhi.u32 @!p1 $0x147AE15, s14;
	_ =	sdelay $0x1  }
0x21: {  	s15 =	smul.u32 @!p1 $0xC8, s15  }
0x22: {  	s16 =	sxor.u32 @!p1 $0xFFFFFFFF, s11;
	s17 =	smul.u32 @!p1 $0xC80, s10  }
0x23: {  	s31 =	sadd.s32 $0xFFFFFFFF, s11;
	s16 =	sshll.u32 @!p1 s16, $0xD;
	s14 =	ssub.s32 @!p1 s14, s15  }
0x24: {  	s15 =	sand.u32 @!p1 $0x2000, s16;
	s16 =	sadd.s32 @!p1 s6, s17;
	s14 =	sshll.u32 @!p1 s14, $0x4  }
0x25: {  	s17 =	simm.s32 @!p1 $0x6400;
	s14 =	sadd.s32 @!p1 s14, s16;
	s16 =	simm.s32 @!p1 $0x40  }
0x26: {  	[tilespmem:s15], [sflag:$0x1] =	stream.strided.gather @!p1 [hbm4b:s14+s16], $0x2000, s17, s16, $0x38;
	[tilespmem:$0x8080] =	vst v63  }
0x27: {  	p1 =	sge.u32 s31, s5  }
.Ltmp2:
0x28: {  	_ = 	snop;
	(pc) =	sbr.rel @p1 .LBB1_5-.Ltmp2, $1  }
0x29: {  	_ =	sdelay $0x3  }
0x2a: {  	s14 =	simm.s32 $0x1  }
0x2b: {  	_ =	swait.ge [sflag:s4], $0x2000;
	s14 =	simm.s32 @!p0 $0x0  }
0x2c: {  	[sflag:s4] =	ssyncset.done $0x0;
	s15 =	sshll.u32 s14, $0xD  }
0x2d: {  	[sflag:s4] =	ssyncadd.s32 $0xFFFFE000;
	s18 =	sor.u32 $0x20, s15  }
0x2e: {  	s14 =	smul.u32 $0x8100, s14;
	v3 =	vld [tilespmem:s18+$0x10]  }
0x2f: {  	s30 =	sand.u32 $0x1, s11;
	v2 =	vld [tilespmem:s18+$0xFFFFFFF0]  }
0x30: {  	s15 =	smul.u32 $0x8100, s30;
	s14 =	sshrl.u32 s14, $0x2;
	v0 =	vld [tilespmem:s18+$0x0]  }
0x31: {  	v1 =	vld [tilespmem:s18+$0xFFFFFFE0];
	s16 =	sor.u32 $0x4000, s14  }
0x32: {  	s31 =	sshrl.u32 s15, $0x2;
	s15 =	sadd.s32 $0x0, s16  }
0x33: {  	s17 =	simm.s32 $0x4;
	s18 =	sadd.s32 $0x40, s18;
	s14 =	sor.u32 $0x4000, s31;
	[tilespmem:s15+$0x1830 ss:$0x81] =	vst.msk $0xffff, v3  }
.LBB1_3:
0x34: {  	v3 =	vld [tilespmem:s18+$0x10];
	p1 =	sne.s32 s17, $0x1FC;
	[tilespmem:s15+$0x810 ss:$0x81] =	vst.msk $0xffff, v2;
	s19 =	smov.u32 s17;
	s17 =	sadd.s32 $0x4, s17  }
.Ltmp3:
0x35: {  	v2 =	vld [tilespmem:s18+$0xFFFFFFF0];
	[tilespmem:s15+$0x1020 ss:$0x81] =	vst.msk $0xffff, v0;
	(pc) =	sbr.rel @p1 .LBB1_3-.Ltmp3, $4  }
0x36: {  	v0 =	vld [tilespmem:s18+$0x0];
	[tilespmem:s15+$0x0 ss:$0x81] =	vst.msk $0xffff, v1  }
0x37: {  	s15 =	sshra.s32 s19, $0x2;
	v1 =	vld [tilespmem:s18+$0xFFFFFFE0]  }
0x38: {  	s15 =	sadd.s32 s15, s16  }
0x39: {  	s18 =	sadd.s32 $0x40, s18;
	[tilespmem:s15+$0x1830 ss:$0x81] =	vst.msk $0xffff, v3  }
.Ltmp4:
0x3a: {  	_ = 	snop;
	(pc) =	sbr.rel .LBB1_4-.Ltmp4, $1  }
0x3b: {  	_ =	sdelay $0x3  }
.LBB1_6:
0x3c: {  	_ =	sfence.sel $0x180000  }
0x3d: {  	s2 =	simm.s32 $0x1;
	[bflag:$0x0] =	sbarrier.arrive $0xFFFF  }
0x3e: {  	s31 =	simm.s32 $0x2;
	[sflag:s2] =	ssyncpa.u1 $0x1  }
0x3f: {  	[sflag:s31] =	ssyncpa.u1 $0x1  }
0x40: {  	p0 =	sne.s32 s0, $0x0;
	_ =	strace $0x9000004A  }
0x41: {  	s0 =	sadd.s32 @!p0 $0x100000, s1;
	[bflag:$0x2] =	sbarrier.arrive $0xFFFF  }
0x42: {  	[sflag:s0] =	ssyncadd.tile.s32 @!p0 $0x1;
	_ =	shalt  }
.Lfunc_end1:
_tile_overlayer_lowered:
.L_overlay_start_2:
0x43: {  	(tag) =	ssettag $0x2  }
0x44: {  	s0 =	rddreg [dreg:$0x0];
	s2 =	stileid.u32  }
0x45: {  	s1 =	rddreg [dreg:$0x1];
	p0 =	sne.s32 s2, $0x0  }
0x46: {  	s3 =	rddreg [dreg:$0x2];
	[bflag:$0x3] =	sbarrier.arrive $0xFFFF;
	s2 =	simm.s32 @!p0 $0x1C01  }
0x47: {  	[timem:s3], [sflag:s2] =	dma.local @!p0 [hbm:s0], s1  }
0x48: {  	s0 =	simm.s32 @!p0 $0x1  }
0x49: {  	_ =	swait.ge @!p0 [sflag:s0], s1  }
0x4a: {  	s1 =	ssub.s32 @!p0 $0x0, s1;
	[sflag:s0] =	ssyncset.done @!p0 $0x0  }
0x4b: {  	[sflag:s0] =	ssyncadd.s32 @!p0 s1  }
0x4c: {  	[bflag:$0x3] =	sbarrier.arrive $0xFFFF  }
0x4d: {  	_ =	shalt  }

</sc_bundles>
